<compile_context>
chip_gen: v7x
topology: tpu7x:2x2x1
jax: 0.10.2.dev20260603
libtpu: 0.0.44.dev20260713+nightly
codegen_flags: <defaults>
</compile_context>

<pallas_src>
import dataclasses
import functools

import jax
import jax.numpy as jnp
from jax import lax
from jax.experimental import pallas as pl
from jax.experimental.pallas import tpu as pltpu
from jax.experimental.pallas import tpu_sc as plsc

N = 10000
E = 320000
D = 128
NEG_SLOPE = 0.2

NC = 2
NS = 16
NW = NC * NS
EPT = E // NW
CH = 80
CHB = 2000
NPAD = 10240
RPT = NPAD // NS
G = D // 16

_BLK1 = 1000
_BLK3 = 1000


def _proj_body(x_ref, w_ref, ap_ref, msg_ref, as_ref, ad_ref):
    m = jnp.dot(x_ref[...], w_ref[...], preferred_element_type=jnp.float32)
    msg_ref[...] = m
    al = jnp.dot(m, ap_ref[...], preferred_element_type=jnp.float32)
    as_ref[...] = al[:, 0:1]
    ad_ref[...] = al[:, 1:2]


def _project(x, W, a_pair):
    grid = (N // _BLK1,)
    return pl.pallas_call(
        _proj_body,
        grid=grid,
        in_specs=[
            pl.BlockSpec((_BLK1, D), lambda i: (i, 0)),
            pl.BlockSpec((D, D), lambda i: (0, 0)),
            pl.BlockSpec((D, 2), lambda i: (0, 0)),
        ],
        out_specs=[
            pl.BlockSpec((_BLK1, D), lambda i: (i, 0)),
            pl.BlockSpec((_BLK1, 1), lambda i: (i, 0)),
            pl.BlockSpec((_BLK1, 1), lambda i: (i, 0)),
        ],
        out_shape=[
            jax.ShapeDtypeStruct((N, D), jnp.float32),
            jax.ShapeDtypeStruct((N, 1), jnp.float32),
            jax.ShapeDtypeStruct((N, 1), jnp.float32),
        ],
    )(x, W, a_pair)


def _sc_params():
    p = pltpu.CompilerParams()
    if "needs_layout_passes" in pltpu.CompilerParams.__dataclass_fields__:
        p = dataclasses.replace(p, needs_layout_passes=False)
    return p


@functools.cache
def _edge_sweep_kernel():
    return pl.kernel(
        _edge_sweep,
        compiler_params=_sc_params(),
        out_type=(
            jax.ShapeDtypeStruct((NC, NPAD, D), jnp.float32),
            jax.ShapeDtypeStruct((NC, NPAD), jnp.float32),
        ),
        mesh=plsc.VectorSubcoreMesh(core_axis_name="c", subcore_axis_name="s",
                                    num_cores=NC, num_subcores=NS),
        scratch_types=[
            pltpu.VMEM_SHARED((NPAD, D), jnp.float32),
            pltpu.VMEM_SHARED((NPAD,), jnp.float32),
            pltpu.VMEM((N,), jnp.float32),
            pltpu.VMEM((N,), jnp.float32),
            pltpu.VMEM((CHB,), jnp.int32),
            pltpu.VMEM((CHB,), jnp.int32),
            pltpu.VMEM((CHB,), jnp.float32),
            pltpu.VMEM((2, CH), jnp.float32),
            pltpu.VMEM((2, CH), jnp.float32),
            pltpu.VMEM((2, CH), jnp.int32),
            pltpu.VMEM((2, CH, D), jnp.float32),
            pltpu.SemaphoreType.DMA,
            pltpu.SemaphoreType.DMA,
            pltpu.SemaphoreType.DMA,
            pltpu.SemaphoreType.DMA,
            pltpu.SemaphoreType.DMA,
            pltpu.SemaphoreType.DMA,
        ],
    )


def _edge_sweep(msg_hbm, asrc_hbm, adst_hbm, src_hbm, dst_hbm, nv_hbm,
                acc_out, rs_out, acc_sh, rs_sh, as_v, ad_v, srcb, dstb,
                nvb, e2, w2, sidx2, rows2, gsem0, gsem1, asem0, asem1,
                rsem0, rsem1):
    c = lax.axis_index("c")
    s = lax.axis_index("s")
    wid = c * NS + s
    ebase = wid * EPT
    rbase = s * RPT

    pltpu.sync_copy(asrc_hbm, as_v)
    pltpu.sync_copy(adst_hbm, ad_v)

    zero16 = jnp.zeros((16,), jnp.float32)

    @pl.loop(0, CH)
    def _zero_rows(k):
        for g in range(G):
            rows2[0, k, pl.ds(g * 16, 16)] = zero16

    for q in range(RPT // CH):
        pltpu.sync_copy(rows2.at[0], acc_sh.at[pl.ds(rbase + q * CH, CH)])
    for q in range(RPT // D):
        pltpu.sync_copy(rows2.at[0, 0], rs_sh.at[pl.ds(rbase + q * D, D)])
    plsc.subcore_barrier()

    gsems = (gsem0, gsem1)
    asems = (asem0, asem1)
    rsems = (rsem0, rsem1)

    def _gather_start(eb, b):
        pltpu.async_copy(
            msg_hbm.at[dstb.at[pl.ds(eb, CH)]], rows2.at[b], gsems[b])

    def _gather_wait(b):
        pltpu.make_async_copy(
            msg_hbm.at[dstb.at[pl.ds(0, CH)]], rows2.at[b], gsems[b]).wait()

    def _logits(eb, b):
        eb_ = e2.at[b]
        wb_ = w2.at[b]
        sb_ = sidx2.at[b]
        for v in range(CH // 16):
            sl16 = pl.ds(v * 16, 16)
            sv = srcb[pl.ds(eb + v * 16, 16)]
            dv = dstb[pl.ds(eb + v * 16, 16)]
            t = plsc.load_gather(as_v, [sv]) + plsc.load_gather(ad_v, [dv])
            e = jnp.where(t > 0.0, t, NEG_SLOPE * t)
            eb_[sl16] = e
            wb_[sl16] = e * nvb[pl.ds(eb + v * 16, 16)]
            sb_[sl16] = sv

    def _scale(b):

        @pl.loop(0, CH, step=4)
        def _scale_k(k):
            wvs = [plsc.load_gather(w2.at[b],
                                    [jnp.full((16,), k + u, jnp.int32)])
                   for u in range(4)]
            for u in range(4):
                for g in range(G):
                    sl = pl.ds(g * 16, 16)
                    rows2[b, k + u, sl] = rows2[b, k + u, sl] * wvs[u]

    def _scatter_start(b):
        pltpu.async_copy(rows2.at[b], acc_sh.at[sidx2.at[b]], asems[b],
                         add=True)
        pltpu.async_copy(e2.at[b], rs_sh.at[sidx2.at[b]], rsems[b], add=True)

    def _scatter_wait(b):
        pltpu.make_async_copy(rows2.at[b], acc_sh.at[sidx2.at[b]],
                              asems[b]).wait()
        pltpu.make_async_copy(e2.at[b], rs_sh.at[sidx2.at[b]],
                              rsems[b]).wait()

    def _pair_tail(c):
        _gather_start(c * CH + CH, 1)
        _logits(c * CH + CH, 1)
        _gather_wait(0)
        _scale(0)
        _scatter_start(0)
        _gather_wait(1)
        _scale(1)
        _scatter_start(1)
        _scatter_wait(0)
        _gather_start(c * CH + 2 * CH, 0)
        _logits(c * CH + 2 * CH, 0)

    NCHR = CHB // CH

    @pl.loop(0, EPT, step=CHB)
    def _round(r0):
        pltpu.sync_copy(src_hbm.at[pl.ds(ebase + r0, CHB)], srcb)
        pltpu.sync_copy(dst_hbm.at[pl.ds(ebase + r0, CHB)], dstb)
        pltpu.sync_copy(nv_hbm.at[pl.ds(ebase + r0, CHB)], nvb)

        _gather_start(0, 0)
        _logits(0, 0)
        _pair_tail(0)

        @pl.loop(2, NCHR - 1, step=2)
        def _pair(c):
            _scatter_wait(1)
            _pair_tail(c)

        _scatter_wait(1)
        _gather_wait(0)
        _scale(0)
        _scatter_start(0)
        _scatter_wait(0)

    plsc.subcore_barrier()

    pltpu.sync_copy(acc_sh.at[pl.ds(rbase, RPT)],
                    acc_out.at[c, pl.ds(rbase, RPT)])
    pltpu.sync_copy(rs_sh.at[pl.ds(rbase, RPT)],
                    rs_out.at[c, pl.ds(rbase, RPT)])


def _finish_body(acc_ref, rs_ref, out_ref):
    acc = acc_ref[0] + acc_ref[1]
    rs = rs_ref[0] + rs_ref[1]
    out_ref[...] = jnp.where(rs != 0.0, acc / rs, 0.0)


def _finish(acc, rs3):
    grid = (N // _BLK3,)
    return pl.pallas_call(
        _finish_body,
        grid=grid,
        in_specs=[
            pl.BlockSpec((NC, _BLK3, D), lambda i: (0, i, 0)),
            pl.BlockSpec((NC, _BLK3, 1), lambda i: (0, i, 0)),
        ],
        out_specs=pl.BlockSpec((_BLK3, D), lambda i: (i, 0)),
        out_shape=jax.ShapeDtypeStruct((N, D), jnp.float32),
    )(acc, rs3)


def kernel(x, edge_index, neighborhood_values, W, a):
    a_pair = jnp.concatenate([a[:D], a[D:]], axis=1)
    src = edge_index[0]
    dst = edge_index[1]
    message, al_s, al_d = _project(x, W, a_pair)
    acc, rs = _edge_sweep_kernel()(message, al_s.reshape(N), al_d.reshape(N),
                                   src, dst, neighborhood_values)
    return _finish(acc, rs.reshape(NC, NPAD, 1))

# --- scband reference (transcript-rebuilt; emitter-appended) ---
"""Pipeline reference for scband-hbs-40346922779263 (READ-ONLY COPY).

The authoritative reference and input builder live on the scoring server;
editing this copy changes nothing except your own understanding.
"""

import jax, jax.numpy as jnp
import numpy as np

N = 10000
E = 320000
D_IN = 128
D_OUT = 128
NEG_SLOPE = 0.2

def _xavier_uniform(key, shape, gain=1.414):
    fan_in, fan_out = shape[0], shape[1]
    limit = gain * np.sqrt(6.0 / (fan_in + fan_out))
    return jax.random.uniform(key, shape, dtype=jnp.float32, minval=-limit, maxval=limit)

def setup_inputs(seed: int = 0) -> dict:
    key = jax.random.key(seed)
    k1, k2, k3, k4 = jax.random.split(key, 4)
    x = jax.random.normal(k1, (N, D_IN), dtype=jnp.float32)
    edge_index = jax.random.randint(k2, (2, E), 0, N, dtype=jnp.int32)
    neighborhood_values = jnp.ones((E,), dtype=jnp.float32)
    W = _xavier_uniform(k3, (D_IN, D_OUT))
    a = _xavier_uniform(k4, (2 * D_OUT, 1))
    return {"x": x, "edge_index": edge_index, "neighborhood_values": neighborhood_values, "W": W, "a": a}

def reference(x, edge_index, neighborhood_values, W, a):
    # HBS sparse forward, m_hop=1, softmax=False, update_func=None (identity)
    src = edge_index[0]
    dst = edge_index[1]
    # message = x @ W_p  (gather-free dense projection)
    message = x @ W
    # attention logits per edge: e_ij = LeakyReLU([m_i || m_j] a)
    s_to_s = jnp.concatenate([message[src], message[dst]], axis=1)  # gather x2
    e = jax.nn.leaky_relu(s_to_s @ a, NEG_SLOPE)[:, 0]
    # sparse_row_norm: divide each edge value by its row (src) sum
    row_sum = jax.ops.segment_sum(e, src, num_segments=N)  # scatter-add
    att_vals = e / row_sum[src]
    # Hadamard of neighborhood values with attention matrix, then sparse mm
    vals = neighborhood_values * att_vals
    out = jax.ops.segment_sum(vals[:, None] * message[dst], src, num_segments=N)  # scatter-add
    return out

if __name__ == "__main__":
    import jax
    _d = setup_inputs()
    print(jax.jit(kernel)(*tuple(_d.values())))

</pallas_src>

<mosaic_0001>
#map = affine_map<(d0, d1) -> (0, 0)>
#map1 = affine_map<(d0, d1) -> (0)>
#map2 = affine_map<(d0, d1) -> (0, 0, 0)>
module attributes {stable_mosaic.version = 14 : i64} {
  func.func @_edge_sweep(%arg0: i32, %arg1: i32, %arg2: memref<10000x128xf32, #tpu.memory_space<hbm>>, %arg3: memref<10000xf32, #tpu.memory_space<hbm>>, %arg4: memref<10000xf32, #tpu.memory_space<hbm>>, %arg5: memref<320000xi32, #tpu.memory_space<hbm>>, %arg6: memref<320000xi32, #tpu.memory_space<hbm>>, %arg7: memref<320000xf32, #tpu.memory_space<hbm>>, %arg8: memref<2x10240x128xf32, #tpu.memory_space<hbm>>, %arg9: memref<2x10240xf32, #tpu.memory_space<hbm>>, %arg10: memref<10240x128xf32, #tpu.memory_space<vmem_shared>>, %arg11: memref<10240xf32, #tpu.memory_space<vmem_shared>>, %arg12: memref<10000xf32, #tpu.memory_space<vmem>>, %arg13: memref<10000xf32, #tpu.memory_space<vmem>>, %arg14: memref<2000xi32, #tpu.memory_space<vmem>>, %arg15: memref<2000xi32, #tpu.memory_space<vmem>>, %arg16: memref<2000xf32, #tpu.memory_space<vmem>>, %arg17: memref<2x80xf32, #tpu.memory_space<vmem>>, %arg18: memref<2x80xf32, #tpu.memory_space<vmem>>, %arg19: memref<2x80xi32, #tpu.memory_space<vmem>>, %arg20: memref<2x80x128xf32, #tpu.memory_space<vmem>>, %arg21: memref<!tpu.dma_semaphore, #tpu.memory_space<semaphore_mem>>, %arg22: memref<!tpu.dma_semaphore, #tpu.memory_space<semaphore_mem>>, %arg23: memref<!tpu.dma_semaphore, #tpu.memory_space<semaphore_mem>>, %arg24: memref<!tpu.dma_semaphore, #tpu.memory_space<semaphore_mem>>, %arg25: memref<!tpu.dma_semaphore, #tpu.memory_space<semaphore_mem>>, %arg26: memref<!tpu.dma_semaphore, #tpu.memory_space<semaphore_mem>>) attributes {dimension_semantics = [#tpu.dimension_semantics<core_parallel>, #tpu.dimension_semantics<subcore_parallel>], iteration_bounds = array<i64: 2, 16>, scalar_prefetch = 0 : i64, scratch_operands = 17 : i64, tpu.core_type = #tpu.core_type<sc_vector_subcore>, window_params = [{transform_indices = #map}, {transform_indices = #map1}, {transform_indices = #map1}, {transform_indices = #map1}, {transform_indices = #map1}, {transform_indices = #map1}, {transform_indices = #map2}, {transform_indices = #map}]} {
    %mul3A = arith.constant 16 : i32
    %mul3A_0 = arith.muli %arg0, %mul3A : i32
    %add3A = arith.addi %mul3A_0, %arg1 : i32
    %mul3A_1 = arith.constant 10000 : i32
    %mul3A_2 = arith.muli %add3A, %mul3A_1 : i32
    %mul3A_3 = arith.constant 640 : i32
    %mul3A_4 = arith.muli %arg1, %mul3A_3 : i32
    "tpu.region"() ({
      %run_scoped3A_59 = tpu.sem_alloc : memref<!tpu.dma_semaphore, #tpu.memory_space<semaphore_mem>>
      tpu.enqueue_dma source(%arg3 : memref<10000xf32, #tpu.memory_space<hbm>>) target(%arg12 : memref<10000xf32, #tpu.memory_space<vmem>>) target_semaphore(%run_scoped3A_59 : memref<!tpu.dma_semaphore, #tpu.memory_space<semaphore_mem>>)
      tpu.wait_dma2 semaphore(%run_scoped3A_59 : memref<!tpu.dma_semaphore, #tpu.memory_space<semaphore_mem>>) src(%arg3 : memref<10000xf32, #tpu.memory_space<hbm>>) dst(%arg12 : memref<10000xf32, #tpu.memory_space<vmem>>)
      tpu.yield
    }) : () -> ()
    "tpu.region"() ({
      %run_scoped3A_59 = tpu.sem_alloc : memref<!tpu.dma_semaphore, #tpu.memory_space<semaphore_mem>>
      tpu.enqueue_dma source(%arg4 : memref<10000xf32, #tpu.memory_space<hbm>>) target(%arg13 : memref<10000xf32, #tpu.memory_space<vmem>>) target_semaphore(%run_scoped3A_59 : memref<!tpu.dma_semaphore, #tpu.memory_space<semaphore_mem>>)
      tpu.wait_dma2 semaphore(%run_scoped3A_59 : memref<!tpu.dma_semaphore, #tpu.memory_space<semaphore_mem>>) src(%arg4 : memref<10000xf32, #tpu.memory_space<hbm>>) dst(%arg13 : memref<10000xf32, #tpu.memory_space<vmem>>)
      tpu.yield
    }) : () -> ()
    %broadcast_in_dim3A = arith.constant 0.000000e+00 : f32
    %broadcast_in_dim3A_5 = vector.broadcast %broadcast_in_dim3A : f32 to vector<16xf32>
    %scan3A = arith.constant 0 : i32
    %scan3A_6 = arith.constant 80 : i32
    %scan3A_7 = arith.addi %scan3A, %scan3A_6 : i32
    %scan3A_8 = arith.constant 1 : i32
    scf.for %scan3A_59 = %scan3A to %scan3A_7 step %scan3A_8  : i32 {
      %mul3A_60 = arith.constant 1 : i32
      %mul3A_61 = arith.muli %scan3A_59, %mul3A_60 : i32
      %add3A_62 = arith.constant 0 : i32
      %add3A_63 = arith.addi %add3A_62, %mul3A_61 : i32
      %swap3A = arith.constant 0 : i32
      %swap3A_64 = arith.index_cast %swap3A : i32 to index
      %swap3A_65 = arith.index_cast %add3A_63 : i32 to index
      %swap3A_66 = arith.constant 0 : index
      %swap3A_67 = tpu.vector_load %arg20[%swap3A_64, %swap3A_65, %swap3A_66] {strides = array<i32>} : memref<2x80x128xf32, #tpu.memory_space<vmem>>, vector<16xf32>,
      tpu.vector_store %arg20[%swap3A_64, %swap3A_65, %swap3A_66], %broadcast_in_dim3A_5 {strides = array<i32>} : memref<2x80x128xf32, #tpu.memory_space<vmem>>, vector<16xf32>,
      %swap3A_68 = arith.constant 0 : i32
      %swap3A_69 = arith.index_cast %swap3A_68 : i32 to index
      %swap3A_70 = arith.index_cast %add3A_63 : i32 to index
      %swap3A_71 = arith.constant 16 : index
      %swap3A_72 = tpu.vector_load %arg20[%swap3A_69, %swap3A_70, %swap3A_71] {strides = array<i32>} : memref<2x80x128xf32, #tpu.memory_space<vmem>>, vector<16xf32>,
      tpu.vector_store %arg20[%swap3A_69, %swap3A_70, %swap3A_71], %broadcast_in_dim3A_5 {strides = array<i32>} : memref<2x80x128xf32, #tpu.memory_space<vmem>>, vector<16xf32>,
      %swap3A_73 = arith.constant 0 : i32
      %swap3A_74 = arith.index_cast %swap3A_73 : i32 to index
      %swap3A_75 = arith.index_cast %add3A_63 : i32 to index
      %swap3A_76 = arith.constant 32 : index
      %swap3A_77 = tpu.vector_load %arg20[%swap3A_74, %swap3A_75, %swap3A_76] {strides = array<i32>} : memref<2x80x128xf32, #tpu.memory_space<vmem>>, vector<16xf32>,
      tpu.vector_store %arg20[%swap3A_74, %swap3A_75, %swap3A_76], %broadcast_in_dim3A_5 {strides = array<i32>} : memref<2x80x128xf32, #tpu.memory_space<vmem>>, vector<16xf32>,
      %swap3A_78 = arith.constant 0 : i32
      %swap3A_79 = arith.index_cast %swap3A_78 : i32 to index
      %swap3A_80 = arith.index_cast %add3A_63 : i32 to index
      %swap3A_81 = arith.constant 48 : index
      %swap3A_82 = tpu.vector_load %arg20[%swap3A_79, %swap3A_80, %swap3A_81] {strides = array<i32>} : memref<2x80x128xf32, #tpu.memory_space<vmem>>, vector<16xf32>,
      tpu.vector_store %arg20[%swap3A_79, %swap3A_80, %swap3A_81], %broadcast_in_dim3A_5 {strides = array<i32>} : memref<2x80x128xf32, #tpu.memory_space<vmem>>, vector<16xf32>,
      %swap3A_83 = arith.constant 0 : i32
      %swap3A_84 = arith.index_cast %swap3A_83 : i32 to index
      %swap3A_85 = arith.index_cast %add3A_63 : i32 to index
      %swap3A_86 = arith.constant 64 : index
      %swap3A_87 = tpu.vector_load %arg20[%swap3A_84, %swap3A_85, %swap3A_86] {strides = array<i32>} : memref<2x80x128xf32, #tpu.memory_space<vmem>>, vector<16xf32>,
      tpu.vector_store %arg20[%swap3A_84, %swap3A_85, %swap3A_86], %broadcast_in_dim3A_5 {strides = array<i32>} : memref<2x80x128xf32, #tpu.memory_space<vmem>>, vector<16xf32>,
      %swap3A_88 = arith.constant 0 : i32
      %swap3A_89 = arith.index_cast %swap3A_88 : i32 to index
      %swap3A_90 = arith.index_cast %add3A_63 : i32 to index
      %swap3A_91 = arith.constant 80 : index
      %swap3A_92 = tpu.vector_load %arg20[%swap3A_89, %swap3A_90, %swap3A_91] {strides = array<i32>} : memref<2x80x128xf32, #tpu.memory_space<vmem>>, vector<16xf32>,
      tpu.vector_store %arg20[%swap3A_89, %swap3A_90, %swap3A_91], %broadcast_in_dim3A_5 {strides = array<i32>} : memref<2x80x128xf32, #tpu.memory_space<vmem>>, vector<16xf32>,
      %swap3A_93 = arith.constant 0 : i32
      %swap3A_94 = arith.index_cast %swap3A_93 : i32 to index
      %swap3A_95 = arith.index_cast %add3A_63 : i32 to index
      %swap3A_96 = arith.constant 96 : index
      %swap3A_97 = tpu.vector_load %arg20[%swap3A_94, %swap3A_95, %swap3A_96] {strides = array<i32>} : memref<2x80x128xf32, #tpu.memory_space<vmem>>, vector<16xf32>,
      tpu.vector_store %arg20[%swap3A_94, %swap3A_95, %swap3A_96], %broadcast_in_dim3A_5 {strides = array<i32>} : memref<2x80x128xf32, #tpu.memory_space<vmem>>, vector<16xf32>,
      %swap3A_98 = arith.constant 0 : i32
      %swap3A_99 = arith.index_cast %swap3A_98 : i32 to index
      %swap3A_100 = arith.index_cast %add3A_63 : i32 to index
      %swap3A_101 = arith.constant 112 : index
      %swap3A_102 = tpu.vector_load %arg20[%swap3A_99, %swap3A_100, %swap3A_101] {strides = array<i32>} : memref<2x80x128xf32, #tpu.memory_space<vmem>>, vector<16xf32>,
      tpu.vector_store %arg20[%swap3A_99, %swap3A_100, %swap3A_101], %broadcast_in_dim3A_5 {strides = array<i32>} : memref<2x80x128xf32, #tpu.memory_space<vmem>>, vector<16xf32>,
    }
    %scan3A_9 = arith.constant 80 : i32
    %add3A_10 = arith.constant 0 : i32
    %add3A_11 = arith.addi %mul3A_4, %add3A_10 : i32
    %run_scoped3A = arith.constant 0 : i32
    "tpu.region"() ({
      %run_scoped3A_59 = tpu.sem_alloc : memref<!tpu.dma_semaphore, #tpu.memory_space<semaphore_mem>>
      %dma_start3A = arith.constant 0 : i32
      %dma_start3A_60 = arith.constant 0 : i32
      %dma_start3A_61 = tpu.memref_slice %arg20[%run_scoped3A, %dma_start3A, %dma_start3A_60] : memref<2x80x128xf32, #tpu.memory_space<vmem>> -> memref<1x80x128xf32, #tpu.memory_space<vmem>>
      %dma_start3A_62 = tpu.memref_squeeze %dma_start3A_61 : memref<1x80x128xf32, #tpu.memory_space<vmem>> -> memref<80x128xf32, #tpu.memory_space<vmem>>
      %dma_start3A_63 = arith.constant 0 : i32
      %dma_start3A_64 = tpu.memref_slice %arg10[%add3A_11, %dma_start3A_63] : memref<10240x128xf32, #tpu.memory_space<vmem_shared>> -> memref<80x128xf32, #tpu.memory_space<vmem_shared>>
      %dma_start3A_65 = arith.constant 0 : i32
      %dma_start3A_66 = tpu.memref_slice %arg10[%add3A_11, %dma_start3A_65] : memref<10240x128xf32, #tpu.memory_space<vmem_shared>> -> memref<80x128xf32, #tpu.memory_space<vmem_shared>>
      %dma_start3A_67 = arith.constant 0 : i32
      %dma_start3A_68 = arith.constant 0 : i32
      %dma_start3A_69 = tpu.memref_slice %arg20[%run_scoped3A, %dma_start3A_67, %dma_start3A_68] : memref<2x80x128xf32, #tpu.memory_space<vmem>> -> memref<1x80x128xf32, #tpu.memory_space<vmem>>
      %dma_start3A_70 = tpu.memref_squeeze %dma_start3A_69 : memref<1x80x128xf32, #tpu.memory_space<vmem>> -> memref<80x128xf32, #tpu.memory_space<vmem>>
      tpu.enqueue_dma source(%dma_start3A_70 : memref<80x128xf32, #tpu.memory_space<vmem>>) target(%dma_start3A_66 : memref<80x128xf32, #tpu.memory_space<vmem_shared>>) target_semaphore(%run_scoped3A_59 : memref<!tpu.dma_semaphore, #tpu.memory_space<semaphore_mem>>)
      %dma_wait3A = arith.constant 0 : i32
      %dma_wait3A_71 = arith.constant 0 : i32
      %dma_wait3A_72 = tpu.memref_slice %arg20[%run_scoped3A, %dma_wait3A, %dma_wait3A_71] : memref<2x80x128xf32, #tpu.memory_space<vmem>> -> memref<1x80x128xf32, #tpu.memory_space<vmem>>
      %dma_wait3A_73 = tpu.memref_squeeze %dma_wait3A_72 : memref<1x80x128xf32, #tpu.memory_space<vmem>> -> memref<80x128xf32, #tpu.memory_space<vmem>>
      %dma_wait3A_74 = arith.constant 0 : i32
      %dma_wait3A_75 = tpu.memref_slice %arg10[%add3A_11, %dma_wait3A_74] : memref<10240x128xf32, #tpu.memory_space<vmem_shared>> -> memref<80x128xf32, #tpu.memory_space<vmem_shared>>
      %dma_wait3A_76 = arith.constant 0 : i32
      %dma_wait3A_77 = tpu.memref_slice %arg10[%add3A_11, %dma_wait3A_76] : memref<10240x128xf32, #tpu.memory_space<vmem_shared>> -> memref<80x128xf32, #tpu.memory_space<vmem_shared>>
      %dma_wait3A_78 = arith.constant 0 : i32
      %dma_wait3A_79 = arith.constant 0 : i32
      %dma_wait3A_80 = tpu.memref_slice %arg20[%run_scoped3A, %dma_wait3A_78, %dma_wait3A_79] : memref<2x80x128xf32, #tpu.memory_space<vmem>> -> memref<1x80x128xf32, #tpu.memory_space<vmem>>
      %dma_wait3A_81 = tpu.memref_squeeze %dma_wait3A_80 : memref<1x80x128xf32, #tpu.memory_space<vmem>> -> memref<80x128xf32, #tpu.memory_space<vmem>>
      tpu.wait_dma2 semaphore(%run_scoped3A_59 : memref<!tpu.dma_semaphore, #tpu.memory_space<semaphore_mem>>) src(%dma_wait3A_81 : memref<80x128xf32, #tpu.memory_space<vmem>>) dst(%dma_wait3A_77 : memref<80x128xf32, #tpu.memory_space<vmem_shared>>)
      tpu.yield
    }) : () -> ()
    %add3A_12 = arith.constant 80 : i32
    %add3A_13 = arith.addi %mul3A_4, %add3A_12 : i32
    %run_scoped3A_14 = arith.constant 0 : i32
    "tpu.region"() ({
      %run_scoped3A_59 = tpu.sem_alloc : memref<!tpu.dma_semaphore, #tpu.memory_space<semaphore_mem>>
      %dma_start3A = arith.constant 0 : i32
      %dma_start3A_60 = arith.constant 0 : i32
      %dma_start3A_61 = tpu.memref_slice %arg20[%run_scoped3A_14, %dma_start3A, %dma_start3A_60] : memref<2x80x128xf32, #tpu.memory_space<vmem>> -> memref<1x80x128xf32, #tpu.memory_space<vmem>>
      %dma_start3A_62 = tpu.memref_squeeze %dma_start3A_61 : memref<1x80x128xf32, #tpu.memory_space<vmem>> -> memref<80x128xf32, #tpu.memory_space<vmem>>
      %dma_start3A_63 = arith.constant 0 : i32
      %dma_start3A_64 = tpu.memref_slice %arg10[%add3A_13, %dma_start3A_63] : memref<10240x128xf32, #tpu.memory_space<vmem_shared>> -> memref<80x128xf32, #tpu.memory_space<vmem_shared>>
      %dma_start3A_65 = arith.constant 0 : i32
      %dma_start3A_66 = tpu.memref_slice %arg10[%add3A_13, %dma_start3A_65] : memref<10240x128xf32, #tpu.memory_space<vmem_shared>> -> memref<80x128xf32, #tpu.memory_space<vmem_shared>>
      %dma_start3A_67 = arith.constant 0 : i32
      %dma_start3A_68 = arith.constant 0 : i32
      %dma_start3A_69 = tpu.memref_slice %arg20[%run_scoped3A_14, %dma_start3A_67, %dma_start3A_68] : memref<2x80x128xf32, #tpu.memory_space<vmem>> -> memref<1x80x128xf32, #tpu.memory_space<vmem>>
      %dma_start3A_70 = tpu.memref_squeeze %dma_start3A_69 : memref<1x80x128xf32, #tpu.memory_space<vmem>> -> memref<80x128xf32, #tpu.memory_space<vmem>>
      tpu.enqueue_dma source(%dma_start3A_70 : memref<80x128xf32, #tpu.memory_space<vmem>>) target(%dma_start3A_66 : memref<80x128xf32, #tpu.memory_space<vmem_shared>>) target_semaphore(%run_scoped3A_59 : memref<!tpu.dma_semaphore, #tpu.memory_space<semaphore_mem>>)
      %dma_wait3A = arith.constant 0 : i32
      %dma_wait3A_71 = arith.constant 0 : i32
      %dma_wait3A_72 = tpu.memref_slice %arg20[%run_scoped3A_14, %dma_wait3A, %dma_wait3A_71] : memref<2x80x128xf32, #tpu.memory_space<vmem>> -> memref<1x80x128xf32, #tpu.memory_space<vmem>>
      %dma_wait3A_73 = tpu.memref_squeeze %dma_wait3A_72 : memref<1x80x128xf32, #tpu.memory_space<vmem>> -> memref<80x128xf32, #tpu.memory_space<vmem>>
      %dma_wait3A_74 = arith.constant 0 : i32
      %dma_wait3A_75 = tpu.memref_slice %arg10[%add3A_13, %dma_wait3A_74] : memref<10240x128xf32, #tpu.memory_space<vmem_shared>> -> memref<80x128xf32, #tpu.memory_space<vmem_shared>>
      %dma_wait3A_76 = arith.constant 0 : i32
      %dma_wait3A_77 = tpu.memref_slice %arg10[%add3A_13, %dma_wait3A_76] : memref<10240x128xf32, #tpu.memory_space<vmem_shared>> -> memref<80x128xf32, #tpu.memory_space<vmem_shared>>
      %dma_wait3A_78 = arith.constant 0 : i32
      %dma_wait3A_79 = arith.constant 0 : i32
      %dma_wait3A_80 = tpu.memref_slice %arg20[%run_scoped3A_14, %dma_wait3A_78, %dma_wait3A_79] : memref<2x80x128xf32, #tpu.memory_space<vmem>> -> memref<1x80x128xf32, #tpu.memory_space<vmem>>
      %dma_wait3A_81 = tpu.memref_squeeze %dma_wait3A_80 : memref<1x80x128xf32, #tpu.memory_space<vmem>> -> memref<80x128xf32, #tpu.memory_space<vmem>>
      tpu.wait_dma2 semaphore(%run_scoped3A_59 : memref<!tpu.dma_semaphore, #tpu.memory_space<semaphore_mem>>) src(%dma_wait3A_81 : memref<80x128xf32, #tpu.memory_space<vmem>>) dst(%dma_wait3A_77 : memref<80x128xf32, #tpu.memory_space<vmem_shared>>)
      tpu.yield
    }) : () -> ()
    %add3A_15 = arith.constant 160 : i32
    %add3A_16 = arith.addi %mul3A_4, %add3A_15 : i32
    %run_scoped3A_17 = arith.constant 0 : i32
    "tpu.region"() ({
      %run_scoped3A_59 = tpu.sem_alloc : memref<!tpu.dma_semaphore, #tpu.memory_space<semaphore_mem>>
      %dma_start3A = arith.constant 0 : i32
      %dma_start3A_60 = arith.constant 0 : i32
      %dma_start3A_61 = tpu.memref_slice %arg20[%run_scoped3A_17, %dma_start3A, %dma_start3A_60] : memref<2x80x128xf32, #tpu.memory_space<vmem>> -> memref<1x80x128xf32, #tpu.memory_space<vmem>>
      %dma_start3A_62 = tpu.memref_squeeze %dma_start3A_61 : memref<1x80x128xf32, #tpu.memory_space<vmem>> -> memref<80x128xf32, #tpu.memory_space<vmem>>
      %dma_start3A_63 = arith.constant 0 : i32
      %dma_start3A_64 = tpu.memref_slice %arg10[%add3A_16, %dma_start3A_63] : memref<10240x128xf32, #tpu.memory_space<vmem_shared>> -> memref<80x128xf32, #tpu.memory_space<vmem_shared>>
      %dma_start3A_65 = arith.constant 0 : i32
      %dma_start3A_66 = tpu.memref_slice %arg10[%add3A_16, %dma_start3A_65] : memref<10240x128xf32, #tpu.memory_space<vmem_shared>> -> memref<80x128xf32, #tpu.memory_space<vmem_shared>>
      %dma_start3A_67 = arith.constant 0 : i32
      %dma_start3A_68 = arith.constant 0 : i32
      %dma_start3A_69 = tpu.memref_slice %arg20[%run_scoped3A_17, %dma_start3A_67, %dma_start3A_68] : memref<2x80x128xf32, #tpu.memory_space<vmem>> -> memref<1x80x128xf32, #tpu.memory_space<vmem>>
      %dma_start3A_70 = tpu.memref_squeeze %dma_start3A_69 : memref<1x80x128xf32, #tpu.memory_space<vmem>> -> memref<80x128xf32, #tpu.memory_space<vmem>>
      tpu.enqueue_dma source(%dma_start3A_70 : memref<80x128xf32, #tpu.memory_space<vmem>>) target(%dma_start3A_66 : memref<80x128xf32, #tpu.memory_space<vmem_shared>>) target_semaphore(%run_scoped3A_59 : memref<!tpu.dma_semaphore, #tpu.memory_space<semaphore_mem>>)
      %dma_wait3A = arith.constant 0 : i32
      %dma_wait3A_71 = arith.constant 0 : i32
      %dma_wait3A_72 = tpu.memref_slice %arg20[%run_scoped3A_17, %dma_wait3A, %dma_wait3A_71] : memref<2x80x128xf32, #tpu.memory_space<vmem>> -> memref<1x80x128xf32, #tpu.memory_space<vmem>>
      %dma_wait3A_73 = tpu.memref_squeeze %dma_wait3A_72 : memref<1x80x128xf32, #tpu.memory_space<vmem>> -> memref<80x128xf32, #tpu.memory_space<vmem>>
      %dma_wait3A_74 = arith.constant 0 : i32
      %dma_wait3A_75 = tpu.memref_slice %arg10[%add3A_16, %dma_wait3A_74] : memref<10240x128xf32, #tpu.memory_space<vmem_shared>> -> memref<80x128xf32, #tpu.memory_space<vmem_shared>>
      %dma_wait3A_76 = arith.constant 0 : i32
      %dma_wait3A_77 = tpu.memref_slice %arg10[%add3A_16, %dma_wait3A_76] : memref<10240x128xf32, #tpu.memory_space<vmem_shared>> -> memref<80x128xf32, #tpu.memory_space<vmem_shared>>
      %dma_wait3A_78 = arith.constant 0 : i32
      %dma_wait3A_79 = arith.constant 0 : i32
      %dma_wait3A_80 = tpu.memref_slice %arg20[%run_scoped3A_17, %dma_wait3A_78, %dma_wait3A_79] : memref<2x80x128xf32, #tpu.memory_space<vmem>> -> memref<1x80x128xf32, #tpu.memory_space<vmem>>
      %dma_wait3A_81 = tpu.memref_squeeze %dma_wait3A_80 : memref<1x80x128xf32, #tpu.memory_space<vmem>> -> memref<80x128xf32, #tpu.memory_space<vmem>>
      tpu.wait_dma2 semaphore(%run_scoped3A_59 : memref<!tpu.dma_semaphore, #tpu.memory_space<semaphore_mem>>) src(%dma_wait3A_81 : memref<80x128xf32, #tpu.memory_space<vmem>>) dst(%dma_wait3A_77 : memref<80x128xf32, #tpu.memory_space<vmem_shared>>)
      tpu.yield
    }) : () -> ()
    %add3A_18 = arith.constant 240 : i32
    %add3A_19 = arith.addi %mul3A_4, %add3A_18 : i32
    %run_scoped3A_20 = arith.constant 0 : i32
    "tpu.region"() ({
      %run_scoped3A_59 = tpu.sem_alloc : memref<!tpu.dma_semaphore, #tpu.memory_space<semaphore_mem>>
      %dma_start3A = arith.constant 0 : i32
      %dma_start3A_60 = arith.constant 0 : i32
      %dma_start3A_61 = tpu.memref_slice %arg20[%run_scoped3A_20, %dma_start3A, %dma_start3A_60] : memref<2x80x128xf32, #tpu.memory_space<vmem>> -> memref<1x80x128xf32, #tpu.memory_space<vmem>>
      %dma_start3A_62 = tpu.memref_squeeze %dma_start3A_61 : memref<1x80x128xf32, #tpu.memory_space<vmem>> -> memref<80x128xf32, #tpu.memory_space<vmem>>
      %dma_start3A_63 = arith.constant 0 : i32
      %dma_start3A_64 = tpu.memref_slice %arg10[%add3A_19, %dma_start3A_63] : memref<10240x128xf32, #tpu.memory_space<vmem_shared>> -> memref<80x128xf32, #tpu.memory_space<vmem_shared>>
      %dma_start3A_65 = arith.constant 0 : i32
      %dma_start3A_66 = tpu.memref_slice %arg10[%add3A_19, %dma_start3A_65] : memref<10240x128xf32, #tpu.memory_space<vmem_shared>> -> memref<80x128xf32, #tpu.memory_space<vmem_shared>>
      %dma_start3A_67 = arith.constant 0 : i32
      %dma_start3A_68 = arith.constant 0 : i32
      %dma_start3A_69 = tpu.memref_slice %arg20[%run_scoped3A_20, %dma_start3A_67, %dma_start3A_68] : memref<2x80x128xf32, #tpu.memory_space<vmem>> -> memref<1x80x128xf32, #tpu.memory_space<vmem>>
      %dma_start3A_70 = tpu.memref_squeeze %dma_start3A_69 : memref<1x80x128xf32, #tpu.memory_space<vmem>> -> memref<80x128xf32, #tpu.memory_space<vmem>>
      tpu.enqueue_dma source(%dma_start3A_70 : memref<80x128xf32, #tpu.memory_space<vmem>>) target(%dma_start3A_66 : memref<80x128xf32, #tpu.memory_space<vmem_shared>>) target_semaphore(%run_scoped3A_59 : memref<!tpu.dma_semaphore, #tpu.memory_space<semaphore_mem>>)
      %dma_wait3A = arith.constant 0 : i32
      %dma_wait3A_71 = arith.constant 0 : i32
      %dma_wait3A_72 = tpu.memref_slice %arg20[%run_scoped3A_20, %dma_wait3A, %dma_wait3A_71] : memref<2x80x128xf32, #tpu.memory_space<vmem>> -> memref<1x80x128xf32, #tpu.memory_space<vmem>>
      %dma_wait3A_73 = tpu.memref_squeeze %dma_wait3A_72 : memref<1x80x128xf32, #tpu.memory_space<vmem>> -> memref<80x128xf32, #tpu.memory_space<vmem>>
      %dma_wait3A_74 = arith.constant 0 : i32
      %dma_wait3A_75 = tpu.memref_slice %arg10[%add3A_19, %dma_wait3A_74] : memref<10240x128xf32, #tpu.memory_space<vmem_shared>> -> memref<80x128xf32, #tpu.memory_space<vmem_shared>>
      %dma_wait3A_76 = arith.constant 0 : i32
      %dma_wait3A_77 = tpu.memref_slice %arg10[%add3A_19, %dma_wait3A_76] : memref<10240x128xf32, #tpu.memory_space<vmem_shared>> -> memref<80x128xf32, #tpu.memory_space<vmem_shared>>
      %dma_wait3A_78 = arith.constant 0 : i32
      %dma_wait3A_79 = arith.constant 0 : i32
      %dma_wait3A_80 = tpu.memref_slice %arg20[%run_scoped3A_20, %dma_wait3A_78, %dma_wait3A_79] : memref<2x80x128xf32, #tpu.memory_space<vmem>> -> memref<1x80x128xf32, #tpu.memory_space<vmem>>
      %dma_wait3A_81 = tpu.memref_squeeze %dma_wait3A_80 : memref<1x80x128xf32, #tpu.memory_space<vmem>> -> memref<80x128xf32, #tpu.memory_space<vmem>>
      tpu.wait_dma2 semaphore(%run_scoped3A_59 : memref<!tpu.dma_semaphore, #tpu.memory_space<semaphore_mem>>) src(%dma_wait3A_81 : memref<80x128xf32, #tpu.memory_space<vmem>>) dst(%dma_wait3A_77 : memref<80x128xf32, #tpu.memory_space<vmem_shared>>)
      tpu.yield
    }) : () -> ()
    %add3A_21 = arith.constant 320 : i32
    %add3A_22 = arith.addi %mul3A_4, %add3A_21 : i32
    %run_scoped3A_23 = arith.constant 0 : i32
    "tpu.region"() ({
      %run_scoped3A_59 = tpu.sem_alloc : memref<!tpu.dma_semaphore, #tpu.memory_space<semaphore_mem>>
      %dma_start3A = arith.constant 0 : i32
      %dma_start3A_60 = arith.constant 0 : i32
      %dma_start3A_61 = tpu.memref_slice %arg20[%run_scoped3A_23, %dma_start3A, %dma_start3A_60] : memref<2x80x128xf32, #tpu.memory_space<vmem>> -> memref<1x80x128xf32, #tpu.memory_space<vmem>>
      %dma_start3A_62 = tpu.memref_squeeze %dma_start3A_61 : memref<1x80x128xf32, #tpu.memory_space<vmem>> -> memref<80x128xf32, #tpu.memory_space<vmem>>
      %dma_start3A_63 = arith.constant 0 : i32
      %dma_start3A_64 = tpu.memref_slice %arg10[%add3A_22, %dma_start3A_63] : memref<10240x128xf32, #tpu.memory_space<vmem_shared>> -> memref<80x128xf32, #tpu.memory_space<vmem_shared>>
      %dma_start3A_65 = arith.constant 0 : i32
      %dma_start3A_66 = tpu.memref_slice %arg10[%add3A_22, %dma_start3A_65] : memref<10240x128xf32, #tpu.memory_space<vmem_shared>> -> memref<80x128xf32, #tpu.memory_space<vmem_shared>>
      %dma_start3A_67 = arith.constant 0 : i32
      %dma_start3A_68 = arith.constant 0 : i32
      %dma_start3A_69 = tpu.memref_slice %arg20[%run_scoped3A_23, %dma_start3A_67, %dma_start3A_68] : memref<2x80x128xf32, #tpu.memory_space<vmem>> -> memref<1x80x128xf32, #tpu.memory_space<vmem>>
      %dma_start3A_70 = tpu.memref_squeeze %dma_start3A_69 : memref<1x80x128xf32, #tpu.memory_space<vmem>> -> memref<80x128xf32, #tpu.memory_space<vmem>>
      tpu.enqueue_dma source(%dma_start3A_70 : memref<80x128xf32, #tpu.memory_space<vmem>>) target(%dma_start3A_66 : memref<80x128xf32, #tpu.memory_space<vmem_shared>>) target_semaphore(%run_scoped3A_59 : memref<!tpu.dma_semaphore, #tpu.memory_space<semaphore_mem>>)
      %dma_wait3A = arith.constant 0 : i32
      %dma_wait3A_71 = arith.constant 0 : i32
      %dma_wait3A_72 = tpu.memref_slice %arg20[%run_scoped3A_23, %dma_wait3A, %dma_wait3A_71] : memref<2x80x128xf32, #tpu.memory_space<vmem>> -> memref<1x80x128xf32, #tpu.memory_space<vmem>>
      %dma_wait3A_73 = tpu.memref_squeeze %dma_wait3A_72 : memref<1x80x128xf32, #tpu.memory_space<vmem>> -> memref<80x128xf32, #tpu.memory_space<vmem>>
      %dma_wait3A_74 = arith.constant 0 : i32
      %dma_wait3A_75 = tpu.memref_slice %arg10[%add3A_22, %dma_wait3A_74] : memref<10240x128xf32, #tpu.memory_space<vmem_shared>> -> memref<80x128xf32, #tpu.memory_space<vmem_shared>>
      %dma_wait3A_76 = arith.constant 0 : i32
      %dma_wait3A_77 = tpu.memref_slice %arg10[%add3A_22, %dma_wait3A_76] : memref<10240x128xf32, #tpu.memory_space<vmem_shared>> -> memref<80x128xf32, #tpu.memory_space<vmem_shared>>
      %dma_wait3A_78 = arith.constant 0 : i32
      %dma_wait3A_79 = arith.constant 0 : i32
      %dma_wait3A_80 = tpu.memref_slice %arg20[%run_scoped3A_23, %dma_wait3A_78, %dma_wait3A_79] : memref<2x80x128xf32, #tpu.memory_space<vmem>> -> memref<1x80x128xf32, #tpu.memory_space<vmem>>
      %dma_wait3A_81 = tpu.memref_squeeze %dma_wait3A_80 : memref<1x80x128xf32, #tpu.memory_space<vmem>> -> memref<80x128xf32, #tpu.memory_space<vmem>>
      tpu.wait_dma2 semaphore(%run_scoped3A_59 : memref<!tpu.dma_semaphore, #tpu.memory_space<semaphore_mem>>) src(%dma_wait3A_81 : memref<80x128xf32, #tpu.memory_space<vmem>>) dst(%dma_wait3A_77 : memref<80x128xf32, #tpu.memory_space<vmem_shared>>)
      tpu.yield
    }) : () -> ()
    %add3A_24 = arith.constant 400 : i32
    %add3A_25 = arith.addi %mul3A_4, %add3A_24 : i32
    %run_scoped3A_26 = arith.constant 0 : i32
    "tpu.region"() ({
      %run_scoped3A_59 = tpu.sem_alloc : memref<!tpu.dma_semaphore, #tpu.memory_space<semaphore_mem>>
      %dma_start3A = arith.constant 0 : i32
      %dma_start3A_60 = arith.constant 0 : i32
      %dma_start3A_61 = tpu.memref_slice %arg20[%run_scoped3A_26, %dma_start3A, %dma_start3A_60] : memref<2x80x128xf32, #tpu.memory_space<vmem>> -> memref<1x80x128xf32, #tpu.memory_space<vmem>>
      %dma_start3A_62 = tpu.memref_squeeze %dma_start3A_61 : memref<1x80x128xf32, #tpu.memory_space<vmem>> -> memref<80x128xf32, #tpu.memory_space<vmem>>
      %dma_start3A_63 = arith.constant 0 : i32
      %dma_start3A_64 = tpu.memref_slice %arg10[%add3A_25, %dma_start3A_63] : memref<10240x128xf32, #tpu.memory_space<vmem_shared>> -> memref<80x128xf32, #tpu.memory_space<vmem_shared>>
      %dma_start3A_65 = arith.constant 0 : i32
      %dma_start3A_66 = tpu.memref_slice %arg10[%add3A_25, %dma_start3A_65] : memref<10240x128xf32, #tpu.memory_space<vmem_shared>> -> memref<80x128xf32, #tpu.memory_space<vmem_shared>>
      %dma_start3A_67 = arith.constant 0 : i32
      %dma_start3A_68 = arith.constant 0 : i32
      %dma_start3A_69 = tpu.memref_slice %arg20[%run_scoped3A_26, %dma_start3A_67, %dma_start3A_68] : memref<2x80x128xf32, #tpu.memory_space<vmem>> -> memref<1x80x128xf32, #tpu.memory_space<vmem>>
      %dma_start3A_70 = tpu.memref_squeeze %dma_start3A_69 : memref<1x80x128xf32, #tpu.memory_space<vmem>> -> memref<80x128xf32, #tpu.memory_space<vmem>>
      tpu.enqueue_dma source(%dma_start3A_70 : memref<80x128xf32, #tpu.memory_space<vmem>>) target(%dma_start3A_66 : memref<80x128xf32, #tpu.memory_space<vmem_shared>>) target_semaphore(%run_scoped3A_59 : memref<!tpu.dma_semaphore, #tpu.memory_space<semaphore_mem>>)
      %dma_wait3A = arith.constant 0 : i32
      %dma_wait3A_71 = arith.constant 0 : i32
      %dma_wait3A_72 = tpu.memref_slice %arg20[%run_scoped3A_26, %dma_wait3A, %dma_wait3A_71] : memref<2x80x128xf32, #tpu.memory_space<vmem>> -> memref<1x80x128xf32, #tpu.memory_space<vmem>>
      %dma_wait3A_73 = tpu.memref_squeeze %dma_wait3A_72 : memref<1x80x128xf32, #tpu.memory_space<vmem>> -> memref<80x128xf32, #tpu.memory_space<vmem>>
      %dma_wait3A_74 = arith.constant 0 : i32
      %dma_wait3A_75 = tpu.memref_slice %arg10[%add3A_25, %dma_wait3A_74] : memref<10240x128xf32, #tpu.memory_space<vmem_shared>> -> memref<80x128xf32, #tpu.memory_space<vmem_shared>>
      %dma_wait3A_76 = arith.constant 0 : i32
      %dma_wait3A_77 = tpu.memref_slice %arg10[%add3A_25, %dma_wait3A_76] : memref<10240x128xf32, #tpu.memory_space<vmem_shared>> -> memref<80x128xf32, #tpu.memory_space<vmem_shared>>
      %dma_wait3A_78 = arith.constant 0 : i32
      %dma_wait3A_79 = arith.constant 0 : i32
      %dma_wait3A_80 = tpu.memref_slice %arg20[%run_scoped3A_26, %dma_wait3A_78, %dma_wait3A_79] : memref<2x80x128xf32, #tpu.memory_space<vmem>> -> memref<1x80x128xf32, #tpu.memory_space<vmem>>
      %dma_wait3A_81 = tpu.memref_squeeze %dma_wait3A_80 : memref<1x80x128xf32, #tpu.memory_space<vmem>> -> memref<80x128xf32, #tpu.memory_space<vmem>>
      tpu.wait_dma2 semaphore(%run_scoped3A_59 : memref<!tpu.dma_semaphore, #tpu.memory_space<semaphore_mem>>) src(%dma_wait3A_81 : memref<80x128xf32, #tpu.memory_space<vmem>>) dst(%dma_wait3A_77 : memref<80x128xf32, #tpu.memory_space<vmem_shared>>)
      tpu.yield
    }) : () -> ()
    %add3A_27 = arith.constant 480 : i32
    %add3A_28 = arith.addi %mul3A_4, %add3A_27 : i32
    %run_scoped3A_29 = arith.constant 0 : i32
    "tpu.region"() ({
      %run_scoped3A_59 = tpu.sem_alloc : memref<!tpu.dma_semaphore, #tpu.memory_space<semaphore_mem>>
      %dma_start3A = arith.constant 0 : i32
      %dma_start3A_60 = arith.constant 0 : i32
      %dma_start3A_61 = tpu.memref_slice %arg20[%run_scoped3A_29, %dma_start3A, %dma_start3A_60] : memref<2x80x128xf32, #tpu.memory_space<vmem>> -> memref<1x80x128xf32, #tpu.memory_space<vmem>>
      %dma_start3A_62 = tpu.memref_squeeze %dma_start3A_61 : memref<1x80x128xf32, #tpu.memory_space<vmem>> -> memref<80x128xf32, #tpu.memory_space<vmem>>
      %dma_start3A_63 = arith.constant 0 : i32
      %dma_start3A_64 = tpu.memref_slice %arg10[%add3A_28, %dma_start3A_63] : memref<10240x128xf32, #tpu.memory_space<vmem_shared>> -> memref<80x128xf32, #tpu.memory_space<vmem_shared>>
      %dma_start3A_65 = arith.constant 0 : i32
      %dma_start3A_66 = tpu.memref_slice %arg10[%add3A_28, %dma_start3A_65] : memref<10240x128xf32, #tpu.memory_space<vmem_shared>> -> memref<80x128xf32, #tpu.memory_space<vmem_shared>>
      %dma_start3A_67 = arith.constant 0 : i32
      %dma_start3A_68 = arith.constant 0 : i32
      %dma_start3A_69 = tpu.memref_slice %arg20[%run_scoped3A_29, %dma_start3A_67, %dma_start3A_68] : memref<2x80x128xf32, #tpu.memory_space<vmem>> -> memref<1x80x128xf32, #tpu.memory_space<vmem>>
      %dma_start3A_70 = tpu.memref_squeeze %dma_start3A_69 : memref<1x80x128xf32, #tpu.memory_space<vmem>> -> memref<80x128xf32, #tpu.memory_space<vmem>>
      tpu.enqueue_dma source(%dma_start3A_70 : memref<80x128xf32, #tpu.memory_space<vmem>>) target(%dma_start3A_66 : memref<80x128xf32, #tpu.memory_space<vmem_shared>>) target_semaphore(%run_scoped3A_59 : memref<!tpu.dma_semaphore, #tpu.memory_space<semaphore_mem>>)
      %dma_wait3A = arith.constant 0 : i32
      %dma_wait3A_71 = arith.constant 0 : i32
      %dma_wait3A_72 = tpu.memref_slice %arg20[%run_scoped3A_29, %dma_wait3A, %dma_wait3A_71] : memref<2x80x128xf32, #tpu.memory_space<vmem>> -> memref<1x80x128xf32, #tpu.memory_space<vmem>>
      %dma_wait3A_73 = tpu.memref_squeeze %dma_wait3A_72 : memref<1x80x128xf32, #tpu.memory_space<vmem>> -> memref<80x128xf32, #tpu.memory_space<vmem>>
      %dma_wait3A_74 = arith.constant 0 : i32
      %dma_wait3A_75 = tpu.memref_slice %arg10[%add3A_28, %dma_wait3A_74] : memref<10240x128xf32, #tpu.memory_space<vmem_shared>> -> memref<80x128xf32, #tpu.memory_space<vmem_shared>>
      %dma_wait3A_76 = arith.constant 0 : i32
      %dma_wait3A_77 = tpu.memref_slice %arg10[%add3A_28, %dma_wait3A_76] : memref<10240x128xf32, #tpu.memory_space<vmem_shared>> -> memref<80x128xf32, #tpu.memory_space<vmem_shared>>
      %dma_wait3A_78 = arith.constant 0 : i32
      %dma_wait3A_79 = arith.constant 0 : i32
      %dma_wait3A_80 = tpu.memref_slice %arg20[%run_scoped3A_29, %dma_wait3A_78, %dma_wait3A_79] : memref<2x80x128xf32, #tpu.memory_space<vmem>> -> memref<1x80x128xf32, #tpu.memory_space<vmem>>
      %dma_wait3A_81 = tpu.memref_squeeze %dma_wait3A_80 : memref<1x80x128xf32, #tpu.memory_space<vmem>> -> memref<80x128xf32, #tpu.memory_space<vmem>>
      tpu.wait_dma2 semaphore(%run_scoped3A_59 : memref<!tpu.dma_semaphore, #tpu.memory_space<semaphore_mem>>) src(%dma_wait3A_81 : memref<80x128xf32, #tpu.memory_space<vmem>>) dst(%dma_wait3A_77 : memref<80x128xf32, #tpu.memory_space<vmem_shared>>)
      tpu.yield
    }) : () -> ()
    %add3A_30 = arith.constant 560 : i32
    %add3A_31 = arith.addi %mul3A_4, %add3A_30 : i32
    %run_scoped3A_32 = arith.constant 0 : i32
    "tpu.region"() ({
      %run_scoped3A_59 = tpu.sem_alloc : memref<!tpu.dma_semaphore, #tpu.memory_space<semaphore_mem>>
      %dma_start3A = arith.constant 0 : i32
      %dma_start3A_60 = arith.constant 0 : i32
      %dma_start3A_61 = tpu.memref_slice %arg20[%run_scoped3A_32, %dma_start3A, %dma_start3A_60] : memref<2x80x128xf32, #tpu.memory_space<vmem>> -> memref<1x80x128xf32, #tpu.memory_space<vmem>>
      %dma_start3A_62 = tpu.memref_squeeze %dma_start3A_61 : memref<1x80x128xf32, #tpu.memory_space<vmem>> -> memref<80x128xf32, #tpu.memory_space<vmem>>
      %dma_start3A_63 = arith.constant 0 : i32
      %dma_start3A_64 = tpu.memref_slice %arg10[%add3A_31, %dma_start3A_63] : memref<10240x128xf32, #tpu.memory_space<vmem_shared>> -> memref<80x128xf32, #tpu.memory_space<vmem_shared>>
      %dma_start3A_65 = arith.constant 0 : i32
      %dma_start3A_66 = tpu.memref_slice %arg10[%add3A_31, %dma_start3A_65] : memref<10240x128xf32, #tpu.memory_space<vmem_shared>> -> memref<80x128xf32, #tpu.memory_space<vmem_shared>>
      %dma_start3A_67 = arith.constant 0 : i32
      %dma_start3A_68 = arith.constant 0 : i32
      %dma_start3A_69 = tpu.memref_slice %arg20[%run_scoped3A_32, %dma_start3A_67, %dma_start3A_68] : memref<2x80x128xf32, #tpu.memory_space<vmem>> -> memref<1x80x128xf32, #tpu.memory_space<vmem>>
      %dma_start3A_70 = tpu.memref_squeeze %dma_start3A_69 : memref<1x80x128xf32, #tpu.memory_space<vmem>> -> memref<80x128xf32, #tpu.memory_space<vmem>>
      tpu.enqueue_dma source(%dma_start3A_70 : memref<80x128xf32, #tpu.memory_space<vmem>>) target(%dma_start3A_66 : memref<80x128xf32, #tpu.memory_space<vmem_shared>>) target_semaphore(%run_scoped3A_59 : memref<!tpu.dma_semaphore, #tpu.memory_space<semaphore_mem>>)
      %dma_wait3A = arith.constant 0 : i32
      %dma_wait3A_71 = arith.constant 0 : i32
      %dma_wait3A_72 = tpu.memref_slice %arg20[%run_scoped3A_32, %dma_wait3A, %dma_wait3A_71] : memref<2x80x128xf32, #tpu.memory_space<vmem>> -> memref<1x80x128xf32, #tpu.memory_space<vmem>>
      %dma_wait3A_73 = tpu.memref_squeeze %dma_wait3A_72 : memref<1x80x128xf32, #tpu.memory_space<vmem>> -> memref<80x128xf32, #tpu.memory_space<vmem>>
      %dma_wait3A_74 = arith.constant 0 : i32
      %dma_wait3A_75 = tpu.memref_slice %arg10[%add3A_31, %dma_wait3A_74] : memref<10240x128xf32, #tpu.memory_space<vmem_shared>> -> memref<80x128xf32, #tpu.memory_space<vmem_shared>>
      %dma_wait3A_76 = arith.constant 0 : i32
      %dma_wait3A_77 = tpu.memref_slice %arg10[%add3A_31, %dma_wait3A_76] : memref<10240x128xf32, #tpu.memory_space<vmem_shared>> -> memref<80x128xf32, #tpu.memory_space<vmem_shared>>
      %dma_wait3A_78 = arith.constant 0 : i32
      %dma_wait3A_79 = arith.constant 0 : i32
      %dma_wait3A_80 = tpu.memref_slice %arg20[%run_scoped3A_32, %dma_wait3A_78, %dma_wait3A_79] : memref<2x80x128xf32, #tpu.memory_space<vmem>> -> memref<1x80x128xf32, #tpu.memory_space<vmem>>
      %dma_wait3A_81 = tpu.memref_squeeze %dma_wait3A_80 : memref<1x80x128xf32, #tpu.memory_space<vmem>> -> memref<80x128xf32, #tpu.memory_space<vmem>>
      tpu.wait_dma2 semaphore(%run_scoped3A_59 : memref<!tpu.dma_semaphore, #tpu.memory_space<semaphore_mem>>) src(%dma_wait3A_81 : memref<80x128xf32, #tpu.memory_space<vmem>>) dst(%dma_wait3A_77 : memref<80x128xf32, #tpu.memory_space<vmem_shared>>)
      tpu.yield
    }) : () -> ()
    %add3A_33 = arith.constant 0 : i32
    %add3A_34 = arith.addi %mul3A_4, %add3A_33 : i32
    %run_scoped3A_35 = arith.constant 0 : i32
    %run_scoped3A_36 = arith.constant 0 : i32
    "tpu.region"() ({
      %run_scoped3A_59 = tpu.sem_alloc : memref<!tpu.dma_semaphore, #tpu.memory_space<semaphore_mem>>
      %dma_start3A = arith.constant 0 : i32
      %dma_start3A_60 = tpu.memref_slice %arg20[%run_scoped3A_35, %run_scoped3A_36, %dma_start3A] : memref<2x80x128xf32, #tpu.memory_space<vmem>> -> memref<1x1x128xf32, #tpu.memory_space<vmem>>
      %dma_start3A_61 = tpu.memref_squeeze %dma_start3A_60 : memref<1x1x128xf32, #tpu.memory_space<vmem>> -> memref<128xf32, #tpu.memory_space<vmem>>
      %dma_start3A_62 = tpu.memref_slice %arg11[%add3A_34] : memref<10240xf32, #tpu.memory_space<vmem_shared>> -> memref<128xf32, #tpu.memory_space<vmem_shared>>
      %dma_start3A_63 = tpu.memref_slice %arg11[%add3A_34] : memref<10240xf32, #tpu.memory_space<vmem_shared>> -> memref<128xf32, #tpu.memory_space<vmem_shared>>
      %dma_start3A_64 = arith.constant 0 : i32
      %dma_start3A_65 = tpu.memref_slice %arg20[%run_scoped3A_35, %run_scoped3A_36, %dma_start3A_64] : memref<2x80x128xf32, #tpu.memory_space<vmem>> -> memref<1x1x128xf32, #tpu.memory_space<vmem>>
      %dma_start3A_66 = tpu.memref_squeeze %dma_start3A_65 : memref<1x1x128xf32, #tpu.memory_space<vmem>> -> memref<128xf32, #tpu.memory_space<vmem>>
      tpu.enqueue_dma source(%dma_start3A_66 : memref<128xf32, #tpu.memory_space<vmem>>) target(%dma_start3A_63 : memref<128xf32, #tpu.memory_space<vmem_shared>>) target_semaphore(%run_scoped3A_59 : memref<!tpu.dma_semaphore, #tpu.memory_space<semaphore_mem>>)
      %dma_wait3A = arith.constant 0 : i32
      %dma_wait3A_67 = tpu.memref_slice %arg20[%run_scoped3A_35, %run_scoped3A_36, %dma_wait3A] : memref<2x80x128xf32, #tpu.memory_space<vmem>> -> memref<1x1x128xf32, #tpu.memory_space<vmem>>
      %dma_wait3A_68 = tpu.memref_squeeze %dma_wait3A_67 : memref<1x1x128xf32, #tpu.memory_space<vmem>> -> memref<128xf32, #tpu.memory_space<vmem>>
      %dma_wait3A_69 = tpu.memref_slice %arg11[%add3A_34] : memref<10240xf32, #tpu.memory_space<vmem_shared>> -> memref<128xf32, #tpu.memory_space<vmem_shared>>
      %dma_wait3A_70 = tpu.memref_slice %arg11[%add3A_34] : memref<10240xf32, #tpu.memory_space<vmem_shared>> -> memref<128xf32, #tpu.memory_space<vmem_shared>>
      %dma_wait3A_71 = arith.constant 0 : i32
      %dma_wait3A_72 = tpu.memref_slice %arg20[%run_scoped3A_35, %run_scoped3A_36, %dma_wait3A_71] : memref<2x80x128xf32, #tpu.memory_space<vmem>> -> memref<1x1x128xf32, #tpu.memory_space<vmem>>
      %dma_wait3A_73 = tpu.memref_squeeze %dma_wait3A_72 : memref<1x1x128xf32, #tpu.memory_space<vmem>> -> memref<128xf32, #tpu.memory_space<vmem>>
      tpu.wait_dma2 semaphore(%run_scoped3A_59 : memref<!tpu.dma_semaphore, #tpu.memory_space<semaphore_mem>>) src(%dma_wait3A_73 : memref<128xf32, #tpu.memory_space<vmem>>) dst(%dma_wait3A_70 : memref<128xf32, #tpu.memory_space<vmem_shared>>)
      tpu.yield
    }) : () -> ()
    %add3A_37 = arith.constant 128 : i32
    %add3A_38 = arith.addi %mul3A_4, %add3A_37 : i32
    %run_scoped3A_39 = arith.constant 0 : i32
    %run_scoped3A_40 = arith.constant 0 : i32
    "tpu.region"() ({
      %run_scoped3A_59 = tpu.sem_alloc : memref<!tpu.dma_semaphore, #tpu.memory_space<semaphore_mem>>
      %dma_start3A = arith.constant 0 : i32
      %dma_start3A_60 = tpu.memref_slice %arg20[%run_scoped3A_39, %run_scoped3A_40, %dma_start3A] : memref<2x80x128xf32, #tpu.memory_space<vmem>> -> memref<1x1x128xf32, #tpu.memory_space<vmem>>
      %dma_start3A_61 = tpu.memref_squeeze %dma_start3A_60 : memref<1x1x128xf32, #tpu.memory_space<vmem>> -> memref<128xf32, #tpu.memory_space<vmem>>
      %dma_start3A_62 = tpu.memref_slice %arg11[%add3A_38] : memref<10240xf32, #tpu.memory_space<vmem_shared>> -> memref<128xf32, #tpu.memory_space<vmem_shared>>
      %dma_start3A_63 = tpu.memref_slice %arg11[%add3A_38] : memref<10240xf32, #tpu.memory_space<vmem_shared>> -> memref<128xf32, #tpu.memory_space<vmem_shared>>
      %dma_start3A_64 = arith.constant 0 : i32
      %dma_start3A_65 = tpu.memref_slice %arg20[%run_scoped3A_39, %run_scoped3A_40, %dma_start3A_64] : memref<2x80x128xf32, #tpu.memory_space<vmem>> -> memref<1x1x128xf32, #tpu.memory_space<vmem>>
      %dma_start3A_66 = tpu.memref_squeeze %dma_start3A_65 : memref<1x1x128xf32, #tpu.memory_space<vmem>> -> memref<128xf32, #tpu.memory_space<vmem>>
      tpu.enqueue_dma source(%dma_start3A_66 : memref<128xf32, #tpu.memory_space<vmem>>) target(%dma_start3A_63 : memref<128xf32, #tpu.memory_space<vmem_shared>>) target_semaphore(%run_scoped3A_59 : memref<!tpu.dma_semaphore, #tpu.memory_space<semaphore_mem>>)
      %dma_wait3A = arith.constant 0 : i32
      %dma_wait3A_67 = tpu.memref_slice %arg20[%run_scoped3A_39, %run_scoped3A_40, %dma_wait3A] : memref<2x80x128xf32, #tpu.memory_space<vmem>> -> memref<1x1x128xf32, #tpu.memory_space<vmem>>
      %dma_wait3A_68 = tpu.memref_squeeze %dma_wait3A_67 : memref<1x1x128xf32, #tpu.memory_space<vmem>> -> memref<128xf32, #tpu.memory_space<vmem>>
      %dma_wait3A_69 = tpu.memref_slice %arg11[%add3A_38] : memref<10240xf32, #tpu.memory_space<vmem_shared>> -> memref<128xf32, #tpu.memory_space<vmem_shared>>
      %dma_wait3A_70 = tpu.memref_slice %arg11[%add3A_38] : memref<10240xf32, #tpu.memory_space<vmem_shared>> -> memref<128xf32, #tpu.memory_space<vmem_shared>>
      %dma_wait3A_71 = arith.constant 0 : i32
      %dma_wait3A_72 = tpu.memref_slice %arg20[%run_scoped3A_39, %run_scoped3A_40, %dma_wait3A_71] : memref<2x80x128xf32, #tpu.memory_space<vmem>> -> memref<1x1x128xf32, #tpu.memory_space<vmem>>
      %dma_wait3A_73 = tpu.memref_squeeze %dma_wait3A_72 : memref<1x1x128xf32, #tpu.memory_space<vmem>> -> memref<128xf32, #tpu.memory_space<vmem>>
      tpu.wait_dma2 semaphore(%run_scoped3A_59 : memref<!tpu.dma_semaphore, #tpu.memory_space<semaphore_mem>>) src(%dma_wait3A_73 : memref<128xf32, #tpu.memory_space<vmem>>) dst(%dma_wait3A_70 : memref<128xf32, #tpu.memory_space<vmem_shared>>)
      tpu.yield
    }) : () -> ()
    %add3A_41 = arith.constant 256 : i32
    %add3A_42 = arith.addi %mul3A_4, %add3A_41 : i32
    %run_scoped3A_43 = arith.constant 0 : i32
    %run_scoped3A_44 = arith.constant 0 : i32
    "tpu.region"() ({
      %run_scoped3A_59 = tpu.sem_alloc : memref<!tpu.dma_semaphore, #tpu.memory_space<semaphore_mem>>
      %dma_start3A = arith.constant 0 : i32
      %dma_start3A_60 = tpu.memref_slice %arg20[%run_scoped3A_43, %run_scoped3A_44, %dma_start3A] : memref<2x80x128xf32, #tpu.memory_space<vmem>> -> memref<1x1x128xf32, #tpu.memory_space<vmem>>
      %dma_start3A_61 = tpu.memref_squeeze %dma_start3A_60 : memref<1x1x128xf32, #tpu.memory_space<vmem>> -> memref<128xf32, #tpu.memory_space<vmem>>
      %dma_start3A_62 = tpu.memref_slice %arg11[%add3A_42] : memref<10240xf32, #tpu.memory_space<vmem_shared>> -> memref<128xf32, #tpu.memory_space<vmem_shared>>
      %dma_start3A_63 = tpu.memref_slice %arg11[%add3A_42] : memref<10240xf32, #tpu.memory_space<vmem_shared>> -> memref<128xf32, #tpu.memory_space<vmem_shared>>
      %dma_start3A_64 = arith.constant 0 : i32
      %dma_start3A_65 = tpu.memref_slice %arg20[%run_scoped3A_43, %run_scoped3A_44, %dma_start3A_64] : memref<2x80x128xf32, #tpu.memory_space<vmem>> -> memref<1x1x128xf32, #tpu.memory_space<vmem>>
      %dma_start3A_66 = tpu.memref_squeeze %dma_start3A_65 : memref<1x1x128xf32, #tpu.memory_space<vmem>> -> memref<128xf32, #tpu.memory_space<vmem>>
      tpu.enqueue_dma source(%dma_start3A_66 : memref<128xf32, #tpu.memory_space<vmem>>) target(%dma_start3A_63 : memref<128xf32, #tpu.memory_space<vmem_shared>>) target_semaphore(%run_scoped3A_59 : memref<!tpu.dma_semaphore, #tpu.memory_space<semaphore_mem>>)
      %dma_wait3A = arith.constant 0 : i32
      %dma_wait3A_67 = tpu.memref_slice %arg20[%run_scoped3A_43, %run_scoped3A_44, %dma_wait3A] : memref<2x80x128xf32, #tpu.memory_space<vmem>> -> memref<1x1x128xf32, #tpu.memory_space<vmem>>
      %dma_wait3A_68 = tpu.memref_squeeze %dma_wait3A_67 : memref<1x1x128xf32, #tpu.memory_space<vmem>> -> memref<128xf32, #tpu.memory_space<vmem>>
      %dma_wait3A_69 = tpu.memref_slice %arg11[%add3A_42] : memref<10240xf32, #tpu.memory_space<vmem_shared>> -> memref<128xf32, #tpu.memory_space<vmem_shared>>
      %dma_wait3A_70 = tpu.memref_slice %arg11[%add3A_42] : memref<10240xf32, #tpu.memory_space<vmem_shared>> -> memref<128xf32, #tpu.memory_space<vmem_shared>>
      %dma_wait3A_71 = arith.constant 0 : i32
      %dma_wait3A_72 = tpu.memref_slice %arg20[%run_scoped3A_43, %run_scoped3A_44, %dma_wait3A_71] : memref<2x80x128xf32, #tpu.memory_space<vmem>> -> memref<1x1x128xf32, #tpu.memory_space<vmem>>
      %dma_wait3A_73 = tpu.memref_squeeze %dma_wait3A_72 : memref<1x1x128xf32, #tpu.memory_space<vmem>> -> memref<128xf32, #tpu.memory_space<vmem>>
      tpu.wait_dma2 semaphore(%run_scoped3A_59 : memref<!tpu.dma_semaphore, #tpu.memory_space<semaphore_mem>>) src(%dma_wait3A_73 : memref<128xf32, #tpu.memory_space<vmem>>) dst(%dma_wait3A_70 : memref<128xf32, #tpu.memory_space<vmem_shared>>)
      tpu.yield
    }) : () -> ()
    %add3A_45 = arith.constant 384 : i32
    %add3A_46 = arith.addi %mul3A_4, %add3A_45 : i32
    %run_scoped3A_47 = arith.constant 0 : i32
    %run_scoped3A_48 = arith.constant 0 : i32
    "tpu.region"() ({
      %run_scoped3A_59 = tpu.sem_alloc : memref<!tpu.dma_semaphore, #tpu.memory_space<semaphore_mem>>
      %dma_start3A = arith.constant 0 : i32
      %dma_start3A_60 = tpu.memref_slice %arg20[%run_scoped3A_47, %run_scoped3A_48, %dma_start3A] : memref<2x80x128xf32, #tpu.memory_space<vmem>> -> memref<1x1x128xf32, #tpu.memory_space<vmem>>
      %dma_start3A_61 = tpu.memref_squeeze %dma_start3A_60 : memref<1x1x128xf32, #tpu.memory_space<vmem>> -> memref<128xf32, #tpu.memory_space<vmem>>
      %dma_start3A_62 = tpu.memref_slice %arg11[%add3A_46] : memref<10240xf32, #tpu.memory_space<vmem_shared>> -> memref<128xf32, #tpu.memory_space<vmem_shared>>
      %dma_start3A_63 = tpu.memref_slice %arg11[%add3A_46] : memref<10240xf32, #tpu.memory_space<vmem_shared>> -> memref<128xf32, #tpu.memory_space<vmem_shared>>
      %dma_start3A_64 = arith.constant 0 : i32
      %dma_start3A_65 = tpu.memref_slice %arg20[%run_scoped3A_47, %run_scoped3A_48, %dma_start3A_64] : memref<2x80x128xf32, #tpu.memory_space<vmem>> -> memref<1x1x128xf32, #tpu.memory_space<vmem>>
      %dma_start3A_66 = tpu.memref_squeeze %dma_start3A_65 : memref<1x1x128xf32, #tpu.memory_space<vmem>> -> memref<128xf32, #tpu.memory_space<vmem>>
      tpu.enqueue_dma source(%dma_start3A_66 : memref<128xf32, #tpu.memory_space<vmem>>) target(%dma_start3A_63 : memref<128xf32, #tpu.memory_space<vmem_shared>>) target_semaphore(%run_scoped3A_59 : memref<!tpu.dma_semaphore, #tpu.memory_space<semaphore_mem>>)
      %dma_wait3A = arith.constant 0 : i32
      %dma_wait3A_67 = tpu.memref_slice %arg20[%run_scoped3A_47, %run_scoped3A_48, %dma_wait3A] : memref<2x80x128xf32, #tpu.memory_space<vmem>> -> memref<1x1x128xf32, #tpu.memory_space<vmem>>
      %dma_wait3A_68 = tpu.memref_squeeze %dma_wait3A_67 : memref<1x1x128xf32, #tpu.memory_space<vmem>> -> memref<128xf32, #tpu.memory_space<vmem>>
      %dma_wait3A_69 = tpu.memref_slice %arg11[%add3A_46] : memref<10240xf32, #tpu.memory_space<vmem_shared>> -> memref<128xf32, #tpu.memory_space<vmem_shared>>
      %dma_wait3A_70 = tpu.memref_slice %arg11[%add3A_46] : memref<10240xf32, #tpu.memory_space<vmem_shared>> -> memref<128xf32, #tpu.memory_space<vmem_shared>>
      %dma_wait3A_71 = arith.constant 0 : i32
      %dma_wait3A_72 = tpu.memref_slice %arg20[%run_scoped3A_47, %run_scoped3A_48, %dma_wait3A_71] : memref<2x80x128xf32, #tpu.memory_space<vmem>> -> memref<1x1x128xf32, #tpu.memory_space<vmem>>
      %dma_wait3A_73 = tpu.memref_squeeze %dma_wait3A_72 : memref<1x1x128xf32, #tpu.memory_space<vmem>> -> memref<128xf32, #tpu.memory_space<vmem>>
      tpu.wait_dma2 semaphore(%run_scoped3A_59 : memref<!tpu.dma_semaphore, #tpu.memory_space<semaphore_mem>>) src(%dma_wait3A_73 : memref<128xf32, #tpu.memory_space<vmem>>) dst(%dma_wait3A_70 : memref<128xf32, #tpu.memory_space<vmem_shared>>)
      tpu.yield
    }) : () -> ()
    %add3A_49 = arith.constant 512 : i32
    %add3A_50 = arith.addi %mul3A_4, %add3A_49 : i32
    %run_scoped3A_51 = arith.constant 0 : i32
    %run_scoped3A_52 = arith.constant 0 : i32
    "tpu.region"() ({
      %run_scoped3A_59 = tpu.sem_alloc : memref<!tpu.dma_semaphore, #tpu.memory_space<semaphore_mem>>
      %dma_start3A = arith.constant 0 : i32
      %dma_start3A_60 = tpu.memref_slice %arg20[%run_scoped3A_51, %run_scoped3A_52, %dma_start3A] : memref<2x80x128xf32, #tpu.memory_space<vmem>> -> memref<1x1x128xf32, #tpu.memory_space<vmem>>
      %dma_start3A_61 = tpu.memref_squeeze %dma_start3A_60 : memref<1x1x128xf32, #tpu.memory_space<vmem>> -> memref<128xf32, #tpu.memory_space<vmem>>
      %dma_start3A_62 = tpu.memref_slice %arg11[%add3A_50] : memref<10240xf32, #tpu.memory_space<vmem_shared>> -> memref<128xf32, #tpu.memory_space<vmem_shared>>
      %dma_start3A_63 = tpu.memref_slice %arg11[%add3A_50] : memref<10240xf32, #tpu.memory_space<vmem_shared>> -> memref<128xf32, #tpu.memory_space<vmem_shared>>
      %dma_start3A_64 = arith.constant 0 : i32
      %dma_start3A_65 = tpu.memref_slice %arg20[%run_scoped3A_51, %run_scoped3A_52, %dma_start3A_64] : memref<2x80x128xf32, #tpu.memory_space<vmem>> -> memref<1x1x128xf32, #tpu.memory_space<vmem>>
      %dma_start3A_66 = tpu.memref_squeeze %dma_start3A_65 : memref<1x1x128xf32, #tpu.memory_space<vmem>> -> memref<128xf32, #tpu.memory_space<vmem>>
      tpu.enqueue_dma source(%dma_start3A_66 : memref<128xf32, #tpu.memory_space<vmem>>) target(%dma_start3A_63 : memref<128xf32, #tpu.memory_space<vmem_shared>>) target_semaphore(%run_scoped3A_59 : memref<!tpu.dma_semaphore, #tpu.memory_space<semaphore_mem>>)
      %dma_wait3A = arith.constant 0 : i32
      %dma_wait3A_67 = tpu.memref_slice %arg20[%run_scoped3A_51, %run_scoped3A_52, %dma_wait3A] : memref<2x80x128xf32, #tpu.memory_space<vmem>> -> memref<1x1x128xf32, #tpu.memory_space<vmem>>
      %dma_wait3A_68 = tpu.memref_squeeze %dma_wait3A_67 : memref<1x1x128xf32, #tpu.memory_space<vmem>> -> memref<128xf32, #tpu.memory_space<vmem>>
      %dma_wait3A_69 = tpu.memref_slice %arg11[%add3A_50] : memref<10240xf32, #tpu.memory_space<vmem_shared>> -> memref<128xf32, #tpu.memory_space<vmem_shared>>
      %dma_wait3A_70 = tpu.memref_slice %arg11[%add3A_50] : memref<10240xf32, #tpu.memory_space<vmem_shared>> -> memref<128xf32, #tpu.memory_space<vmem_shared>>
      %dma_wait3A_71 = arith.constant 0 : i32
      %dma_wait3A_72 = tpu.memref_slice %arg20[%run_scoped3A_51, %run_scoped3A_52, %dma_wait3A_71] : memref<2x80x128xf32, #tpu.memory_space<vmem>> -> memref<1x1x128xf32, #tpu.memory_space<vmem>>
      %dma_wait3A_73 = tpu.memref_squeeze %dma_wait3A_72 : memref<1x1x128xf32, #tpu.memory_space<vmem>> -> memref<128xf32, #tpu.memory_space<vmem>>
      tpu.wait_dma2 semaphore(%run_scoped3A_59 : memref<!tpu.dma_semaphore, #tpu.memory_space<semaphore_mem>>) src(%dma_wait3A_73 : memref<128xf32, #tpu.memory_space<vmem>>) dst(%dma_wait3A_70 : memref<128xf32, #tpu.memory_space<vmem_shared>>)
      tpu.yield
    }) : () -> ()
    %barrier3A = arith.constant 0 : index
    tpu.barrier barrier_id(%barrier3A)
    %scan3A_53 = arith.constant 0 : i32
    %scan3A_54 = arith.constant 5 : i32
    %scan3A_55 = arith.addi %scan3A_53, %scan3A_54 : i32
    %scan3A_56 = arith.constant 1 : i32
    scf.for %scan3A_59 = %scan3A_53 to %scan3A_55 step %scan3A_56  : i32 {
      %mul3A_60 = arith.constant 2000 : i32
      %mul3A_61 = arith.muli %scan3A_59, %mul3A_60 : i32
      %add3A_62 = arith.constant 0 : i32
      %add3A_63 = arith.addi %add3A_62, %mul3A_61 : i32
      %add3A_64 = arith.addi %mul3A_2, %add3A_63 : i32
      "tpu.region"() ({
        %run_scoped3A_797 = tpu.sem_alloc : memref<!tpu.dma_semaphore, #tpu.memory_space<semaphore_mem>>
        %dma_start3A_798 = tpu.memref_slice %arg5[%add3A_64] : memref<320000xi32, #tpu.memory_space<hbm>> -> memref<2000xi32, #tpu.memory_space<hbm>>
        %dma_start3A_799 = tpu.memref_slice %arg5[%add3A_64] : memref<320000xi32, #tpu.memory_space<hbm>> -> memref<2000xi32, #tpu.memory_space<hbm>>
        tpu.enqueue_dma source(%dma_start3A_799 : memref<2000xi32, #tpu.memory_space<hbm>>) target(%arg14 : memref<2000xi32, #tpu.memory_space<vmem>>) target_semaphore(%run_scoped3A_797 : memref<!tpu.dma_semaphore, #tpu.memory_space<semaphore_mem>>)
        %dma_wait3A_800 = tpu.memref_slice %arg5[%add3A_64] : memref<320000xi32, #tpu.memory_space<hbm>> -> memref<2000xi32, #tpu.memory_space<hbm>>
        %dma_wait3A_801 = tpu.memref_slice %arg5[%add3A_64] : memref<320000xi32, #tpu.memory_space<hbm>> -> memref<2000xi32, #tpu.memory_space<hbm>>
        tpu.wait_dma2 semaphore(%run_scoped3A_797 : memref<!tpu.dma_semaphore, #tpu.memory_space<semaphore_mem>>) src(%dma_wait3A_801 : memref<2000xi32, #tpu.memory_space<hbm>>) dst(%arg14 : memref<2000xi32, #tpu.memory_space<vmem>>)
        tpu.yield
      }) : () -> ()
      %add3A_65 = arith.addi %mul3A_2, %add3A_63 : i32
      "tpu.region"() ({
        %run_scoped3A_797 = tpu.sem_alloc : memref<!tpu.dma_semaphore, #tpu.memory_space<semaphore_mem>>
        %dma_start3A_798 = tpu.memref_slice %arg6[%add3A_65] : memref<320000xi32, #tpu.memory_space<hbm>> -> memref<2000xi32, #tpu.memory_space<hbm>>
        %dma_start3A_799 = tpu.memref_slice %arg6[%add3A_65] : memref<320000xi32, #tpu.memory_space<hbm>> -> memref<2000xi32, #tpu.memory_space<hbm>>
        tpu.enqueue_dma source(%dma_start3A_799 : memref<2000xi32, #tpu.memory_space<hbm>>) target(%arg15 : memref<2000xi32, #tpu.memory_space<vmem>>) target_semaphore(%run_scoped3A_797 : memref<!tpu.dma_semaphore, #tpu.memory_space<semaphore_mem>>)
        %dma_wait3A_800 = tpu.memref_slice %arg6[%add3A_65] : memref<320000xi32, #tpu.memory_space<hbm>> -> memref<2000xi32, #tpu.memory_space<hbm>>
        %dma_wait3A_801 = tpu.memref_slice %arg6[%add3A_65] : memref<320000xi32, #tpu.memory_space<hbm>> -> memref<2000xi32, #tpu.memory_space<hbm>>
        tpu.wait_dma2 semaphore(%run_scoped3A_797 : memref<!tpu.dma_semaphore, #tpu.memory_space<semaphore_mem>>) src(%dma_wait3A_801 : memref<2000xi32, #tpu.memory_space<hbm>>) dst(%arg15 : memref<2000xi32, #tpu.memory_space<vmem>>)
        tpu.yield
      }) : () -> ()
      %add3A_66 = arith.addi %mul3A_2, %add3A_63 : i32
      "tpu.region"() ({
        %run_scoped3A_797 = tpu.sem_alloc : memref<!tpu.dma_semaphore, #tpu.memory_space<semaphore_mem>>
        %dma_start3A_798 = tpu.memref_slice %arg7[%add3A_66] : memref<320000xf32, #tpu.memory_space<hbm>> -> memref<2000xf32, #tpu.memory_space<hbm>>
        %dma_start3A_799 = tpu.memref_slice %arg7[%add3A_66] : memref<320000xf32, #tpu.memory_space<hbm>> -> memref<2000xf32, #tpu.memory_space<hbm>>
        tpu.enqueue_dma source(%dma_start3A_799 : memref<2000xf32, #tpu.memory_space<hbm>>) target(%arg16 : memref<2000xf32, #tpu.memory_space<vmem>>) target_semaphore(%run_scoped3A_797 : memref<!tpu.dma_semaphore, #tpu.memory_space<semaphore_mem>>)
        %dma_wait3A_800 = tpu.memref_slice %arg7[%add3A_66] : memref<320000xf32, #tpu.memory_space<hbm>> -> memref<2000xf32, #tpu.memory_space<hbm>>
        %dma_wait3A_801 = tpu.memref_slice %arg7[%add3A_66] : memref<320000xf32, #tpu.memory_space<hbm>> -> memref<2000xf32, #tpu.memory_space<hbm>>
        tpu.wait_dma2 semaphore(%run_scoped3A_797 : memref<!tpu.dma_semaphore, #tpu.memory_space<semaphore_mem>>) src(%dma_wait3A_801 : memref<2000xf32, #tpu.memory_space<hbm>>) dst(%arg16 : memref<2000xf32, #tpu.memory_space<vmem>>)
        tpu.yield
      }) : () -> ()
      %dma_start3A = arith.constant 0 : i32
      %dma_start3A_67 = arith.constant 0 : i32
      %dma_start3A_68 = arith.constant 0 : i32
      %dma_start3A_69 = tpu.memref_slice %arg20[%dma_start3A, %dma_start3A_67, %dma_start3A_68] : memref<2x80x128xf32, #tpu.memory_space<vmem>> -> memref<1x80x128xf32, #tpu.memory_space<vmem>>
      %dma_start3A_70 = tpu.memref_squeeze %dma_start3A_69 : memref<1x80x128xf32, #tpu.memory_space<vmem>> -> memref<80x128xf32, #tpu.memory_space<vmem>>
      %dma_start3A_71 = arith.constant 0 : i32
      %dma_start3A_72 = tpu.memref_slice %arg15[%dma_start3A_71] : memref<2000xi32, #tpu.memory_space<vmem>> -> memref<80xi32, #tpu.memory_space<vmem>>
      %dma_start3A_73 = arith.constant 0 : i32
      %dma_start3A_74 = arith.constant 0 : i32
      %dma_start3A_75 = tpu.memref_slice %arg2[%dma_start3A_73, %dma_start3A_74] : memref<10000x128xf32, #tpu.memory_space<hbm>> -> memref<10000x128xf32, #tpu.memory_space<hbm>>
      tpu.enqueue_indirect_dma source(%dma_start3A_75 : memref<10000x128xf32, #tpu.memory_space<hbm>>) target(%dma_start3A_70 : memref<80x128xf32, #tpu.memory_space<vmem>>) offsets(%dma_start3A_72 : memref<80xi32, #tpu.memory_space<vmem>>) semaphore(%arg21 : memref<!tpu.dma_semaphore, #tpu.memory_space<semaphore_mem>>)
      %get3A = arith.constant 0 : index
      %get3A_76 = tpu.vector_load %arg14[%get3A] {strides = array<i32>} : memref<2000xi32, #tpu.memory_space<vmem>>, vector<16xi32>,
      %get3A_77 = arith.constant 0 : index
      %get3A_78 = tpu.vector_load %arg15[%get3A_77] {strides = array<i32>} : memref<2000xi32, #tpu.memory_space<vmem>>, vector<16xi32>,
      %gather3A = tpu.vector_load_idx %arg12[%get3A_76] : memref<10000xf32, #tpu.memory_space<vmem>>[vector<16xi32>], vector<16xf32>,
      %gather3A_79 = tpu.vector_load_idx %arg13[%get3A_78] : memref<10000xf32, #tpu.memory_space<vmem>>[vector<16xi32>], vector<16xf32>,
      %add3A_80 = arith.addf %gather3A, %gather3A_79 : vector<16xf32>
      %gt3A = arith.constant 0.000000e+00 : f32
      %gt3A_81 = vector.broadcast %gt3A : f32 to vector<16xf32>
      %gt3A_82 = arith.cmpf ogt, %add3A_80, %gt3A_81 : vector<16xf32>
      %mul3A_83 = arith.constant 2.000000e-01 : f32
      %mul3A_84 = vector.broadcast %mul3A_83 : f32 to vector<16xf32>
      %mul3A_85 = arith.mulf %mul3A_84, %add3A_80 : vector<16xf32>
      %select_n3A = arith.select %gt3A_82, %add3A_80, %mul3A_85 : vector<16xi1>, vector<16xf32>
      %swap3A = arith.constant 0 : i32
      %swap3A_86 = arith.constant 0 : i32
      %swap3A_87 = tpu.memref_slice %arg17[%swap3A, %swap3A_86] : memref<2x80xf32, #tpu.memory_space<vmem>> -> memref<1x80xf32, #tpu.memory_space<vmem>>
      %swap3A_88 = tpu.memref_squeeze %swap3A_87 : memref<1x80xf32, #tpu.memory_space<vmem>> -> memref<80xf32, #tpu.memory_space<vmem>>
      %swap3A_89 = arith.constant 0 : index
      %swap3A_90 = tpu.vector_load %swap3A_88[%swap3A_89] {strides = array<i32>} : memref<80xf32, #tpu.memory_space<vmem>>, vector<16xf32>,
      tpu.vector_store %swap3A_88[%swap3A_89], %select_n3A {strides = array<i32>} : memref<80xf32, #tpu.memory_space<vmem>>, vector<16xf32>,
      %get3A_91 = arith.constant 0 : index
      %get3A_92 = tpu.vector_load %arg16[%get3A_91] {strides = array<i32>} : memref<2000xf32, #tpu.memory_space<vmem>>, vector<16xf32>,
      %mul3A_93 = arith.mulf %select_n3A, %get3A_92 : vector<16xf32>
      %swap3A_94 = arith.constant 0 : i32
      %swap3A_95 = arith.constant 0 : i32
      %swap3A_96 = tpu.memref_slice %arg18[%swap3A_94, %swap3A_95] : memref<2x80xf32, #tpu.memory_space<vmem>> -> memref<1x80xf32, #tpu.memory_space<vmem>>
      %swap3A_97 = tpu.memref_squeeze %swap3A_96 : memref<1x80xf32, #tpu.memory_space<vmem>> -> memref<80xf32, #tpu.memory_space<vmem>>
      %swap3A_98 = arith.constant 0 : index
      %swap3A_99 = tpu.vector_load %swap3A_97[%swap3A_98] {strides = array<i32>} : memref<80xf32, #tpu.memory_space<vmem>>, vector<16xf32>,
      tpu.vector_store %swap3A_97[%swap3A_98], %mul3A_93 {strides = array<i32>} : memref<80xf32, #tpu.memory_space<vmem>>, vector<16xf32>,
      %swap3A_100 = arith.constant 0 : i32
      %swap3A_101 = arith.constant 0 : i32
      %swap3A_102 = tpu.memref_slice %arg19[%swap3A_100, %swap3A_101] : memref<2x80xi32, #tpu.memory_space<vmem>> -> memref<1x80xi32, #tpu.memory_space<vmem>>
      %swap3A_103 = tpu.memref_squeeze %swap3A_102 : memref<1x80xi32, #tpu.memory_space<vmem>> -> memref<80xi32, #tpu.memory_space<vmem>>
      %swap3A_104 = arith.constant 0 : index
      %swap3A_105 = tpu.vector_load %swap3A_103[%swap3A_104] {strides = array<i32>} : memref<80xi32, #tpu.memory_space<vmem>>, vector<16xi32>,
      tpu.vector_store %swap3A_103[%swap3A_104], %get3A_76 {strides = array<i32>} : memref<80xi32, #tpu.memory_space<vmem>>, vector<16xi32>,
      %get3A_106 = arith.constant 16 : index
      %get3A_107 = tpu.vector_load %arg14[%get3A_106] {strides = array<i32>} : memref<2000xi32, #tpu.memory_space<vmem>>, vector<16xi32>,
      %get3A_108 = arith.constant 16 : index
      %get3A_109 = tpu.vector_load %arg15[%get3A_108] {strides = array<i32>} : memref<2000xi32, #tpu.memory_space<vmem>>, vector<16xi32>,
      %gather3A_110 = tpu.vector_load_idx %arg12[%get3A_107] : memref<10000xf32, #tpu.memory_space<vmem>>[vector<16xi32>], vector<16xf32>,
      %gather3A_111 = tpu.vector_load_idx %arg13[%get3A_109] : memref<10000xf32, #tpu.memory_space<vmem>>[vector<16xi32>], vector<16xf32>,
      %add3A_112 = arith.addf %gather3A_110, %gather3A_111 : vector<16xf32>
      %gt3A_113 = arith.constant 0.000000e+00 : f32
      %gt3A_114 = vector.broadcast %gt3A_113 : f32 to vector<16xf32>
      %gt3A_115 = arith.cmpf ogt, %add3A_112, %gt3A_114 : vector<16xf32>
      %mul3A_116 = arith.constant 2.000000e-01 : f32
      %mul3A_117 = vector.broadcast %mul3A_116 : f32 to vector<16xf32>
      %mul3A_118 = arith.mulf %mul3A_117, %add3A_112 : vector<16xf32>
      %select_n3A_119 = arith.select %gt3A_115, %add3A_112, %mul3A_118 : vector<16xi1>, vector<16xf32>
      %swap3A_120 = arith.constant 0 : i32
      %swap3A_121 = arith.constant 0 : i32
      %swap3A_122 = tpu.memref_slice %arg17[%swap3A_120, %swap3A_121] : memref<2x80xf32, #tpu.memory_space<vmem>> -> memref<1x80xf32, #tpu.memory_space<vmem>>
      %swap3A_123 = tpu.memref_squeeze %swap3A_122 : memref<1x80xf32, #tpu.memory_space<vmem>> -> memref<80xf32, #tpu.memory_space<vmem>>
      %swap3A_124 = arith.constant 16 : index
      %swap3A_125 = tpu.vector_load %swap3A_123[%swap3A_124] {strides = array<i32>} : memref<80xf32, #tpu.memory_space<vmem>>, vector<16xf32>,
      tpu.vector_store %swap3A_123[%swap3A_124], %select_n3A_119 {strides = array<i32>} : memref<80xf32, #tpu.memory_space<vmem>>, vector<16xf32>,
      %get3A_126 = arith.constant 16 : index
      %get3A_127 = tpu.vector_load %arg16[%get3A_126] {strides = array<i32>} : memref<2000xf32, #tpu.memory_space<vmem>>, vector<16xf32>,
      %mul3A_128 = arith.mulf %select_n3A_119, %get3A_127 : vector<16xf32>
      %swap3A_129 = arith.constant 0 : i32
      %swap3A_130 = arith.constant 0 : i32
      %swap3A_131 = tpu.memref_slice %arg18[%swap3A_129, %swap3A_130] : memref<2x80xf32, #tpu.memory_space<vmem>> -> memref<1x80xf32, #tpu.memory_space<vmem>>
      %swap3A_132 = tpu.memref_squeeze %swap3A_131 : memref<1x80xf32, #tpu.memory_space<vmem>> -> memref<80xf32, #tpu.memory_space<vmem>>
      %swap3A_133 = arith.constant 16 : index
      %swap3A_134 = tpu.vector_load %swap3A_132[%swap3A_133] {strides = array<i32>} : memref<80xf32, #tpu.memory_space<vmem>>, vector<16xf32>,
      tpu.vector_store %swap3A_132[%swap3A_133], %mul3A_128 {strides = array<i32>} : memref<80xf32, #tpu.memory_space<vmem>>, vector<16xf32>,
      %swap3A_135 = arith.constant 0 : i32
      %swap3A_136 = arith.constant 0 : i32
      %swap3A_137 = tpu.memref_slice %arg19[%swap3A_135, %swap3A_136] : memref<2x80xi32, #tpu.memory_space<vmem>> -> memref<1x80xi32, #tpu.memory_space<vmem>>
      %swap3A_138 = tpu.memref_squeeze %swap3A_137 : memref<1x80xi32, #tpu.memory_space<vmem>> -> memref<80xi32, #tpu.memory_space<vmem>>
      %swap3A_139 = arith.constant 16 : index
      %swap3A_140 = tpu.vector_load %swap3A_138[%swap3A_139] {strides = array<i32>} : memref<80xi32, #tpu.memory_space<vmem>>, vector<16xi32>,
      tpu.vector_store %swap3A_138[%swap3A_139], %get3A_107 {strides = array<i32>} : memref<80xi32, #tpu.memory_space<vmem>>, vector<16xi32>,
      %get3A_141 = arith.constant 32 : index
      %get3A_142 = tpu.vector_load %arg14[%get3A_141] {strides = array<i32>} : memref<2000xi32, #tpu.memory_space<vmem>>, vector<16xi32>,
      %get3A_143 = arith.constant 32 : index
      %get3A_144 = tpu.vector_load %arg15[%get3A_143] {strides = array<i32>} : memref<2000xi32, #tpu.memory_space<vmem>>, vector<16xi32>,
      %gather3A_145 = tpu.vector_load_idx %arg12[%get3A_142] : memref<10000xf32, #tpu.memory_space<vmem>>[vector<16xi32>], vector<16xf32>,
      %gather3A_146 = tpu.vector_load_idx %arg13[%get3A_144] : memref<10000xf32, #tpu.memory_space<vmem>>[vector<16xi32>], vector<16xf32>,
      %add3A_147 = arith.addf %gather3A_145, %gather3A_146 : vector<16xf32>
      %gt3A_148 = arith.constant 0.000000e+00 : f32
      %gt3A_149 = vector.broadcast %gt3A_148 : f32 to vector<16xf32>
      %gt3A_150 = arith.cmpf ogt, %add3A_147, %gt3A_149 : vector<16xf32>
      %mul3A_151 = arith.constant 2.000000e-01 : f32
      %mul3A_152 = vector.broadcast %mul3A_151 : f32 to vector<16xf32>
      %mul3A_153 = arith.mulf %mul3A_152, %add3A_147 : vector<16xf32>
      %select_n3A_154 = arith.select %gt3A_150, %add3A_147, %mul3A_153 : vector<16xi1>, vector<16xf32>
      %swap3A_155 = arith.constant 0 : i32
      %swap3A_156 = arith.constant 0 : i32
      %swap3A_157 = tpu.memref_slice %arg17[%swap3A_155, %swap3A_156] : memref<2x80xf32, #tpu.memory_space<vmem>> -> memref<1x80xf32, #tpu.memory_space<vmem>>
      %swap3A_158 = tpu.memref_squeeze %swap3A_157 : memref<1x80xf32, #tpu.memory_space<vmem>> -> memref<80xf32, #tpu.memory_space<vmem>>
      %swap3A_159 = arith.constant 32 : index
      %swap3A_160 = tpu.vector_load %swap3A_158[%swap3A_159] {strides = array<i32>} : memref<80xf32, #tpu.memory_space<vmem>>, vector<16xf32>,
      tpu.vector_store %swap3A_158[%swap3A_159], %select_n3A_154 {strides = array<i32>} : memref<80xf32, #tpu.memory_space<vmem>>, vector<16xf32>,
      %get3A_161 = arith.constant 32 : index
      %get3A_162 = tpu.vector_load %arg16[%get3A_161] {strides = array<i32>} : memref<2000xf32, #tpu.memory_space<vmem>>, vector<16xf32>,
      %mul3A_163 = arith.mulf %select_n3A_154, %get3A_162 : vector<16xf32>
      %swap3A_164 = arith.constant 0 : i32
      %swap3A_165 = arith.constant 0 : i32
      %swap3A_166 = tpu.memref_slice %arg18[%swap3A_164, %swap3A_165] : memref<2x80xf32, #tpu.memory_space<vmem>> -> memref<1x80xf32, #tpu.memory_space<vmem>>
      %swap3A_167 = tpu.memref_squeeze %swap3A_166 : memref<1x80xf32, #tpu.memory_space<vmem>> -> memref<80xf32, #tpu.memory_space<vmem>>
      %swap3A_168 = arith.constant 32 : index
      %swap3A_169 = tpu.vector_load %swap3A_167[%swap3A_168] {strides = array<i32>} : memref<80xf32, #tpu.memory_space<vmem>>, vector<16xf32>,
      tpu.vector_store %swap3A_167[%swap3A_168], %mul3A_163 {strides = array<i32>} : memref<80xf32, #tpu.memory_space<vmem>>, vector<16xf32>,
      %swap3A_170 = arith.constant 0 : i32
      %swap3A_171 = arith.constant 0 : i32
      %swap3A_172 = tpu.memref_slice %arg19[%swap3A_170, %swap3A_171] : memref<2x80xi32, #tpu.memory_space<vmem>> -> memref<1x80xi32, #tpu.memory_space<vmem>>
      %swap3A_173 = tpu.memref_squeeze %swap3A_172 : memref<1x80xi32, #tpu.memory_space<vmem>> -> memref<80xi32, #tpu.memory_space<vmem>>
      %swap3A_174 = arith.constant 32 : index
      %swap3A_175 = tpu.vector_load %swap3A_173[%swap3A_174] {strides = array<i32>} : memref<80xi32, #tpu.memory_space<vmem>>, vector<16xi32>,
      tpu.vector_store %swap3A_173[%swap3A_174], %get3A_142 {strides = array<i32>} : memref<80xi32, #tpu.memory_space<vmem>>, vector<16xi32>,
      %get3A_176 = arith.constant 48 : index
      %get3A_177 = tpu.vector_load %arg14[%get3A_176] {strides = array<i32>} : memref<2000xi32, #tpu.memory_space<vmem>>, vector<16xi32>,
      %get3A_178 = arith.constant 48 : index
      %get3A_179 = tpu.vector_load %arg15[%get3A_178] {strides = array<i32>} : memref<2000xi32, #tpu.memory_space<vmem>>, vector<16xi32>,
      %gather3A_180 = tpu.vector_load_idx %arg12[%get3A_177] : memref<10000xf32, #tpu.memory_space<vmem>>[vector<16xi32>], vector<16xf32>,
      %gather3A_181 = tpu.vector_load_idx %arg13[%get3A_179] : memref<10000xf32, #tpu.memory_space<vmem>>[vector<16xi32>], vector<16xf32>,
      %add3A_182 = arith.addf %gather3A_180, %gather3A_181 : vector<16xf32>
      %gt3A_183 = arith.constant 0.000000e+00 : f32
      %gt3A_184 = vector.broadcast %gt3A_183 : f32 to vector<16xf32>
      %gt3A_185 = arith.cmpf ogt, %add3A_182, %gt3A_184 : vector<16xf32>
      %mul3A_186 = arith.constant 2.000000e-01 : f32
      %mul3A_187 = vector.broadcast %mul3A_186 : f32 to vector<16xf32>
      %mul3A_188 = arith.mulf %mul3A_187, %add3A_182 : vector<16xf32>
      %select_n3A_189 = arith.select %gt3A_185, %add3A_182, %mul3A_188 : vector<16xi1>, vector<16xf32>
      %swap3A_190 = arith.constant 0 : i32
      %swap3A_191 = arith.constant 0 : i32
      %swap3A_192 = tpu.memref_slice %arg17[%swap3A_190, %swap3A_191] : memref<2x80xf32, #tpu.memory_space<vmem>> -> memref<1x80xf32, #tpu.memory_space<vmem>>
      %swap3A_193 = tpu.memref_squeeze %swap3A_192 : memref<1x80xf32, #tpu.memory_space<vmem>> -> memref<80xf32, #tpu.memory_space<vmem>>
      %swap3A_194 = arith.constant 48 : index
      %swap3A_195 = tpu.vector_load %swap3A_193[%swap3A_194] {strides = array<i32>} : memref<80xf32, #tpu.memory_space<vmem>>, vector<16xf32>,
      tpu.vector_store %swap3A_193[%swap3A_194], %select_n3A_189 {strides = array<i32>} : memref<80xf32, #tpu.memory_space<vmem>>, vector<16xf32>,
      %get3A_196 = arith.constant 48 : index
      %get3A_197 = tpu.vector_load %arg16[%get3A_196] {strides = array<i32>} : memref<2000xf32, #tpu.memory_space<vmem>>, vector<16xf32>,
      %mul3A_198 = arith.mulf %select_n3A_189, %get3A_197 : vector<16xf32>
      %swap3A_199 = arith.constant 0 : i32
      %swap3A_200 = arith.constant 0 : i32
      %swap3A_201 = tpu.memref_slice %arg18[%swap3A_199, %swap3A_200] : memref<2x80xf32, #tpu.memory_space<vmem>> -> memref<1x80xf32, #tpu.memory_space<vmem>>
      %swap3A_202 = tpu.memref_squeeze %swap3A_201 : memref<1x80xf32, #tpu.memory_space<vmem>> -> memref<80xf32, #tpu.memory_space<vmem>>
      %swap3A_203 = arith.constant 48 : index
      %swap3A_204 = tpu.vector_load %swap3A_202[%swap3A_203] {strides = array<i32>} : memref<80xf32, #tpu.memory_space<vmem>>, vector<16xf32>,
      tpu.vector_store %swap3A_202[%swap3A_203], %mul3A_198 {strides = array<i32>} : memref<80xf32, #tpu.memory_space<vmem>>, vector<16xf32>,
      %swap3A_205 = arith.constant 0 : i32
      %swap3A_206 = arith.constant 0 : i32
      %swap3A_207 = tpu.memref_slice %arg19[%swap3A_205, %swap3A_206] : memref<2x80xi32, #tpu.memory_space<vmem>> -> memref<1x80xi32, #tpu.memory_space<vmem>>
      %swap3A_208 = tpu.memref_squeeze %swap3A_207 : memref<1x80xi32, #tpu.memory_space<vmem>> -> memref<80xi32, #tpu.memory_space<vmem>>
      %swap3A_209 = arith.constant 48 : index
      %swap3A_210 = tpu.vector_load %swap3A_208[%swap3A_209] {strides = array<i32>} : memref<80xi32, #tpu.memory_space<vmem>>, vector<16xi32>,
      tpu.vector_store %swap3A_208[%swap3A_209], %get3A_177 {strides = array<i32>} : memref<80xi32, #tpu.memory_space<vmem>>, vector<16xi32>,
      %get3A_211 = arith.constant 64 : index
      %get3A_212 = tpu.vector_load %arg14[%get3A_211] {strides = array<i32>} : memref<2000xi32, #tpu.memory_space<vmem>>, vector<16xi32>,
      %get3A_213 = arith.constant 64 : index
      %get3A_214 = tpu.vector_load %arg15[%get3A_213] {strides = array<i32>} : memref<2000xi32, #tpu.memory_space<vmem>>, vector<16xi32>,
      %gather3A_215 = tpu.vector_load_idx %arg12[%get3A_212] : memref<10000xf32, #tpu.memory_space<vmem>>[vector<16xi32>], vector<16xf32>,
      %gather3A_216 = tpu.vector_load_idx %arg13[%get3A_214] : memref<10000xf32, #tpu.memory_space<vmem>>[vector<16xi32>], vector<16xf32>,
      %add3A_217 = arith.addf %gather3A_215, %gather3A_216 : vector<16xf32>
      %gt3A_218 = arith.constant 0.000000e+00 : f32
      %gt3A_219 = vector.broadcast %gt3A_218 : f32 to vector<16xf32>
      %gt3A_220 = arith.cmpf ogt, %add3A_217, %gt3A_219 : vector<16xf32>
      %mul3A_221 = arith.constant 2.000000e-01 : f32
      %mul3A_222 = vector.broadcast %mul3A_221 : f32 to vector<16xf32>
      %mul3A_223 = arith.mulf %mul3A_222, %add3A_217 : vector<16xf32>
      %select_n3A_224 = arith.select %gt3A_220, %add3A_217, %mul3A_223 : vector<16xi1>, vector<16xf32>
      %swap3A_225 = arith.constant 0 : i32
      %swap3A_226 = arith.constant 0 : i32
      %swap3A_227 = tpu.memref_slice %arg17[%swap3A_225, %swap3A_226] : memref<2x80xf32, #tpu.memory_space<vmem>> -> memref<1x80xf32, #tpu.memory_space<vmem>>
      %swap3A_228 = tpu.memref_squeeze %swap3A_227 : memref<1x80xf32, #tpu.memory_space<vmem>> -> memref<80xf32, #tpu.memory_space<vmem>>
      %swap3A_229 = arith.constant 64 : index
      %swap3A_230 = tpu.vector_load %swap3A_228[%swap3A_229] {strides = array<i32>} : memref<80xf32, #tpu.memory_space<vmem>>, vector<16xf32>,
      tpu.vector_store %swap3A_228[%swap3A_229], %select_n3A_224 {strides = array<i32>} : memref<80xf32, #tpu.memory_space<vmem>>, vector<16xf32>,
      %get3A_231 = arith.constant 64 : index
      %get3A_232 = tpu.vector_load %arg16[%get3A_231] {strides = array<i32>} : memref<2000xf32, #tpu.memory_space<vmem>>, vector<16xf32>,
      %mul3A_233 = arith.mulf %select_n3A_224, %get3A_232 : vector<16xf32>
      %swap3A_234 = arith.constant 0 : i32
      %swap3A_235 = arith.constant 0 : i32
      %swap3A_236 = tpu.memref_slice %arg18[%swap3A_234, %swap3A_235] : memref<2x80xf32, #tpu.memory_space<vmem>> -> memref<1x80xf32, #tpu.memory_space<vmem>>
      %swap3A_237 = tpu.memref_squeeze %swap3A_236 : memref<1x80xf32, #tpu.memory_space<vmem>> -> memref<80xf32, #tpu.memory_space<vmem>>
      %swap3A_238 = arith.constant 64 : index
      %swap3A_239 = tpu.vector_load %swap3A_237[%swap3A_238] {strides = array<i32>} : memref<80xf32, #tpu.memory_space<vmem>>, vector<16xf32>,
      tpu.vector_store %swap3A_237[%swap3A_238], %mul3A_233 {strides = array<i32>} : memref<80xf32, #tpu.memory_space<vmem>>, vector<16xf32>,
      %swap3A_240 = arith.constant 0 : i32
      %swap3A_241 = arith.constant 0 : i32
      %swap3A_242 = tpu.memref_slice %arg19[%swap3A_240, %swap3A_241] : memref<2x80xi32, #tpu.memory_space<vmem>> -> memref<1x80xi32, #tpu.memory_space<vmem>>
      %swap3A_243 = tpu.memref_squeeze %swap3A_242 : memref<1x80xi32, #tpu.memory_space<vmem>> -> memref<80xi32, #tpu.memory_space<vmem>>
      %swap3A_244 = arith.constant 64 : index
      %swap3A_245 = tpu.vector_load %swap3A_243[%swap3A_244] {strides = array<i32>} : memref<80xi32, #tpu.memory_space<vmem>>, vector<16xi32>,
      tpu.vector_store %swap3A_243[%swap3A_244], %get3A_212 {strides = array<i32>} : memref<80xi32, #tpu.memory_space<vmem>>, vector<16xi32>,
      %dma_start3A_246 = arith.constant 1 : i32
      %dma_start3A_247 = arith.constant 0 : i32
      %dma_start3A_248 = arith.constant 0 : i32
      %dma_start3A_249 = tpu.memref_slice %arg20[%dma_start3A_246, %dma_start3A_247, %dma_start3A_248] : memref<2x80x128xf32, #tpu.memory_space<vmem>> -> memref<1x80x128xf32, #tpu.memory_space<vmem>>
      %dma_start3A_250 = tpu.memref_squeeze %dma_start3A_249 : memref<1x80x128xf32, #tpu.memory_space<vmem>> -> memref<80x128xf32, #tpu.memory_space<vmem>>
      %dma_start3A_251 = arith.constant 80 : i32
      %dma_start3A_252 = tpu.memref_slice %arg15[%dma_start3A_251] : memref<2000xi32, #tpu.memory_space<vmem>> -> memref<80xi32, #tpu.memory_space<vmem>>
      %dma_start3A_253 = arith.constant 0 : i32
      %dma_start3A_254 = arith.constant 0 : i32
      %dma_start3A_255 = tpu.memref_slice %arg2[%dma_start3A_253, %dma_start3A_254] : memref<10000x128xf32, #tpu.memory_space<hbm>> -> memref<10000x128xf32, #tpu.memory_space<hbm>>
      tpu.enqueue_indirect_dma source(%dma_start3A_255 : memref<10000x128xf32, #tpu.memory_space<hbm>>) target(%dma_start3A_250 : memref<80x128xf32, #tpu.memory_space<vmem>>) offsets(%dma_start3A_252 : memref<80xi32, #tpu.memory_space<vmem>>) semaphore(%arg22 : memref<!tpu.dma_semaphore, #tpu.memory_space<semaphore_mem>>)
      %get3A_256 = arith.constant 80 : index
      %get3A_257 = tpu.vector_load %arg14[%get3A_256] {strides = array<i32>} : memref<2000xi32, #tpu.memory_space<vmem>>, vector<16xi32>,
      %get3A_258 = arith.constant 80 : index
      %get3A_259 = tpu.vector_load %arg15[%get3A_258] {strides = array<i32>} : memref<2000xi32, #tpu.memory_space<vmem>>, vector<16xi32>,
      %gather3A_260 = tpu.vector_load_idx %arg12[%get3A_257] : memref<10000xf32, #tpu.memory_space<vmem>>[vector<16xi32>], vector<16xf32>,
      %gather3A_261 = tpu.vector_load_idx %arg13[%get3A_259] : memref<10000xf32, #tpu.memory_space<vmem>>[vector<16xi32>], vector<16xf32>,
      %add3A_262 = arith.addf %gather3A_260, %gather3A_261 : vector<16xf32>
      %gt3A_263 = arith.constant 0.000000e+00 : f32
      %gt3A_264 = vector.broadcast %gt3A_263 : f32 to vector<16xf32>
      %gt3A_265 = arith.cmpf ogt, %add3A_262, %gt3A_264 : vector<16xf32>
      %mul3A_266 = arith.constant 2.000000e-01 : f32
      %mul3A_267 = vector.broadcast %mul3A_266 : f32 to vector<16xf32>
      %mul3A_268 = arith.mulf %mul3A_267, %add3A_262 : vector<16xf32>
      %select_n3A_269 = arith.select %gt3A_265, %add3A_262, %mul3A_268 : vector<16xi1>, vector<16xf32>
      %swap3A_270 = arith.constant 1 : i32
      %swap3A_271 = arith.constant 0 : i32
      %swap3A_272 = tpu.memref_slice %arg17[%swap3A_270, %swap3A_271] : memref<2x80xf32, #tpu.memory_space<vmem>> -> memref<1x80xf32, #tpu.memory_space<vmem>>
      %swap3A_273 = tpu.memref_squeeze %swap3A_272 : memref<1x80xf32, #tpu.memory_space<vmem>> -> memref<80xf32, #tpu.memory_space<vmem>>
      %swap3A_274 = arith.constant 0 : index
      %swap3A_275 = tpu.vector_load %swap3A_273[%swap3A_274] {strides = array<i32>} : memref<80xf32, #tpu.memory_space<vmem>>, vector<16xf32>,
      tpu.vector_store %swap3A_273[%swap3A_274], %select_n3A_269 {strides = array<i32>} : memref<80xf32, #tpu.memory_space<vmem>>, vector<16xf32>,
      %get3A_276 = arith.constant 80 : index
      %get3A_277 = tpu.vector_load %arg16[%get3A_276] {strides = array<i32>} : memref<2000xf32, #tpu.memory_space<vmem>>, vector<16xf32>,
      %mul3A_278 = arith.mulf %select_n3A_269, %get3A_277 : vector<16xf32>
      %swap3A_279 = arith.constant 1 : i32
      %swap3A_280 = arith.constant 0 : i32
      %swap3A_281 = tpu.memref_slice %arg18[%swap3A_279, %swap3A_280] : memref<2x80xf32, #tpu.memory_space<vmem>> -> memref<1x80xf32, #tpu.memory_space<vmem>>
      %swap3A_282 = tpu.memref_squeeze %swap3A_281 : memref<1x80xf32, #tpu.memory_space<vmem>> -> memref<80xf32, #tpu.memory_space<vmem>>
      %swap3A_283 = arith.constant 0 : index
      %swap3A_284 = tpu.vector_load %swap3A_282[%swap3A_283] {strides = array<i32>} : memref<80xf32, #tpu.memory_space<vmem>>, vector<16xf32>,
      tpu.vector_store %swap3A_282[%swap3A_283], %mul3A_278 {strides = array<i32>} : memref<80xf32, #tpu.memory_space<vmem>>, vector<16xf32>,
      %swap3A_285 = arith.constant 1 : i32
      %swap3A_286 = arith.constant 0 : i32
      %swap3A_287 = tpu.memref_slice %arg19[%swap3A_285, %swap3A_286] : memref<2x80xi32, #tpu.memory_space<vmem>> -> memref<1x80xi32, #tpu.memory_space<vmem>>
      %swap3A_288 = tpu.memref_squeeze %swap3A_287 : memref<1x80xi32, #tpu.memory_space<vmem>> -> memref<80xi32, #tpu.memory_space<vmem>>
      %swap3A_289 = arith.constant 0 : index
      %swap3A_290 = tpu.vector_load %swap3A_288[%swap3A_289] {strides = array<i32>} : memref<80xi32, #tpu.memory_space<vmem>>, vector<16xi32>,
      tpu.vector_store %swap3A_288[%swap3A_289], %get3A_257 {strides = array<i32>} : memref<80xi32, #tpu.memory_space<vmem>>, vector<16xi32>,
      %get3A_291 = arith.constant 96 : index
      %get3A_292 = tpu.vector_load %arg14[%get3A_291] {strides = array<i32>} : memref<2000xi32, #tpu.memory_space<vmem>>, vector<16xi32>,
      %get3A_293 = arith.constant 96 : index
      %get3A_294 = tpu.vector_load %arg15[%get3A_293] {strides = array<i32>} : memref<2000xi32, #tpu.memory_space<vmem>>, vector<16xi32>,
      %gather3A_295 = tpu.vector_load_idx %arg12[%get3A_292] : memref<10000xf32, #tpu.memory_space<vmem>>[vector<16xi32>], vector<16xf32>,
      %gather3A_296 = tpu.vector_load_idx %arg13[%get3A_294] : memref<10000xf32, #tpu.memory_space<vmem>>[vector<16xi32>], vector<16xf32>,
      %add3A_297 = arith.addf %gather3A_295, %gather3A_296 : vector<16xf32>
      %gt3A_298 = arith.constant 0.000000e+00 : f32
      %gt3A_299 = vector.broadcast %gt3A_298 : f32 to vector<16xf32>
      %gt3A_300 = arith.cmpf ogt, %add3A_297, %gt3A_299 : vector<16xf32>
      %mul3A_301 = arith.constant 2.000000e-01 : f32
      %mul3A_302 = vector.broadcast %mul3A_301 : f32 to vector<16xf32>
      %mul3A_303 = arith.mulf %mul3A_302, %add3A_297 : vector<16xf32>
      %select_n3A_304 = arith.select %gt3A_300, %add3A_297, %mul3A_303 : vector<16xi1>, vector<16xf32>
      %swap3A_305 = arith.constant 1 : i32
      %swap3A_306 = arith.constant 0 : i32
      %swap3A_307 = tpu.memref_slice %arg17[%swap3A_305, %swap3A_306] : memref<2x80xf32, #tpu.memory_space<vmem>> -> memref<1x80xf32, #tpu.memory_space<vmem>>
      %swap3A_308 = tpu.memref_squeeze %swap3A_307 : memref<1x80xf32, #tpu.memory_space<vmem>> -> memref<80xf32, #tpu.memory_space<vmem>>
      %swap3A_309 = arith.constant 16 : index
      %swap3A_310 = tpu.vector_load %swap3A_308[%swap3A_309] {strides = array<i32>} : memref<80xf32, #tpu.memory_space<vmem>>, vector<16xf32>,
      tpu.vector_store %swap3A_308[%swap3A_309], %select_n3A_304 {strides = array<i32>} : memref<80xf32, #tpu.memory_space<vmem>>, vector<16xf32>,
      %get3A_311 = arith.constant 96 : index
      %get3A_312 = tpu.vector_load %arg16[%get3A_311] {strides = array<i32>} : memref<2000xf32, #tpu.memory_space<vmem>>, vector<16xf32>,
      %mul3A_313 = arith.mulf %select_n3A_304, %get3A_312 : vector<16xf32>
      %swap3A_314 = arith.constant 1 : i32
      %swap3A_315 = arith.constant 0 : i32
      %swap3A_316 = tpu.memref_slice %arg18[%swap3A_314, %swap3A_315] : memref<2x80xf32, #tpu.memory_space<vmem>> -> memref<1x80xf32, #tpu.memory_space<vmem>>
      %swap3A_317 = tpu.memref_squeeze %swap3A_316 : memref<1x80xf32, #tpu.memory_space<vmem>> -> memref<80xf32, #tpu.memory_space<vmem>>
      %swap3A_318 = arith.constant 16 : index
      %swap3A_319 = tpu.vector_load %swap3A_317[%swap3A_318] {strides = array<i32>} : memref<80xf32, #tpu.memory_space<vmem>>, vector<16xf32>,
      tpu.vector_store %swap3A_317[%swap3A_318], %mul3A_313 {strides = array<i32>} : memref<80xf32, #tpu.memory_space<vmem>>, vector<16xf32>,
      %swap3A_320 = arith.constant 1 : i32
      %swap3A_321 = arith.constant 0 : i32
      %swap3A_322 = tpu.memref_slice %arg19[%swap3A_320, %swap3A_321] : memref<2x80xi32, #tpu.memory_space<vmem>> -> memref<1x80xi32, #tpu.memory_space<vmem>>
      %swap3A_323 = tpu.memref_squeeze %swap3A_322 : memref<1x80xi32, #tpu.memory_space<vmem>> -> memref<80xi32, #tpu.memory_space<vmem>>
      %swap3A_324 = arith.constant 16 : index
      %swap3A_325 = tpu.vector_load %swap3A_323[%swap3A_324] {strides = array<i32>} : memref<80xi32, #tpu.memory_space<vmem>>, vector<16xi32>,
      tpu.vector_store %swap3A_323[%swap3A_324], %get3A_292 {strides = array<i32>} : memref<80xi32, #tpu.memory_space<vmem>>, vector<16xi32>,
      %get3A_326 = arith.constant 112 : index
      %get3A_327 = tpu.vector_load %arg14[%get3A_326] {strides = array<i32>} : memref<2000xi32, #tpu.memory_space<vmem>>, vector<16xi32>,
      %get3A_328 = arith.constant 112 : index
      %get3A_329 = tpu.vector_load %arg15[%get3A_328] {strides = array<i32>} : memref<2000xi32, #tpu.memory_space<vmem>>, vector<16xi32>,
      %gather3A_330 = tpu.vector_load_idx %arg12[%get3A_327] : memref<10000xf32, #tpu.memory_space<vmem>>[vector<16xi32>], vector<16xf32>,
      %gather3A_331 = tpu.vector_load_idx %arg13[%get3A_329] : memref<10000xf32, #tpu.memory_space<vmem>>[vector<16xi32>], vector<16xf32>,
      %add3A_332 = arith.addf %gather3A_330, %gather3A_331 : vector<16xf32>
      %gt3A_333 = arith.constant 0.000000e+00 : f32
      %gt3A_334 = vector.broadcast %gt3A_333 : f32 to vector<16xf32>
      %gt3A_335 = arith.cmpf ogt, %add3A_332, %gt3A_334 : vector<16xf32>
      %mul3A_336 = arith.constant 2.000000e-01 : f32
      %mul3A_337 = vector.broadcast %mul3A_336 : f32 to vector<16xf32>
      %mul3A_338 = arith.mulf %mul3A_337, %add3A_332 : vector<16xf32>
      %select_n3A_339 = arith.select %gt3A_335, %add3A_332, %mul3A_338 : vector<16xi1>, vector<16xf32>
      %swap3A_340 = arith.constant 1 : i32
      %swap3A_341 = arith.constant 0 : i32
      %swap3A_342 = tpu.memref_slice %arg17[%swap3A_340, %swap3A_341] : memref<2x80xf32, #tpu.memory_space<vmem>> -> memref<1x80xf32, #tpu.memory_space<vmem>>
      %swap3A_343 = tpu.memref_squeeze %swap3A_342 : memref<1x80xf32, #tpu.memory_space<vmem>> -> memref<80xf32, #tpu.memory_space<vmem>>
      %swap3A_344 = arith.constant 32 : index
      %swap3A_345 = tpu.vector_load %swap3A_343[%swap3A_344] {strides = array<i32>} : memref<80xf32, #tpu.memory_space<vmem>>, vector<16xf32>,
      tpu.vector_store %swap3A_343[%swap3A_344], %select_n3A_339 {strides = array<i32>} : memref<80xf32, #tpu.memory_space<vmem>>, vector<16xf32>,
      %get3A_346 = arith.constant 112 : index
      %get3A_347 = tpu.vector_load %arg16[%get3A_346] {strides = array<i32>} : memref<2000xf32, #tpu.memory_space<vmem>>, vector<16xf32>,
      %mul3A_348 = arith.mulf %select_n3A_339, %get3A_347 : vector<16xf32>
      %swap3A_349 = arith.constant 1 : i32
      %swap3A_350 = arith.constant 0 : i32
      %swap3A_351 = tpu.memref_slice %arg18[%swap3A_349, %swap3A_350] : memref<2x80xf32, #tpu.memory_space<vmem>> -> memref<1x80xf32, #tpu.memory_space<vmem>>
      %swap3A_352 = tpu.memref_squeeze %swap3A_351 : memref<1x80xf32, #tpu.memory_space<vmem>> -> memref<80xf32, #tpu.memory_space<vmem>>
      %swap3A_353 = arith.constant 32 : index
      %swap3A_354 = tpu.vector_load %swap3A_352[%swap3A_353] {strides = array<i32>} : memref<80xf32, #tpu.memory_space<vmem>>, vector<16xf32>,
      tpu.vector_store %swap3A_352[%swap3A_353], %mul3A_348 {strides = array<i32>} : memref<80xf32, #tpu.memory_space<vmem>>, vector<16xf32>,
      %swap3A_355 = arith.constant 1 : i32
      %swap3A_356 = arith.constant 0 : i32
      %swap3A_357 = tpu.memref_slice %arg19[%swap3A_355, %swap3A_356] : memref<2x80xi32, #tpu.memory_space<vmem>> -> memref<1x80xi32, #tpu.memory_space<vmem>>
      %swap3A_358 = tpu.memref_squeeze %swap3A_357 : memref<1x80xi32, #tpu.memory_space<vmem>> -> memref<80xi32, #tpu.memory_space<vmem>>
      %swap3A_359 = arith.constant 32 : index
      %swap3A_360 = tpu.vector_load %swap3A_358[%swap3A_359] {strides = array<i32>} : memref<80xi32, #tpu.memory_space<vmem>>, vector<16xi32>,
      tpu.vector_store %swap3A_358[%swap3A_359], %get3A_327 {strides = array<i32>} : memref<80xi32, #tpu.memory_space<vmem>>, vector<16xi32>,
      %get3A_361 = arith.constant 128 : index
      %get3A_362 = tpu.vector_load %arg14[%get3A_361] {strides = array<i32>} : memref<2000xi32, #tpu.memory_space<vmem>>, vector<16xi32>,
      %get3A_363 = arith.constant 128 : index
      %get3A_364 = tpu.vector_load %arg15[%get3A_363] {strides = array<i32>} : memref<2000xi32, #tpu.memory_space<vmem>>, vector<16xi32>,
      %gather3A_365 = tpu.vector_load_idx %arg12[%get3A_362] : memref<10000xf32, #tpu.memory_space<vmem>>[vector<16xi32>], vector<16xf32>,
      %gather3A_366 = tpu.vector_load_idx %arg13[%get3A_364] : memref<10000xf32, #tpu.memory_space<vmem>>[vector<16xi32>], vector<16xf32>,
      %add3A_367 = arith.addf %gather3A_365, %gather3A_366 : vector<16xf32>
      %gt3A_368 = arith.constant 0.000000e+00 : f32
      %gt3A_369 = vector.broadcast %gt3A_368 : f32 to vector<16xf32>
      %gt3A_370 = arith.cmpf ogt, %add3A_367, %gt3A_369 : vector<16xf32>
      %mul3A_371 = arith.constant 2.000000e-01 : f32
      %mul3A_372 = vector.broadcast %mul3A_371 : f32 to vector<16xf32>
      %mul3A_373 = arith.mulf %mul3A_372, %add3A_367 : vector<16xf32>
      %select_n3A_374 = arith.select %gt3A_370, %add3A_367, %mul3A_373 : vector<16xi1>, vector<16xf32>
      %swap3A_375 = arith.constant 1 : i32
      %swap3A_376 = arith.constant 0 : i32
      %swap3A_377 = tpu.memref_slice %arg17[%swap3A_375, %swap3A_376] : memref<2x80xf32, #tpu.memory_space<vmem>> -> memref<1x80xf32, #tpu.memory_space<vmem>>
      %swap3A_378 = tpu.memref_squeeze %swap3A_377 : memref<1x80xf32, #tpu.memory_space<vmem>> -> memref<80xf32, #tpu.memory_space<vmem>>
      %swap3A_379 = arith.constant 48 : index
      %swap3A_380 = tpu.vector_load %swap3A_378[%swap3A_379] {strides = array<i32>} : memref<80xf32, #tpu.memory_space<vmem>>, vector<16xf32>,
      tpu.vector_store %swap3A_378[%swap3A_379], %select_n3A_374 {strides = array<i32>} : memref<80xf32, #tpu.memory_space<vmem>>, vector<16xf32>,
      %get3A_381 = arith.constant 128 : index
      %get3A_382 = tpu.vector_load %arg16[%get3A_381] {strides = array<i32>} : memref<2000xf32, #tpu.memory_space<vmem>>, vector<16xf32>,
      %mul3A_383 = arith.mulf %select_n3A_374, %get3A_382 : vector<16xf32>
      %swap3A_384 = arith.constant 1 : i32
      %swap3A_385 = arith.constant 0 : i32
      %swap3A_386 = tpu.memref_slice %arg18[%swap3A_384, %swap3A_385] : memref<2x80xf32, #tpu.memory_space<vmem>> -> memref<1x80xf32, #tpu.memory_space<vmem>>
      %swap3A_387 = tpu.memref_squeeze %swap3A_386 : memref<1x80xf32, #tpu.memory_space<vmem>> -> memref<80xf32, #tpu.memory_space<vmem>>
      %swap3A_388 = arith.constant 48 : index
      %swap3A_389 = tpu.vector_load %swap3A_387[%swap3A_388] {strides = array<i32>} : memref<80xf32, #tpu.memory_space<vmem>>, vector<16xf32>,
      tpu.vector_store %swap3A_387[%swap3A_388], %mul3A_383 {strides = array<i32>} : memref<80xf32, #tpu.memory_space<vmem>>, vector<16xf32>,
      %swap3A_390 = arith.constant 1 : i32
      %swap3A_391 = arith.constant 0 : i32
      %swap3A_392 = tpu.memref_slice %arg19[%swap3A_390, %swap3A_391] : memref<2x80xi32, #tpu.memory_space<vmem>> -> memref<1x80xi32, #tpu.memory_space<vmem>>
      %swap3A_393 = tpu.memref_squeeze %swap3A_392 : memref<1x80xi32, #tpu.memory_space<vmem>> -> memref<80xi32, #tpu.memory_space<vmem>>
      %swap3A_394 = arith.constant 48 : index
      %swap3A_395 = tpu.vector_load %swap3A_393[%swap3A_394] {strides = array<i32>} : memref<80xi32, #tpu.memory_space<vmem>>, vector<16xi32>,
      tpu.vector_store %swap3A_393[%swap3A_394], %get3A_362 {strides = array<i32>} : memref<80xi32, #tpu.memory_space<vmem>>, vector<16xi32>,
      %get3A_396 = arith.constant 144 : index
      %get3A_397 = tpu.vector_load %arg14[%get3A_396] {strides = array<i32>} : memref<2000xi32, #tpu.memory_space<vmem>>, vector<16xi32>,
      %get3A_398 = arith.constant 144 : index
      %get3A_399 = tpu.vector_load %arg15[%get3A_398] {strides = array<i32>} : memref<2000xi32, #tpu.memory_space<vmem>>, vector<16xi32>,
      %gather3A_400 = tpu.vector_load_idx %arg12[%get3A_397] : memref<10000xf32, #tpu.memory_space<vmem>>[vector<16xi32>], vector<16xf32>,
      %gather3A_401 = tpu.vector_load_idx %arg13[%get3A_399] : memref<10000xf32, #tpu.memory_space<vmem>>[vector<16xi32>], vector<16xf32>,
      %add3A_402 = arith.addf %gather3A_400, %gather3A_401 : vector<16xf32>
      %gt3A_403 = arith.constant 0.000000e+00 : f32
      %gt3A_404 = vector.broadcast %gt3A_403 : f32 to vector<16xf32>
      %gt3A_405 = arith.cmpf ogt, %add3A_402, %gt3A_404 : vector<16xf32>
      %mul3A_406 = arith.constant 2.000000e-01 : f32
      %mul3A_407 = vector.broadcast %mul3A_406 : f32 to vector<16xf32>
      %mul3A_408 = arith.mulf %mul3A_407, %add3A_402 : vector<16xf32>
      %select_n3A_409 = arith.select %gt3A_405, %add3A_402, %mul3A_408 : vector<16xi1>, vector<16xf32>
      %swap3A_410 = arith.constant 1 : i32
      %swap3A_411 = arith.constant 0 : i32
      %swap3A_412 = tpu.memref_slice %arg17[%swap3A_410, %swap3A_411] : memref<2x80xf32, #tpu.memory_space<vmem>> -> memref<1x80xf32, #tpu.memory_space<vmem>>
      %swap3A_413 = tpu.memref_squeeze %swap3A_412 : memref<1x80xf32, #tpu.memory_space<vmem>> -> memref<80xf32, #tpu.memory_space<vmem>>
      %swap3A_414 = arith.constant 64 : index
      %swap3A_415 = tpu.vector_load %swap3A_413[%swap3A_414] {strides = array<i32>} : memref<80xf32, #tpu.memory_space<vmem>>, vector<16xf32>,
      tpu.vector_store %swap3A_413[%swap3A_414], %select_n3A_409 {strides = array<i32>} : memref<80xf32, #tpu.memory_space<vmem>>, vector<16xf32>,
      %get3A_416 = arith.constant 144 : index
      %get3A_417 = tpu.vector_load %arg16[%get3A_416] {strides = array<i32>} : memref<2000xf32, #tpu.memory_space<vmem>>, vector<16xf32>,
      %mul3A_418 = arith.mulf %select_n3A_409, %get3A_417 : vector<16xf32>
      %swap3A_419 = arith.constant 1 : i32
      %swap3A_420 = arith.constant 0 : i32
      %swap3A_421 = tpu.memref_slice %arg18[%swap3A_419, %swap3A_420] : memref<2x80xf32, #tpu.memory_space<vmem>> -> memref<1x80xf32, #tpu.memory_space<vmem>>
      %swap3A_422 = tpu.memref_squeeze %swap3A_421 : memref<1x80xf32, #tpu.memory_space<vmem>> -> memref<80xf32, #tpu.memory_space<vmem>>
      %swap3A_423 = arith.constant 64 : index
      %swap3A_424 = tpu.vector_load %swap3A_422[%swap3A_423] {strides = array<i32>} : memref<80xf32, #tpu.memory_space<vmem>>, vector<16xf32>,
      tpu.vector_store %swap3A_422[%swap3A_423], %mul3A_418 {strides = array<i32>} : memref<80xf32, #tpu.memory_space<vmem>>, vector<16xf32>,
      %swap3A_425 = arith.constant 1 : i32
      %swap3A_426 = arith.constant 0 : i32
      %swap3A_427 = tpu.memref_slice %arg19[%swap3A_425, %swap3A_426] : memref<2x80xi32, #tpu.memory_space<vmem>> -> memref<1x80xi32, #tpu.memory_space<vmem>>
      %swap3A_428 = tpu.memref_squeeze %swap3A_427 : memref<1x80xi32, #tpu.memory_space<vmem>> -> memref<80xi32, #tpu.memory_space<vmem>>
      %swap3A_429 = arith.constant 64 : index
      %swap3A_430 = tpu.vector_load %swap3A_428[%swap3A_429] {strides = array<i32>} : memref<80xi32, #tpu.memory_space<vmem>>, vector<16xi32>,
      tpu.vector_store %swap3A_428[%swap3A_429], %get3A_397 {strides = array<i32>} : memref<80xi32, #tpu.memory_space<vmem>>, vector<16xi32>,
      %dma_wait3A = arith.constant 0 : i32
      %dma_wait3A_431 = arith.constant 0 : i32
      %dma_wait3A_432 = arith.constant 0 : i32
      %dma_wait3A_433 = tpu.memref_slice %arg20[%dma_wait3A, %dma_wait3A_431, %dma_wait3A_432] : memref<2x80x128xf32, #tpu.memory_space<vmem>> -> memref<1x80x128xf32, #tpu.memory_space<vmem>>
      %dma_wait3A_434 = tpu.memref_squeeze %dma_wait3A_433 : memref<1x80x128xf32, #tpu.memory_space<vmem>> -> memref<80x128xf32, #tpu.memory_space<vmem>>
      %dma_wait3A_435 = arith.constant 0 : i32
      %dma_wait3A_436 = tpu.memref_slice %arg15[%dma_wait3A_435] : memref<2000xi32, #tpu.memory_space<vmem>> -> memref<80xi32, #tpu.memory_space<vmem>>
      %dma_wait3A_437 = arith.constant 0 : i32
      %dma_wait3A_438 = arith.constant 0 : i32
      %dma_wait3A_439 = tpu.memref_slice %arg2[%dma_wait3A_437, %dma_wait3A_438] : memref<10000x128xf32, #tpu.memory_space<hbm>> -> memref<10000x128xf32, #tpu.memory_space<hbm>>
      tpu.wait_indirect_dma semaphore(%arg21 : memref<!tpu.dma_semaphore, #tpu.memory_space<semaphore_mem>>) src(%dma_wait3A_439 : memref<10000x128xf32, #tpu.memory_space<hbm>>) dst(%dma_wait3A_434 : memref<80x128xf32, #tpu.memory_space<vmem>>)
      %scan3A_440 = arith.constant 0 : i32
      %scan3A_441 = arith.constant 20 : i32
      %scan3A_442 = arith.addi %scan3A_440, %scan3A_441 : i32
      %scan3A_443 = arith.constant 1 : i32
      scf.for %scan3A_797 = %scan3A_440 to %scan3A_442 step %scan3A_443  : i32 {
        %mul3A_798 = arith.constant 4 : i32
        %mul3A_799 = arith.muli %scan3A_797, %mul3A_798 : i32
        %add3A_800 = arith.constant 0 : i32
        %add3A_801 = arith.addi %add3A_800, %mul3A_799 : i32
        %add3A_802 = arith.constant 0 : i32
        %add3A_803 = arith.addi %add3A_801, %add3A_802 : i32
        %broadcast_in_dim3A_804 = vector.broadcast %add3A_803 : i32 to vector<16xi32>
        %gather3A_805 = arith.constant 0 : i32
        %gather3A_806 = arith.constant 0 : i32
        %gather3A_807 = tpu.memref_slice %arg18[%gather3A_805, %gather3A_806] : memref<2x80xf32, #tpu.memory_space<vmem>> -> memref<1x80xf32, #tpu.memory_space<vmem>>
        %gather3A_808 = tpu.memref_squeeze %gather3A_807 : memref<1x80xf32, #tpu.memory_space<vmem>> -> memref<80xf32, #tpu.memory_space<vmem>>
        %gather3A_809 = tpu.vector_load_idx %gather3A_808[%broadcast_in_dim3A_804] : memref<80xf32, #tpu.memory_space<vmem>>[vector<16xi32>], vector<16xf32>,
        %add3A_810 = arith.constant 1 : i32
        %add3A_811 = arith.addi %add3A_801, %add3A_810 : i32
        %broadcast_in_dim3A_812 = vector.broadcast %add3A_811 : i32 to vector<16xi32>
        %gather3A_813 = arith.constant 0 : i32
        %gather3A_814 = arith.constant 0 : i32
        %gather3A_815 = tpu.memref_slice %arg18[%gather3A_813, %gather3A_814] : memref<2x80xf32, #tpu.memory_space<vmem>> -> memref<1x80xf32, #tpu.memory_space<vmem>>
        %gather3A_816 = tpu.memref_squeeze %gather3A_815 : memref<1x80xf32, #tpu.memory_space<vmem>> -> memref<80xf32, #tpu.memory_space<vmem>>
        %gather3A_817 = tpu.vector_load_idx %gather3A_816[%broadcast_in_dim3A_812] : memref<80xf32, #tpu.memory_space<vmem>>[vector<16xi32>], vector<16xf32>,
        %add3A_818 = arith.constant 2 : i32
        %add3A_819 = arith.addi %add3A_801, %add3A_818 : i32
        %broadcast_in_dim3A_820 = vector.broadcast %add3A_819 : i32 to vector<16xi32>
        %gather3A_821 = arith.constant 0 : i32
        %gather3A_822 = arith.constant 0 : i32
        %gather3A_823 = tpu.memref_slice %arg18[%gather3A_821, %gather3A_822] : memref<2x80xf32, #tpu.memory_space<vmem>> -> memref<1x80xf32, #tpu.memory_space<vmem>>
        %gather3A_824 = tpu.memref_squeeze %gather3A_823 : memref<1x80xf32, #tpu.memory_space<vmem>> -> memref<80xf32, #tpu.memory_space<vmem>>
        %gather3A_825 = tpu.vector_load_idx %gather3A_824[%broadcast_in_dim3A_820] : memref<80xf32, #tpu.memory_space<vmem>>[vector<16xi32>], vector<16xf32>,
        %add3A_826 = arith.constant 3 : i32
        %add3A_827 = arith.addi %add3A_801, %add3A_826 : i32
        %broadcast_in_dim3A_828 = vector.broadcast %add3A_827 : i32 to vector<16xi32>
        %gather3A_829 = arith.constant 0 : i32
        %gather3A_830 = arith.constant 0 : i32
        %gather3A_831 = tpu.memref_slice %arg18[%gather3A_829, %gather3A_830] : memref<2x80xf32, #tpu.memory_space<vmem>> -> memref<1x80xf32, #tpu.memory_space<vmem>>
        %gather3A_832 = tpu.memref_squeeze %gather3A_831 : memref<1x80xf32, #tpu.memory_space<vmem>> -> memref<80xf32, #tpu.memory_space<vmem>>
        %gather3A_833 = tpu.vector_load_idx %gather3A_832[%broadcast_in_dim3A_828] : memref<80xf32, #tpu.memory_space<vmem>>[vector<16xi32>], vector<16xf32>,
        %add3A_834 = arith.constant 0 : i32
        %add3A_835 = arith.addi %add3A_801, %add3A_834 : i32
        %get3A_836 = arith.constant 0 : i32
        %get3A_837 = arith.index_cast %get3A_836 : i32 to index
        %get3A_838 = arith.index_cast %add3A_835 : i32 to index
        %get3A_839 = arith.constant 0 : index
        %get3A_840 = tpu.vector_load %arg20[%get3A_837, %get3A_838, %get3A_839] {strides = array<i32>} : memref<2x80x128xf32, #tpu.memory_space<vmem>>, vector<16xf32>,
        %mul3A_841 = arith.mulf %get3A_840, %gather3A_809 : vector<16xf32>
        %add3A_842 = arith.constant 0 : i32
        %add3A_843 = arith.addi %add3A_801, %add3A_842 : i32
        %swap3A_844 = arith.constant 0 : i32
        %swap3A_845 = arith.index_cast %swap3A_844 : i32 to index
        %swap3A_846 = arith.index_cast %add3A_843 : i32 to index
        %swap3A_847 = arith.constant 0 : index
        %swap3A_848 = tpu.vector_load %arg20[%swap3A_845, %swap3A_846, %swap3A_847] {strides = array<i32>} : memref<2x80x128xf32, #tpu.memory_space<vmem>>, vector<16xf32>,
        tpu.vector_store %arg20[%swap3A_845, %swap3A_846, %swap3A_847], %mul3A_841 {strides = array<i32>} : memref<2x80x128xf32, #tpu.memory_space<vmem>>, vector<16xf32>,
        %add3A_849 = arith.constant 0 : i32
        %add3A_850 = arith.addi %add3A_801, %add3A_849 : i32
        %get3A_851 = arith.constant 0 : i32
        %get3A_852 = arith.index_cast %get3A_851 : i32 to index
        %get3A_853 = arith.index_cast %add3A_850 : i32 to index
        %get3A_854 = arith.constant 16 : index
        %get3A_855 = tpu.vector_load %arg20[%get3A_852, %get3A_853, %get3A_854] {strides = array<i32>} : memref<2x80x128xf32, #tpu.memory_space<vmem>>, vector<16xf32>,
        %mul3A_856 = arith.mulf %get3A_855, %gather3A_809 : vector<16xf32>
        %add3A_857 = arith.constant 0 : i32
        %add3A_858 = arith.addi %add3A_801, %add3A_857 : i32
        %swap3A_859 = arith.constant 0 : i32
        %swap3A_860 = arith.index_cast %swap3A_859 : i32 to index
        %swap3A_861 = arith.index_cast %add3A_858 : i32 to index
        %swap3A_862 = arith.constant 16 : index
        %swap3A_863 = tpu.vector_load %arg20[%swap3A_860, %swap3A_861, %swap3A_862] {strides = array<i32>} : memref<2x80x128xf32, #tpu.memory_space<vmem>>, vector<16xf32>,
        tpu.vector_store %arg20[%swap3A_860, %swap3A_861, %swap3A_862], %mul3A_856 {strides = array<i32>} : memref<2x80x128xf32, #tpu.memory_space<vmem>>, vector<16xf32>,
        %add3A_864 = arith.constant 0 : i32
        %add3A_865 = arith.addi %add3A_801, %add3A_864 : i32
        %get3A_866 = arith.constant 0 : i32
        %get3A_867 = arith.index_cast %get3A_866 : i32 to index
        %get3A_868 = arith.index_cast %add3A_865 : i32 to index
        %get3A_869 = arith.constant 32 : index
        %get3A_870 = tpu.vector_load %arg20[%get3A_867, %get3A_868, %get3A_869] {strides = array<i32>} : memref<2x80x128xf32, #tpu.memory_space<vmem>>, vector<16xf32>,
        %mul3A_871 = arith.mulf %get3A_870, %gather3A_809 : vector<16xf32>
        %add3A_872 = arith.constant 0 : i32
        %add3A_873 = arith.addi %add3A_801, %add3A_872 : i32
        %swap3A_874 = arith.constant 0 : i32
        %swap3A_875 = arith.index_cast %swap3A_874 : i32 to index
        %swap3A_876 = arith.index_cast %add3A_873 : i32 to index
        %swap3A_877 = arith.constant 32 : index
        %swap3A_878 = tpu.vector_load %arg20[%swap3A_875, %swap3A_876, %swap3A_877] {strides = array<i32>} : memref<2x80x128xf32, #tpu.memory_space<vmem>>, vector<16xf32>,
        tpu.vector_store %arg20[%swap3A_875, %swap3A_876, %swap3A_877], %mul3A_871 {strides = array<i32>} : memref<2x80x128xf32, #tpu.memory_space<vmem>>, vector<16xf32>,
        %add3A_879 = arith.constant 0 : i32
        %add3A_880 = arith.addi %add3A_801, %add3A_879 : i32
        %get3A_881 = arith.constant 0 : i32
        %get3A_882 = arith.index_cast %get3A_881 : i32 to index
        %get3A_883 = arith.index_cast %add3A_880 : i32 to index
        %get3A_884 = arith.constant 48 : index
        %get3A_885 = tpu.vector_load %arg20[%get3A_882, %get3A_883, %get3A_884] {strides = array<i32>} : memref<2x80x128xf32, #tpu.memory_space<vmem>>, vector<16xf32>,
        %mul3A_886 = arith.mulf %get3A_885, %gather3A_809 : vector<16xf32>
        %add3A_887 = arith.constant 0 : i32
        %add3A_888 = arith.addi %add3A_801, %add3A_887 : i32
        %swap3A_889 = arith.constant 0 : i32
        %swap3A_890 = arith.index_cast %swap3A_889 : i32 to index
        %swap3A_891 = arith.index_cast %add3A_888 : i32 to index
        %swap3A_892 = arith.constant 48 : index
        %swap3A_893 = tpu.vector_load %arg20[%swap3A_890, %swap3A_891, %swap3A_892] {strides = array<i32>} : memref<2x80x128xf32, #tpu.memory_space<vmem>>, vector<16xf32>,
        tpu.vector_store %arg20[%swap3A_890, %swap3A_891, %swap3A_892], %mul3A_886 {strides = array<i32>} : memref<2x80x128xf32, #tpu.memory_space<vmem>>, vector<16xf32>,
        %add3A_894 = arith.constant 0 : i32
        %add3A_895 = arith.addi %add3A_801, %add3A_894 : i32
        %get3A_896 = arith.constant 0 : i32
        %get3A_897 = arith.index_cast %get3A_896 : i32 to index
        %get3A_898 = arith.index_cast %add3A_895 : i32 to index
        %get3A_899 = arith.constant 64 : index
        %get3A_900 = tpu.vector_load %arg20[%get3A_897, %get3A_898, %get3A_899] {strides = array<i32>} : memref<2x80x128xf32, #tpu.memory_space<vmem>>, vector<16xf32>,
        %mul3A_901 = arith.mulf %get3A_900, %gather3A_809 : vector<16xf32>
        %add3A_902 = arith.constant 0 : i32
        %add3A_903 = arith.addi %add3A_801, %add3A_902 : i32
        %swap3A_904 = arith.constant 0 : i32
        %swap3A_905 = arith.index_cast %swap3A_904 : i32 to index
        %swap3A_906 = arith.index_cast %add3A_903 : i32 to index
        %swap3A_907 = arith.constant 64 : index
        %swap3A_908 = tpu.vector_load %arg20[%swap3A_905, %swap3A_906, %swap3A_907] {strides = array<i32>} : memref<2x80x128xf32, #tpu.memory_space<vmem>>, vector<16xf32>,
        tpu.vector_store %arg20[%swap3A_905, %swap3A_906, %swap3A_907], %mul3A_901 {strides = array<i32>} : memref<2x80x128xf32, #tpu.memory_space<vmem>>, vector<16xf32>,
        %add3A_909 = arith.constant 0 : i32
        %add3A_910 = arith.addi %add3A_801, %add3A_909 : i32
        %get3A_911 = arith.constant 0 : i32
        %get3A_912 = arith.index_cast %get3A_911 : i32 to index
        %get3A_913 = arith.index_cast %add3A_910 : i32 to index
        %get3A_914 = arith.constant 80 : index
        %get3A_915 = tpu.vector_load %arg20[%get3A_912, %get3A_913, %get3A_914] {strides = array<i32>} : memref<2x80x128xf32, #tpu.memory_space<vmem>>, vector<16xf32>,
        %mul3A_916 = arith.mulf %get3A_915, %gather3A_809 : vector<16xf32>
        %add3A_917 = arith.constant 0 : i32
        %add3A_918 = arith.addi %add3A_801, %add3A_917 : i32
        %swap3A_919 = arith.constant 0 : i32
        %swap3A_920 = arith.index_cast %swap3A_919 : i32 to index
        %swap3A_921 = arith.index_cast %add3A_918 : i32 to index
        %swap3A_922 = arith.constant 80 : index
        %swap3A_923 = tpu.vector_load %arg20[%swap3A_920, %swap3A_921, %swap3A_922] {strides = array<i32>} : memref<2x80x128xf32, #tpu.memory_space<vmem>>, vector<16xf32>,
        tpu.vector_store %arg20[%swap3A_920, %swap3A_921, %swap3A_922], %mul3A_916 {strides = array<i32>} : memref<2x80x128xf32, #tpu.memory_space<vmem>>, vector<16xf32>,
        %add3A_924 = arith.constant 0 : i32
        %add3A_925 = arith.addi %add3A_801, %add3A_924 : i32
        %get3A_926 = arith.constant 0 : i32
        %get3A_927 = arith.index_cast %get3A_926 : i32 to index
        %get3A_928 = arith.index_cast %add3A_925 : i32 to index
        %get3A_929 = arith.constant 96 : index
        %get3A_930 = tpu.vector_load %arg20[%get3A_927, %get3A_928, %get3A_929] {strides = array<i32>} : memref<2x80x128xf32, #tpu.memory_space<vmem>>, vector<16xf32>,
        %mul3A_931 = arith.mulf %get3A_930, %gather3A_809 : vector<16xf32>
        %add3A_932 = arith.constant 0 : i32
        %add3A_933 = arith.addi %add3A_801, %add3A_932 : i32
        %swap3A_934 = arith.constant 0 : i32
        %swap3A_935 = arith.index_cast %swap3A_934 : i32 to index
        %swap3A_936 = arith.index_cast %add3A_933 : i32 to index
        %swap3A_937 = arith.constant 96 : index
        %swap3A_938 = tpu.vector_load %arg20[%swap3A_935, %swap3A_936, %swap3A_937] {strides = array<i32>} : memref<2x80x128xf32, #tpu.memory_space<vmem>>, vector<16xf32>,
        tpu.vector_store %arg20[%swap3A_935, %swap3A_936, %swap3A_937], %mul3A_931 {strides = array<i32>} : memref<2x80x128xf32, #tpu.memory_space<vmem>>, vector<16xf32>,
        %add3A_939 = arith.constant 0 : i32
        %add3A_940 = arith.addi %add3A_801, %add3A_939 : i32
        %get3A_941 = arith.constant 0 : i32
        %get3A_942 = arith.index_cast %get3A_941 : i32 to index
        %get3A_943 = arith.index_cast %add3A_940 : i32 to index
        %get3A_944 = arith.constant 112 : index
        %get3A_945 = tpu.vector_load %arg20[%get3A_942, %get3A_943, %get3A_944] {strides = array<i32>} : memref<2x80x128xf32, #tpu.memory_space<vmem>>, vector<16xf32>,
        %mul3A_946 = arith.mulf %get3A_945, %gather3A_809 : vector<16xf32>
        %add3A_947 = arith.constant 0 : i32
        %add3A_948 = arith.addi %add3A_801, %add3A_947 : i32
        %swap3A_949 = arith.constant 0 : i32
        %swap3A_950 = arith.index_cast %swap3A_949 : i32 to index
        %swap3A_951 = arith.index_cast %add3A_948 : i32 to index
        %swap3A_952 = arith.constant 112 : index
        %swap3A_953 = tpu.vector_load %arg20[%swap3A_950, %swap3A_951, %swap3A_952] {strides = array<i32>} : memref<2x80x128xf32, #tpu.memory_space<vmem>>, vector<16xf32>,
        tpu.vector_store %arg20[%swap3A_950, %swap3A_951, %swap3A_952], %mul3A_946 {strides = array<i32>} : memref<2x80x128xf32, #tpu.memory_space<vmem>>, vector<16xf32>,
        %add3A_954 = arith.constant 1 : i32
        %add3A_955 = arith.addi %add3A_801, %add3A_954 : i32
        %get3A_956 = arith.constant 0 : i32
        %get3A_957 = arith.index_cast %get3A_956 : i32 to index
        %get3A_958 = arith.index_cast %add3A_955 : i32 to index
        %get3A_959 = arith.constant 0 : index
        %get3A_960 = tpu.vector_load %arg20[%get3A_957, %get3A_958, %get3A_959] {strides = array<i32>} : memref<2x80x128xf32, #tpu.memory_space<vmem>>, vector<16xf32>,
        %mul3A_961 = arith.mulf %get3A_960, %gather3A_817 : vector<16xf32>
        %add3A_962 = arith.constant 1 : i32
        %add3A_963 = arith.addi %add3A_801, %add3A_962 : i32
        %swap3A_964 = arith.constant 0 : i32
        %swap3A_965 = arith.index_cast %swap3A_964 : i32 to index
        %swap3A_966 = arith.index_cast %add3A_963 : i32 to index
        %swap3A_967 = arith.constant 0 : index
        %swap3A_968 = tpu.vector_load %arg20[%swap3A_965, %swap3A_966, %swap3A_967] {strides = array<i32>} : memref<2x80x128xf32, #tpu.memory_space<vmem>>, vector<16xf32>,
        tpu.vector_store %arg20[%swap3A_965, %swap3A_966, %swap3A_967], %mul3A_961 {strides = array<i32>} : memref<2x80x128xf32, #tpu.memory_space<vmem>>, vector<16xf32>,
        %add3A_969 = arith.constant 1 : i32
        %add3A_970 = arith.addi %add3A_801, %add3A_969 : i32
        %get3A_971 = arith.constant 0 : i32
        %get3A_972 = arith.index_cast %get3A_971 : i32 to index
        %get3A_973 = arith.index_cast %add3A_970 : i32 to index
        %get3A_974 = arith.constant 16 : index
        %get3A_975 = tpu.vector_load %arg20[%get3A_972, %get3A_973, %get3A_974] {strides = array<i32>} : memref<2x80x128xf32, #tpu.memory_space<vmem>>, vector<16xf32>,
        %mul3A_976 = arith.mulf %get3A_975, %gather3A_817 : vector<16xf32>
        %add3A_977 = arith.constant 1 : i32
        %add3A_978 = arith.addi %add3A_801, %add3A_977 : i32
        %swap3A_979 = arith.constant 0 : i32
        %swap3A_980 = arith.index_cast %swap3A_979 : i32 to index
        %swap3A_981 = arith.index_cast %add3A_978 : i32 to index
        %swap3A_982 = arith.constant 16 : index
        %swap3A_983 = tpu.vector_load %arg20[%swap3A_980, %swap3A_981, %swap3A_982] {strides = array<i32>} : memref<2x80x128xf32, #tpu.memory_space<vmem>>, vector<16xf32>,
        tpu.vector_store %arg20[%swap3A_980, %swap3A_981, %swap3A_982], %mul3A_976 {strides = array<i32>} : memref<2x80x128xf32, #tpu.memory_space<vmem>>, vector<16xf32>,
        %add3A_984 = arith.constant 1 : i32
        %add3A_985 = arith.addi %add3A_801, %add3A_984 : i32
        %get3A_986 = arith.constant 0 : i32
        %get3A_987 = arith.index_cast %get3A_986 : i32 to index
        %get3A_988 = arith.index_cast %add3A_985 : i32 to index
        %get3A_989 = arith.constant 32 : index
        %get3A_990 = tpu.vector_load %arg20[%get3A_987, %get3A_988, %get3A_989] {strides = array<i32>} : memref<2x80x128xf32, #tpu.memory_space<vmem>>, vector<16xf32>,
        %mul3A_991 = arith.mulf %get3A_990, %gather3A_817 : vector<16xf32>
        %add3A_992 = arith.constant 1 : i32
        %add3A_993 = arith.addi %add3A_801, %add3A_992 : i32
        %swap3A_994 = arith.constant 0 : i32
        %swap3A_995 = arith.index_cast %swap3A_994 : i32 to index
        %swap3A_996 = arith.index_cast %add3A_993 : i32 to index
        %swap3A_997 = arith.constant 32 : index
        %swap3A_998 = tpu.vector_load %arg20[%swap3A_995, %swap3A_996, %swap3A_997] {strides = array<i32>} : memref<2x80x128xf32, #tpu.memory_space<vmem>>, vector<16xf32>,
        tpu.vector_store %arg20[%swap3A_995, %swap3A_996, %swap3A_997], %mul3A_991 {strides = array<i32>} : memref<2x80x128xf32, #tpu.memory_space<vmem>>, vector<16xf32>,
        %add3A_999 = arith.constant 1 : i32
        %add3A_1000 = arith.addi %add3A_801, %add3A_999 : i32
        %get3A_1001 = arith.constant 0 : i32
        %get3A_1002 = arith.index_cast %get3A_1001 : i32 to index
        %get3A_1003 = arith.index_cast %add3A_1000 : i32 to index
        %get3A_1004 = arith.constant 48 : index
        %get3A_1005 = tpu.vector_load %arg20[%get3A_1002, %get3A_1003, %get3A_1004] {strides = array<i32>} : memref<2x80x128xf32, #tpu.memory_space<vmem>>, vector<16xf32>,
        %mul3A_1006 = arith.mulf %get3A_1005, %gather3A_817 : vector<16xf32>
        %add3A_1007 = arith.constant 1 : i32
        %add3A_1008 = arith.addi %add3A_801, %add3A_1007 : i32
        %swap3A_1009 = arith.constant 0 : i32
        %swap3A_1010 = arith.index_cast %swap3A_1009 : i32 to index
        %swap3A_1011 = arith.index_cast %add3A_1008 : i32 to index
        %swap3A_1012 = arith.constant 48 : index
        %swap3A_1013 = tpu.vector_load %arg20[%swap3A_1010, %swap3A_1011, %swap3A_1012] {strides = array<i32>} : memref<2x80x128xf32, #tpu.memory_space<vmem>>, vector<16xf32>,
        tpu.vector_store %arg20[%swap3A_1010, %swap3A_1011, %swap3A_1012], %mul3A_1006 {strides = array<i32>} : memref<2x80x128xf32, #tpu.memory_space<vmem>>, vector<16xf32>,
        %add3A_1014 = arith.constant 1 : i32
        %add3A_1015 = arith.addi %add3A_801, %add3A_1014 : i32
        %get3A_1016 = arith.constant 0 : i32
        %get3A_1017 = arith.index_cast %get3A_1016 : i32 to index
        %get3A_1018 = arith.index_cast %add3A_1015 : i32 to index
        %get3A_1019 = arith.constant 64 : index
        %get3A_1020 = tpu.vector_load %arg20[%get3A_1017, %get3A_1018, %get3A_1019] {strides = array<i32>} : memref<2x80x128xf32, #tpu.memory_space<vmem>>, vector<16xf32>,
        %mul3A_1021 = arith.mulf %get3A_1020, %gather3A_817 : vector<16xf32>
        %add3A_1022 = arith.constant 1 : i32
        %add3A_1023 = arith.addi %add3A_801, %add3A_1022 : i32
        %swap3A_1024 = arith.constant 0 : i32
        %swap3A_1025 = arith.index_cast %swap3A_1024 : i32 to index
        %swap3A_1026 = arith.index_cast %add3A_1023 : i32 to index
        %swap3A_1027 = arith.constant 64 : index
        %swap3A_1028 = tpu.vector_load %arg20[%swap3A_1025, %swap3A_1026, %swap3A_1027] {strides = array<i32>} : memref<2x80x128xf32, #tpu.memory_space<vmem>>, vector<16xf32>,
        tpu.vector_store %arg20[%swap3A_1025, %swap3A_1026, %swap3A_1027], %mul3A_1021 {strides = array<i32>} : memref<2x80x128xf32, #tpu.memory_space<vmem>>, vector<16xf32>,
        %add3A_1029 = arith.constant 1 : i32
        %add3A_1030 = arith.addi %add3A_801, %add3A_1029 : i32
        %get3A_1031 = arith.constant 0 : i32
        %get3A_1032 = arith.index_cast %get3A_1031 : i32 to index
        %get3A_1033 = arith.index_cast %add3A_1030 : i32 to index
        %get3A_1034 = arith.constant 80 : index
        %get3A_1035 = tpu.vector_load %arg20[%get3A_1032, %get3A_1033, %get3A_1034] {strides = array<i32>} : memref<2x80x128xf32, #tpu.memory_space<vmem>>, vector<16xf32>,
        %mul3A_1036 = arith.mulf %get3A_1035, %gather3A_817 : vector<16xf32>
        %add3A_1037 = arith.constant 1 : i32
        %add3A_1038 = arith.addi %add3A_801, %add3A_1037 : i32
        %swap3A_1039 = arith.constant 0 : i32
        %swap3A_1040 = arith.index_cast %swap3A_1039 : i32 to index
        %swap3A_1041 = arith.index_cast %add3A_1038 : i32 to index
        %swap3A_1042 = arith.constant 80 : index
        %swap3A_1043 = tpu.vector_load %arg20[%swap3A_1040, %swap3A_1041, %swap3A_1042] {strides = array<i32>} : memref<2x80x128xf32, #tpu.memory_space<vmem>>, vector<16xf32>,
        tpu.vector_store %arg20[%swap3A_1040, %swap3A_1041, %swap3A_1042], %mul3A_1036 {strides = array<i32>} : memref<2x80x128xf32, #tpu.memory_space<vmem>>, vector<16xf32>,
        %add3A_1044 = arith.constant 1 : i32
        %add3A_1045 = arith.addi %add3A_801, %add3A_1044 : i32
        %get3A_1046 = arith.constant 0 : i32
        %get3A_1047 = arith.index_cast %get3A_1046 : i32 to index
        %get3A_1048 = arith.index_cast %add3A_1045 : i32 to index
        %get3A_1049 = arith.constant 96 : index
        %get3A_1050 = tpu.vector_load %arg20[%get3A_1047, %get3A_1048, %get3A_1049] {strides = array<i32>} : memref<2x80x128xf32, #tpu.memory_space<vmem>>, vector<16xf32>,
        %mul3A_1051 = arith.mulf %get3A_1050, %gather3A_817 : vector<16xf32>
        %add3A_1052 = arith.constant 1 : i32
        %add3A_1053 = arith.addi %add3A_801, %add3A_1052 : i32
        %swap3A_1054 = arith.constant 0 : i32
        %swap3A_1055 = arith.index_cast %swap3A_1054 : i32 to index
        %swap3A_1056 = arith.index_cast %add3A_1053 : i32 to index
        %swap3A_1057 = arith.constant 96 : index
        %swap3A_1058 = tpu.vector_load %arg20[%swap3A_1055, %swap3A_1056, %swap3A_1057] {strides = array<i32>} : memref<2x80x128xf32, #tpu.memory_space<vmem>>, vector<16xf32>,
        tpu.vector_store %arg20[%swap3A_1055, %swap3A_1056, %swap3A_1057], %mul3A_1051 {strides = array<i32>} : memref<2x80x128xf32, #tpu.memory_space<vmem>>, vector<16xf32>,
        %add3A_1059 = arith.constant 1 : i32
        %add3A_1060 = arith.addi %add3A_801, %add3A_1059 : i32
        %get3A_1061 = arith.constant 0 : i32
        %get3A_1062 = arith.index_cast %get3A_1061 : i32 to index
        %get3A_1063 = arith.index_cast %add3A_1060 : i32 to index
        %get3A_1064 = arith.constant 112 : index
        %get3A_1065 = tpu.vector_load %arg20[%get3A_1062, %get3A_1063, %get3A_1064] {strides = array<i32>} : memref<2x80x128xf32, #tpu.memory_space<vmem>>, vector<16xf32>,
        %mul3A_1066 = arith.mulf %get3A_1065, %gather3A_817 : vector<16xf32>
        %add3A_1067 = arith.constant 1 : i32
        %add3A_1068 = arith.addi %add3A_801, %add3A_1067 : i32
        %swap3A_1069 = arith.constant 0 : i32
        %swap3A_1070 = arith.index_cast %swap3A_1069 : i32 to index
        %swap3A_1071 = arith.index_cast %add3A_1068 : i32 to index
        %swap3A_1072 = arith.constant 112 : index
        %swap3A_1073 = tpu.vector_load %arg20[%swap3A_1070, %swap3A_1071, %swap3A_1072] {strides = array<i32>} : memref<2x80x128xf32, #tpu.memory_space<vmem>>, vector<16xf32>,
        tpu.vector_store %arg20[%swap3A_1070, %swap3A_1071, %swap3A_1072], %mul3A_1066 {strides = array<i32>} : memref<2x80x128xf32, #tpu.memory_space<vmem>>, vector<16xf32>,
        %add3A_1074 = arith.constant 2 : i32
        %add3A_1075 = arith.addi %add3A_801, %add3A_1074 : i32
        %get3A_1076 = arith.constant 0 : i32
        %get3A_1077 = arith.index_cast %get3A_1076 : i32 to index
        %get3A_1078 = arith.index_cast %add3A_1075 : i32 to index
        %get3A_1079 = arith.constant 0 : index
        %get3A_1080 = tpu.vector_load %arg20[%get3A_1077, %get3A_1078, %get3A_1079] {strides = array<i32>} : memref<2x80x128xf32, #tpu.memory_space<vmem>>, vector<16xf32>,
        %mul3A_1081 = arith.mulf %get3A_1080, %gather3A_825 : vector<16xf32>
        %add3A_1082 = arith.constant 2 : i32
        %add3A_1083 = arith.addi %add3A_801, %add3A_1082 : i32
        %swap3A_1084 = arith.constant 0 : i32
        %swap3A_1085 = arith.index_cast %swap3A_1084 : i32 to index
        %swap3A_1086 = arith.index_cast %add3A_1083 : i32 to index
        %swap3A_1087 = arith.constant 0 : index
        %swap3A_1088 = tpu.vector_load %arg20[%swap3A_1085, %swap3A_1086, %swap3A_1087] {strides = array<i32>} : memref<2x80x128xf32, #tpu.memory_space<vmem>>, vector<16xf32>,
        tpu.vector_store %arg20[%swap3A_1085, %swap3A_1086, %swap3A_1087], %mul3A_1081 {strides = array<i32>} : memref<2x80x128xf32, #tpu.memory_space<vmem>>, vector<16xf32>,
        %add3A_1089 = arith.constant 2 : i32
        %add3A_1090 = arith.addi %add3A_801, %add3A_1089 : i32
        %get3A_1091 = arith.constant 0 : i32
        %get3A_1092 = arith.index_cast %get3A_1091 : i32 to index
        %get3A_1093 = arith.index_cast %add3A_1090 : i32 to index
        %get3A_1094 = arith.constant 16 : index
        %get3A_1095 = tpu.vector_load %arg20[%get3A_1092, %get3A_1093, %get3A_1094] {strides = array<i32>} : memref<2x80x128xf32, #tpu.memory_space<vmem>>, vector<16xf32>,
        %mul3A_1096 = arith.mulf %get3A_1095, %gather3A_825 : vector<16xf32>
        %add3A_1097 = arith.constant 2 : i32
        %add3A_1098 = arith.addi %add3A_801, %add3A_1097 : i32
        %swap3A_1099 = arith.constant 0 : i32
        %swap3A_1100 = arith.index_cast %swap3A_1099 : i32 to index
        %swap3A_1101 = arith.index_cast %add3A_1098 : i32 to index
        %swap3A_1102 = arith.constant 16 : index
        %swap3A_1103 = tpu.vector_load %arg20[%swap3A_1100, %swap3A_1101, %swap3A_1102] {strides = array<i32>} : memref<2x80x128xf32, #tpu.memory_space<vmem>>, vector<16xf32>,
        tpu.vector_store %arg20[%swap3A_1100, %swap3A_1101, %swap3A_1102], %mul3A_1096 {strides = array<i32>} : memref<2x80x128xf32, #tpu.memory_space<vmem>>, vector<16xf32>,
        %add3A_1104 = arith.constant 2 : i32
        %add3A_1105 = arith.addi %add3A_801, %add3A_1104 : i32
        %get3A_1106 = arith.constant 0 : i32
        %get3A_1107 = arith.index_cast %get3A_1106 : i32 to index
        %get3A_1108 = arith.index_cast %add3A_1105 : i32 to index
        %get3A_1109 = arith.constant 32 : index
        %get3A_1110 = tpu.vector_load %arg20[%get3A_1107, %get3A_1108, %get3A_1109] {strides = array<i32>} : memref<2x80x128xf32, #tpu.memory_space<vmem>>, vector<16xf32>,
        %mul3A_1111 = arith.mulf %get3A_1110, %gather3A_825 : vector<16xf32>
        %add3A_1112 = arith.constant 2 : i32
        %add3A_1113 = arith.addi %add3A_801, %add3A_1112 : i32
        %swap3A_1114 = arith.constant 0 : i32
        %swap3A_1115 = arith.index_cast %swap3A_1114 : i32 to index
        %swap3A_1116 = arith.index_cast %add3A_1113 : i32 to index
        %swap3A_1117 = arith.constant 32 : index
        %swap3A_1118 = tpu.vector_load %arg20[%swap3A_1115, %swap3A_1116, %swap3A_1117] {strides = array<i32>} : memref<2x80x128xf32, #tpu.memory_space<vmem>>, vector<16xf32>,
        tpu.vector_store %arg20[%swap3A_1115, %swap3A_1116, %swap3A_1117], %mul3A_1111 {strides = array<i32>} : memref<2x80x128xf32, #tpu.memory_space<vmem>>, vector<16xf32>,
        %add3A_1119 = arith.constant 2 : i32
        %add3A_1120 = arith.addi %add3A_801, %add3A_1119 : i32
        %get3A_1121 = arith.constant 0 : i32
        %get3A_1122 = arith.index_cast %get3A_1121 : i32 to index
        %get3A_1123 = arith.index_cast %add3A_1120 : i32 to index
        %get3A_1124 = arith.constant 48 : index
        %get3A_1125 = tpu.vector_load %arg20[%get3A_1122, %get3A_1123, %get3A_1124] {strides = array<i32>} : memref<2x80x128xf32, #tpu.memory_space<vmem>>, vector<16xf32>,
        %mul3A_1126 = arith.mulf %get3A_1125, %gather3A_825 : vector<16xf32>
        %add3A_1127 = arith.constant 2 : i32
        %add3A_1128 = arith.addi %add3A_801, %add3A_1127 : i32
        %swap3A_1129 = arith.constant 0 : i32
        %swap3A_1130 = arith.index_cast %swap3A_1129 : i32 to index
        %swap3A_1131 = arith.index_cast %add3A_1128 : i32 to index
        %swap3A_1132 = arith.constant 48 : index
        %swap3A_1133 = tpu.vector_load %arg20[%swap3A_1130, %swap3A_1131, %swap3A_1132] {strides = array<i32>} : memref<2x80x128xf32, #tpu.memory_space<vmem>>, vector<16xf32>,
        tpu.vector_store %arg20[%swap3A_1130, %swap3A_1131, %swap3A_1132], %mul3A_1126 {strides = array<i32>} : memref<2x80x128xf32, #tpu.memory_space<vmem>>, vector<16xf32>,
        %add3A_1134 = arith.constant 2 : i32
        %add3A_1135 = arith.addi %add3A_801, %add3A_1134 : i32
        %get3A_1136 = arith.constant 0 : i32
        %get3A_1137 = arith.index_cast %get3A_1136 : i32 to index
        %get3A_1138 = arith.index_cast %add3A_1135 : i32 to index
        %get3A_1139 = arith.constant 64 : index
        %get3A_1140 = tpu.vector_load %arg20[%get3A_1137, %get3A_1138, %get3A_1139] {strides = array<i32>} : memref<2x80x128xf32, #tpu.memory_space<vmem>>, vector<16xf32>,
        %mul3A_1141 = arith.mulf %get3A_1140, %gather3A_825 : vector<16xf32>
        %add3A_1142 = arith.constant 2 : i32
        %add3A_1143 = arith.addi %add3A_801, %add3A_1142 : i32
        %swap3A_1144 = arith.constant 0 : i32
        %swap3A_1145 = arith.index_cast %swap3A_1144 : i32 to index
        %swap3A_1146 = arith.index_cast %add3A_1143 : i32 to index
        %swap3A_1147 = arith.constant 64 : index
        %swap3A_1148 = tpu.vector_load %arg20[%swap3A_1145, %swap3A_1146, %swap3A_1147] {strides = array<i32>} : memref<2x80x128xf32, #tpu.memory_space<vmem>>, vector<16xf32>,
        tpu.vector_store %arg20[%swap3A_1145, %swap3A_1146, %swap3A_1147], %mul3A_1141 {strides = array<i32>} : memref<2x80x128xf32, #tpu.memory_space<vmem>>, vector<16xf32>,
        %add3A_1149 = arith.constant 2 : i32
        %add3A_1150 = arith.addi %add3A_801, %add3A_1149 : i32
        %get3A_1151 = arith.constant 0 : i32
        %get3A_1152 = arith.index_cast %get3A_1151 : i32 to index
        %get3A_1153 = arith.index_cast %add3A_1150 : i32 to index
        %get3A_1154 = arith.constant 80 : index
        %get3A_1155 = tpu.vector_load %arg20[%get3A_1152, %get3A_1153, %get3A_1154] {strides = array<i32>} : memref<2x80x128xf32, #tpu.memory_space<vmem>>, vector<16xf32>,
        %mul3A_1156 = arith.mulf %get3A_1155, %gather3A_825 : vector<16xf32>
        %add3A_1157 = arith.constant 2 : i32
        %add3A_1158 = arith.addi %add3A_801, %add3A_1157 : i32
        %swap3A_1159 = arith.constant 0 : i32
        %swap3A_1160 = arith.index_cast %swap3A_1159 : i32 to index
        %swap3A_1161 = arith.index_cast %add3A_1158 : i32 to index
        %swap3A_1162 = arith.constant 80 : index
        %swap3A_1163 = tpu.vector_load %arg20[%swap3A_1160, %swap3A_1161, %swap3A_1162] {strides = array<i32>} : memref<2x80x128xf32, #tpu.memory_space<vmem>>, vector<16xf32>,
        tpu.vector_store %arg20[%swap3A_1160, %swap3A_1161, %swap3A_1162], %mul3A_1156 {strides = array<i32>} : memref<2x80x128xf32, #tpu.memory_space<vmem>>, vector<16xf32>,
        %add3A_1164 = arith.constant 2 : i32
        %add3A_1165 = arith.addi %add3A_801, %add3A_1164 : i32
        %get3A_1166 = arith.constant 0 : i32
        %get3A_1167 = arith.index_cast %get3A_1166 : i32 to index
        %get3A_1168 = arith.index_cast %add3A_1165 : i32 to index
        %get3A_1169 = arith.constant 96 : index
        %get3A_1170 = tpu.vector_load %arg20[%get3A_1167, %get3A_1168, %get3A_1169] {strides = array<i32>} : memref<2x80x128xf32, #tpu.memory_space<vmem>>, vector<16xf32>,
        %mul3A_1171 = arith.mulf %get3A_1170, %gather3A_825 : vector<16xf32>
        %add3A_1172 = arith.constant 2 : i32
        %add3A_1173 = arith.addi %add3A_801, %add3A_1172 : i32
        %swap3A_1174 = arith.constant 0 : i32
        %swap3A_1175 = arith.index_cast %swap3A_1174 : i32 to index
        %swap3A_1176 = arith.index_cast %add3A_1173 : i32 to index
        %swap3A_1177 = arith.constant 96 : index
        %swap3A_1178 = tpu.vector_load %arg20[%swap3A_1175, %swap3A_1176, %swap3A_1177] {strides = array<i32>} : memref<2x80x128xf32, #tpu.memory_space<vmem>>, vector<16xf32>,
        tpu.vector_store %arg20[%swap3A_1175, %swap3A_1176, %swap3A_1177], %mul3A_1171 {strides = array<i32>} : memref<2x80x128xf32, #tpu.memory_space<vmem>>, vector<16xf32>,
        %add3A_1179 = arith.constant 2 : i32
        %add3A_1180 = arith.addi %add3A_801, %add3A_1179 : i32
        %get3A_1181 = arith.constant 0 : i32
        %get3A_1182 = arith.index_cast %get3A_1181 : i32 to index
        %get3A_1183 = arith.index_cast %add3A_1180 : i32 to index
        %get3A_1184 = arith.constant 112 : index
        %get3A_1185 = tpu.vector_load %arg20[%get3A_1182, %get3A_1183, %get3A_1184] {strides = array<i32>} : memref<2x80x128xf32, #tpu.memory_space<vmem>>, vector<16xf32>,
        %mul3A_1186 = arith.mulf %get3A_1185, %gather3A_825 : vector<16xf32>
        %add3A_1187 = arith.constant 2 : i32
        %add3A_1188 = arith.addi %add3A_801, %add3A_1187 : i32
        %swap3A_1189 = arith.constant 0 : i32
        %swap3A_1190 = arith.index_cast %swap3A_1189 : i32 to index
        %swap3A_1191 = arith.index_cast %add3A_1188 : i32 to index
        %swap3A_1192 = arith.constant 112 : index
        %swap3A_1193 = tpu.vector_load %arg20[%swap3A_1190, %swap3A_1191, %swap3A_1192] {strides = array<i32>} : memref<2x80x128xf32, #tpu.memory_space<vmem>>, vector<16xf32>,
        tpu.vector_store %arg20[%swap3A_1190, %swap3A_1191, %swap3A_1192], %mul3A_1186 {strides = array<i32>} : memref<2x80x128xf32, #tpu.memory_space<vmem>>, vector<16xf32>,
        %add3A_1194 = arith.constant 3 : i32
        %add3A_1195 = arith.addi %add3A_801, %add3A_1194 : i32
        %get3A_1196 = arith.constant 0 : i32
        %get3A_1197 = arith.index_cast %get3A_1196 : i32 to index
        %get3A_1198 = arith.index_cast %add3A_1195 : i32 to index
        %get3A_1199 = arith.constant 0 : index
        %get3A_1200 = tpu.vector_load %arg20[%get3A_1197, %get3A_1198, %get3A_1199] {strides = array<i32>} : memref<2x80x128xf32, #tpu.memory_space<vmem>>, vector<16xf32>,
        %mul3A_1201 = arith.mulf %get3A_1200, %gather3A_833 : vector<16xf32>
        %add3A_1202 = arith.constant 3 : i32
        %add3A_1203 = arith.addi %add3A_801, %add3A_1202 : i32
        %swap3A_1204 = arith.constant 0 : i32
        %swap3A_1205 = arith.index_cast %swap3A_1204 : i32 to index
        %swap3A_1206 = arith.index_cast %add3A_1203 : i32 to index
        %swap3A_1207 = arith.constant 0 : index
        %swap3A_1208 = tpu.vector_load %arg20[%swap3A_1205, %swap3A_1206, %swap3A_1207] {strides = array<i32>} : memref<2x80x128xf32, #tpu.memory_space<vmem>>, vector<16xf32>,
        tpu.vector_store %arg20[%swap3A_1205, %swap3A_1206, %swap3A_1207], %mul3A_1201 {strides = array<i32>} : memref<2x80x128xf32, #tpu.memory_space<vmem>>, vector<16xf32>,
        %add3A_1209 = arith.constant 3 : i32
        %add3A_1210 = arith.addi %add3A_801, %add3A_1209 : i32
        %get3A_1211 = arith.constant 0 : i32
        %get3A_1212 = arith.index_cast %get3A_1211 : i32 to index
        %get3A_1213 = arith.index_cast %add3A_1210 : i32 to index
        %get3A_1214 = arith.constant 16 : index
        %get3A_1215 = tpu.vector_load %arg20[%get3A_1212, %get3A_1213, %get3A_1214] {strides = array<i32>} : memref<2x80x128xf32, #tpu.memory_space<vmem>>, vector<16xf32>,
        %mul3A_1216 = arith.mulf %get3A_1215, %gather3A_833 : vector<16xf32>
        %add3A_1217 = arith.constant 3 : i32
        %add3A_1218 = arith.addi %add3A_801, %add3A_1217 : i32
        %swap3A_1219 = arith.constant 0 : i32
        %swap3A_1220 = arith.index_cast %swap3A_1219 : i32 to index
        %swap3A_1221 = arith.index_cast %add3A_1218 : i32 to index
        %swap3A_1222 = arith.constant 16 : index
        %swap3A_1223 = tpu.vector_load %arg20[%swap3A_1220, %swap3A_1221, %swap3A_1222] {strides = array<i32>} : memref<2x80x128xf32, #tpu.memory_space<vmem>>, vector<16xf32>,
        tpu.vector_store %arg20[%swap3A_1220, %swap3A_1221, %swap3A_1222], %mul3A_1216 {strides = array<i32>} : memref<2x80x128xf32, #tpu.memory_space<vmem>>, vector<16xf32>,
        %add3A_1224 = arith.constant 3 : i32
        %add3A_1225 = arith.addi %add3A_801, %add3A_1224 : i32
        %get3A_1226 = arith.constant 0 : i32
        %get3A_1227 = arith.index_cast %get3A_1226 : i32 to index
        %get3A_1228 = arith.index_cast %add3A_1225 : i32 to index
        %get3A_1229 = arith.constant 32 : index
        %get3A_1230 = tpu.vector_load %arg20[%get3A_1227, %get3A_1228, %get3A_1229] {strides = array<i32>} : memref<2x80x128xf32, #tpu.memory_space<vmem>>, vector<16xf32>,
        %mul3A_1231 = arith.mulf %get3A_1230, %gather3A_833 : vector<16xf32>
        %add3A_1232 = arith.constant 3 : i32
        %add3A_1233 = arith.addi %add3A_801, %add3A_1232 : i32
        %swap3A_1234 = arith.constant 0 : i32
        %swap3A_1235 = arith.index_cast %swap3A_1234 : i32 to index
        %swap3A_1236 = arith.index_cast %add3A_1233 : i32 to index
        %swap3A_1237 = arith.constant 32 : index
        %swap3A_1238 = tpu.vector_load %arg20[%swap3A_1235, %swap3A_1236, %swap3A_1237] {strides = array<i32>} : memref<2x80x128xf32, #tpu.memory_space<vmem>>, vector<16xf32>,
        tpu.vector_store %arg20[%swap3A_1235, %swap3A_1236, %swap3A_1237], %mul3A_1231 {strides = array<i32>} : memref<2x80x128xf32, #tpu.memory_space<vmem>>, vector<16xf32>,
        %add3A_1239 = arith.constant 3 : i32
        %add3A_1240 = arith.addi %add3A_801, %add3A_1239 : i32
        %get3A_1241 = arith.constant 0 : i32
        %get3A_1242 = arith.index_cast %get3A_1241 : i32 to index
        %get3A_1243 = arith.index_cast %add3A_1240 : i32 to index
        %get3A_1244 = arith.constant 48 : index
        %get3A_1245 = tpu.vector_load %arg20[%get3A_1242, %get3A_1243, %get3A_1244] {strides = array<i32>} : memref<2x80x128xf32, #tpu.memory_space<vmem>>, vector<16xf32>,
        %mul3A_1246 = arith.mulf %get3A_1245, %gather3A_833 : vector<16xf32>
        %add3A_1247 = arith.constant 3 : i32
        %add3A_1248 = arith.addi %add3A_801, %add3A_1247 : i32
        %swap3A_1249 = arith.constant 0 : i32
        %swap3A_1250 = arith.index_cast %swap3A_1249 : i32 to index
        %swap3A_1251 = arith.index_cast %add3A_1248 : i32 to index
        %swap3A_1252 = arith.constant 48 : index
        %swap3A_1253 = tpu.vector_load %arg20[%swap3A_1250, %swap3A_1251, %swap3A_1252] {strides = array<i32>} : memref<2x80x128xf32, #tpu.memory_space<vmem>>, vector<16xf32>,
        tpu.vector_store %arg20[%swap3A_1250, %swap3A_1251, %swap3A_1252], %mul3A_1246 {strides = array<i32>} : memref<2x80x128xf32, #tpu.memory_space<vmem>>, vector<16xf32>,
        %add3A_1254 = arith.constant 3 : i32
        %add3A_1255 = arith.addi %add3A_801, %add3A_1254 : i32
        %get3A_1256 = arith.constant 0 : i32
        %get3A_1257 = arith.index_cast %get3A_1256 : i32 to index
        %get3A_1258 = arith.index_cast %add3A_1255 : i32 to index
        %get3A_1259 = arith.constant 64 : index
        %get3A_1260 = tpu.vector_load %arg20[%get3A_1257, %get3A_1258, %get3A_1259] {strides = array<i32>} : memref<2x80x128xf32, #tpu.memory_space<vmem>>, vector<16xf32>,
        %mul3A_1261 = arith.mulf %get3A_1260, %gather3A_833 : vector<16xf32>
        %add3A_1262 = arith.constant 3 : i32
        %add3A_1263 = arith.addi %add3A_801, %add3A_1262 : i32
        %swap3A_1264 = arith.constant 0 : i32
        %swap3A_1265 = arith.index_cast %swap3A_1264 : i32 to index
        %swap3A_1266 = arith.index_cast %add3A_1263 : i32 to index
        %swap3A_1267 = arith.constant 64 : index
        %swap3A_1268 = tpu.vector_load %arg20[%swap3A_1265, %swap3A_1266, %swap3A_1267] {strides = array<i32>} : memref<2x80x128xf32, #tpu.memory_space<vmem>>, vector<16xf32>,
        tpu.vector_store %arg20[%swap3A_1265, %swap3A_1266, %swap3A_1267], %mul3A_1261 {strides = array<i32>} : memref<2x80x128xf32, #tpu.memory_space<vmem>>, vector<16xf32>,
        %add3A_1269 = arith.constant 3 : i32
        %add3A_1270 = arith.addi %add3A_801, %add3A_1269 : i32
        %get3A_1271 = arith.constant 0 : i32
        %get3A_1272 = arith.index_cast %get3A_1271 : i32 to index
        %get3A_1273 = arith.index_cast %add3A_1270 : i32 to index
        %get3A_1274 = arith.constant 80 : index
        %get3A_1275 = tpu.vector_load %arg20[%get3A_1272, %get3A_1273, %get3A_1274] {strides = array<i32>} : memref<2x80x128xf32, #tpu.memory_space<vmem>>, vector<16xf32>,
        %mul3A_1276 = arith.mulf %get3A_1275, %gather3A_833 : vector<16xf32>
        %add3A_1277 = arith.constant 3 : i32
        %add3A_1278 = arith.addi %add3A_801, %add3A_1277 : i32
        %swap3A_1279 = arith.constant 0 : i32
        %swap3A_1280 = arith.index_cast %swap3A_1279 : i32 to index
        %swap3A_1281 = arith.index_cast %add3A_1278 : i32 to index
        %swap3A_1282 = arith.constant 80 : index
        %swap3A_1283 = tpu.vector_load %arg20[%swap3A_1280, %swap3A_1281, %swap3A_1282] {strides = array<i32>} : memref<2x80x128xf32, #tpu.memory_space<vmem>>, vector<16xf32>,
        tpu.vector_store %arg20[%swap3A_1280, %swap3A_1281, %swap3A_1282], %mul3A_1276 {strides = array<i32>} : memref<2x80x128xf32, #tpu.memory_space<vmem>>, vector<16xf32>,
        %add3A_1284 = arith.constant 3 : i32
        %add3A_1285 = arith.addi %add3A_801, %add3A_1284 : i32
        %get3A_1286 = arith.constant 0 : i32
        %get3A_1287 = arith.index_cast %get3A_1286 : i32 to index
        %get3A_1288 = arith.index_cast %add3A_1285 : i32 to index
        %get3A_1289 = arith.constant 96 : index
        %get3A_1290 = tpu.vector_load %arg20[%get3A_1287, %get3A_1288, %get3A_1289] {strides = array<i32>} : memref<2x80x128xf32, #tpu.memory_space<vmem>>, vector<16xf32>,
        %mul3A_1291 = arith.mulf %get3A_1290, %gather3A_833 : vector<16xf32>
        %add3A_1292 = arith.constant 3 : i32
        %add3A_1293 = arith.addi %add3A_801, %add3A_1292 : i32
        %swap3A_1294 = arith.constant 0 : i32
        %swap3A_1295 = arith.index_cast %swap3A_1294 : i32 to index
        %swap3A_1296 = arith.index_cast %add3A_1293 : i32 to index
        %swap3A_1297 = arith.constant 96 : index
        %swap3A_1298 = tpu.vector_load %arg20[%swap3A_1295, %swap3A_1296, %swap3A_1297] {strides = array<i32>} : memref<2x80x128xf32, #tpu.memory_space<vmem>>, vector<16xf32>,
        tpu.vector_store %arg20[%swap3A_1295, %swap3A_1296, %swap3A_1297], %mul3A_1291 {strides = array<i32>} : memref<2x80x128xf32, #tpu.memory_space<vmem>>, vector<16xf32>,
        %add3A_1299 = arith.constant 3 : i32
        %add3A_1300 = arith.addi %add3A_801, %add3A_1299 : i32
        %get3A_1301 = arith.constant 0 : i32
        %get3A_1302 = arith.index_cast %get3A_1301 : i32 to index
        %get3A_1303 = arith.index_cast %add3A_1300 : i32 to index
        %get3A_1304 = arith.constant 112 : index
        %get3A_1305 = tpu.vector_load %arg20[%get3A_1302, %get3A_1303, %get3A_1304] {strides = array<i32>} : memref<2x80x128xf32, #tpu.memory_space<vmem>>, vector<16xf32>,
        %mul3A_1306 = arith.mulf %get3A_1305, %gather3A_833 : vector<16xf32>
        %add3A_1307 = arith.constant 3 : i32
        %add3A_1308 = arith.addi %add3A_801, %add3A_1307 : i32
        %swap3A_1309 = arith.constant 0 : i32
        %swap3A_1310 = arith.index_cast %swap3A_1309 : i32 to index
        %swap3A_1311 = arith.index_cast %add3A_1308 : i32 to index
        %swap3A_1312 = arith.constant 112 : index
        %swap3A_1313 = tpu.vector_load %arg20[%swap3A_1310, %swap3A_1311, %swap3A_1312] {strides = array<i32>} : memref<2x80x128xf32, #tpu.memory_space<vmem>>, vector<16xf32>,
        tpu.vector_store %arg20[%swap3A_1310, %swap3A_1311, %swap3A_1312], %mul3A_1306 {strides = array<i32>} : memref<2x80x128xf32, #tpu.memory_space<vmem>>, vector<16xf32>,
      }
      %scan3A_444 = arith.constant 20 : i32
      %dma_start3A_445 = arith.constant 0 : i32
      %dma_start3A_446 = arith.constant 0 : i32
      %dma_start3A_447 = arith.constant 0 : i32
      %dma_start3A_448 = arith.constant 0 : i32
      %dma_start3A_449 = tpu.memref_slice %arg20[%dma_start3A_445, %dma_start3A_447, %dma_start3A_448] : memref<2x80x128xf32, #tpu.memory_space<vmem>> -> memref<1x80x128xf32, #tpu.memory_space<vmem>>
      %dma_start3A_450 = tpu.memref_squeeze %dma_start3A_449 : memref<1x80x128xf32, #tpu.memory_space<vmem>> -> memref<80x128xf32, #tpu.memory_space<vmem>>
      %dma_start3A_451 = arith.constant 0 : i32
      %dma_start3A_452 = tpu.memref_slice %arg19[%dma_start3A_446, %dma_start3A_451] : memref<2x80xi32, #tpu.memory_space<vmem>> -> memref<1x80xi32, #tpu.memory_space<vmem>>
      %dma_start3A_453 = tpu.memref_squeeze %dma_start3A_452 : memref<1x80xi32, #tpu.memory_space<vmem>> -> memref<80xi32, #tpu.memory_space<vmem>>
      %dma_start3A_454 = arith.constant 0 : i32
      %dma_start3A_455 = arith.constant 0 : i32
      %dma_start3A_456 = tpu.memref_slice %arg10[%dma_start3A_454, %dma_start3A_455] : memref<10240x128xf32, #tpu.memory_space<vmem_shared>> -> memref<10240x128xf32, #tpu.memory_space<vmem_shared>>
      tpu.enqueue_indirect_dma source(%dma_start3A_450 : memref<80x128xf32, #tpu.memory_space<vmem>>) target(%dma_start3A_456 : memref<10240x128xf32, #tpu.memory_space<vmem_shared>>) offsets(%dma_start3A_453 : memref<80xi32, #tpu.memory_space<vmem>>) semaphore(%arg23 : memref<!tpu.dma_semaphore, #tpu.memory_space<semaphore_mem>>) {add = true}
      %dma_start3A_457 = arith.constant 0 : i32
      %dma_start3A_458 = arith.constant 0 : i32
      %dma_start3A_459 = arith.constant 0 : i32
      %dma_start3A_460 = tpu.memref_slice %arg17[%dma_start3A_457, %dma_start3A_459] : memref<2x80xf32, #tpu.memory_space<vmem>> -> memref<1x80xf32, #tpu.memory_space<vmem>>
      %dma_start3A_461 = tpu.memref_squeeze %dma_start3A_460 : memref<1x80xf32, #tpu.memory_space<vmem>> -> memref<80xf32, #tpu.memory_space<vmem>>
      %dma_start3A_462 = arith.constant 0 : i32
      %dma_start3A_463 = tpu.memref_slice %arg19[%dma_start3A_458, %dma_start3A_462] : memref<2x80xi32, #tpu.memory_space<vmem>> -> memref<1x80xi32, #tpu.memory_space<vmem>>
      %dma_start3A_464 = tpu.memref_squeeze %dma_start3A_463 : memref<1x80xi32, #tpu.memory_space<vmem>> -> memref<80xi32, #tpu.memory_space<vmem>>
      %dma_start3A_465 = arith.constant 0 : i32
      %dma_start3A_466 = tpu.memref_slice %arg11[%dma_start3A_465] : memref<10240xf32, #tpu.memory_space<vmem_shared>> -> memref<10240xf32, #tpu.memory_space<vmem_shared>>
      tpu.enqueue_indirect_dma source(%dma_start3A_461 : memref<80xf32, #tpu.memory_space<vmem>>) target(%dma_start3A_466 : memref<10240xf32, #tpu.memory_space<vmem_shared>>) offsets(%dma_start3A_464 : memref<80xi32, #tpu.memory_space<vmem>>) semaphore(%arg25 : memref<!tpu.dma_semaphore, #tpu.memory_space<semaphore_mem>>) {add = true}
      %dma_wait3A_467 = arith.constant 1 : i32
      %dma_wait3A_468 = arith.constant 0 : i32
      %dma_wait3A_469 = arith.constant 0 : i32
      %dma_wait3A_470 = tpu.memref_slice %arg20[%dma_wait3A_467, %dma_wait3A_468, %dma_wait3A_469] : memref<2x80x128xf32, #tpu.memory_space<vmem>> -> memref<1x80x128xf32, #tpu.memory_space<vmem>>
      %dma_wait3A_471 = tpu.memref_squeeze %dma_wait3A_470 : memref<1x80x128xf32, #tpu.memory_space<vmem>> -> memref<80x128xf32, #tpu.memory_space<vmem>>
      %dma_wait3A_472 = arith.constant 0 : i32
      %dma_wait3A_473 = tpu.memref_slice %arg15[%dma_wait3A_472] : memref<2000xi32, #tpu.memory_space<vmem>> -> memref<80xi32, #tpu.memory_space<vmem>>
      %dma_wait3A_474 = arith.constant 0 : i32
      %dma_wait3A_475 = arith.constant 0 : i32
      %dma_wait3A_476 = tpu.memref_slice %arg2[%dma_wait3A_474, %dma_wait3A_475] : memref<10000x128xf32, #tpu.memory_space<hbm>> -> memref<10000x128xf32, #tpu.memory_space<hbm>>
      tpu.wait_indirect_dma semaphore(%arg22 : memref<!tpu.dma_semaphore, #tpu.memory_space<semaphore_mem>>) src(%dma_wait3A_476 : memref<10000x128xf32, #tpu.memory_space<hbm>>) dst(%dma_wait3A_471 : memref<80x128xf32, #tpu.memory_space<vmem>>)
      %scan3A_477 = arith.constant 0 : i32
      %scan3A_478 = arith.constant 20 : i32
      %scan3A_479 = arith.addi %scan3A_477, %scan3A_478 : i32
      %scan3A_480 = arith.constant 1 : i32
      scf.for %scan3A_797 = %scan3A_477 to %scan3A_479 step %scan3A_480  : i32 {
        %mul3A_798 = arith.constant 4 : i32
        %mul3A_799 = arith.muli %scan3A_797, %mul3A_798 : i32
        %add3A_800 = arith.constant 0 : i32
        %add3A_801 = arith.addi %add3A_800, %mul3A_799 : i32
        %add3A_802 = arith.constant 0 : i32
        %add3A_803 = arith.addi %add3A_801, %add3A_802 : i32
        %broadcast_in_dim3A_804 = vector.broadcast %add3A_803 : i32 to vector<16xi32>
        %gather3A_805 = arith.constant 1 : i32
        %gather3A_806 = arith.constant 0 : i32
        %gather3A_807 = tpu.memref_slice %arg18[%gather3A_805, %gather3A_806] : memref<2x80xf32, #tpu.memory_space<vmem>> -> memref<1x80xf32, #tpu.memory_space<vmem>>
        %gather3A_808 = tpu.memref_squeeze %gather3A_807 : memref<1x80xf32, #tpu.memory_space<vmem>> -> memref<80xf32, #tpu.memory_space<vmem>>
        %gather3A_809 = tpu.vector_load_idx %gather3A_808[%broadcast_in_dim3A_804] : memref<80xf32, #tpu.memory_space<vmem>>[vector<16xi32>], vector<16xf32>,
        %add3A_810 = arith.constant 1 : i32
        %add3A_811 = arith.addi %add3A_801, %add3A_810 : i32
        %broadcast_in_dim3A_812 = vector.broadcast %add3A_811 : i32 to vector<16xi32>
        %gather3A_813 = arith.constant 1 : i32
        %gather3A_814 = arith.constant 0 : i32
        %gather3A_815 = tpu.memref_slice %arg18[%gather3A_813, %gather3A_814] : memref<2x80xf32, #tpu.memory_space<vmem>> -> memref<1x80xf32, #tpu.memory_space<vmem>>
        %gather3A_816 = tpu.memref_squeeze %gather3A_815 : memref<1x80xf32, #tpu.memory_space<vmem>> -> memref<80xf32, #tpu.memory_space<vmem>>
        %gather3A_817 = tpu.vector_load_idx %gather3A_816[%broadcast_in_dim3A_812] : memref<80xf32, #tpu.memory_space<vmem>>[vector<16xi32>], vector<16xf32>,
        %add3A_818 = arith.constant 2 : i32
        %add3A_819 = arith.addi %add3A_801, %add3A_818 : i32
        %broadcast_in_dim3A_820 = vector.broadcast %add3A_819 : i32 to vector<16xi32>
        %gather3A_821 = arith.constant 1 : i32
        %gather3A_822 = arith.constant 0 : i32
        %gather3A_823 = tpu.memref_slice %arg18[%gather3A_821, %gather3A_822] : memref<2x80xf32, #tpu.memory_space<vmem>> -> memref<1x80xf32, #tpu.memory_space<vmem>>
        %gather3A_824 = tpu.memref_squeeze %gather3A_823 : memref<1x80xf32, #tpu.memory_space<vmem>> -> memref<80xf32, #tpu.memory_space<vmem>>
        %gather3A_825 = tpu.vector_load_idx %gather3A_824[%broadcast_in_dim3A_820] : memref<80xf32, #tpu.memory_space<vmem>>[vector<16xi32>], vector<16xf32>,
        %add3A_826 = arith.constant 3 : i32
        %add3A_827 = arith.addi %add3A_801, %add3A_826 : i32
        %broadcast_in_dim3A_828 = vector.broadcast %add3A_827 : i32 to vector<16xi32>
        %gather3A_829 = arith.constant 1 : i32
        %gather3A_830 = arith.constant 0 : i32
        %gather3A_831 = tpu.memref_slice %arg18[%gather3A_829, %gather3A_830] : memref<2x80xf32, #tpu.memory_space<vmem>> -> memref<1x80xf32, #tpu.memory_space<vmem>>
        %gather3A_832 = tpu.memref_squeeze %gather3A_831 : memref<1x80xf32, #tpu.memory_space<vmem>> -> memref<80xf32, #tpu.memory_space<vmem>>
        %gather3A_833 = tpu.vector_load_idx %gather3A_832[%broadcast_in_dim3A_828] : memref<80xf32, #tpu.memory_space<vmem>>[vector<16xi32>], vector<16xf32>,
        %add3A_834 = arith.constant 0 : i32
        %add3A_835 = arith.addi %add3A_801, %add3A_834 : i32
        %get3A_836 = arith.constant 1 : i32
        %get3A_837 = arith.index_cast %get3A_836 : i32 to index
        %get3A_838 = arith.index_cast %add3A_835 : i32 to index
        %get3A_839 = arith.constant 0 : index
        %get3A_840 = tpu.vector_load %arg20[%get3A_837, %get3A_838, %get3A_839] {strides = array<i32>} : memref<2x80x128xf32, #tpu.memory_space<vmem>>, vector<16xf32>,
        %mul3A_841 = arith.mulf %get3A_840, %gather3A_809 : vector<16xf32>
        %add3A_842 = arith.constant 0 : i32
        %add3A_843 = arith.addi %add3A_801, %add3A_842 : i32
        %swap3A_844 = arith.constant 1 : i32
        %swap3A_845 = arith.index_cast %swap3A_844 : i32 to index
        %swap3A_846 = arith.index_cast %add3A_843 : i32 to index
        %swap3A_847 = arith.constant 0 : index
        %swap3A_848 = tpu.vector_load %arg20[%swap3A_845, %swap3A_846, %swap3A_847] {strides = array<i32>} : memref<2x80x128xf32, #tpu.memory_space<vmem>>, vector<16xf32>,
        tpu.vector_store %arg20[%swap3A_845, %swap3A_846, %swap3A_847], %mul3A_841 {strides = array<i32>} : memref<2x80x128xf32, #tpu.memory_space<vmem>>, vector<16xf32>,
        %add3A_849 = arith.constant 0 : i32
        %add3A_850 = arith.addi %add3A_801, %add3A_849 : i32
        %get3A_851 = arith.constant 1 : i32
        %get3A_852 = arith.index_cast %get3A_851 : i32 to index
        %get3A_853 = arith.index_cast %add3A_850 : i32 to index
        %get3A_854 = arith.constant 16 : index
        %get3A_855 = tpu.vector_load %arg20[%get3A_852, %get3A_853, %get3A_854] {strides = array<i32>} : memref<2x80x128xf32, #tpu.memory_space<vmem>>, vector<16xf32>,
        %mul3A_856 = arith.mulf %get3A_855, %gather3A_809 : vector<16xf32>
        %add3A_857 = arith.constant 0 : i32
        %add3A_858 = arith.addi %add3A_801, %add3A_857 : i32
        %swap3A_859 = arith.constant 1 : i32
        %swap3A_860 = arith.index_cast %swap3A_859 : i32 to index
        %swap3A_861 = arith.index_cast %add3A_858 : i32 to index
        %swap3A_862 = arith.constant 16 : index
        %swap3A_863 = tpu.vector_load %arg20[%swap3A_860, %swap3A_861, %swap3A_862] {strides = array<i32>} : memref<2x80x128xf32, #tpu.memory_space<vmem>>, vector<16xf32>,
        tpu.vector_store %arg20[%swap3A_860, %swap3A_861, %swap3A_862], %mul3A_856 {strides = array<i32>} : memref<2x80x128xf32, #tpu.memory_space<vmem>>, vector<16xf32>,
        %add3A_864 = arith.constant 0 : i32
        %add3A_865 = arith.addi %add3A_801, %add3A_864 : i32
        %get3A_866 = arith.constant 1 : i32
        %get3A_867 = arith.index_cast %get3A_866 : i32 to index
        %get3A_868 = arith.index_cast %add3A_865 : i32 to index
        %get3A_869 = arith.constant 32 : index
        %get3A_870 = tpu.vector_load %arg20[%get3A_867, %get3A_868, %get3A_869] {strides = array<i32>} : memref<2x80x128xf32, #tpu.memory_space<vmem>>, vector<16xf32>,
        %mul3A_871 = arith.mulf %get3A_870, %gather3A_809 : vector<16xf32>
        %add3A_872 = arith.constant 0 : i32
        %add3A_873 = arith.addi %add3A_801, %add3A_872 : i32
        %swap3A_874 = arith.constant 1 : i32
        %swap3A_875 = arith.index_cast %swap3A_874 : i32 to index
        %swap3A_876 = arith.index_cast %add3A_873 : i32 to index
        %swap3A_877 = arith.constant 32 : index
        %swap3A_878 = tpu.vector_load %arg20[%swap3A_875, %swap3A_876, %swap3A_877] {strides = array<i32>} : memref<2x80x128xf32, #tpu.memory_space<vmem>>, vector<16xf32>,
        tpu.vector_store %arg20[%swap3A_875, %swap3A_876, %swap3A_877], %mul3A_871 {strides = array<i32>} : memref<2x80x128xf32, #tpu.memory_space<vmem>>, vector<16xf32>,
        %add3A_879 = arith.constant 0 : i32
        %add3A_880 = arith.addi %add3A_801, %add3A_879 : i32
        %get3A_881 = arith.constant 1 : i32
        %get3A_882 = arith.index_cast %get3A_881 : i32 to index
        %get3A_883 = arith.index_cast %add3A_880 : i32 to index
        %get3A_884 = arith.constant 48 : index
        %get3A_885 = tpu.vector_load %arg20[%get3A_882, %get3A_883, %get3A_884] {strides = array<i32>} : memref<2x80x128xf32, #tpu.memory_space<vmem>>, vector<16xf32>,
        %mul3A_886 = arith.mulf %get3A_885, %gather3A_809 : vector<16xf32>
        %add3A_887 = arith.constant 0 : i32
        %add3A_888 = arith.addi %add3A_801, %add3A_887 : i32
        %swap3A_889 = arith.constant 1 : i32
        %swap3A_890 = arith.index_cast %swap3A_889 : i32 to index
        %swap3A_891 = arith.index_cast %add3A_888 : i32 to index
        %swap3A_892 = arith.constant 48 : index
        %swap3A_893 = tpu.vector_load %arg20[%swap3A_890, %swap3A_891, %swap3A_892] {strides = array<i32>} : memref<2x80x128xf32, #tpu.memory_space<vmem>>, vector<16xf32>,
        tpu.vector_store %arg20[%swap3A_890, %swap3A_891, %swap3A_892], %mul3A_886 {strides = array<i32>} : memref<2x80x128xf32, #tpu.memory_space<vmem>>, vector<16xf32>,
        %add3A_894 = arith.constant 0 : i32
        %add3A_895 = arith.addi %add3A_801, %add3A_894 : i32
        %get3A_896 = arith.constant 1 : i32
        %get3A_897 = arith.index_cast %get3A_896 : i32 to index
        %get3A_898 = arith.index_cast %add3A_895 : i32 to index
        %get3A_899 = arith.constant 64 : index
        %get3A_900 = tpu.vector_load %arg20[%get3A_897, %get3A_898, %get3A_899] {strides = array<i32>} : memref<2x80x128xf32, #tpu.memory_space<vmem>>, vector<16xf32>,
        %mul3A_901 = arith.mulf %get3A_900, %gather3A_809 : vector<16xf32>
        %add3A_902 = arith.constant 0 : i32
        %add3A_903 = arith.addi %add3A_801, %add3A_902 : i32
        %swap3A_904 = arith.constant 1 : i32
        %swap3A_905 = arith.index_cast %swap3A_904 : i32 to index
        %swap3A_906 = arith.index_cast %add3A_903 : i32 to index
        %swap3A_907 = arith.constant 64 : index
        %swap3A_908 = tpu.vector_load %arg20[%swap3A_905, %swap3A_906, %swap3A_907] {strides = array<i32>} : memref<2x80x128xf32, #tpu.memory_space<vmem>>, vector<16xf32>,
        tpu.vector_store %arg20[%swap3A_905, %swap3A_906, %swap3A_907], %mul3A_901 {strides = array<i32>} : memref<2x80x128xf32, #tpu.memory_space<vmem>>, vector<16xf32>,
        %add3A_909 = arith.constant 0 : i32
        %add3A_910 = arith.addi %add3A_801, %add3A_909 : i32
        %get3A_911 = arith.constant 1 : i32
        %get3A_912 = arith.index_cast %get3A_911 : i32 to index
        %get3A_913 = arith.index_cast %add3A_910 : i32 to index
        %get3A_914 = arith.constant 80 : index
        %get3A_915 = tpu.vector_load %arg20[%get3A_912, %get3A_913, %get3A_914] {strides = array<i32>} : memref<2x80x128xf32, #tpu.memory_space<vmem>>, vector<16xf32>,
        %mul3A_916 = arith.mulf %get3A_915, %gather3A_809 : vector<16xf32>
        %add3A_917 = arith.constant 0 : i32
        %add3A_918 = arith.addi %add3A_801, %add3A_917 : i32
        %swap3A_919 = arith.constant 1 : i32
        %swap3A_920 = arith.index_cast %swap3A_919 : i32 to index
        %swap3A_921 = arith.index_cast %add3A_918 : i32 to index
        %swap3A_922 = arith.constant 80 : index
        %swap3A_923 = tpu.vector_load %arg20[%swap3A_920, %swap3A_921, %swap3A_922] {strides = array<i32>} : memref<2x80x128xf32, #tpu.memory_space<vmem>>, vector<16xf32>,
        tpu.vector_store %arg20[%swap3A_920, %swap3A_921, %swap3A_922], %mul3A_916 {strides = array<i32>} : memref<2x80x128xf32, #tpu.memory_space<vmem>>, vector<16xf32>,
        %add3A_924 = arith.constant 0 : i32
        %add3A_925 = arith.addi %add3A_801, %add3A_924 : i32
        %get3A_926 = arith.constant 1 : i32
        %get3A_927 = arith.index_cast %get3A_926 : i32 to index
        %get3A_928 = arith.index_cast %add3A_925 : i32 to index
        %get3A_929 = arith.constant 96 : index
        %get3A_930 = tpu.vector_load %arg20[%get3A_927, %get3A_928, %get3A_929] {strides = array<i32>} : memref<2x80x128xf32, #tpu.memory_space<vmem>>, vector<16xf32>,
        %mul3A_931 = arith.mulf %get3A_930, %gather3A_809 : vector<16xf32>
        %add3A_932 = arith.constant 0 : i32
        %add3A_933 = arith.addi %add3A_801, %add3A_932 : i32
        %swap3A_934 = arith.constant 1 : i32
        %swap3A_935 = arith.index_cast %swap3A_934 : i32 to index
        %swap3A_936 = arith.index_cast %add3A_933 : i32 to index
        %swap3A_937 = arith.constant 96 : index
        %swap3A_938 = tpu.vector_load %arg20[%swap3A_935, %swap3A_936, %swap3A_937] {strides = array<i32>} : memref<2x80x128xf32, #tpu.memory_space<vmem>>, vector<16xf32>,
        tpu.vector_store %arg20[%swap3A_935, %swap3A_936, %swap3A_937], %mul3A_931 {strides = array<i32>} : memref<2x80x128xf32, #tpu.memory_space<vmem>>, vector<16xf32>,
        %add3A_939 = arith.constant 0 : i32
        %add3A_940 = arith.addi %add3A_801, %add3A_939 : i32
        %get3A_941 = arith.constant 1 : i32
        %get3A_942 = arith.index_cast %get3A_941 : i32 to index
        %get3A_943 = arith.index_cast %add3A_940 : i32 to index
        %get3A_944 = arith.constant 112 : index
        %get3A_945 = tpu.vector_load %arg20[%get3A_942, %get3A_943, %get3A_944] {strides = array<i32>} : memref<2x80x128xf32, #tpu.memory_space<vmem>>, vector<16xf32>,
        %mul3A_946 = arith.mulf %get3A_945, %gather3A_809 : vector<16xf32>
        %add3A_947 = arith.constant 0 : i32
        %add3A_948 = arith.addi %add3A_801, %add3A_947 : i32
        %swap3A_949 = arith.constant 1 : i32
        %swap3A_950 = arith.index_cast %swap3A_949 : i32 to index
        %swap3A_951 = arith.index_cast %add3A_948 : i32 to index
        %swap3A_952 = arith.constant 112 : index
        %swap3A_953 = tpu.vector_load %arg20[%swap3A_950, %swap3A_951, %swap3A_952] {strides = array<i32>} : memref<2x80x128xf32, #tpu.memory_space<vmem>>, vector<16xf32>,
        tpu.vector_store %arg20[%swap3A_950, %swap3A_951, %swap3A_952], %mul3A_946 {strides = array<i32>} : memref<2x80x128xf32, #tpu.memory_space<vmem>>, vector<16xf32>,
        %add3A_954 = arith.constant 1 : i32
        %add3A_955 = arith.addi %add3A_801, %add3A_954 : i32
        %get3A_956 = arith.constant 1 : i32
        %get3A_957 = arith.index_cast %get3A_956 : i32 to index
        %get3A_958 = arith.index_cast %add3A_955 : i32 to index
        %get3A_959 = arith.constant 0 : index
        %get3A_960 = tpu.vector_load %arg20[%get3A_957, %get3A_958, %get3A_959] {strides = array<i32>} : memref<2x80x128xf32, #tpu.memory_space<vmem>>, vector<16xf32>,
        %mul3A_961 = arith.mulf %get3A_960, %gather3A_817 : vector<16xf32>
        %add3A_962 = arith.constant 1 : i32
        %add3A_963 = arith.addi %add3A_801, %add3A_962 : i32
        %swap3A_964 = arith.constant 1 : i32
        %swap3A_965 = arith.index_cast %swap3A_964 : i32 to index
        %swap3A_966 = arith.index_cast %add3A_963 : i32 to index
        %swap3A_967 = arith.constant 0 : index
        %swap3A_968 = tpu.vector_load %arg20[%swap3A_965, %swap3A_966, %swap3A_967] {strides = array<i32>} : memref<2x80x128xf32, #tpu.memory_space<vmem>>, vector<16xf32>,
        tpu.vector_store %arg20[%swap3A_965, %swap3A_966, %swap3A_967], %mul3A_961 {strides = array<i32>} : memref<2x80x128xf32, #tpu.memory_space<vmem>>, vector<16xf32>,
        %add3A_969 = arith.constant 1 : i32
        %add3A_970 = arith.addi %add3A_801, %add3A_969 : i32
        %get3A_971 = arith.constant 1 : i32
        %get3A_972 = arith.index_cast %get3A_971 : i32 to index
        %get3A_973 = arith.index_cast %add3A_970 : i32 to index
        %get3A_974 = arith.constant 16 : index
        %get3A_975 = tpu.vector_load %arg20[%get3A_972, %get3A_973, %get3A_974] {strides = array<i32>} : memref<2x80x128xf32, #tpu.memory_space<vmem>>, vector<16xf32>,
        %mul3A_976 = arith.mulf %get3A_975, %gather3A_817 : vector<16xf32>
        %add3A_977 = arith.constant 1 : i32
        %add3A_978 = arith.addi %add3A_801, %add3A_977 : i32
        %swap3A_979 = arith.constant 1 : i32
        %swap3A_980 = arith.index_cast %swap3A_979 : i32 to index
        %swap3A_981 = arith.index_cast %add3A_978 : i32 to index
        %swap3A_982 = arith.constant 16 : index
        %swap3A_983 = tpu.vector_load %arg20[%swap3A_980, %swap3A_981, %swap3A_982] {strides = array<i32>} : memref<2x80x128xf32, #tpu.memory_space<vmem>>, vector<16xf32>,
        tpu.vector_store %arg20[%swap3A_980, %swap3A_981, %swap3A_982], %mul3A_976 {strides = array<i32>} : memref<2x80x128xf32, #tpu.memory_space<vmem>>, vector<16xf32>,
        %add3A_984 = arith.constant 1 : i32
        %add3A_985 = arith.addi %add3A_801, %add3A_984 : i32
        %get3A_986 = arith.constant 1 : i32
        %get3A_987 = arith.index_cast %get3A_986 : i32 to index
        %get3A_988 = arith.index_cast %add3A_985 : i32 to index
        %get3A_989 = arith.constant 32 : index
        %get3A_990 = tpu.vector_load %arg20[%get3A_987, %get3A_988, %get3A_989] {strides = array<i32>} : memref<2x80x128xf32, #tpu.memory_space<vmem>>, vector<16xf32>,
        %mul3A_991 = arith.mulf %get3A_990, %gather3A_817 : vector<16xf32>
        %add3A_992 = arith.constant 1 : i32
        %add3A_993 = arith.addi %add3A_801, %add3A_992 : i32
        %swap3A_994 = arith.constant 1 : i32
        %swap3A_995 = arith.index_cast %swap3A_994 : i32 to index
        %swap3A_996 = arith.index_cast %add3A_993 : i32 to index
        %swap3A_997 = arith.constant 32 : index
        %swap3A_998 = tpu.vector_load %arg20[%swap3A_995, %swap3A_996, %swap3A_997] {strides = array<i32>} : memref<2x80x128xf32, #tpu.memory_space<vmem>>, vector<16xf32>,
        tpu.vector_store %arg20[%swap3A_995, %swap3A_996, %swap3A_997], %mul3A_991 {strides = array<i32>} : memref<2x80x128xf32, #tpu.memory_space<vmem>>, vector<16xf32>,
        %add3A_999 = arith.constant 1 : i32
        %add3A_1000 = arith.addi %add3A_801, %add3A_999 : i32
        %get3A_1001 = arith.constant 1 : i32
        %get3A_1002 = arith.index_cast %get3A_1001 : i32 to index
        %get3A_1003 = arith.index_cast %add3A_1000 : i32 to index
        %get3A_1004 = arith.constant 48 : index
        %get3A_1005 = tpu.vector_load %arg20[%get3A_1002, %get3A_1003, %get3A_1004] {strides = array<i32>} : memref<2x80x128xf32, #tpu.memory_space<vmem>>, vector<16xf32>,
        %mul3A_1006 = arith.mulf %get3A_1005, %gather3A_817 : vector<16xf32>
        %add3A_1007 = arith.constant 1 : i32
        %add3A_1008 = arith.addi %add3A_801, %add3A_1007 : i32
        %swap3A_1009 = arith.constant 1 : i32
        %swap3A_1010 = arith.index_cast %swap3A_1009 : i32 to index
        %swap3A_1011 = arith.index_cast %add3A_1008 : i32 to index
        %swap3A_1012 = arith.constant 48 : index
        %swap3A_1013 = tpu.vector_load %arg20[%swap3A_1010, %swap3A_1011, %swap3A_1012] {strides = array<i32>} : memref<2x80x128xf32, #tpu.memory_space<vmem>>, vector<16xf32>,
        tpu.vector_store %arg20[%swap3A_1010, %swap3A_1011, %swap3A_1012], %mul3A_1006 {strides = array<i32>} : memref<2x80x128xf32, #tpu.memory_space<vmem>>, vector<16xf32>,
        %add3A_1014 = arith.constant 1 : i32
        %add3A_1015 = arith.addi %add3A_801, %add3A_1014 : i32
        %get3A_1016 = arith.constant 1 : i32
        %get3A_1017 = arith.index_cast %get3A_1016 : i32 to index
        %get3A_1018 = arith.index_cast %add3A_1015 : i32 to index
        %get3A_1019 = arith.constant 64 : index
        %get3A_1020 = tpu.vector_load %arg20[%get3A_1017, %get3A_1018, %get3A_1019] {strides = array<i32>} : memref<2x80x128xf32, #tpu.memory_space<vmem>>, vector<16xf32>,
        %mul3A_1021 = arith.mulf %get3A_1020, %gather3A_817 : vector<16xf32>
        %add3A_1022 = arith.constant 1 : i32
        %add3A_1023 = arith.addi %add3A_801, %add3A_1022 : i32
        %swap3A_1024 = arith.constant 1 : i32
        %swap3A_1025 = arith.index_cast %swap3A_1024 : i32 to index
        %swap3A_1026 = arith.index_cast %add3A_1023 : i32 to index
        %swap3A_1027 = arith.constant 64 : index
        %swap3A_1028 = tpu.vector_load %arg20[%swap3A_1025, %swap3A_1026, %swap3A_1027] {strides = array<i32>} : memref<2x80x128xf32, #tpu.memory_space<vmem>>, vector<16xf32>,
        tpu.vector_store %arg20[%swap3A_1025, %swap3A_1026, %swap3A_1027], %mul3A_1021 {strides = array<i32>} : memref<2x80x128xf32, #tpu.memory_space<vmem>>, vector<16xf32>,
        %add3A_1029 = arith.constant 1 : i32
        %add3A_1030 = arith.addi %add3A_801, %add3A_1029 : i32
        %get3A_1031 = arith.constant 1 : i32
        %get3A_1032 = arith.index_cast %get3A_1031 : i32 to index
        %get3A_1033 = arith.index_cast %add3A_1030 : i32 to index
        %get3A_1034 = arith.constant 80 : index
        %get3A_1035 = tpu.vector_load %arg20[%get3A_1032, %get3A_1033, %get3A_1034] {strides = array<i32>} : memref<2x80x128xf32, #tpu.memory_space<vmem>>, vector<16xf32>,
        %mul3A_1036 = arith.mulf %get3A_1035, %gather3A_817 : vector<16xf32>
        %add3A_1037 = arith.constant 1 : i32
        %add3A_1038 = arith.addi %add3A_801, %add3A_1037 : i32
        %swap3A_1039 = arith.constant 1 : i32
        %swap3A_1040 = arith.index_cast %swap3A_1039 : i32 to index
        %swap3A_1041 = arith.index_cast %add3A_1038 : i32 to index
        %swap3A_1042 = arith.constant 80 : index
        %swap3A_1043 = tpu.vector_load %arg20[%swap3A_1040, %swap3A_1041, %swap3A_1042] {strides = array<i32>} : memref<2x80x128xf32, #tpu.memory_space<vmem>>, vector<16xf32>,
        tpu.vector_store %arg20[%swap3A_1040, %swap3A_1041, %swap3A_1042], %mul3A_1036 {strides = array<i32>} : memref<2x80x128xf32, #tpu.memory_space<vmem>>, vector<16xf32>,
        %add3A_1044 = arith.constant 1 : i32
        %add3A_1045 = arith.addi %add3A_801, %add3A_1044 : i32
        %get3A_1046 = arith.constant 1 : i32
        %get3A_1047 = arith.index_cast %get3A_1046 : i32 to index
        %get3A_1048 = arith.index_cast %add3A_1045 : i32 to index
        %get3A_1049 = arith.constant 96 : index
        %get3A_1050 = tpu.vector_load %arg20[%get3A_1047, %get3A_1048, %get3A_1049] {strides = array<i32>} : memref<2x80x128xf32, #tpu.memory_space<vmem>>, vector<16xf32>,
        %mul3A_1051 = arith.mulf %get3A_1050, %gather3A_817 : vector<16xf32>
        %add3A_1052 = arith.constant 1 : i32
        %add3A_1053 = arith.addi %add3A_801, %add3A_1052 : i32
        %swap3A_1054 = arith.constant 1 : i32
        %swap3A_1055 = arith.index_cast %swap3A_1054 : i32 to index
        %swap3A_1056 = arith.index_cast %add3A_1053 : i32 to index
        %swap3A_1057 = arith.constant 96 : index
        %swap3A_1058 = tpu.vector_load %arg20[%swap3A_1055, %swap3A_1056, %swap3A_1057] {strides = array<i32>} : memref<2x80x128xf32, #tpu.memory_space<vmem>>, vector<16xf32>,
        tpu.vector_store %arg20[%swap3A_1055, %swap3A_1056, %swap3A_1057], %mul3A_1051 {strides = array<i32>} : memref<2x80x128xf32, #tpu.memory_space<vmem>>, vector<16xf32>,
        %add3A_1059 = arith.constant 1 : i32
        %add3A_1060 = arith.addi %add3A_801, %add3A_1059 : i32
        %get3A_1061 = arith.constant 1 : i32
        %get3A_1062 = arith.index_cast %get3A_1061 : i32 to index
        %get3A_1063 = arith.index_cast %add3A_1060 : i32 to index
        %get3A_1064 = arith.constant 112 : index
        %get3A_1065 = tpu.vector_load %arg20[%get3A_1062, %get3A_1063, %get3A_1064] {strides = array<i32>} : memref<2x80x128xf32, #tpu.memory_space<vmem>>, vector<16xf32>,
        %mul3A_1066 = arith.mulf %get3A_1065, %gather3A_817 : vector<16xf32>
        %add3A_1067 = arith.constant 1 : i32
        %add3A_1068 = arith.addi %add3A_801, %add3A_1067 : i32
        %swap3A_1069 = arith.constant 1 : i32
        %swap3A_1070 = arith.index_cast %swap3A_1069 : i32 to index
        %swap3A_1071 = arith.index_cast %add3A_1068 : i32 to index
        %swap3A_1072 = arith.constant 112 : index
        %swap3A_1073 = tpu.vector_load %arg20[%swap3A_1070, %swap3A_1071, %swap3A_1072] {strides = array<i32>} : memref<2x80x128xf32, #tpu.memory_space<vmem>>, vector<16xf32>,
        tpu.vector_store %arg20[%swap3A_1070, %swap3A_1071, %swap3A_1072], %mul3A_1066 {strides = array<i32>} : memref<2x80x128xf32, #tpu.memory_space<vmem>>, vector<16xf32>,
        %add3A_1074 = arith.constant 2 : i32
        %add3A_1075 = arith.addi %add3A_801, %add3A_1074 : i32
        %get3A_1076 = arith.constant 1 : i32
        %get3A_1077 = arith.index_cast %get3A_1076 : i32 to index
        %get3A_1078 = arith.index_cast %add3A_1075 : i32 to index
        %get3A_1079 = arith.constant 0 : index
        %get3A_1080 = tpu.vector_load %arg20[%get3A_1077, %get3A_1078, %get3A_1079] {strides = array<i32>} : memref<2x80x128xf32, #tpu.memory_space<vmem>>, vector<16xf32>,
        %mul3A_1081 = arith.mulf %get3A_1080, %gather3A_825 : vector<16xf32>
        %add3A_1082 = arith.constant 2 : i32
        %add3A_1083 = arith.addi %add3A_801, %add3A_1082 : i32
        %swap3A_1084 = arith.constant 1 : i32
        %swap3A_1085 = arith.index_cast %swap3A_1084 : i32 to index
        %swap3A_1086 = arith.index_cast %add3A_1083 : i32 to index
        %swap3A_1087 = arith.constant 0 : index
        %swap3A_1088 = tpu.vector_load %arg20[%swap3A_1085, %swap3A_1086, %swap3A_1087] {strides = array<i32>} : memref<2x80x128xf32, #tpu.memory_space<vmem>>, vector<16xf32>,
        tpu.vector_store %arg20[%swap3A_1085, %swap3A_1086, %swap3A_1087], %mul3A_1081 {strides = array<i32>} : memref<2x80x128xf32, #tpu.memory_space<vmem>>, vector<16xf32>,
        %add3A_1089 = arith.constant 2 : i32
        %add3A_1090 = arith.addi %add3A_801, %add3A_1089 : i32
        %get3A_1091 = arith.constant 1 : i32
        %get3A_1092 = arith.index_cast %get3A_1091 : i32 to index
        %get3A_1093 = arith.index_cast %add3A_1090 : i32 to index
        %get3A_1094 = arith.constant 16 : index
        %get3A_1095 = tpu.vector_load %arg20[%get3A_1092, %get3A_1093, %get3A_1094] {strides = array<i32>} : memref<2x80x128xf32, #tpu.memory_space<vmem>>, vector<16xf32>,
        %mul3A_1096 = arith.mulf %get3A_1095, %gather3A_825 : vector<16xf32>
        %add3A_1097 = arith.constant 2 : i32
        %add3A_1098 = arith.addi %add3A_801, %add3A_1097 : i32
        %swap3A_1099 = arith.constant 1 : i32
        %swap3A_1100 = arith.index_cast %swap3A_1099 : i32 to index
        %swap3A_1101 = arith.index_cast %add3A_1098 : i32 to index
        %swap3A_1102 = arith.constant 16 : index
        %swap3A_1103 = tpu.vector_load %arg20[%swap3A_1100, %swap3A_1101, %swap3A_1102] {strides = array<i32>} : memref<2x80x128xf32, #tpu.memory_space<vmem>>, vector<16xf32>,
        tpu.vector_store %arg20[%swap3A_1100, %swap3A_1101, %swap3A_1102], %mul3A_1096 {strides = array<i32>} : memref<2x80x128xf32, #tpu.memory_space<vmem>>, vector<16xf32>,
        %add3A_1104 = arith.constant 2 : i32
        %add3A_1105 = arith.addi %add3A_801, %add3A_1104 : i32
        %get3A_1106 = arith.constant 1 : i32
        %get3A_1107 = arith.index_cast %get3A_1106 : i32 to index
        %get3A_1108 = arith.index_cast %add3A_1105 : i32 to index
        %get3A_1109 = arith.constant 32 : index
        %get3A_1110 = tpu.vector_load %arg20[%get3A_1107, %get3A_1108, %get3A_1109] {strides = array<i32>} : memref<2x80x128xf32, #tpu.memory_space<vmem>>, vector<16xf32>,
        %mul3A_1111 = arith.mulf %get3A_1110, %gather3A_825 : vector<16xf32>
        %add3A_1112 = arith.constant 2 : i32
        %add3A_1113 = arith.addi %add3A_801, %add3A_1112 : i32
        %swap3A_1114 = arith.constant 1 : i32
        %swap3A_1115 = arith.index_cast %swap3A_1114 : i32 to index
        %swap3A_1116 = arith.index_cast %add3A_1113 : i32 to index
        %swap3A_1117 = arith.constant 32 : index
        %swap3A_1118 = tpu.vector_load %arg20[%swap3A_1115, %swap3A_1116, %swap3A_1117] {strides = array<i32>} : memref<2x80x128xf32, #tpu.memory_space<vmem>>, vector<16xf32>,
        tpu.vector_store %arg20[%swap3A_1115, %swap3A_1116, %swap3A_1117], %mul3A_1111 {strides = array<i32>} : memref<2x80x128xf32, #tpu.memory_space<vmem>>, vector<16xf32>,
        %add3A_1119 = arith.constant 2 : i32
        %add3A_1120 = arith.addi %add3A_801, %add3A_1119 : i32
        %get3A_1121 = arith.constant 1 : i32
        %get3A_1122 = arith.index_cast %get3A_1121 : i32 to index
        %get3A_1123 = arith.index_cast %add3A_1120 : i32 to index
        %get3A_1124 = arith.constant 48 : index
        %get3A_1125 = tpu.vector_load %arg20[%get3A_1122, %get3A_1123, %get3A_1124] {strides = array<i32>} : memref<2x80x128xf32, #tpu.memory_space<vmem>>, vector<16xf32>,
        %mul3A_1126 = arith.mulf %get3A_1125, %gather3A_825 : vector<16xf32>
        %add3A_1127 = arith.constant 2 : i32
        %add3A_1128 = arith.addi %add3A_801, %add3A_1127 : i32
        %swap3A_1129 = arith.constant 1 : i32
        %swap3A_1130 = arith.index_cast %swap3A_1129 : i32 to index
        %swap3A_1131 = arith.index_cast %add3A_1128 : i32 to index
        %swap3A_1132 = arith.constant 48 : index
        %swap3A_1133 = tpu.vector_load %arg20[%swap3A_1130, %swap3A_1131, %swap3A_1132] {strides = array<i32>} : memref<2x80x128xf32, #tpu.memory_space<vmem>>, vector<16xf32>,
        tpu.vector_store %arg20[%swap3A_1130, %swap3A_1131, %swap3A_1132], %mul3A_1126 {strides = array<i32>} : memref<2x80x128xf32, #tpu.memory_space<vmem>>, vector<16xf32>,
        %add3A_1134 = arith.constant 2 : i32
        %add3A_1135 = arith.addi %add3A_801, %add3A_1134 : i32
        %get3A_1136 = arith.constant 1 : i32
        %get3A_1137 = arith.index_cast %get3A_1136 : i32 to index
        %get3A_1138 = arith.index_cast %add3A_1135 : i32 to index
        %get3A_1139 = arith.constant 64 : index
        %get3A_1140 = tpu.vector_load %arg20[%get3A_1137, %get3A_1138, %get3A_1139] {strides = array<i32>} : memref<2x80x128xf32, #tpu.memory_space<vmem>>, vector<16xf32>,
        %mul3A_1141 = arith.mulf %get3A_1140, %gather3A_825 : vector<16xf32>
        %add3A_1142 = arith.constant 2 : i32
        %add3A_1143 = arith.addi %add3A_801, %add3A_1142 : i32
        %swap3A_1144 = arith.constant 1 : i32
        %swap3A_1145 = arith.index_cast %swap3A_1144 : i32 to index
        %swap3A_1146 = arith.index_cast %add3A_1143 : i32 to index
        %swap3A_1147 = arith.constant 64 : index
        %swap3A_1148 = tpu.vector_load %arg20[%swap3A_1145, %swap3A_1146, %swap3A_1147] {strides = array<i32>} : memref<2x80x128xf32, #tpu.memory_space<vmem>>, vector<16xf32>,
        tpu.vector_store %arg20[%swap3A_1145, %swap3A_1146, %swap3A_1147], %mul3A_1141 {strides = array<i32>} : memref<2x80x128xf32, #tpu.memory_space<vmem>>, vector<16xf32>,
        %add3A_1149 = arith.constant 2 : i32
        %add3A_1150 = arith.addi %add3A_801, %add3A_1149 : i32
        %get3A_1151 = arith.constant 1 : i32
        %get3A_1152 = arith.index_cast %get3A_1151 : i32 to index
        %get3A_1153 = arith.index_cast %add3A_1150 : i32 to index
        %get3A_1154 = arith.constant 80 : index
        %get3A_1155 = tpu.vector_load %arg20[%get3A_1152, %get3A_1153, %get3A_1154] {strides = array<i32>} : memref<2x80x128xf32, #tpu.memory_space<vmem>>, vector<16xf32>,
        %mul3A_1156 = arith.mulf %get3A_1155, %gather3A_825 : vector<16xf32>
        %add3A_1157 = arith.constant 2 : i32
        %add3A_1158 = arith.addi %add3A_801, %add3A_1157 : i32
        %swap3A_1159 = arith.constant 1 : i32
        %swap3A_1160 = arith.index_cast %swap3A_1159 : i32 to index
        %swap3A_1161 = arith.index_cast %add3A_1158 : i32 to index
        %swap3A_1162 = arith.constant 80 : index
        %swap3A_1163 = tpu.vector_load %arg20[%swap3A_1160, %swap3A_1161, %swap3A_1162] {strides = array<i32>} : memref<2x80x128xf32, #tpu.memory_space<vmem>>, vector<16xf32>,
        tpu.vector_store %arg20[%swap3A_1160, %swap3A_1161, %swap3A_1162], %mul3A_1156 {strides = array<i32>} : memref<2x80x128xf32, #tpu.memory_space<vmem>>, vector<16xf32>,
        %add3A_1164 = arith.constant 2 : i32
        %add3A_1165 = arith.addi %add3A_801, %add3A_1164 : i32
        %get3A_1166 = arith.constant 1 : i32
        %get3A_1167 = arith.index_cast %get3A_1166 : i32 to index
        %get3A_1168 = arith.index_cast %add3A_1165 : i32 to index
        %get3A_1169 = arith.constant 96 : index
        %get3A_1170 = tpu.vector_load %arg20[%get3A_1167, %get3A_1168, %get3A_1169] {strides = array<i32>} : memref<2x80x128xf32, #tpu.memory_space<vmem>>, vector<16xf32>,
        %mul3A_1171 = arith.mulf %get3A_1170, %gather3A_825 : vector<16xf32>
        %add3A_1172 = arith.constant 2 : i32
        %add3A_1173 = arith.addi %add3A_801, %add3A_1172 : i32
        %swap3A_1174 = arith.constant 1 : i32
        %swap3A_1175 = arith.index_cast %swap3A_1174 : i32 to index
        %swap3A_1176 = arith.index_cast %add3A_1173 : i32 to index
        %swap3A_1177 = arith.constant 96 : index
        %swap3A_1178 = tpu.vector_load %arg20[%swap3A_1175, %swap3A_1176, %swap3A_1177] {strides = array<i32>} : memref<2x80x128xf32, #tpu.memory_space<vmem>>, vector<16xf32>,
        tpu.vector_store %arg20[%swap3A_1175, %swap3A_1176, %swap3A_1177], %mul3A_1171 {strides = array<i32>} : memref<2x80x128xf32, #tpu.memory_space<vmem>>, vector<16xf32>,
        %add3A_1179 = arith.constant 2 : i32
        %add3A_1180 = arith.addi %add3A_801, %add3A_1179 : i32
        %get3A_1181 = arith.constant 1 : i32
        %get3A_1182 = arith.index_cast %get3A_1181 : i32 to index
        %get3A_1183 = arith.index_cast %add3A_1180 : i32 to index
        %get3A_1184 = arith.constant 112 : index
        %get3A_1185 = tpu.vector_load %arg20[%get3A_1182, %get3A_1183, %get3A_1184] {strides = array<i32>} : memref<2x80x128xf32, #tpu.memory_space<vmem>>, vector<16xf32>,
        %mul3A_1186 = arith.mulf %get3A_1185, %gather3A_825 : vector<16xf32>
        %add3A_1187 = arith.constant 2 : i32
        %add3A_1188 = arith.addi %add3A_801, %add3A_1187 : i32
        %swap3A_1189 = arith.constant 1 : i32
        %swap3A_1190 = arith.index_cast %swap3A_1189 : i32 to index
        %swap3A_1191 = arith.index_cast %add3A_1188 : i32 to index
        %swap3A_1192 = arith.constant 112 : index
        %swap3A_1193 = tpu.vector_load %arg20[%swap3A_1190, %swap3A_1191, %swap3A_1192] {strides = array<i32>} : memref<2x80x128xf32, #tpu.memory_space<vmem>>, vector<16xf32>,
        tpu.vector_store %arg20[%swap3A_1190, %swap3A_1191, %swap3A_1192], %mul3A_1186 {strides = array<i32>} : memref<2x80x128xf32, #tpu.memory_space<vmem>>, vector<16xf32>,
        %add3A_1194 = arith.constant 3 : i32
        %add3A_1195 = arith.addi %add3A_801, %add3A_1194 : i32
        %get3A_1196 = arith.constant 1 : i32
        %get3A_1197 = arith.index_cast %get3A_1196 : i32 to index
        %get3A_1198 = arith.index_cast %add3A_1195 : i32 to index
        %get3A_1199 = arith.constant 0 : index
        %get3A_1200 = tpu.vector_load %arg20[%get3A_1197, %get3A_1198, %get3A_1199] {strides = array<i32>} : memref<2x80x128xf32, #tpu.memory_space<vmem>>, vector<16xf32>,
        %mul3A_1201 = arith.mulf %get3A_1200, %gather3A_833 : vector<16xf32>
        %add3A_1202 = arith.constant 3 : i32
        %add3A_1203 = arith.addi %add3A_801, %add3A_1202 : i32
        %swap3A_1204 = arith.constant 1 : i32
        %swap3A_1205 = arith.index_cast %swap3A_1204 : i32 to index
        %swap3A_1206 = arith.index_cast %add3A_1203 : i32 to index
        %swap3A_1207 = arith.constant 0 : index
        %swap3A_1208 = tpu.vector_load %arg20[%swap3A_1205, %swap3A_1206, %swap3A_1207] {strides = array<i32>} : memref<2x80x128xf32, #tpu.memory_space<vmem>>, vector<16xf32>,
        tpu.vector_store %arg20[%swap3A_1205, %swap3A_1206, %swap3A_1207], %mul3A_1201 {strides = array<i32>} : memref<2x80x128xf32, #tpu.memory_space<vmem>>, vector<16xf32>,
        %add3A_1209 = arith.constant 3 : i32
        %add3A_1210 = arith.addi %add3A_801, %add3A_1209 : i32
        %get3A_1211 = arith.constant 1 : i32
        %get3A_1212 = arith.index_cast %get3A_1211 : i32 to index
        %get3A_1213 = arith.index_cast %add3A_1210 : i32 to index
        %get3A_1214 = arith.constant 16 : index
        %get3A_1215 = tpu.vector_load %arg20[%get3A_1212, %get3A_1213, %get3A_1214] {strides = array<i32>} : memref<2x80x128xf32, #tpu.memory_space<vmem>>, vector<16xf32>,
        %mul3A_1216 = arith.mulf %get3A_1215, %gather3A_833 : vector<16xf32>
        %add3A_1217 = arith.constant 3 : i32
        %add3A_1218 = arith.addi %add3A_801, %add3A_1217 : i32
        %swap3A_1219 = arith.constant 1 : i32
        %swap3A_1220 = arith.index_cast %swap3A_1219 : i32 to index
        %swap3A_1221 = arith.index_cast %add3A_1218 : i32 to index
        %swap3A_1222 = arith.constant 16 : index
        %swap3A_1223 = tpu.vector_load %arg20[%swap3A_1220, %swap3A_1221, %swap3A_1222] {strides = array<i32>} : memref<2x80x128xf32, #tpu.memory_space<vmem>>, vector<16xf32>,
        tpu.vector_store %arg20[%swap3A_1220, %swap3A_1221, %swap3A_1222], %mul3A_1216 {strides = array<i32>} : memref<2x80x128xf32, #tpu.memory_space<vmem>>, vector<16xf32>,
        %add3A_1224 = arith.constant 3 : i32
        %add3A_1225 = arith.addi %add3A_801, %add3A_1224 : i32
        %get3A_1226 = arith.constant 1 : i32
        %get3A_1227 = arith.index_cast %get3A_1226 : i32 to index
        %get3A_1228 = arith.index_cast %add3A_1225 : i32 to index
        %get3A_1229 = arith.constant 32 : index
        %get3A_1230 = tpu.vector_load %arg20[%get3A_1227, %get3A_1228, %get3A_1229] {strides = array<i32>} : memref<2x80x128xf32, #tpu.memory_space<vmem>>, vector<16xf32>,
        %mul3A_1231 = arith.mulf %get3A_1230, %gather3A_833 : vector<16xf32>
        %add3A_1232 = arith.constant 3 : i32
        %add3A_1233 = arith.addi %add3A_801, %add3A_1232 : i32
        %swap3A_1234 = arith.constant 1 : i32
        %swap3A_1235 = arith.index_cast %swap3A_1234 : i32 to index
        %swap3A_1236 = arith.index_cast %add3A_1233 : i32 to index
        %swap3A_1237 = arith.constant 32 : index
        %swap3A_1238 = tpu.vector_load %arg20[%swap3A_1235, %swap3A_1236, %swap3A_1237] {strides = array<i32>} : memref<2x80x128xf32, #tpu.memory_space<vmem>>, vector<16xf32>,
        tpu.vector_store %arg20[%swap3A_1235, %swap3A_1236, %swap3A_1237], %mul3A_1231 {strides = array<i32>} : memref<2x80x128xf32, #tpu.memory_space<vmem>>, vector<16xf32>,
        %add3A_1239 = arith.constant 3 : i32
        %add3A_1240 = arith.addi %add3A_801, %add3A_1239 : i32
        %get3A_1241 = arith.constant 1 : i32
        %get3A_1242 = arith.index_cast %get3A_1241 : i32 to index
        %get3A_1243 = arith.index_cast %add3A_1240 : i32 to index
        %get3A_1244 = arith.constant 48 : index
        %get3A_1245 = tpu.vector_load %arg20[%get3A_1242, %get3A_1243, %get3A_1244] {strides = array<i32>} : memref<2x80x128xf32, #tpu.memory_space<vmem>>, vector<16xf32>,
        %mul3A_1246 = arith.mulf %get3A_1245, %gather3A_833 : vector<16xf32>
        %add3A_1247 = arith.constant 3 : i32
        %add3A_1248 = arith.addi %add3A_801, %add3A_1247 : i32
        %swap3A_1249 = arith.constant 1 : i32
        %swap3A_1250 = arith.index_cast %swap3A_1249 : i32 to index
        %swap3A_1251 = arith.index_cast %add3A_1248 : i32 to index
        %swap3A_1252 = arith.constant 48 : index
        %swap3A_1253 = tpu.vector_load %arg20[%swap3A_1250, %swap3A_1251, %swap3A_1252] {strides = array<i32>} : memref<2x80x128xf32, #tpu.memory_space<vmem>>, vector<16xf32>,
        tpu.vector_store %arg20[%swap3A_1250, %swap3A_1251, %swap3A_1252], %mul3A_1246 {strides = array<i32>} : memref<2x80x128xf32, #tpu.memory_space<vmem>>, vector<16xf32>,
        %add3A_1254 = arith.constant 3 : i32
        %add3A_1255 = arith.addi %add3A_801, %add3A_1254 : i32
        %get3A_1256 = arith.constant 1 : i32
        %get3A_1257 = arith.index_cast %get3A_1256 : i32 to index
        %get3A_1258 = arith.index_cast %add3A_1255 : i32 to index
        %get3A_1259 = arith.constant 64 : index
        %get3A_1260 = tpu.vector_load %arg20[%get3A_1257, %get3A_1258, %get3A_1259] {strides = array<i32>} : memref<2x80x128xf32, #tpu.memory_space<vmem>>, vector<16xf32>,
        %mul3A_1261 = arith.mulf %get3A_1260, %gather3A_833 : vector<16xf32>
        %add3A_1262 = arith.constant 3 : i32
        %add3A_1263 = arith.addi %add3A_801, %add3A_1262 : i32
        %swap3A_1264 = arith.constant 1 : i32
        %swap3A_1265 = arith.index_cast %swap3A_1264 : i32 to index
        %swap3A_1266 = arith.index_cast %add3A_1263 : i32 to index
        %swap3A_1267 = arith.constant 64 : index
        %swap3A_1268 = tpu.vector_load %arg20[%swap3A_1265, %swap3A_1266, %swap3A_1267] {strides = array<i32>} : memref<2x80x128xf32, #tpu.memory_space<vmem>>, vector<16xf32>,
        tpu.vector_store %arg20[%swap3A_1265, %swap3A_1266, %swap3A_1267], %mul3A_1261 {strides = array<i32>} : memref<2x80x128xf32, #tpu.memory_space<vmem>>, vector<16xf32>,
        %add3A_1269 = arith.constant 3 : i32
        %add3A_1270 = arith.addi %add3A_801, %add3A_1269 : i32
        %get3A_1271 = arith.constant 1 : i32
        %get3A_1272 = arith.index_cast %get3A_1271 : i32 to index
        %get3A_1273 = arith.index_cast %add3A_1270 : i32 to index
        %get3A_1274 = arith.constant 80 : index
        %get3A_1275 = tpu.vector_load %arg20[%get3A_1272, %get3A_1273, %get3A_1274] {strides = array<i32>} : memref<2x80x128xf32, #tpu.memory_space<vmem>>, vector<16xf32>,
        %mul3A_1276 = arith.mulf %get3A_1275, %gather3A_833 : vector<16xf32>
        %add3A_1277 = arith.constant 3 : i32
        %add3A_1278 = arith.addi %add3A_801, %add3A_1277 : i32
        %swap3A_1279 = arith.constant 1 : i32
        %swap3A_1280 = arith.index_cast %swap3A_1279 : i32 to index
        %swap3A_1281 = arith.index_cast %add3A_1278 : i32 to index
        %swap3A_1282 = arith.constant 80 : index
        %swap3A_1283 = tpu.vector_load %arg20[%swap3A_1280, %swap3A_1281, %swap3A_1282] {strides = array<i32>} : memref<2x80x128xf32, #tpu.memory_space<vmem>>, vector<16xf32>,
        tpu.vector_store %arg20[%swap3A_1280, %swap3A_1281, %swap3A_1282], %mul3A_1276 {strides = array<i32>} : memref<2x80x128xf32, #tpu.memory_space<vmem>>, vector<16xf32>,
        %add3A_1284 = arith.constant 3 : i32
        %add3A_1285 = arith.addi %add3A_801, %add3A_1284 : i32
        %get3A_1286 = arith.constant 1 : i32
        %get3A_1287 = arith.index_cast %get3A_1286 : i32 to index
        %get3A_1288 = arith.index_cast %add3A_1285 : i32 to index
        %get3A_1289 = arith.constant 96 : index
        %get3A_1290 = tpu.vector_load %arg20[%get3A_1287, %get3A_1288, %get3A_1289] {strides = array<i32>} : memref<2x80x128xf32, #tpu.memory_space<vmem>>, vector<16xf32>,
        %mul3A_1291 = arith.mulf %get3A_1290, %gather3A_833 : vector<16xf32>
        %add3A_1292 = arith.constant 3 : i32
        %add3A_1293 = arith.addi %add3A_801, %add3A_1292 : i32
        %swap3A_1294 = arith.constant 1 : i32
        %swap3A_1295 = arith.index_cast %swap3A_1294 : i32 to index
        %swap3A_1296 = arith.index_cast %add3A_1293 : i32 to index
        %swap3A_1297 = arith.constant 96 : index
        %swap3A_1298 = tpu.vector_load %arg20[%swap3A_1295, %swap3A_1296, %swap3A_1297] {strides = array<i32>} : memref<2x80x128xf32, #tpu.memory_space<vmem>>, vector<16xf32>,
        tpu.vector_store %arg20[%swap3A_1295, %swap3A_1296, %swap3A_1297], %mul3A_1291 {strides = array<i32>} : memref<2x80x128xf32, #tpu.memory_space<vmem>>, vector<16xf32>,
        %add3A_1299 = arith.constant 3 : i32
        %add3A_1300 = arith.addi %add3A_801, %add3A_1299 : i32
        %get3A_1301 = arith.constant 1 : i32
        %get3A_1302 = arith.index_cast %get3A_1301 : i32 to index
        %get3A_1303 = arith.index_cast %add3A_1300 : i32 to index
        %get3A_1304 = arith.constant 112 : index
        %get3A_1305 = tpu.vector_load %arg20[%get3A_1302, %get3A_1303, %get3A_1304] {strides = array<i32>} : memref<2x80x128xf32, #tpu.memory_space<vmem>>, vector<16xf32>,
        %mul3A_1306 = arith.mulf %get3A_1305, %gather3A_833 : vector<16xf32>
        %add3A_1307 = arith.constant 3 : i32
        %add3A_1308 = arith.addi %add3A_801, %add3A_1307 : i32
        %swap3A_1309 = arith.constant 1 : i32
        %swap3A_1310 = arith.index_cast %swap3A_1309 : i32 to index
        %swap3A_1311 = arith.index_cast %add3A_1308 : i32 to index
        %swap3A_1312 = arith.constant 112 : index
        %swap3A_1313 = tpu.vector_load %arg20[%swap3A_1310, %swap3A_1311, %swap3A_1312] {strides = array<i32>} : memref<2x80x128xf32, #tpu.memory_space<vmem>>, vector<16xf32>,
        tpu.vector_store %arg20[%swap3A_1310, %swap3A_1311, %swap3A_1312], %mul3A_1306 {strides = array<i32>} : memref<2x80x128xf32, #tpu.memory_space<vmem>>, vector<16xf32>,
      }
      %scan3A_481 = arith.constant 20 : i32
      %dma_start3A_482 = arith.constant 1 : i32
      %dma_start3A_483 = arith.constant 1 : i32
      %dma_start3A_484 = arith.constant 0 : i32
      %dma_start3A_485 = arith.constant 0 : i32
      %dma_start3A_486 = tpu.memref_slice %arg20[%dma_start3A_482, %dma_start3A_484, %dma_start3A_485] : memref<2x80x128xf32, #tpu.memory_space<vmem>> -> memref<1x80x128xf32, #tpu.memory_space<vmem>>
      %dma_start3A_487 = tpu.memref_squeeze %dma_start3A_486 : memref<1x80x128xf32, #tpu.memory_space<vmem>> -> memref<80x128xf32, #tpu.memory_space<vmem>>
      %dma_start3A_488 = arith.constant 0 : i32
      %dma_start3A_489 = tpu.memref_slice %arg19[%dma_start3A_483, %dma_start3A_488] : memref<2x80xi32, #tpu.memory_space<vmem>> -> memref<1x80xi32, #tpu.memory_space<vmem>>
      %dma_start3A_490 = tpu.memref_squeeze %dma_start3A_489 : memref<1x80xi32, #tpu.memory_space<vmem>> -> memref<80xi32, #tpu.memory_space<vmem>>
      %dma_start3A_491 = arith.constant 0 : i32
      %dma_start3A_492 = arith.constant 0 : i32
      %dma_start3A_493 = tpu.memref_slice %arg10[%dma_start3A_491, %dma_start3A_492] : memref<10240x128xf32, #tpu.memory_space<vmem_shared>> -> memref<10240x128xf32, #tpu.memory_space<vmem_shared>>
      tpu.enqueue_indirect_dma source(%dma_start3A_487 : memref<80x128xf32, #tpu.memory_space<vmem>>) target(%dma_start3A_493 : memref<10240x128xf32, #tpu.memory_space<vmem_shared>>) offsets(%dma_start3A_490 : memref<80xi32, #tpu.memory_space<vmem>>) semaphore(%arg24 : memref<!tpu.dma_semaphore, #tpu.memory_space<semaphore_mem>>) {add = true}
      %dma_start3A_494 = arith.constant 1 : i32
      %dma_start3A_495 = arith.constant 1 : i32
      %dma_start3A_496 = arith.constant 0 : i32
      %dma_start3A_497 = tpu.memref_slice %arg17[%dma_start3A_494, %dma_start3A_496] : memref<2x80xf32, #tpu.memory_space<vmem>> -> memref<1x80xf32, #tpu.memory_space<vmem>>
      %dma_start3A_498 = tpu.memref_squeeze %dma_start3A_497 : memref<1x80xf32, #tpu.memory_space<vmem>> -> memref<80xf32, #tpu.memory_space<vmem>>
      %dma_start3A_499 = arith.constant 0 : i32
      %dma_start3A_500 = tpu.memref_slice %arg19[%dma_start3A_495, %dma_start3A_499] : memref<2x80xi32, #tpu.memory_space<vmem>> -> memref<1x80xi32, #tpu.memory_space<vmem>>
      %dma_start3A_501 = tpu.memref_squeeze %dma_start3A_500 : memref<1x80xi32, #tpu.memory_space<vmem>> -> memref<80xi32, #tpu.memory_space<vmem>>
      %dma_start3A_502 = arith.constant 0 : i32
      %dma_start3A_503 = tpu.memref_slice %arg11[%dma_start3A_502] : memref<10240xf32, #tpu.memory_space<vmem_shared>> -> memref<10240xf32, #tpu.memory_space<vmem_shared>>
      tpu.enqueue_indirect_dma source(%dma_start3A_498 : memref<80xf32, #tpu.memory_space<vmem>>) target(%dma_start3A_503 : memref<10240xf32, #tpu.memory_space<vmem_shared>>) offsets(%dma_start3A_501 : memref<80xi32, #tpu.memory_space<vmem>>) semaphore(%arg26 : memref<!tpu.dma_semaphore, #tpu.memory_space<semaphore_mem>>) {add = true}
      %dma_wait3A_504 = arith.constant 0 : i32
      %dma_wait3A_505 = arith.constant 0 : i32
      %dma_wait3A_506 = arith.constant 0 : i32
      %dma_wait3A_507 = arith.constant 0 : i32
      %dma_wait3A_508 = tpu.memref_slice %arg20[%dma_wait3A_504, %dma_wait3A_506, %dma_wait3A_507] : memref<2x80x128xf32, #tpu.memory_space<vmem>> -> memref<1x80x128xf32, #tpu.memory_space<vmem>>
      %dma_wait3A_509 = tpu.memref_squeeze %dma_wait3A_508 : memref<1x80x128xf32, #tpu.memory_space<vmem>> -> memref<80x128xf32, #tpu.memory_space<vmem>>
      %dma_wait3A_510 = arith.constant 0 : i32
      %dma_wait3A_511 = tpu.memref_slice %arg19[%dma_wait3A_505, %dma_wait3A_510] : memref<2x80xi32, #tpu.memory_space<vmem>> -> memref<1x80xi32, #tpu.memory_space<vmem>>
      %dma_wait3A_512 = tpu.memref_squeeze %dma_wait3A_511 : memref<1x80xi32, #tpu.memory_space<vmem>> -> memref<80xi32, #tpu.memory_space<vmem>>
      %dma_wait3A_513 = arith.constant 0 : i32
      %dma_wait3A_514 = arith.constant 0 : i32
      %dma_wait3A_515 = tpu.memref_slice %arg10[%dma_wait3A_513, %dma_wait3A_514] : memref<10240x128xf32, #tpu.memory_space<vmem_shared>> -> memref<10240x128xf32, #tpu.memory_space<vmem_shared>>
      tpu.wait_indirect_dma semaphore(%arg23 : memref<!tpu.dma_semaphore, #tpu.memory_space<semaphore_mem>>) src(%dma_wait3A_509 : memref<80x128xf32, #tpu.memory_space<vmem>>) dst(%dma_wait3A_515 : memref<10240x128xf32, #tpu.memory_space<vmem_shared>>)
      %dma_wait3A_516 = arith.constant 0 : i32
      %dma_wait3A_517 = arith.constant 0 : i32
      %dma_wait3A_518 = arith.constant 0 : i32
      %dma_wait3A_519 = tpu.memref_slice %arg17[%dma_wait3A_516, %dma_wait3A_518] : memref<2x80xf32, #tpu.memory_space<vmem>> -> memref<1x80xf32, #tpu.memory_space<vmem>>
      %dma_wait3A_520 = tpu.memref_squeeze %dma_wait3A_519 : memref<1x80xf32, #tpu.memory_space<vmem>> -> memref<80xf32, #tpu.memory_space<vmem>>
      %dma_wait3A_521 = arith.constant 0 : i32
      %dma_wait3A_522 = tpu.memref_slice %arg19[%dma_wait3A_517, %dma_wait3A_521] : memref<2x80xi32, #tpu.memory_space<vmem>> -> memref<1x80xi32, #tpu.memory_space<vmem>>
      %dma_wait3A_523 = tpu.memref_squeeze %dma_wait3A_522 : memref<1x80xi32, #tpu.memory_space<vmem>> -> memref<80xi32, #tpu.memory_space<vmem>>
      %dma_wait3A_524 = arith.constant 0 : i32
      %dma_wait3A_525 = tpu.memref_slice %arg11[%dma_wait3A_524] : memref<10240xf32, #tpu.memory_space<vmem_shared>> -> memref<10240xf32, #tpu.memory_space<vmem_shared>>
      tpu.wait_indirect_dma semaphore(%arg25 : memref<!tpu.dma_semaphore, #tpu.memory_space<semaphore_mem>>) src(%dma_wait3A_520 : memref<80xf32, #tpu.memory_space<vmem>>) dst(%dma_wait3A_525 : memref<10240xf32, #tpu.memory_space<vmem_shared>>)
      %dma_start3A_526 = arith.constant 0 : i32
      %dma_start3A_527 = arith.constant 0 : i32
      %dma_start3A_528 = arith.constant 0 : i32
      %dma_start3A_529 = tpu.memref_slice %arg20[%dma_start3A_526, %dma_start3A_527, %dma_start3A_528] : memref<2x80x128xf32, #tpu.memory_space<vmem>> -> memref<1x80x128xf32, #tpu.memory_space<vmem>>
      %dma_start3A_530 = tpu.memref_squeeze %dma_start3A_529 : memref<1x80x128xf32, #tpu.memory_space<vmem>> -> memref<80x128xf32, #tpu.memory_space<vmem>>
      %dma_start3A_531 = arith.constant 160 : i32
      %dma_start3A_532 = tpu.memref_slice %arg15[%dma_start3A_531] : memref<2000xi32, #tpu.memory_space<vmem>> -> memref<80xi32, #tpu.memory_space<vmem>>
      %dma_start3A_533 = arith.constant 0 : i32
      %dma_start3A_534 = arith.constant 0 : i32
      %dma_start3A_535 = tpu.memref_slice %arg2[%dma_start3A_533, %dma_start3A_534] : memref<10000x128xf32, #tpu.memory_space<hbm>> -> memref<10000x128xf32, #tpu.memory_space<hbm>>
      tpu.enqueue_indirect_dma source(%dma_start3A_535 : memref<10000x128xf32, #tpu.memory_space<hbm>>) target(%dma_start3A_530 : memref<80x128xf32, #tpu.memory_space<vmem>>) offsets(%dma_start3A_532 : memref<80xi32, #tpu.memory_space<vmem>>) semaphore(%arg21 : memref<!tpu.dma_semaphore, #tpu.memory_space<semaphore_mem>>)
      %get3A_536 = arith.constant 160 : index
      %get3A_537 = tpu.vector_load %arg14[%get3A_536] {strides = array<i32>} : memref<2000xi32, #tpu.memory_space<vmem>>, vector<16xi32>,
      %get3A_538 = arith.constant 160 : index
      %get3A_539 = tpu.vector_load %arg15[%get3A_538] {strides = array<i32>} : memref<2000xi32, #tpu.memory_space<vmem>>, vector<16xi32>,
      %gather3A_540 = tpu.vector_load_idx %arg12[%get3A_537] : memref<10000xf32, #tpu.memory_space<vmem>>[vector<16xi32>], vector<16xf32>,
      %gather3A_541 = tpu.vector_load_idx %arg13[%get3A_539] : memref<10000xf32, #tpu.memory_space<vmem>>[vector<16xi32>], vector<16xf32>,
      %add3A_542 = arith.addf %gather3A_540, %gather3A_541 : vector<16xf32>
      %gt3A_543 = arith.constant 0.000000e+00 : f32
      %gt3A_544 = vector.broadcast %gt3A_543 : f32 to vector<16xf32>
      %gt3A_545 = arith.cmpf ogt, %add3A_542, %gt3A_544 : vector<16xf32>
      %mul3A_546 = arith.constant 2.000000e-01 : f32
      %mul3A_547 = vector.broadcast %mul3A_546 : f32 to vector<16xf32>
      %mul3A_548 = arith.mulf %mul3A_547, %add3A_542 : vector<16xf32>
      %select_n3A_549 = arith.select %gt3A_545, %add3A_542, %mul3A_548 : vector<16xi1>, vector<16xf32>
      %swap3A_550 = arith.constant 0 : i32
      %swap3A_551 = arith.constant 0 : i32
      %swap3A_552 = tpu.memref_slice %arg17[%swap3A_550, %swap3A_551] : memref<2x80xf32, #tpu.memory_space<vmem>> -> memref<1x80xf32, #tpu.memory_space<vmem>>
      %swap3A_553 = tpu.memref_squeeze %swap3A_552 : memref<1x80xf32, #tpu.memory_space<vmem>> -> memref<80xf32, #tpu.memory_space<vmem>>
      %swap3A_554 = arith.constant 0 : index
      %swap3A_555 = tpu.vector_load %swap3A_553[%swap3A_554] {strides = array<i32>} : memref<80xf32, #tpu.memory_space<vmem>>, vector<16xf32>,
      tpu.vector_store %swap3A_553[%swap3A_554], %select_n3A_549 {strides = array<i32>} : memref<80xf32, #tpu.memory_space<vmem>>, vector<16xf32>,
      %get3A_556 = arith.constant 160 : index
      %get3A_557 = tpu.vector_load %arg16[%get3A_556] {strides = array<i32>} : memref<2000xf32, #tpu.memory_space<vmem>>, vector<16xf32>,
      %mul3A_558 = arith.mulf %select_n3A_549, %get3A_557 : vector<16xf32>
      %swap3A_559 = arith.constant 0 : i32
      %swap3A_560 = arith.constant 0 : i32
      %swap3A_561 = tpu.memref_slice %arg18[%swap3A_559, %swap3A_560] : memref<2x80xf32, #tpu.memory_space<vmem>> -> memref<1x80xf32, #tpu.memory_space<vmem>>
      %swap3A_562 = tpu.memref_squeeze %swap3A_561 : memref<1x80xf32, #tpu.memory_space<vmem>> -> memref<80xf32, #tpu.memory_space<vmem>>
      %swap3A_563 = arith.constant 0 : index
      %swap3A_564 = tpu.vector_load %swap3A_562[%swap3A_563] {strides = array<i32>} : memref<80xf32, #tpu.memory_space<vmem>>, vector<16xf32>,
      tpu.vector_store %swap3A_562[%swap3A_563], %mul3A_558 {strides = array<i32>} : memref<80xf32, #tpu.memory_space<vmem>>, vector<16xf32>,
      %swap3A_565 = arith.constant 0 : i32
      %swap3A_566 = arith.constant 0 : i32
      %swap3A_567 = tpu.memref_slice %arg19[%swap3A_565, %swap3A_566] : memref<2x80xi32, #tpu.memory_space<vmem>> -> memref<1x80xi32, #tpu.memory_space<vmem>>
      %swap3A_568 = tpu.memref_squeeze %swap3A_567 : memref<1x80xi32, #tpu.memory_space<vmem>> -> memref<80xi32, #tpu.memory_space<vmem>>
      %swap3A_569 = arith.constant 0 : index
      %swap3A_570 = tpu.vector_load %swap3A_568[%swap3A_569] {strides = array<i32>} : memref<80xi32, #tpu.memory_space<vmem>>, vector<16xi32>,
      tpu.vector_store %swap3A_568[%swap3A_569], %get3A_537 {strides = array<i32>} : memref<80xi32, #tpu.memory_space<vmem>>, vector<16xi32>,
      %get3A_571 = arith.constant 176 : index
      %get3A_572 = tpu.vector_load %arg14[%get3A_571] {strides = array<i32>} : memref<2000xi32, #tpu.memory_space<vmem>>, vector<16xi32>,
      %get3A_573 = arith.constant 176 : index
      %get3A_574 = tpu.vector_load %arg15[%get3A_573] {strides = array<i32>} : memref<2000xi32, #tpu.memory_space<vmem>>, vector<16xi32>,
      %gather3A_575 = tpu.vector_load_idx %arg12[%get3A_572] : memref<10000xf32, #tpu.memory_space<vmem>>[vector<16xi32>], vector<16xf32>,
      %gather3A_576 = tpu.vector_load_idx %arg13[%get3A_574] : memref<10000xf32, #tpu.memory_space<vmem>>[vector<16xi32>], vector<16xf32>,
      %add3A_577 = arith.addf %gather3A_575, %gather3A_576 : vector<16xf32>
      %gt3A_578 = arith.constant 0.000000e+00 : f32
      %gt3A_579 = vector.broadcast %gt3A_578 : f32 to vector<16xf32>
      %gt3A_580 = arith.cmpf ogt, %add3A_577, %gt3A_579 : vector<16xf32>
      %mul3A_581 = arith.constant 2.000000e-01 : f32
      %mul3A_582 = vector.broadcast %mul3A_581 : f32 to vector<16xf32>
      %mul3A_583 = arith.mulf %mul3A_582, %add3A_577 : vector<16xf32>
      %select_n3A_584 = arith.select %gt3A_580, %add3A_577, %mul3A_583 : vector<16xi1>, vector<16xf32>
      %swap3A_585 = arith.constant 0 : i32
      %swap3A_586 = arith.constant 0 : i32
      %swap3A_587 = tpu.memref_slice %arg17[%swap3A_585, %swap3A_586] : memref<2x80xf32, #tpu.memory_space<vmem>> -> memref<1x80xf32, #tpu.memory_space<vmem>>
      %swap3A_588 = tpu.memref_squeeze %swap3A_587 : memref<1x80xf32, #tpu.memory_space<vmem>> -> memref<80xf32, #tpu.memory_space<vmem>>
      %swap3A_589 = arith.constant 16 : index
      %swap3A_590 = tpu.vector_load %swap3A_588[%swap3A_589] {strides = array<i32>} : memref<80xf32, #tpu.memory_space<vmem>>, vector<16xf32>,
      tpu.vector_store %swap3A_588[%swap3A_589], %select_n3A_584 {strides = array<i32>} : memref<80xf32, #tpu.memory_space<vmem>>, vector<16xf32>,
      %get3A_591 = arith.constant 176 : index
      %get3A_592 = tpu.vector_load %arg16[%get3A_591] {strides = array<i32>} : memref<2000xf32, #tpu.memory_space<vmem>>, vector<16xf32>,
      %mul3A_593 = arith.mulf %select_n3A_584, %get3A_592 : vector<16xf32>
      %swap3A_594 = arith.constant 0 : i32
      %swap3A_595 = arith.constant 0 : i32
      %swap3A_596 = tpu.memref_slice %arg18[%swap3A_594, %swap3A_595] : memref<2x80xf32, #tpu.memory_space<vmem>> -> memref<1x80xf32, #tpu.memory_space<vmem>>
      %swap3A_597 = tpu.memref_squeeze %swap3A_596 : memref<1x80xf32, #tpu.memory_space<vmem>> -> memref<80xf32, #tpu.memory_space<vmem>>
      %swap3A_598 = arith.constant 16 : index
      %swap3A_599 = tpu.vector_load %swap3A_597[%swap3A_598] {strides = array<i32>} : memref<80xf32, #tpu.memory_space<vmem>>, vector<16xf32>,
      tpu.vector_store %swap3A_597[%swap3A_598], %mul3A_593 {strides = array<i32>} : memref<80xf32, #tpu.memory_space<vmem>>, vector<16xf32>,
      %swap3A_600 = arith.constant 0 : i32
      %swap3A_601 = arith.constant 0 : i32
      %swap3A_602 = tpu.memref_slice %arg19[%swap3A_600, %swap3A_601] : memref<2x80xi32, #tpu.memory_space<vmem>> -> memref<1x80xi32, #tpu.memory_space<vmem>>
      %swap3A_603 = tpu.memref_squeeze %swap3A_602 : memref<1x80xi32, #tpu.memory_space<vmem>> -> memref<80xi32, #tpu.memory_space<vmem>>
      %swap3A_604 = arith.constant 16 : index
      %swap3A_605 = tpu.vector_load %swap3A_603[%swap3A_604] {strides = array<i32>} : memref<80xi32, #tpu.memory_space<vmem>>, vector<16xi32>,
      tpu.vector_store %swap3A_603[%swap3A_604], %get3A_572 {strides = array<i32>} : memref<80xi32, #tpu.memory_space<vmem>>, vector<16xi32>,
      %get3A_606 = arith.constant 192 : index
      %get3A_607 = tpu.vector_load %arg14[%get3A_606] {strides = array<i32>} : memref<2000xi32, #tpu.memory_space<vmem>>, vector<16xi32>,
      %get3A_608 = arith.constant 192 : index
      %get3A_609 = tpu.vector_load %arg15[%get3A_608] {strides = array<i32>} : memref<2000xi32, #tpu.memory_space<vmem>>, vector<16xi32>,
      %gather3A_610 = tpu.vector_load_idx %arg12[%get3A_607] : memref<10000xf32, #tpu.memory_space<vmem>>[vector<16xi32>], vector<16xf32>,
      %gather3A_611 = tpu.vector_load_idx %arg13[%get3A_609] : memref<10000xf32, #tpu.memory_space<vmem>>[vector<16xi32>], vector<16xf32>,
      %add3A_612 = arith.addf %gather3A_610, %gather3A_611 : vector<16xf32>
      %gt3A_613 = arith.constant 0.000000e+00 : f32
      %gt3A_614 = vector.broadcast %gt3A_613 : f32 to vector<16xf32>
      %gt3A_615 = arith.cmpf ogt, %add3A_612, %gt3A_614 : vector<16xf32>
      %mul3A_616 = arith.constant 2.000000e-01 : f32
      %mul3A_617 = vector.broadcast %mul3A_616 : f32 to vector<16xf32>
      %mul3A_618 = arith.mulf %mul3A_617, %add3A_612 : vector<16xf32>
      %select_n3A_619 = arith.select %gt3A_615, %add3A_612, %mul3A_618 : vector<16xi1>, vector<16xf32>
      %swap3A_620 = arith.constant 0 : i32
      %swap3A_621 = arith.constant 0 : i32
      %swap3A_622 = tpu.memref_slice %arg17[%swap3A_620, %swap3A_621] : memref<2x80xf32, #tpu.memory_space<vmem>> -> memref<1x80xf32, #tpu.memory_space<vmem>>
      %swap3A_623 = tpu.memref_squeeze %swap3A_622 : memref<1x80xf32, #tpu.memory_space<vmem>> -> memref<80xf32, #tpu.memory_space<vmem>>
      %swap3A_624 = arith.constant 32 : index
      %swap3A_625 = tpu.vector_load %swap3A_623[%swap3A_624] {strides = array<i32>} : memref<80xf32, #tpu.memory_space<vmem>>, vector<16xf32>,
      tpu.vector_store %swap3A_623[%swap3A_624], %select_n3A_619 {strides = array<i32>} : memref<80xf32, #tpu.memory_space<vmem>>, vector<16xf32>,
      %get3A_626 = arith.constant 192 : index
      %get3A_627 = tpu.vector_load %arg16[%get3A_626] {strides = array<i32>} : memref<2000xf32, #tpu.memory_space<vmem>>, vector<16xf32>,
      %mul3A_628 = arith.mulf %select_n3A_619, %get3A_627 : vector<16xf32>
      %swap3A_629 = arith.constant 0 : i32
      %swap3A_630 = arith.constant 0 : i32
      %swap3A_631 = tpu.memref_slice %arg18[%swap3A_629, %swap3A_630] : memref<2x80xf32, #tpu.memory_space<vmem>> -> memref<1x80xf32, #tpu.memory_space<vmem>>
      %swap3A_632 = tpu.memref_squeeze %swap3A_631 : memref<1x80xf32, #tpu.memory_space<vmem>> -> memref<80xf32, #tpu.memory_space<vmem>>
      %swap3A_633 = arith.constant 32 : index
      %swap3A_634 = tpu.vector_load %swap3A_632[%swap3A_633] {strides = array<i32>} : memref<80xf32, #tpu.memory_space<vmem>>, vector<16xf32>,
      tpu.vector_store %swap3A_632[%swap3A_633], %mul3A_628 {strides = array<i32>} : memref<80xf32, #tpu.memory_space<vmem>>, vector<16xf32>,
      %swap3A_635 = arith.constant 0 : i32
      %swap3A_636 = arith.constant 0 : i32
      %swap3A_637 = tpu.memref_slice %arg19[%swap3A_635, %swap3A_636] : memref<2x80xi32, #tpu.memory_space<vmem>> -> memref<1x80xi32, #tpu.memory_space<vmem>>
      %swap3A_638 = tpu.memref_squeeze %swap3A_637 : memref<1x80xi32, #tpu.memory_space<vmem>> -> memref<80xi32, #tpu.memory_space<vmem>>
      %swap3A_639 = arith.constant 32 : index
      %swap3A_640 = tpu.vector_load %swap3A_638[%swap3A_639] {strides = array<i32>} : memref<80xi32, #tpu.memory_space<vmem>>, vector<16xi32>,
      tpu.vector_store %swap3A_638[%swap3A_639], %get3A_607 {strides = array<i32>} : memref<80xi32, #tpu.memory_space<vmem>>, vector<16xi32>,
      %get3A_641 = arith.constant 208 : index
      %get3A_642 = tpu.vector_load %arg14[%get3A_641] {strides = array<i32>} : memref<2000xi32, #tpu.memory_space<vmem>>, vector<16xi32>,
      %get3A_643 = arith.constant 208 : index
      %get3A_644 = tpu.vector_load %arg15[%get3A_643] {strides = array<i32>} : memref<2000xi32, #tpu.memory_space<vmem>>, vector<16xi32>,
      %gather3A_645 = tpu.vector_load_idx %arg12[%get3A_642] : memref<10000xf32, #tpu.memory_space<vmem>>[vector<16xi32>], vector<16xf32>,
      %gather3A_646 = tpu.vector_load_idx %arg13[%get3A_644] : memref<10000xf32, #tpu.memory_space<vmem>>[vector<16xi32>], vector<16xf32>,
      %add3A_647 = arith.addf %gather3A_645, %gather3A_646 : vector<16xf32>
      %gt3A_648 = arith.constant 0.000000e+00 : f32
      %gt3A_649 = vector.broadcast %gt3A_648 : f32 to vector<16xf32>
      %gt3A_650 = arith.cmpf ogt, %add3A_647, %gt3A_649 : vector<16xf32>
      %mul3A_651 = arith.constant 2.000000e-01 : f32
      %mul3A_652 = vector.broadcast %mul3A_651 : f32 to vector<16xf32>
      %mul3A_653 = arith.mulf %mul3A_652, %add3A_647 : vector<16xf32>
      %select_n3A_654 = arith.select %gt3A_650, %add3A_647, %mul3A_653 : vector<16xi1>, vector<16xf32>
      %swap3A_655 = arith.constant 0 : i32
      %swap3A_656 = arith.constant 0 : i32
      %swap3A_657 = tpu.memref_slice %arg17[%swap3A_655, %swap3A_656] : memref<2x80xf32, #tpu.memory_space<vmem>> -> memref<1x80xf32, #tpu.memory_space<vmem>>
      %swap3A_658 = tpu.memref_squeeze %swap3A_657 : memref<1x80xf32, #tpu.memory_space<vmem>> -> memref<80xf32, #tpu.memory_space<vmem>>
      %swap3A_659 = arith.constant 48 : index
      %swap3A_660 = tpu.vector_load %swap3A_658[%swap3A_659] {strides = array<i32>} : memref<80xf32, #tpu.memory_space<vmem>>, vector<16xf32>,
      tpu.vector_store %swap3A_658[%swap3A_659], %select_n3A_654 {strides = array<i32>} : memref<80xf32, #tpu.memory_space<vmem>>, vector<16xf32>,
      %get3A_661 = arith.constant 208 : index
      %get3A_662 = tpu.vector_load %arg16[%get3A_661] {strides = array<i32>} : memref<2000xf32, #tpu.memory_space<vmem>>, vector<16xf32>,
      %mul3A_663 = arith.mulf %select_n3A_654, %get3A_662 : vector<16xf32>
      %swap3A_664 = arith.constant 0 : i32
      %swap3A_665 = arith.constant 0 : i32
      %swap3A_666 = tpu.memref_slice %arg18[%swap3A_664, %swap3A_665] : memref<2x80xf32, #tpu.memory_space<vmem>> -> memref<1x80xf32, #tpu.memory_space<vmem>>
      %swap3A_667 = tpu.memref_squeeze %swap3A_666 : memref<1x80xf32, #tpu.memory_space<vmem>> -> memref<80xf32, #tpu.memory_space<vmem>>
      %swap3A_668 = arith.constant 48 : index
      %swap3A_669 = tpu.vector_load %swap3A_667[%swap3A_668] {strides = array<i32>} : memref<80xf32, #tpu.memory_space<vmem>>, vector<16xf32>,
      tpu.vector_store %swap3A_667[%swap3A_668], %mul3A_663 {strides = array<i32>} : memref<80xf32, #tpu.memory_space<vmem>>, vector<16xf32>,
      %swap3A_670 = arith.constant 0 : i32
      %swap3A_671 = arith.constant 0 : i32
      %swap3A_672 = tpu.memref_slice %arg19[%swap3A_670, %swap3A_671] : memref<2x80xi32, #tpu.memory_space<vmem>> -> memref<1x80xi32, #tpu.memory_space<vmem>>
      %swap3A_673 = tpu.memref_squeeze %swap3A_672 : memref<1x80xi32, #tpu.memory_space<vmem>> -> memref<80xi32, #tpu.memory_space<vmem>>
      %swap3A_674 = arith.constant 48 : index
      %swap3A_675 = tpu.vector_load %swap3A_673[%swap3A_674] {strides = array<i32>} : memref<80xi32, #tpu.memory_space<vmem>>, vector<16xi32>,
      tpu.vector_store %swap3A_673[%swap3A_674], %get3A_642 {strides = array<i32>} : memref<80xi32, #tpu.memory_space<vmem>>, vector<16xi32>,
      %get3A_676 = arith.constant 224 : index
      %get3A_677 = tpu.vector_load %arg14[%get3A_676] {strides = array<i32>} : memref<2000xi32, #tpu.memory_space<vmem>>, vector<16xi32>,
      %get3A_678 = arith.constant 224 : index
      %get3A_679 = tpu.vector_load %arg15[%get3A_678] {strides = array<i32>} : memref<2000xi32, #tpu.memory_space<vmem>>, vector<16xi32>,
      %gather3A_680 = tpu.vector_load_idx %arg12[%get3A_677] : memref<10000xf32, #tpu.memory_space<vmem>>[vector<16xi32>], vector<16xf32>,
      %gather3A_681 = tpu.vector_load_idx %arg13[%get3A_679] : memref<10000xf32, #tpu.memory_space<vmem>>[vector<16xi32>], vector<16xf32>,
      %add3A_682 = arith.addf %gather3A_680, %gather3A_681 : vector<16xf32>
      %gt3A_683 = arith.constant 0.000000e+00 : f32
      %gt3A_684 = vector.broadcast %gt3A_683 : f32 to vector<16xf32>
      %gt3A_685 = arith.cmpf ogt, %add3A_682, %gt3A_684 : vector<16xf32>
      %mul3A_686 = arith.constant 2.000000e-01 : f32
      %mul3A_687 = vector.broadcast %mul3A_686 : f32 to vector<16xf32>
      %mul3A_688 = arith.mulf %mul3A_687, %add3A_682 : vector<16xf32>
      %select_n3A_689 = arith.select %gt3A_685, %add3A_682, %mul3A_688 : vector<16xi1>, vector<16xf32>
      %swap3A_690 = arith.constant 0 : i32
      %swap3A_691 = arith.constant 0 : i32
      %swap3A_692 = tpu.memref_slice %arg17[%swap3A_690, %swap3A_691] : memref<2x80xf32, #tpu.memory_space<vmem>> -> memref<1x80xf32, #tpu.memory_space<vmem>>
      %swap3A_693 = tpu.memref_squeeze %swap3A_692 : memref<1x80xf32, #tpu.memory_space<vmem>> -> memref<80xf32, #tpu.memory_space<vmem>>
      %swap3A_694 = arith.constant 64 : index
      %swap3A_695 = tpu.vector_load %swap3A_693[%swap3A_694] {strides = array<i32>} : memref<80xf32, #tpu.memory_space<vmem>>, vector<16xf32>,
      tpu.vector_store %swap3A_693[%swap3A_694], %select_n3A_689 {strides = array<i32>} : memref<80xf32, #tpu.memory_space<vmem>>, vector<16xf32>,
      %get3A_696 = arith.constant 224 : index
      %get3A_697 = tpu.vector_load %arg16[%get3A_696] {strides = array<i32>} : memref<2000xf32, #tpu.memory_space<vmem>>, vector<16xf32>,
      %mul3A_698 = arith.mulf %select_n3A_689, %get3A_697 : vector<16xf32>
      %swap3A_699 = arith.constant 0 : i32
      %swap3A_700 = arith.constant 0 : i32
      %swap3A_701 = tpu.memref_slice %arg18[%swap3A_699, %swap3A_700] : memref<2x80xf32, #tpu.memory_space<vmem>> -> memref<1x80xf32, #tpu.memory_space<vmem>>
      %swap3A_702 = tpu.memref_squeeze %swap3A_701 : memref<1x80xf32, #tpu.memory_space<vmem>> -> memref<80xf32, #tpu.memory_space<vmem>>
      %swap3A_703 = arith.constant 64 : index
      %swap3A_704 = tpu.vector_load %swap3A_702[%swap3A_703] {strides = array<i32>} : memref<80xf32, #tpu.memory_space<vmem>>, vector<16xf32>,
      tpu.vector_store %swap3A_702[%swap3A_703], %mul3A_698 {strides = array<i32>} : memref<80xf32, #tpu.memory_space<vmem>>, vector<16xf32>,
      %swap3A_705 = arith.constant 0 : i32
      %swap3A_706 = arith.constant 0 : i32
      %swap3A_707 = tpu.memref_slice %arg19[%swap3A_705, %swap3A_706] : memref<2x80xi32, #tpu.memory_space<vmem>> -> memref<1x80xi32, #tpu.memory_space<vmem>>
      %swap3A_708 = tpu.memref_squeeze %swap3A_707 : memref<1x80xi32, #tpu.memory_space<vmem>> -> memref<80xi32, #tpu.memory_space<vmem>>
      %swap3A_709 = arith.constant 64 : index
      %swap3A_710 = tpu.vector_load %swap3A_708[%swap3A_709] {strides = array<i32>} : memref<80xi32, #tpu.memory_space<vmem>>, vector<16xi32>,
      tpu.vector_store %swap3A_708[%swap3A_709], %get3A_677 {strides = array<i32>} : memref<80xi32, #tpu.memory_space<vmem>>, vector<16xi32>,
      %scan3A_711 = arith.constant 0 : i32
      %scan3A_712 = arith.constant 11 : i32
      %scan3A_713 = arith.addi %scan3A_711, %scan3A_712 : i32
      %scan3A_714 = arith.constant 1 : i32
      scf.for %scan3A_797 = %scan3A_711 to %scan3A_713 step %scan3A_714  : i32 {
        %mul3A_798 = arith.constant 2 : i32
        %mul3A_799 = arith.muli %scan3A_797, %mul3A_798 : i32
        %add3A_800 = arith.constant 2 : i32
        %add3A_801 = arith.addi %add3A_800, %mul3A_799 : i32
        %dma_wait3A_802 = arith.constant 1 : i32
        %dma_wait3A_803 = arith.constant 1 : i32
        %dma_wait3A_804 = arith.constant 0 : i32
        %dma_wait3A_805 = arith.constant 0 : i32
        %dma_wait3A_806 = tpu.memref_slice %arg20[%dma_wait3A_802, %dma_wait3A_804, %dma_wait3A_805] : memref<2x80x128xf32, #tpu.memory_space<vmem>> -> memref<1x80x128xf32, #tpu.memory_space<vmem>>
        %dma_wait3A_807 = tpu.memref_squeeze %dma_wait3A_806 : memref<1x80x128xf32, #tpu.memory_space<vmem>> -> memref<80x128xf32, #tpu.memory_space<vmem>>
        %dma_wait3A_808 = arith.constant 0 : i32
        %dma_wait3A_809 = tpu.memref_slice %arg19[%dma_wait3A_803, %dma_wait3A_808] : memref<2x80xi32, #tpu.memory_space<vmem>> -> memref<1x80xi32, #tpu.memory_space<vmem>>
        %dma_wait3A_810 = tpu.memref_squeeze %dma_wait3A_809 : memref<1x80xi32, #tpu.memory_space<vmem>> -> memref<80xi32, #tpu.memory_space<vmem>>
        %dma_wait3A_811 = arith.constant 0 : i32
        %dma_wait3A_812 = arith.constant 0 : i32
        %dma_wait3A_813 = tpu.memref_slice %arg10[%dma_wait3A_811, %dma_wait3A_812] : memref<10240x128xf32, #tpu.memory_space<vmem_shared>> -> memref<10240x128xf32, #tpu.memory_space<vmem_shared>>
        tpu.wait_indirect_dma semaphore(%arg24 : memref<!tpu.dma_semaphore, #tpu.memory_space<semaphore_mem>>) src(%dma_wait3A_807 : memref<80x128xf32, #tpu.memory_space<vmem>>) dst(%dma_wait3A_813 : memref<10240x128xf32, #tpu.memory_space<vmem_shared>>)
        %dma_wait3A_814 = arith.constant 1 : i32
        %dma_wait3A_815 = arith.constant 1 : i32
        %dma_wait3A_816 = arith.constant 0 : i32
        %dma_wait3A_817 = tpu.memref_slice %arg17[%dma_wait3A_814, %dma_wait3A_816] : memref<2x80xf32, #tpu.memory_space<vmem>> -> memref<1x80xf32, #tpu.memory_space<vmem>>
        %dma_wait3A_818 = tpu.memref_squeeze %dma_wait3A_817 : memref<1x80xf32, #tpu.memory_space<vmem>> -> memref<80xf32, #tpu.memory_space<vmem>>
        %dma_wait3A_819 = arith.constant 0 : i32
        %dma_wait3A_820 = tpu.memref_slice %arg19[%dma_wait3A_815, %dma_wait3A_819] : memref<2x80xi32, #tpu.memory_space<vmem>> -> memref<1x80xi32, #tpu.memory_space<vmem>>
        %dma_wait3A_821 = tpu.memref_squeeze %dma_wait3A_820 : memref<1x80xi32, #tpu.memory_space<vmem>> -> memref<80xi32, #tpu.memory_space<vmem>>
        %dma_wait3A_822 = arith.constant 0 : i32
        %dma_wait3A_823 = tpu.memref_slice %arg11[%dma_wait3A_822] : memref<10240xf32, #tpu.memory_space<vmem_shared>> -> memref<10240xf32, #tpu.memory_space<vmem_shared>>
        tpu.wait_indirect_dma semaphore(%arg26 : memref<!tpu.dma_semaphore, #tpu.memory_space<semaphore_mem>>) src(%dma_wait3A_818 : memref<80xf32, #tpu.memory_space<vmem>>) dst(%dma_wait3A_823 : memref<10240xf32, #tpu.memory_space<vmem_shared>>)
        %mul3A_824 = arith.constant 80 : i32
        %mul3A_825 = arith.muli %add3A_801, %mul3A_824 : i32
        %add3A_826 = arith.constant 80 : i32
        %add3A_827 = arith.addi %mul3A_825, %add3A_826 : i32
        %dma_start3A_828 = arith.constant 1 : i32
        %dma_start3A_829 = arith.constant 0 : i32
        %dma_start3A_830 = arith.constant 0 : i32
        %dma_start3A_831 = tpu.memref_slice %arg20[%dma_start3A_828, %dma_start3A_829, %dma_start3A_830] : memref<2x80x128xf32, #tpu.memory_space<vmem>> -> memref<1x80x128xf32, #tpu.memory_space<vmem>>
        %dma_start3A_832 = tpu.memref_squeeze %dma_start3A_831 : memref<1x80x128xf32, #tpu.memory_space<vmem>> -> memref<80x128xf32, #tpu.memory_space<vmem>>
        %dma_start3A_833 = tpu.memref_slice %arg15[%add3A_827] : memref<2000xi32, #tpu.memory_space<vmem>> -> memref<80xi32, #tpu.memory_space<vmem>>
        %dma_start3A_834 = arith.constant 0 : i32
        %dma_start3A_835 = arith.constant 0 : i32
        %dma_start3A_836 = tpu.memref_slice %arg2[%dma_start3A_834, %dma_start3A_835] : memref<10000x128xf32, #tpu.memory_space<hbm>> -> memref<10000x128xf32, #tpu.memory_space<hbm>>
        tpu.enqueue_indirect_dma source(%dma_start3A_836 : memref<10000x128xf32, #tpu.memory_space<hbm>>) target(%dma_start3A_832 : memref<80x128xf32, #tpu.memory_space<vmem>>) offsets(%dma_start3A_833 : memref<80xi32, #tpu.memory_space<vmem>>) semaphore(%arg22 : memref<!tpu.dma_semaphore, #tpu.memory_space<semaphore_mem>>)
        %mul3A_837 = arith.constant 80 : i32
        %mul3A_838 = arith.muli %add3A_801, %mul3A_837 : i32
        %add3A_839 = arith.constant 80 : i32
        %add3A_840 = arith.addi %mul3A_838, %add3A_839 : i32
        %add3A_841 = arith.constant 0 : i32
        %add3A_842 = arith.addi %add3A_840, %add3A_841 : i32
        %get3A_843 = arith.index_cast %add3A_842 : i32 to index
        %get3A_844 = tpu.vector_load %arg14[%get3A_843] {strides = array<i32>} : memref<2000xi32, #tpu.memory_space<vmem>>, vector<16xi32>,
        %add3A_845 = arith.constant 0 : i32
        %add3A_846 = arith.addi %add3A_840, %add3A_845 : i32
        %get3A_847 = arith.index_cast %add3A_846 : i32 to index
        %get3A_848 = tpu.vector_load %arg15[%get3A_847] {strides = array<i32>} : memref<2000xi32, #tpu.memory_space<vmem>>, vector<16xi32>,
        %gather3A_849 = tpu.vector_load_idx %arg12[%get3A_844] : memref<10000xf32, #tpu.memory_space<vmem>>[vector<16xi32>], vector<16xf32>,
        %gather3A_850 = tpu.vector_load_idx %arg13[%get3A_848] : memref<10000xf32, #tpu.memory_space<vmem>>[vector<16xi32>], vector<16xf32>,
        %add3A_851 = arith.addf %gather3A_849, %gather3A_850 : vector<16xf32>
        %gt3A_852 = arith.constant 0.000000e+00 : f32
        %gt3A_853 = vector.broadcast %gt3A_852 : f32 to vector<16xf32>
        %gt3A_854 = arith.cmpf ogt, %add3A_851, %gt3A_853 : vector<16xf32>
        %mul3A_855 = arith.constant 2.000000e-01 : f32
        %mul3A_856 = vector.broadcast %mul3A_855 : f32 to vector<16xf32>
        %mul3A_857 = arith.mulf %mul3A_856, %add3A_851 : vector<16xf32>
        %select_n3A_858 = arith.select %gt3A_854, %add3A_851, %mul3A_857 : vector<16xi1>, vector<16xf32>
        %swap3A_859 = arith.constant 1 : i32
        %swap3A_860 = arith.constant 0 : i32
        %swap3A_861 = tpu.memref_slice %arg17[%swap3A_859, %swap3A_860] : memref<2x80xf32, #tpu.memory_space<vmem>> -> memref<1x80xf32, #tpu.memory_space<vmem>>
        %swap3A_862 = tpu.memref_squeeze %swap3A_861 : memref<1x80xf32, #tpu.memory_space<vmem>> -> memref<80xf32, #tpu.memory_space<vmem>>
        %swap3A_863 = arith.constant 0 : index
        %swap3A_864 = tpu.vector_load %swap3A_862[%swap3A_863] {strides = array<i32>} : memref<80xf32, #tpu.memory_space<vmem>>, vector<16xf32>,
        tpu.vector_store %swap3A_862[%swap3A_863], %select_n3A_858 {strides = array<i32>} : memref<80xf32, #tpu.memory_space<vmem>>, vector<16xf32>,
        %add3A_865 = arith.constant 0 : i32
        %add3A_866 = arith.addi %add3A_840, %add3A_865 : i32
        %get3A_867 = arith.index_cast %add3A_866 : i32 to index
        %get3A_868 = tpu.vector_load %arg16[%get3A_867] {strides = array<i32>} : memref<2000xf32, #tpu.memory_space<vmem>>, vector<16xf32>,
        %mul3A_869 = arith.mulf %select_n3A_858, %get3A_868 : vector<16xf32>
        %swap3A_870 = arith.constant 1 : i32
        %swap3A_871 = arith.constant 0 : i32
        %swap3A_872 = tpu.memref_slice %arg18[%swap3A_870, %swap3A_871] : memref<2x80xf32, #tpu.memory_space<vmem>> -> memref<1x80xf32, #tpu.memory_space<vmem>>
        %swap3A_873 = tpu.memref_squeeze %swap3A_872 : memref<1x80xf32, #tpu.memory_space<vmem>> -> memref<80xf32, #tpu.memory_space<vmem>>
        %swap3A_874 = arith.constant 0 : index
        %swap3A_875 = tpu.vector_load %swap3A_873[%swap3A_874] {strides = array<i32>} : memref<80xf32, #tpu.memory_space<vmem>>, vector<16xf32>,
        tpu.vector_store %swap3A_873[%swap3A_874], %mul3A_869 {strides = array<i32>} : memref<80xf32, #tpu.memory_space<vmem>>, vector<16xf32>,
        %swap3A_876 = arith.constant 1 : i32
        %swap3A_877 = arith.constant 0 : i32
        %swap3A_878 = tpu.memref_slice %arg19[%swap3A_876, %swap3A_877] : memref<2x80xi32, #tpu.memory_space<vmem>> -> memref<1x80xi32, #tpu.memory_space<vmem>>
        %swap3A_879 = tpu.memref_squeeze %swap3A_878 : memref<1x80xi32, #tpu.memory_space<vmem>> -> memref<80xi32, #tpu.memory_space<vmem>>
        %swap3A_880 = arith.constant 0 : index
        %swap3A_881 = tpu.vector_load %swap3A_879[%swap3A_880] {strides = array<i32>} : memref<80xi32, #tpu.memory_space<vmem>>, vector<16xi32>,
        tpu.vector_store %swap3A_879[%swap3A_880], %get3A_844 {strides = array<i32>} : memref<80xi32, #tpu.memory_space<vmem>>, vector<16xi32>,
        %add3A_882 = arith.constant 16 : i32
        %add3A_883 = arith.addi %add3A_840, %add3A_882 : i32
        %get3A_884 = arith.index_cast %add3A_883 : i32 to index
        %get3A_885 = tpu.vector_load %arg14[%get3A_884] {strides = array<i32>} : memref<2000xi32, #tpu.memory_space<vmem>>, vector<16xi32>,
        %add3A_886 = arith.constant 16 : i32
        %add3A_887 = arith.addi %add3A_840, %add3A_886 : i32
        %get3A_888 = arith.index_cast %add3A_887 : i32 to index
        %get3A_889 = tpu.vector_load %arg15[%get3A_888] {strides = array<i32>} : memref<2000xi32, #tpu.memory_space<vmem>>, vector<16xi32>,
        %gather3A_890 = tpu.vector_load_idx %arg12[%get3A_885] : memref<10000xf32, #tpu.memory_space<vmem>>[vector<16xi32>], vector<16xf32>,
        %gather3A_891 = tpu.vector_load_idx %arg13[%get3A_889] : memref<10000xf32, #tpu.memory_space<vmem>>[vector<16xi32>], vector<16xf32>,
        %add3A_892 = arith.addf %gather3A_890, %gather3A_891 : vector<16xf32>
        %gt3A_893 = arith.constant 0.000000e+00 : f32
        %gt3A_894 = vector.broadcast %gt3A_893 : f32 to vector<16xf32>
        %gt3A_895 = arith.cmpf ogt, %add3A_892, %gt3A_894 : vector<16xf32>
        %mul3A_896 = arith.constant 2.000000e-01 : f32
        %mul3A_897 = vector.broadcast %mul3A_896 : f32 to vector<16xf32>
        %mul3A_898 = arith.mulf %mul3A_897, %add3A_892 : vector<16xf32>
        %select_n3A_899 = arith.select %gt3A_895, %add3A_892, %mul3A_898 : vector<16xi1>, vector<16xf32>
        %swap3A_900 = arith.constant 1 : i32
        %swap3A_901 = arith.constant 0 : i32
        %swap3A_902 = tpu.memref_slice %arg17[%swap3A_900, %swap3A_901] : memref<2x80xf32, #tpu.memory_space<vmem>> -> memref<1x80xf32, #tpu.memory_space<vmem>>
        %swap3A_903 = tpu.memref_squeeze %swap3A_902 : memref<1x80xf32, #tpu.memory_space<vmem>> -> memref<80xf32, #tpu.memory_space<vmem>>
        %swap3A_904 = arith.constant 16 : index
        %swap3A_905 = tpu.vector_load %swap3A_903[%swap3A_904] {strides = array<i32>} : memref<80xf32, #tpu.memory_space<vmem>>, vector<16xf32>,
        tpu.vector_store %swap3A_903[%swap3A_904], %select_n3A_899 {strides = array<i32>} : memref<80xf32, #tpu.memory_space<vmem>>, vector<16xf32>,
        %add3A_906 = arith.constant 16 : i32
        %add3A_907 = arith.addi %add3A_840, %add3A_906 : i32
        %get3A_908 = arith.index_cast %add3A_907 : i32 to index
        %get3A_909 = tpu.vector_load %arg16[%get3A_908] {strides = array<i32>} : memref<2000xf32, #tpu.memory_space<vmem>>, vector<16xf32>,
        %mul3A_910 = arith.mulf %select_n3A_899, %get3A_909 : vector<16xf32>
        %swap3A_911 = arith.constant 1 : i32
        %swap3A_912 = arith.constant 0 : i32
        %swap3A_913 = tpu.memref_slice %arg18[%swap3A_911, %swap3A_912] : memref<2x80xf32, #tpu.memory_space<vmem>> -> memref<1x80xf32, #tpu.memory_space<vmem>>
        %swap3A_914 = tpu.memref_squeeze %swap3A_913 : memref<1x80xf32, #tpu.memory_space<vmem>> -> memref<80xf32, #tpu.memory_space<vmem>>
        %swap3A_915 = arith.constant 16 : index
        %swap3A_916 = tpu.vector_load %swap3A_914[%swap3A_915] {strides = array<i32>} : memref<80xf32, #tpu.memory_space<vmem>>, vector<16xf32>,
        tpu.vector_store %swap3A_914[%swap3A_915], %mul3A_910 {strides = array<i32>} : memref<80xf32, #tpu.memory_space<vmem>>, vector<16xf32>,
        %swap3A_917 = arith.constant 1 : i32
        %swap3A_918 = arith.constant 0 : i32
        %swap3A_919 = tpu.memref_slice %arg19[%swap3A_917, %swap3A_918] : memref<2x80xi32, #tpu.memory_space<vmem>> -> memref<1x80xi32, #tpu.memory_space<vmem>>
        %swap3A_920 = tpu.memref_squeeze %swap3A_919 : memref<1x80xi32, #tpu.memory_space<vmem>> -> memref<80xi32, #tpu.memory_space<vmem>>
        %swap3A_921 = arith.constant 16 : index
        %swap3A_922 = tpu.vector_load %swap3A_920[%swap3A_921] {strides = array<i32>} : memref<80xi32, #tpu.memory_space<vmem>>, vector<16xi32>,
        tpu.vector_store %swap3A_920[%swap3A_921], %get3A_885 {strides = array<i32>} : memref<80xi32, #tpu.memory_space<vmem>>, vector<16xi32>,
        %add3A_923 = arith.constant 32 : i32
        %add3A_924 = arith.addi %add3A_840, %add3A_923 : i32
        %get3A_925 = arith.index_cast %add3A_924 : i32 to index
        %get3A_926 = tpu.vector_load %arg14[%get3A_925] {strides = array<i32>} : memref<2000xi32, #tpu.memory_space<vmem>>, vector<16xi32>,
        %add3A_927 = arith.constant 32 : i32
        %add3A_928 = arith.addi %add3A_840, %add3A_927 : i32
        %get3A_929 = arith.index_cast %add3A_928 : i32 to index
        %get3A_930 = tpu.vector_load %arg15[%get3A_929] {strides = array<i32>} : memref<2000xi32, #tpu.memory_space<vmem>>, vector<16xi32>,
        %gather3A_931 = tpu.vector_load_idx %arg12[%get3A_926] : memref<10000xf32, #tpu.memory_space<vmem>>[vector<16xi32>], vector<16xf32>,
        %gather3A_932 = tpu.vector_load_idx %arg13[%get3A_930] : memref<10000xf32, #tpu.memory_space<vmem>>[vector<16xi32>], vector<16xf32>,
        %add3A_933 = arith.addf %gather3A_931, %gather3A_932 : vector<16xf32>
        %gt3A_934 = arith.constant 0.000000e+00 : f32
        %gt3A_935 = vector.broadcast %gt3A_934 : f32 to vector<16xf32>
        %gt3A_936 = arith.cmpf ogt, %add3A_933, %gt3A_935 : vector<16xf32>
        %mul3A_937 = arith.constant 2.000000e-01 : f32
        %mul3A_938 = vector.broadcast %mul3A_937 : f32 to vector<16xf32>
        %mul3A_939 = arith.mulf %mul3A_938, %add3A_933 : vector<16xf32>
        %select_n3A_940 = arith.select %gt3A_936, %add3A_933, %mul3A_939 : vector<16xi1>, vector<16xf32>
        %swap3A_941 = arith.constant 1 : i32
        %swap3A_942 = arith.constant 0 : i32
        %swap3A_943 = tpu.memref_slice %arg17[%swap3A_941, %swap3A_942] : memref<2x80xf32, #tpu.memory_space<vmem>> -> memref<1x80xf32, #tpu.memory_space<vmem>>
        %swap3A_944 = tpu.memref_squeeze %swap3A_943 : memref<1x80xf32, #tpu.memory_space<vmem>> -> memref<80xf32, #tpu.memory_space<vmem>>
        %swap3A_945 = arith.constant 32 : index
        %swap3A_946 = tpu.vector_load %swap3A_944[%swap3A_945] {strides = array<i32>} : memref<80xf32, #tpu.memory_space<vmem>>, vector<16xf32>,
        tpu.vector_store %swap3A_944[%swap3A_945], %select_n3A_940 {strides = array<i32>} : memref<80xf32, #tpu.memory_space<vmem>>, vector<16xf32>,
        %add3A_947 = arith.constant 32 : i32
        %add3A_948 = arith.addi %add3A_840, %add3A_947 : i32
        %get3A_949 = arith.index_cast %add3A_948 : i32 to index
        %get3A_950 = tpu.vector_load %arg16[%get3A_949] {strides = array<i32>} : memref<2000xf32, #tpu.memory_space<vmem>>, vector<16xf32>,
        %mul3A_951 = arith.mulf %select_n3A_940, %get3A_950 : vector<16xf32>
        %swap3A_952 = arith.constant 1 : i32
        %swap3A_953 = arith.constant 0 : i32
        %swap3A_954 = tpu.memref_slice %arg18[%swap3A_952, %swap3A_953] : memref<2x80xf32, #tpu.memory_space<vmem>> -> memref<1x80xf32, #tpu.memory_space<vmem>>
        %swap3A_955 = tpu.memref_squeeze %swap3A_954 : memref<1x80xf32, #tpu.memory_space<vmem>> -> memref<80xf32, #tpu.memory_space<vmem>>
        %swap3A_956 = arith.constant 32 : index
        %swap3A_957 = tpu.vector_load %swap3A_955[%swap3A_956] {strides = array<i32>} : memref<80xf32, #tpu.memory_space<vmem>>, vector<16xf32>,
        tpu.vector_store %swap3A_955[%swap3A_956], %mul3A_951 {strides = array<i32>} : memref<80xf32, #tpu.memory_space<vmem>>, vector<16xf32>,
        %swap3A_958 = arith.constant 1 : i32
        %swap3A_959 = arith.constant 0 : i32
        %swap3A_960 = tpu.memref_slice %arg19[%swap3A_958, %swap3A_959] : memref<2x80xi32, #tpu.memory_space<vmem>> -> memref<1x80xi32, #tpu.memory_space<vmem>>
        %swap3A_961 = tpu.memref_squeeze %swap3A_960 : memref<1x80xi32, #tpu.memory_space<vmem>> -> memref<80xi32, #tpu.memory_space<vmem>>
        %swap3A_962 = arith.constant 32 : index
        %swap3A_963 = tpu.vector_load %swap3A_961[%swap3A_962] {strides = array<i32>} : memref<80xi32, #tpu.memory_space<vmem>>, vector<16xi32>,
        tpu.vector_store %swap3A_961[%swap3A_962], %get3A_926 {strides = array<i32>} : memref<80xi32, #tpu.memory_space<vmem>>, vector<16xi32>,
        %add3A_964 = arith.constant 48 : i32
        %add3A_965 = arith.addi %add3A_840, %add3A_964 : i32
        %get3A_966 = arith.index_cast %add3A_965 : i32 to index
        %get3A_967 = tpu.vector_load %arg14[%get3A_966] {strides = array<i32>} : memref<2000xi32, #tpu.memory_space<vmem>>, vector<16xi32>,
        %add3A_968 = arith.constant 48 : i32
        %add3A_969 = arith.addi %add3A_840, %add3A_968 : i32
        %get3A_970 = arith.index_cast %add3A_969 : i32 to index
        %get3A_971 = tpu.vector_load %arg15[%get3A_970] {strides = array<i32>} : memref<2000xi32, #tpu.memory_space<vmem>>, vector<16xi32>,
        %gather3A_972 = tpu.vector_load_idx %arg12[%get3A_967] : memref<10000xf32, #tpu.memory_space<vmem>>[vector<16xi32>], vector<16xf32>,
        %gather3A_973 = tpu.vector_load_idx %arg13[%get3A_971] : memref<10000xf32, #tpu.memory_space<vmem>>[vector<16xi32>], vector<16xf32>,
        %add3A_974 = arith.addf %gather3A_972, %gather3A_973 : vector<16xf32>
        %gt3A_975 = arith.constant 0.000000e+00 : f32
        %gt3A_976 = vector.broadcast %gt3A_975 : f32 to vector<16xf32>
        %gt3A_977 = arith.cmpf ogt, %add3A_974, %gt3A_976 : vector<16xf32>
        %mul3A_978 = arith.constant 2.000000e-01 : f32
        %mul3A_979 = vector.broadcast %mul3A_978 : f32 to vector<16xf32>
        %mul3A_980 = arith.mulf %mul3A_979, %add3A_974 : vector<16xf32>
        %select_n3A_981 = arith.select %gt3A_977, %add3A_974, %mul3A_980 : vector<16xi1>, vector<16xf32>
        %swap3A_982 = arith.constant 1 : i32
        %swap3A_983 = arith.constant 0 : i32
        %swap3A_984 = tpu.memref_slice %arg17[%swap3A_982, %swap3A_983] : memref<2x80xf32, #tpu.memory_space<vmem>> -> memref<1x80xf32, #tpu.memory_space<vmem>>
        %swap3A_985 = tpu.memref_squeeze %swap3A_984 : memref<1x80xf32, #tpu.memory_space<vmem>> -> memref<80xf32, #tpu.memory_space<vmem>>
        %swap3A_986 = arith.constant 48 : index
        %swap3A_987 = tpu.vector_load %swap3A_985[%swap3A_986] {strides = array<i32>} : memref<80xf32, #tpu.memory_space<vmem>>, vector<16xf32>,
        tpu.vector_store %swap3A_985[%swap3A_986], %select_n3A_981 {strides = array<i32>} : memref<80xf32, #tpu.memory_space<vmem>>, vector<16xf32>,
        %add3A_988 = arith.constant 48 : i32
        %add3A_989 = arith.addi %add3A_840, %add3A_988 : i32
        %get3A_990 = arith.index_cast %add3A_989 : i32 to index
        %get3A_991 = tpu.vector_load %arg16[%get3A_990] {strides = array<i32>} : memref<2000xf32, #tpu.memory_space<vmem>>, vector<16xf32>,
        %mul3A_992 = arith.mulf %select_n3A_981, %get3A_991 : vector<16xf32>
        %swap3A_993 = arith.constant 1 : i32
        %swap3A_994 = arith.constant 0 : i32
        %swap3A_995 = tpu.memref_slice %arg18[%swap3A_993, %swap3A_994] : memref<2x80xf32, #tpu.memory_space<vmem>> -> memref<1x80xf32, #tpu.memory_space<vmem>>
        %swap3A_996 = tpu.memref_squeeze %swap3A_995 : memref<1x80xf32, #tpu.memory_space<vmem>> -> memref<80xf32, #tpu.memory_space<vmem>>
        %swap3A_997 = arith.constant 48 : index
        %swap3A_998 = tpu.vector_load %swap3A_996[%swap3A_997] {strides = array<i32>} : memref<80xf32, #tpu.memory_space<vmem>>, vector<16xf32>,
        tpu.vector_store %swap3A_996[%swap3A_997], %mul3A_992 {strides = array<i32>} : memref<80xf32, #tpu.memory_space<vmem>>, vector<16xf32>,
        %swap3A_999 = arith.constant 1 : i32
        %swap3A_1000 = arith.constant 0 : i32
        %swap3A_1001 = tpu.memref_slice %arg19[%swap3A_999, %swap3A_1000] : memref<2x80xi32, #tpu.memory_space<vmem>> -> memref<1x80xi32, #tpu.memory_space<vmem>>
        %swap3A_1002 = tpu.memref_squeeze %swap3A_1001 : memref<1x80xi32, #tpu.memory_space<vmem>> -> memref<80xi32, #tpu.memory_space<vmem>>
        %swap3A_1003 = arith.constant 48 : index
        %swap3A_1004 = tpu.vector_load %swap3A_1002[%swap3A_1003] {strides = array<i32>} : memref<80xi32, #tpu.memory_space<vmem>>, vector<16xi32>,
        tpu.vector_store %swap3A_1002[%swap3A_1003], %get3A_967 {strides = array<i32>} : memref<80xi32, #tpu.memory_space<vmem>>, vector<16xi32>,
        %add3A_1005 = arith.constant 64 : i32
        %add3A_1006 = arith.addi %add3A_840, %add3A_1005 : i32
        %get3A_1007 = arith.index_cast %add3A_1006 : i32 to index
        %get3A_1008 = tpu.vector_load %arg14[%get3A_1007] {strides = array<i32>} : memref<2000xi32, #tpu.memory_space<vmem>>, vector<16xi32>,
        %add3A_1009 = arith.constant 64 : i32
        %add3A_1010 = arith.addi %add3A_840, %add3A_1009 : i32
        %get3A_1011 = arith.index_cast %add3A_1010 : i32 to index
        %get3A_1012 = tpu.vector_load %arg15[%get3A_1011] {strides = array<i32>} : memref<2000xi32, #tpu.memory_space<vmem>>, vector<16xi32>,
        %gather3A_1013 = tpu.vector_load_idx %arg12[%get3A_1008] : memref<10000xf32, #tpu.memory_space<vmem>>[vector<16xi32>], vector<16xf32>,
        %gather3A_1014 = tpu.vector_load_idx %arg13[%get3A_1012] : memref<10000xf32, #tpu.memory_space<vmem>>[vector<16xi32>], vector<16xf32>,
        %add3A_1015 = arith.addf %gather3A_1013, %gather3A_1014 : vector<16xf32>
        %gt3A_1016 = arith.constant 0.000000e+00 : f32
        %gt3A_1017 = vector.broadcast %gt3A_1016 : f32 to vector<16xf32>
        %gt3A_1018 = arith.cmpf ogt, %add3A_1015, %gt3A_1017 : vector<16xf32>
        %mul3A_1019 = arith.constant 2.000000e-01 : f32
        %mul3A_1020 = vector.broadcast %mul3A_1019 : f32 to vector<16xf32>
        %mul3A_1021 = arith.mulf %mul3A_1020, %add3A_1015 : vector<16xf32>
        %select_n3A_1022 = arith.select %gt3A_1018, %add3A_1015, %mul3A_1021 : vector<16xi1>, vector<16xf32>
        %swap3A_1023 = arith.constant 1 : i32
        %swap3A_1024 = arith.constant 0 : i32
        %swap3A_1025 = tpu.memref_slice %arg17[%swap3A_1023, %swap3A_1024] : memref<2x80xf32, #tpu.memory_space<vmem>> -> memref<1x80xf32, #tpu.memory_space<vmem>>
        %swap3A_1026 = tpu.memref_squeeze %swap3A_1025 : memref<1x80xf32, #tpu.memory_space<vmem>> -> memref<80xf32, #tpu.memory_space<vmem>>
        %swap3A_1027 = arith.constant 64 : index
        %swap3A_1028 = tpu.vector_load %swap3A_1026[%swap3A_1027] {strides = array<i32>} : memref<80xf32, #tpu.memory_space<vmem>>, vector<16xf32>,
        tpu.vector_store %swap3A_1026[%swap3A_1027], %select_n3A_1022 {strides = array<i32>} : memref<80xf32, #tpu.memory_space<vmem>>, vector<16xf32>,
        %add3A_1029 = arith.constant 64 : i32
        %add3A_1030 = arith.addi %add3A_840, %add3A_1029 : i32
        %get3A_1031 = arith.index_cast %add3A_1030 : i32 to index
        %get3A_1032 = tpu.vector_load %arg16[%get3A_1031] {strides = array<i32>} : memref<2000xf32, #tpu.memory_space<vmem>>, vector<16xf32>,
        %mul3A_1033 = arith.mulf %select_n3A_1022, %get3A_1032 : vector<16xf32>
        %swap3A_1034 = arith.constant 1 : i32
        %swap3A_1035 = arith.constant 0 : i32
        %swap3A_1036 = tpu.memref_slice %arg18[%swap3A_1034, %swap3A_1035] : memref<2x80xf32, #tpu.memory_space<vmem>> -> memref<1x80xf32, #tpu.memory_space<vmem>>
        %swap3A_1037 = tpu.memref_squeeze %swap3A_1036 : memref<1x80xf32, #tpu.memory_space<vmem>> -> memref<80xf32, #tpu.memory_space<vmem>>
        %swap3A_1038 = arith.constant 64 : index
        %swap3A_1039 = tpu.vector_load %swap3A_1037[%swap3A_1038] {strides = array<i32>} : memref<80xf32, #tpu.memory_space<vmem>>, vector<16xf32>,
        tpu.vector_store %swap3A_1037[%swap3A_1038], %mul3A_1033 {strides = array<i32>} : memref<80xf32, #tpu.memory_space<vmem>>, vector<16xf32>,
        %swap3A_1040 = arith.constant 1 : i32
        %swap3A_1041 = arith.constant 0 : i32
        %swap3A_1042 = tpu.memref_slice %arg19[%swap3A_1040, %swap3A_1041] : memref<2x80xi32, #tpu.memory_space<vmem>> -> memref<1x80xi32, #tpu.memory_space<vmem>>
        %swap3A_1043 = tpu.memref_squeeze %swap3A_1042 : memref<1x80xi32, #tpu.memory_space<vmem>> -> memref<80xi32, #tpu.memory_space<vmem>>
        %swap3A_1044 = arith.constant 64 : index
        %swap3A_1045 = tpu.vector_load %swap3A_1043[%swap3A_1044] {strides = array<i32>} : memref<80xi32, #tpu.memory_space<vmem>>, vector<16xi32>,
        tpu.vector_store %swap3A_1043[%swap3A_1044], %get3A_1008 {strides = array<i32>} : memref<80xi32, #tpu.memory_space<vmem>>, vector<16xi32>,
        %dma_wait3A_1046 = arith.constant 0 : i32
        %dma_wait3A_1047 = arith.constant 0 : i32
        %dma_wait3A_1048 = arith.constant 0 : i32
        %dma_wait3A_1049 = tpu.memref_slice %arg20[%dma_wait3A_1046, %dma_wait3A_1047, %dma_wait3A_1048] : memref<2x80x128xf32, #tpu.memory_space<vmem>> -> memref<1x80x128xf32, #tpu.memory_space<vmem>>
        %dma_wait3A_1050 = tpu.memref_squeeze %dma_wait3A_1049 : memref<1x80x128xf32, #tpu.memory_space<vmem>> -> memref<80x128xf32, #tpu.memory_space<vmem>>
        %dma_wait3A_1051 = arith.constant 0 : i32
        %dma_wait3A_1052 = tpu.memref_slice %arg15[%dma_wait3A_1051] : memref<2000xi32, #tpu.memory_space<vmem>> -> memref<80xi32, #tpu.memory_space<vmem>>
        %dma_wait3A_1053 = arith.constant 0 : i32
        %dma_wait3A_1054 = arith.constant 0 : i32
        %dma_wait3A_1055 = tpu.memref_slice %arg2[%dma_wait3A_1053, %dma_wait3A_1054] : memref<10000x128xf32, #tpu.memory_space<hbm>> -> memref<10000x128xf32, #tpu.memory_space<hbm>>
        tpu.wait_indirect_dma semaphore(%arg21 : memref<!tpu.dma_semaphore, #tpu.memory_space<semaphore_mem>>) src(%dma_wait3A_1055 : memref<10000x128xf32, #tpu.memory_space<hbm>>) dst(%dma_wait3A_1050 : memref<80x128xf32, #tpu.memory_space<vmem>>)
        %scan3A_1056 = arith.constant 0 : i32
        %scan3A_1057 = arith.constant 20 : i32
        %scan3A_1058 = arith.addi %scan3A_1056, %scan3A_1057 : i32
        %scan3A_1059 = arith.constant 1 : i32
        scf.for %scan3A_1364 = %scan3A_1056 to %scan3A_1058 step %scan3A_1059  : i32 {
          %mul3A_1365 = arith.constant 4 : i32
          %mul3A_1366 = arith.muli %scan3A_1364, %mul3A_1365 : i32
          %add3A_1367 = arith.constant 0 : i32
          %add3A_1368 = arith.addi %add3A_1367, %mul3A_1366 : i32
          %add3A_1369 = arith.constant 0 : i32
          %add3A_1370 = arith.addi %add3A_1368, %add3A_1369 : i32
          %broadcast_in_dim3A_1371 = vector.broadcast %add3A_1370 : i32 to vector<16xi32>
          %gather3A_1372 = arith.constant 0 : i32
          %gather3A_1373 = arith.constant 0 : i32
          %gather3A_1374 = tpu.memref_slice %arg18[%gather3A_1372, %gather3A_1373] : memref<2x80xf32, #tpu.memory_space<vmem>> -> memref<1x80xf32, #tpu.memory_space<vmem>>
          %gather3A_1375 = tpu.memref_squeeze %gather3A_1374 : memref<1x80xf32, #tpu.memory_space<vmem>> -> memref<80xf32, #tpu.memory_space<vmem>>
          %gather3A_1376 = tpu.vector_load_idx %gather3A_1375[%broadcast_in_dim3A_1371] : memref<80xf32, #tpu.memory_space<vmem>>[vector<16xi32>], vector<16xf32>,
          %add3A_1377 = arith.constant 1 : i32
          %add3A_1378 = arith.addi %add3A_1368, %add3A_1377 : i32
          %broadcast_in_dim3A_1379 = vector.broadcast %add3A_1378 : i32 to vector<16xi32>
          %gather3A_1380 = arith.constant 0 : i32
          %gather3A_1381 = arith.constant 0 : i32
          %gather3A_1382 = tpu.memref_slice %arg18[%gather3A_1380, %gather3A_1381] : memref<2x80xf32, #tpu.memory_space<vmem>> -> memref<1x80xf32, #tpu.memory_space<vmem>>
          %gather3A_1383 = tpu.memref_squeeze %gather3A_1382 : memref<1x80xf32, #tpu.memory_space<vmem>> -> memref<80xf32, #tpu.memory_space<vmem>>
          %gather3A_1384 = tpu.vector_load_idx %gather3A_1383[%broadcast_in_dim3A_1379] : memref<80xf32, #tpu.memory_space<vmem>>[vector<16xi32>], vector<16xf32>,
          %add3A_1385 = arith.constant 2 : i32
          %add3A_1386 = arith.addi %add3A_1368, %add3A_1385 : i32
          %broadcast_in_dim3A_1387 = vector.broadcast %add3A_1386 : i32 to vector<16xi32>
          %gather3A_1388 = arith.constant 0 : i32
          %gather3A_1389 = arith.constant 0 : i32
          %gather3A_1390 = tpu.memref_slice %arg18[%gather3A_1388, %gather3A_1389] : memref<2x80xf32, #tpu.memory_space<vmem>> -> memref<1x80xf32, #tpu.memory_space<vmem>>
          %gather3A_1391 = tpu.memref_squeeze %gather3A_1390 : memref<1x80xf32, #tpu.memory_space<vmem>> -> memref<80xf32, #tpu.memory_space<vmem>>
          %gather3A_1392 = tpu.vector_load_idx %gather3A_1391[%broadcast_in_dim3A_1387] : memref<80xf32, #tpu.memory_space<vmem>>[vector<16xi32>], vector<16xf32>,
          %add3A_1393 = arith.constant 3 : i32
          %add3A_1394 = arith.addi %add3A_1368, %add3A_1393 : i32
          %broadcast_in_dim3A_1395 = vector.broadcast %add3A_1394 : i32 to vector<16xi32>
          %gather3A_1396 = arith.constant 0 : i32
          %gather3A_1397 = arith.constant 0 : i32
          %gather3A_1398 = tpu.memref_slice %arg18[%gather3A_1396, %gather3A_1397] : memref<2x80xf32, #tpu.memory_space<vmem>> -> memref<1x80xf32, #tpu.memory_space<vmem>>
          %gather3A_1399 = tpu.memref_squeeze %gather3A_1398 : memref<1x80xf32, #tpu.memory_space<vmem>> -> memref<80xf32, #tpu.memory_space<vmem>>
          %gather3A_1400 = tpu.vector_load_idx %gather3A_1399[%broadcast_in_dim3A_1395] : memref<80xf32, #tpu.memory_space<vmem>>[vector<16xi32>], vector<16xf32>,
          %add3A_1401 = arith.constant 0 : i32
          %add3A_1402 = arith.addi %add3A_1368, %add3A_1401 : i32
          %get3A_1403 = arith.constant 0 : i32
          %get3A_1404 = arith.index_cast %get3A_1403 : i32 to index
          %get3A_1405 = arith.index_cast %add3A_1402 : i32 to index
          %get3A_1406 = arith.constant 0 : index
          %get3A_1407 = tpu.vector_load %arg20[%get3A_1404, %get3A_1405, %get3A_1406] {strides = array<i32>} : memref<2x80x128xf32, #tpu.memory_space<vmem>>, vector<16xf32>,
          %mul3A_1408 = arith.mulf %get3A_1407, %gather3A_1376 : vector<16xf32>
          %add3A_1409 = arith.constant 0 : i32
          %add3A_1410 = arith.addi %add3A_1368, %add3A_1409 : i32
          %swap3A_1411 = arith.constant 0 : i32
          %swap3A_1412 = arith.index_cast %swap3A_1411 : i32 to index
          %swap3A_1413 = arith.index_cast %add3A_1410 : i32 to index
          %swap3A_1414 = arith.constant 0 : index
          %swap3A_1415 = tpu.vector_load %arg20[%swap3A_1412, %swap3A_1413, %swap3A_1414] {strides = array<i32>} : memref<2x80x128xf32, #tpu.memory_space<vmem>>, vector<16xf32>,
          tpu.vector_store %arg20[%swap3A_1412, %swap3A_1413, %swap3A_1414], %mul3A_1408 {strides = array<i32>} : memref<2x80x128xf32, #tpu.memory_space<vmem>>, vector<16xf32>,
          %add3A_1416 = arith.constant 0 : i32
          %add3A_1417 = arith.addi %add3A_1368, %add3A_1416 : i32
          %get3A_1418 = arith.constant 0 : i32
          %get3A_1419 = arith.index_cast %get3A_1418 : i32 to index
          %get3A_1420 = arith.index_cast %add3A_1417 : i32 to index
          %get3A_1421 = arith.constant 16 : index
          %get3A_1422 = tpu.vector_load %arg20[%get3A_1419, %get3A_1420, %get3A_1421] {strides = array<i32>} : memref<2x80x128xf32, #tpu.memory_space<vmem>>, vector<16xf32>,
          %mul3A_1423 = arith.mulf %get3A_1422, %gather3A_1376 : vector<16xf32>
          %add3A_1424 = arith.constant 0 : i32
          %add3A_1425 = arith.addi %add3A_1368, %add3A_1424 : i32
          %swap3A_1426 = arith.constant 0 : i32
          %swap3A_1427 = arith.index_cast %swap3A_1426 : i32 to index
          %swap3A_1428 = arith.index_cast %add3A_1425 : i32 to index
          %swap3A_1429 = arith.constant 16 : index
          %swap3A_1430 = tpu.vector_load %arg20[%swap3A_1427, %swap3A_1428, %swap3A_1429] {strides = array<i32>} : memref<2x80x128xf32, #tpu.memory_space<vmem>>, vector<16xf32>,
          tpu.vector_store %arg20[%swap3A_1427, %swap3A_1428, %swap3A_1429], %mul3A_1423 {strides = array<i32>} : memref<2x80x128xf32, #tpu.memory_space<vmem>>, vector<16xf32>,
          %add3A_1431 = arith.constant 0 : i32
          %add3A_1432 = arith.addi %add3A_1368, %add3A_1431 : i32
          %get3A_1433 = arith.constant 0 : i32
          %get3A_1434 = arith.index_cast %get3A_1433 : i32 to index
          %get3A_1435 = arith.index_cast %add3A_1432 : i32 to index
          %get3A_1436 = arith.constant 32 : index
          %get3A_1437 = tpu.vector_load %arg20[%get3A_1434, %get3A_1435, %get3A_1436] {strides = array<i32>} : memref<2x80x128xf32, #tpu.memory_space<vmem>>, vector<16xf32>,
          %mul3A_1438 = arith.mulf %get3A_1437, %gather3A_1376 : vector<16xf32>
          %add3A_1439 = arith.constant 0 : i32
          %add3A_1440 = arith.addi %add3A_1368, %add3A_1439 : i32
          %swap3A_1441 = arith.constant 0 : i32
          %swap3A_1442 = arith.index_cast %swap3A_1441 : i32 to index
          %swap3A_1443 = arith.index_cast %add3A_1440 : i32 to index
          %swap3A_1444 = arith.constant 32 : index
          %swap3A_1445 = tpu.vector_load %arg20[%swap3A_1442, %swap3A_1443, %swap3A_1444] {strides = array<i32>} : memref<2x80x128xf32, #tpu.memory_space<vmem>>, vector<16xf32>,
          tpu.vector_store %arg20[%swap3A_1442, %swap3A_1443, %swap3A_1444], %mul3A_1438 {strides = array<i32>} : memref<2x80x128xf32, #tpu.memory_space<vmem>>, vector<16xf32>,
          %add3A_1446 = arith.constant 0 : i32
          %add3A_1447 = arith.addi %add3A_1368, %add3A_1446 : i32
          %get3A_1448 = arith.constant 0 : i32
          %get3A_1449 = arith.index_cast %get3A_1448 : i32 to index
          %get3A_1450 = arith.index_cast %add3A_1447 : i32 to index
          %get3A_1451 = arith.constant 48 : index
          %get3A_1452 = tpu.vector_load %arg20[%get3A_1449, %get3A_1450, %get3A_1451] {strides = array<i32>} : memref<2x80x128xf32, #tpu.memory_space<vmem>>, vector<16xf32>,
          %mul3A_1453 = arith.mulf %get3A_1452, %gather3A_1376 : vector<16xf32>
          %add3A_1454 = arith.constant 0 : i32
          %add3A_1455 = arith.addi %add3A_1368, %add3A_1454 : i32
          %swap3A_1456 = arith.constant 0 : i32
          %swap3A_1457 = arith.index_cast %swap3A_1456 : i32 to index
          %swap3A_1458 = arith.index_cast %add3A_1455 : i32 to index
          %swap3A_1459 = arith.constant 48 : index
          %swap3A_1460 = tpu.vector_load %arg20[%swap3A_1457, %swap3A_1458, %swap3A_1459] {strides = array<i32>} : memref<2x80x128xf32, #tpu.memory_space<vmem>>, vector<16xf32>,
          tpu.vector_store %arg20[%swap3A_1457, %swap3A_1458, %swap3A_1459], %mul3A_1453 {strides = array<i32>} : memref<2x80x128xf32, #tpu.memory_space<vmem>>, vector<16xf32>,
          %add3A_1461 = arith.constant 0 : i32
          %add3A_1462 = arith.addi %add3A_1368, %add3A_1461 : i32
          %get3A_1463 = arith.constant 0 : i32
          %get3A_1464 = arith.index_cast %get3A_1463 : i32 to index
          %get3A_1465 = arith.index_cast %add3A_1462 : i32 to index
          %get3A_1466 = arith.constant 64 : index
          %get3A_1467 = tpu.vector_load %arg20[%get3A_1464, %get3A_1465, %get3A_1466] {strides = array<i32>} : memref<2x80x128xf32, #tpu.memory_space<vmem>>, vector<16xf32>,
          %mul3A_1468 = arith.mulf %get3A_1467, %gather3A_1376 : vector<16xf32>
          %add3A_1469 = arith.constant 0 : i32
          %add3A_1470 = arith.addi %add3A_1368, %add3A_1469 : i32
          %swap3A_1471 = arith.constant 0 : i32
          %swap3A_1472 = arith.index_cast %swap3A_1471 : i32 to index
          %swap3A_1473 = arith.index_cast %add3A_1470 : i32 to index
          %swap3A_1474 = arith.constant 64 : index
          %swap3A_1475 = tpu.vector_load %arg20[%swap3A_1472, %swap3A_1473, %swap3A_1474] {strides = array<i32>} : memref<2x80x128xf32, #tpu.memory_space<vmem>>, vector<16xf32>,
          tpu.vector_store %arg20[%swap3A_1472, %swap3A_1473, %swap3A_1474], %mul3A_1468 {strides = array<i32>} : memref<2x80x128xf32, #tpu.memory_space<vmem>>, vector<16xf32>,
          %add3A_1476 = arith.constant 0 : i32
          %add3A_1477 = arith.addi %add3A_1368, %add3A_1476 : i32
          %get3A_1478 = arith.constant 0 : i32
          %get3A_1479 = arith.index_cast %get3A_1478 : i32 to index
          %get3A_1480 = arith.index_cast %add3A_1477 : i32 to index
          %get3A_1481 = arith.constant 80 : index
          %get3A_1482 = tpu.vector_load %arg20[%get3A_1479, %get3A_1480, %get3A_1481] {strides = array<i32>} : memref<2x80x128xf32, #tpu.memory_space<vmem>>, vector<16xf32>,
          %mul3A_1483 = arith.mulf %get3A_1482, %gather3A_1376 : vector<16xf32>
          %add3A_1484 = arith.constant 0 : i32
          %add3A_1485 = arith.addi %add3A_1368, %add3A_1484 : i32
          %swap3A_1486 = arith.constant 0 : i32
          %swap3A_1487 = arith.index_cast %swap3A_1486 : i32 to index
          %swap3A_1488 = arith.index_cast %add3A_1485 : i32 to index
          %swap3A_1489 = arith.constant 80 : index
          %swap3A_1490 = tpu.vector_load %arg20[%swap3A_1487, %swap3A_1488, %swap3A_1489] {strides = array<i32>} : memref<2x80x128xf32, #tpu.memory_space<vmem>>, vector<16xf32>,
          tpu.vector_store %arg20[%swap3A_1487, %swap3A_1488, %swap3A_1489], %mul3A_1483 {strides = array<i32>} : memref<2x80x128xf32, #tpu.memory_space<vmem>>, vector<16xf32>,
          %add3A_1491 = arith.constant 0 : i32
          %add3A_1492 = arith.addi %add3A_1368, %add3A_1491 : i32
          %get3A_1493 = arith.constant 0 : i32
          %get3A_1494 = arith.index_cast %get3A_1493 : i32 to index
          %get3A_1495 = arith.index_cast %add3A_1492 : i32 to index
          %get3A_1496 = arith.constant 96 : index
          %get3A_1497 = tpu.vector_load %arg20[%get3A_1494, %get3A_1495, %get3A_1496] {strides = array<i32>} : memref<2x80x128xf32, #tpu.memory_space<vmem>>, vector<16xf32>,
          %mul3A_1498 = arith.mulf %get3A_1497, %gather3A_1376 : vector<16xf32>
          %add3A_1499 = arith.constant 0 : i32
          %add3A_1500 = arith.addi %add3A_1368, %add3A_1499 : i32
          %swap3A_1501 = arith.constant 0 : i32
          %swap3A_1502 = arith.index_cast %swap3A_1501 : i32 to index
          %swap3A_1503 = arith.index_cast %add3A_1500 : i32 to index
          %swap3A_1504 = arith.constant 96 : index
          %swap3A_1505 = tpu.vector_load %arg20[%swap3A_1502, %swap3A_1503, %swap3A_1504] {strides = array<i32>} : memref<2x80x128xf32, #tpu.memory_space<vmem>>, vector<16xf32>,
          tpu.vector_store %arg20[%swap3A_1502, %swap3A_1503, %swap3A_1504], %mul3A_1498 {strides = array<i32>} : memref<2x80x128xf32, #tpu.memory_space<vmem>>, vector<16xf32>,
          %add3A_1506 = arith.constant 0 : i32
          %add3A_1507 = arith.addi %add3A_1368, %add3A_1506 : i32
          %get3A_1508 = arith.constant 0 : i32
          %get3A_1509 = arith.index_cast %get3A_1508 : i32 to index
          %get3A_1510 = arith.index_cast %add3A_1507 : i32 to index
          %get3A_1511 = arith.constant 112 : index
          %get3A_1512 = tpu.vector_load %arg20[%get3A_1509, %get3A_1510, %get3A_1511] {strides = array<i32>} : memref<2x80x128xf32, #tpu.memory_space<vmem>>, vector<16xf32>,
          %mul3A_1513 = arith.mulf %get3A_1512, %gather3A_1376 : vector<16xf32>
          %add3A_1514 = arith.constant 0 : i32
          %add3A_1515 = arith.addi %add3A_1368, %add3A_1514 : i32
          %swap3A_1516 = arith.constant 0 : i32
          %swap3A_1517 = arith.index_cast %swap3A_1516 : i32 to index
          %swap3A_1518 = arith.index_cast %add3A_1515 : i32 to index
          %swap3A_1519 = arith.constant 112 : index
          %swap3A_1520 = tpu.vector_load %arg20[%swap3A_1517, %swap3A_1518, %swap3A_1519] {strides = array<i32>} : memref<2x80x128xf32, #tpu.memory_space<vmem>>, vector<16xf32>,
          tpu.vector_store %arg20[%swap3A_1517, %swap3A_1518, %swap3A_1519], %mul3A_1513 {strides = array<i32>} : memref<2x80x128xf32, #tpu.memory_space<vmem>>, vector<16xf32>,
          %add3A_1521 = arith.constant 1 : i32
          %add3A_1522 = arith.addi %add3A_1368, %add3A_1521 : i32
          %get3A_1523 = arith.constant 0 : i32
          %get3A_1524 = arith.index_cast %get3A_1523 : i32 to index
          %get3A_1525 = arith.index_cast %add3A_1522 : i32 to index
          %get3A_1526 = arith.constant 0 : index
          %get3A_1527 = tpu.vector_load %arg20[%get3A_1524, %get3A_1525, %get3A_1526] {strides = array<i32>} : memref<2x80x128xf32, #tpu.memory_space<vmem>>, vector<16xf32>,
          %mul3A_1528 = arith.mulf %get3A_1527, %gather3A_1384 : vector<16xf32>
          %add3A_1529 = arith.constant 1 : i32
          %add3A_1530 = arith.addi %add3A_1368, %add3A_1529 : i32
          %swap3A_1531 = arith.constant 0 : i32
          %swap3A_1532 = arith.index_cast %swap3A_1531 : i32 to index
          %swap3A_1533 = arith.index_cast %add3A_1530 : i32 to index
          %swap3A_1534 = arith.constant 0 : index
          %swap3A_1535 = tpu.vector_load %arg20[%swap3A_1532, %swap3A_1533, %swap3A_1534] {strides = array<i32>} : memref<2x80x128xf32, #tpu.memory_space<vmem>>, vector<16xf32>,
          tpu.vector_store %arg20[%swap3A_1532, %swap3A_1533, %swap3A_1534], %mul3A_1528 {strides = array<i32>} : memref<2x80x128xf32, #tpu.memory_space<vmem>>, vector<16xf32>,
          %add3A_1536 = arith.constant 1 : i32
          %add3A_1537 = arith.addi %add3A_1368, %add3A_1536 : i32
          %get3A_1538 = arith.constant 0 : i32
          %get3A_1539 = arith.index_cast %get3A_1538 : i32 to index
          %get3A_1540 = arith.index_cast %add3A_1537 : i32 to index
          %get3A_1541 = arith.constant 16 : index
          %get3A_1542 = tpu.vector_load %arg20[%get3A_1539, %get3A_1540, %get3A_1541] {strides = array<i32>} : memref<2x80x128xf32, #tpu.memory_space<vmem>>, vector<16xf32>,
          %mul3A_1543 = arith.mulf %get3A_1542, %gather3A_1384 : vector<16xf32>
          %add3A_1544 = arith.constant 1 : i32
          %add3A_1545 = arith.addi %add3A_1368, %add3A_1544 : i32
          %swap3A_1546 = arith.constant 0 : i32
          %swap3A_1547 = arith.index_cast %swap3A_1546 : i32 to index
          %swap3A_1548 = arith.index_cast %add3A_1545 : i32 to index
          %swap3A_1549 = arith.constant 16 : index
          %swap3A_1550 = tpu.vector_load %arg20[%swap3A_1547, %swap3A_1548, %swap3A_1549] {strides = array<i32>} : memref<2x80x128xf32, #tpu.memory_space<vmem>>, vector<16xf32>,
          tpu.vector_store %arg20[%swap3A_1547, %swap3A_1548, %swap3A_1549], %mul3A_1543 {strides = array<i32>} : memref<2x80x128xf32, #tpu.memory_space<vmem>>, vector<16xf32>,
          %add3A_1551 = arith.constant 1 : i32
          %add3A_1552 = arith.addi %add3A_1368, %add3A_1551 : i32
          %get3A_1553 = arith.constant 0 : i32
          %get3A_1554 = arith.index_cast %get3A_1553 : i32 to index
          %get3A_1555 = arith.index_cast %add3A_1552 : i32 to index
          %get3A_1556 = arith.constant 32 : index
          %get3A_1557 = tpu.vector_load %arg20[%get3A_1554, %get3A_1555, %get3A_1556] {strides = array<i32>} : memref<2x80x128xf32, #tpu.memory_space<vmem>>, vector<16xf32>,
          %mul3A_1558 = arith.mulf %get3A_1557, %gather3A_1384 : vector<16xf32>
          %add3A_1559 = arith.constant 1 : i32
          %add3A_1560 = arith.addi %add3A_1368, %add3A_1559 : i32
          %swap3A_1561 = arith.constant 0 : i32
          %swap3A_1562 = arith.index_cast %swap3A_1561 : i32 to index
          %swap3A_1563 = arith.index_cast %add3A_1560 : i32 to index
          %swap3A_1564 = arith.constant 32 : index
          %swap3A_1565 = tpu.vector_load %arg20[%swap3A_1562, %swap3A_1563, %swap3A_1564] {strides = array<i32>} : memref<2x80x128xf32, #tpu.memory_space<vmem>>, vector<16xf32>,
          tpu.vector_store %arg20[%swap3A_1562, %swap3A_1563, %swap3A_1564], %mul3A_1558 {strides = array<i32>} : memref<2x80x128xf32, #tpu.memory_space<vmem>>, vector<16xf32>,
          %add3A_1566 = arith.constant 1 : i32
          %add3A_1567 = arith.addi %add3A_1368, %add3A_1566 : i32
          %get3A_1568 = arith.constant 0 : i32
          %get3A_1569 = arith.index_cast %get3A_1568 : i32 to index
          %get3A_1570 = arith.index_cast %add3A_1567 : i32 to index
          %get3A_1571 = arith.constant 48 : index
          %get3A_1572 = tpu.vector_load %arg20[%get3A_1569, %get3A_1570, %get3A_1571] {strides = array<i32>} : memref<2x80x128xf32, #tpu.memory_space<vmem>>, vector<16xf32>,
          %mul3A_1573 = arith.mulf %get3A_1572, %gather3A_1384 : vector<16xf32>
          %add3A_1574 = arith.constant 1 : i32
          %add3A_1575 = arith.addi %add3A_1368, %add3A_1574 : i32
          %swap3A_1576 = arith.constant 0 : i32
          %swap3A_1577 = arith.index_cast %swap3A_1576 : i32 to index
          %swap3A_1578 = arith.index_cast %add3A_1575 : i32 to index
          %swap3A_1579 = arith.constant 48 : index
          %swap3A_1580 = tpu.vector_load %arg20[%swap3A_1577, %swap3A_1578, %swap3A_1579] {strides = array<i32>} : memref<2x80x128xf32, #tpu.memory_space<vmem>>, vector<16xf32>,
          tpu.vector_store %arg20[%swap3A_1577, %swap3A_1578, %swap3A_1579], %mul3A_1573 {strides = array<i32>} : memref<2x80x128xf32, #tpu.memory_space<vmem>>, vector<16xf32>,
          %add3A_1581 = arith.constant 1 : i32
          %add3A_1582 = arith.addi %add3A_1368, %add3A_1581 : i32
          %get3A_1583 = arith.constant 0 : i32
          %get3A_1584 = arith.index_cast %get3A_1583 : i32 to index
          %get3A_1585 = arith.index_cast %add3A_1582 : i32 to index
          %get3A_1586 = arith.constant 64 : index
          %get3A_1587 = tpu.vector_load %arg20[%get3A_1584, %get3A_1585, %get3A_1586] {strides = array<i32>} : memref<2x80x128xf32, #tpu.memory_space<vmem>>, vector<16xf32>,
          %mul3A_1588 = arith.mulf %get3A_1587, %gather3A_1384 : vector<16xf32>
          %add3A_1589 = arith.constant 1 : i32
          %add3A_1590 = arith.addi %add3A_1368, %add3A_1589 : i32
          %swap3A_1591 = arith.constant 0 : i32
          %swap3A_1592 = arith.index_cast %swap3A_1591 : i32 to index
          %swap3A_1593 = arith.index_cast %add3A_1590 : i32 to index
          %swap3A_1594 = arith.constant 64 : index
          %swap3A_1595 = tpu.vector_load %arg20[%swap3A_1592, %swap3A_1593, %swap3A_1594] {strides = array<i32>} : memref<2x80x128xf32, #tpu.memory_space<vmem>>, vector<16xf32>,
          tpu.vector_store %arg20[%swap3A_1592, %swap3A_1593, %swap3A_1594], %mul3A_1588 {strides = array<i32>} : memref<2x80x128xf32, #tpu.memory_space<vmem>>, vector<16xf32>,
          %add3A_1596 = arith.constant 1 : i32
          %add3A_1597 = arith.addi %add3A_1368, %add3A_1596 : i32
          %get3A_1598 = arith.constant 0 : i32
          %get3A_1599 = arith.index_cast %get3A_1598 : i32 to index
          %get3A_1600 = arith.index_cast %add3A_1597 : i32 to index
          %get3A_1601 = arith.constant 80 : index
          %get3A_1602 = tpu.vector_load %arg20[%get3A_1599, %get3A_1600, %get3A_1601] {strides = array<i32>} : memref<2x80x128xf32, #tpu.memory_space<vmem>>, vector<16xf32>,
          %mul3A_1603 = arith.mulf %get3A_1602, %gather3A_1384 : vector<16xf32>
          %add3A_1604 = arith.constant 1 : i32
          %add3A_1605 = arith.addi %add3A_1368, %add3A_1604 : i32
          %swap3A_1606 = arith.constant 0 : i32
          %swap3A_1607 = arith.index_cast %swap3A_1606 : i32 to index
          %swap3A_1608 = arith.index_cast %add3A_1605 : i32 to index
          %swap3A_1609 = arith.constant 80 : index
          %swap3A_1610 = tpu.vector_load %arg20[%swap3A_1607, %swap3A_1608, %swap3A_1609] {strides = array<i32>} : memref<2x80x128xf32, #tpu.memory_space<vmem>>, vector<16xf32>,
          tpu.vector_store %arg20[%swap3A_1607, %swap3A_1608, %swap3A_1609], %mul3A_1603 {strides = array<i32>} : memref<2x80x128xf32, #tpu.memory_space<vmem>>, vector<16xf32>,
          %add3A_1611 = arith.constant 1 : i32
          %add3A_1612 = arith.addi %add3A_1368, %add3A_1611 : i32
          %get3A_1613 = arith.constant 0 : i32
          %get3A_1614 = arith.index_cast %get3A_1613 : i32 to index
          %get3A_1615 = arith.index_cast %add3A_1612 : i32 to index
          %get3A_1616 = arith.constant 96 : index
          %get3A_1617 = tpu.vector_load %arg20[%get3A_1614, %get3A_1615, %get3A_1616] {strides = array<i32>} : memref<2x80x128xf32, #tpu.memory_space<vmem>>, vector<16xf32>,
          %mul3A_1618 = arith.mulf %get3A_1617, %gather3A_1384 : vector<16xf32>
          %add3A_1619 = arith.constant 1 : i32
          %add3A_1620 = arith.addi %add3A_1368, %add3A_1619 : i32
          %swap3A_1621 = arith.constant 0 : i32
          %swap3A_1622 = arith.index_cast %swap3A_1621 : i32 to index
          %swap3A_1623 = arith.index_cast %add3A_1620 : i32 to index
          %swap3A_1624 = arith.constant 96 : index
          %swap3A_1625 = tpu.vector_load %arg20[%swap3A_1622, %swap3A_1623, %swap3A_1624] {strides = array<i32>} : memref<2x80x128xf32, #tpu.memory_space<vmem>>, vector<16xf32>,
          tpu.vector_store %arg20[%swap3A_1622, %swap3A_1623, %swap3A_1624], %mul3A_1618 {strides = array<i32>} : memref<2x80x128xf32, #tpu.memory_space<vmem>>, vector<16xf32>,
          %add3A_1626 = arith.constant 1 : i32
          %add3A_1627 = arith.addi %add3A_1368, %add3A_1626 : i32
          %get3A_1628 = arith.constant 0 : i32
          %get3A_1629 = arith.index_cast %get3A_1628 : i32 to index
          %get3A_1630 = arith.index_cast %add3A_1627 : i32 to index
          %get3A_1631 = arith.constant 112 : index
          %get3A_1632 = tpu.vector_load %arg20[%get3A_1629, %get3A_1630, %get3A_1631] {strides = array<i32>} : memref<2x80x128xf32, #tpu.memory_space<vmem>>, vector<16xf32>,
          %mul3A_1633 = arith.mulf %get3A_1632, %gather3A_1384 : vector<16xf32>
          %add3A_1634 = arith.constant 1 : i32
          %add3A_1635 = arith.addi %add3A_1368, %add3A_1634 : i32
          %swap3A_1636 = arith.constant 0 : i32
          %swap3A_1637 = arith.index_cast %swap3A_1636 : i32 to index
          %swap3A_1638 = arith.index_cast %add3A_1635 : i32 to index
          %swap3A_1639 = arith.constant 112 : index
          %swap3A_1640 = tpu.vector_load %arg20[%swap3A_1637, %swap3A_1638, %swap3A_1639] {strides = array<i32>} : memref<2x80x128xf32, #tpu.memory_space<vmem>>, vector<16xf32>,
          tpu.vector_store %arg20[%swap3A_1637, %swap3A_1638, %swap3A_1639], %mul3A_1633 {strides = array<i32>} : memref<2x80x128xf32, #tpu.memory_space<vmem>>, vector<16xf32>,
          %add3A_1641 = arith.constant 2 : i32
          %add3A_1642 = arith.addi %add3A_1368, %add3A_1641 : i32
          %get3A_1643 = arith.constant 0 : i32
          %get3A_1644 = arith.index_cast %get3A_1643 : i32 to index
          %get3A_1645 = arith.index_cast %add3A_1642 : i32 to index
          %get3A_1646 = arith.constant 0 : index
          %get3A_1647 = tpu.vector_load %arg20[%get3A_1644, %get3A_1645, %get3A_1646] {strides = array<i32>} : memref<2x80x128xf32, #tpu.memory_space<vmem>>, vector<16xf32>,
          %mul3A_1648 = arith.mulf %get3A_1647, %gather3A_1392 : vector<16xf32>
          %add3A_1649 = arith.constant 2 : i32
          %add3A_1650 = arith.addi %add3A_1368, %add3A_1649 : i32
          %swap3A_1651 = arith.constant 0 : i32
          %swap3A_1652 = arith.index_cast %swap3A_1651 : i32 to index
          %swap3A_1653 = arith.index_cast %add3A_1650 : i32 to index
          %swap3A_1654 = arith.constant 0 : index
          %swap3A_1655 = tpu.vector_load %arg20[%swap3A_1652, %swap3A_1653, %swap3A_1654] {strides = array<i32>} : memref<2x80x128xf32, #tpu.memory_space<vmem>>, vector<16xf32>,
          tpu.vector_store %arg20[%swap3A_1652, %swap3A_1653, %swap3A_1654], %mul3A_1648 {strides = array<i32>} : memref<2x80x128xf32, #tpu.memory_space<vmem>>, vector<16xf32>,
          %add3A_1656 = arith.constant 2 : i32
          %add3A_1657 = arith.addi %add3A_1368, %add3A_1656 : i32
          %get3A_1658 = arith.constant 0 : i32
          %get3A_1659 = arith.index_cast %get3A_1658 : i32 to index
          %get3A_1660 = arith.index_cast %add3A_1657 : i32 to index
          %get3A_1661 = arith.constant 16 : index
          %get3A_1662 = tpu.vector_load %arg20[%get3A_1659, %get3A_1660, %get3A_1661] {strides = array<i32>} : memref<2x80x128xf32, #tpu.memory_space<vmem>>, vector<16xf32>,
          %mul3A_1663 = arith.mulf %get3A_1662, %gather3A_1392 : vector<16xf32>
          %add3A_1664 = arith.constant 2 : i32
          %add3A_1665 = arith.addi %add3A_1368, %add3A_1664 : i32
          %swap3A_1666 = arith.constant 0 : i32
          %swap3A_1667 = arith.index_cast %swap3A_1666 : i32 to index
          %swap3A_1668 = arith.index_cast %add3A_1665 : i32 to index
          %swap3A_1669 = arith.constant 16 : index
          %swap3A_1670 = tpu.vector_load %arg20[%swap3A_1667, %swap3A_1668, %swap3A_1669] {strides = array<i32>} : memref<2x80x128xf32, #tpu.memory_space<vmem>>, vector<16xf32>,
          tpu.vector_store %arg20[%swap3A_1667, %swap3A_1668, %swap3A_1669], %mul3A_1663 {strides = array<i32>} : memref<2x80x128xf32, #tpu.memory_space<vmem>>, vector<16xf32>,
          %add3A_1671 = arith.constant 2 : i32
          %add3A_1672 = arith.addi %add3A_1368, %add3A_1671 : i32
          %get3A_1673 = arith.constant 0 : i32
          %get3A_1674 = arith.index_cast %get3A_1673 : i32 to index
          %get3A_1675 = arith.index_cast %add3A_1672 : i32 to index
          %get3A_1676 = arith.constant 32 : index
          %get3A_1677 = tpu.vector_load %arg20[%get3A_1674, %get3A_1675, %get3A_1676] {strides = array<i32>} : memref<2x80x128xf32, #tpu.memory_space<vmem>>, vector<16xf32>,
          %mul3A_1678 = arith.mulf %get3A_1677, %gather3A_1392 : vector<16xf32>
          %add3A_1679 = arith.constant 2 : i32
          %add3A_1680 = arith.addi %add3A_1368, %add3A_1679 : i32
          %swap3A_1681 = arith.constant 0 : i32
          %swap3A_1682 = arith.index_cast %swap3A_1681 : i32 to index
          %swap3A_1683 = arith.index_cast %add3A_1680 : i32 to index
          %swap3A_1684 = arith.constant 32 : index
          %swap3A_1685 = tpu.vector_load %arg20[%swap3A_1682, %swap3A_1683, %swap3A_1684] {strides = array<i32>} : memref<2x80x128xf32, #tpu.memory_space<vmem>>, vector<16xf32>,
          tpu.vector_store %arg20[%swap3A_1682, %swap3A_1683, %swap3A_1684], %mul3A_1678 {strides = array<i32>} : memref<2x80x128xf32, #tpu.memory_space<vmem>>, vector<16xf32>,
          %add3A_1686 = arith.constant 2 : i32
          %add3A_1687 = arith.addi %add3A_1368, %add3A_1686 : i32
          %get3A_1688 = arith.constant 0 : i32
          %get3A_1689 = arith.index_cast %get3A_1688 : i32 to index
          %get3A_1690 = arith.index_cast %add3A_1687 : i32 to index
          %get3A_1691 = arith.constant 48 : index
          %get3A_1692 = tpu.vector_load %arg20[%get3A_1689, %get3A_1690, %get3A_1691] {strides = array<i32>} : memref<2x80x128xf32, #tpu.memory_space<vmem>>, vector<16xf32>,
          %mul3A_1693 = arith.mulf %get3A_1692, %gather3A_1392 : vector<16xf32>
          %add3A_1694 = arith.constant 2 : i32
          %add3A_1695 = arith.addi %add3A_1368, %add3A_1694 : i32
          %swap3A_1696 = arith.constant 0 : i32
          %swap3A_1697 = arith.index_cast %swap3A_1696 : i32 to index
          %swap3A_1698 = arith.index_cast %add3A_1695 : i32 to index
          %swap3A_1699 = arith.constant 48 : index
          %swap3A_1700 = tpu.vector_load %arg20[%swap3A_1697, %swap3A_1698, %swap3A_1699] {strides = array<i32>} : memref<2x80x128xf32, #tpu.memory_space<vmem>>, vector<16xf32>,
          tpu.vector_store %arg20[%swap3A_1697, %swap3A_1698, %swap3A_1699], %mul3A_1693 {strides = array<i32>} : memref<2x80x128xf32, #tpu.memory_space<vmem>>, vector<16xf32>,
          %add3A_1701 = arith.constant 2 : i32
          %add3A_1702 = arith.addi %add3A_1368, %add3A_1701 : i32
          %get3A_1703 = arith.constant 0 : i32
          %get3A_1704 = arith.index_cast %get3A_1703 : i32 to index
          %get3A_1705 = arith.index_cast %add3A_1702 : i32 to index
          %get3A_1706 = arith.constant 64 : index
          %get3A_1707 = tpu.vector_load %arg20[%get3A_1704, %get3A_1705, %get3A_1706] {strides = array<i32>} : memref<2x80x128xf32, #tpu.memory_space<vmem>>, vector<16xf32>,
          %mul3A_1708 = arith.mulf %get3A_1707, %gather3A_1392 : vector<16xf32>
          %add3A_1709 = arith.constant 2 : i32
          %add3A_1710 = arith.addi %add3A_1368, %add3A_1709 : i32
          %swap3A_1711 = arith.constant 0 : i32
          %swap3A_1712 = arith.index_cast %swap3A_1711 : i32 to index
          %swap3A_1713 = arith.index_cast %add3A_1710 : i32 to index
          %swap3A_1714 = arith.constant 64 : index
          %swap3A_1715 = tpu.vector_load %arg20[%swap3A_1712, %swap3A_1713, %swap3A_1714] {strides = array<i32>} : memref<2x80x128xf32, #tpu.memory_space<vmem>>, vector<16xf32>,
          tpu.vector_store %arg20[%swap3A_1712, %swap3A_1713, %swap3A_1714], %mul3A_1708 {strides = array<i32>} : memref<2x80x128xf32, #tpu.memory_space<vmem>>, vector<16xf32>,
          %add3A_1716 = arith.constant 2 : i32
          %add3A_1717 = arith.addi %add3A_1368, %add3A_1716 : i32
          %get3A_1718 = arith.constant 0 : i32
          %get3A_1719 = arith.index_cast %get3A_1718 : i32 to index
          %get3A_1720 = arith.index_cast %add3A_1717 : i32 to index
          %get3A_1721 = arith.constant 80 : index
          %get3A_1722 = tpu.vector_load %arg20[%get3A_1719, %get3A_1720, %get3A_1721] {strides = array<i32>} : memref<2x80x128xf32, #tpu.memory_space<vmem>>, vector<16xf32>,
          %mul3A_1723 = arith.mulf %get3A_1722, %gather3A_1392 : vector<16xf32>
          %add3A_1724 = arith.constant 2 : i32
          %add3A_1725 = arith.addi %add3A_1368, %add3A_1724 : i32
          %swap3A_1726 = arith.constant 0 : i32
          %swap3A_1727 = arith.index_cast %swap3A_1726 : i32 to index
          %swap3A_1728 = arith.index_cast %add3A_1725 : i32 to index
          %swap3A_1729 = arith.constant 80 : index
          %swap3A_1730 = tpu.vector_load %arg20[%swap3A_1727, %swap3A_1728, %swap3A_1729] {strides = array<i32>} : memref<2x80x128xf32, #tpu.memory_space<vmem>>, vector<16xf32>,
          tpu.vector_store %arg20[%swap3A_1727, %swap3A_1728, %swap3A_1729], %mul3A_1723 {strides = array<i32>} : memref<2x80x128xf32, #tpu.memory_space<vmem>>, vector<16xf32>,
          %add3A_1731 = arith.constant 2 : i32
          %add3A_1732 = arith.addi %add3A_1368, %add3A_1731 : i32
          %get3A_1733 = arith.constant 0 : i32
          %get3A_1734 = arith.index_cast %get3A_1733 : i32 to index
          %get3A_1735 = arith.index_cast %add3A_1732 : i32 to index
          %get3A_1736 = arith.constant 96 : index
          %get3A_1737 = tpu.vector_load %arg20[%get3A_1734, %get3A_1735, %get3A_1736] {strides = array<i32>} : memref<2x80x128xf32, #tpu.memory_space<vmem>>, vector<16xf32>,
          %mul3A_1738 = arith.mulf %get3A_1737, %gather3A_1392 : vector<16xf32>
          %add3A_1739 = arith.constant 2 : i32
          %add3A_1740 = arith.addi %add3A_1368, %add3A_1739 : i32
          %swap3A_1741 = arith.constant 0 : i32
          %swap3A_1742 = arith.index_cast %swap3A_1741 : i32 to index
          %swap3A_1743 = arith.index_cast %add3A_1740 : i32 to index
          %swap3A_1744 = arith.constant 96 : index
          %swap3A_1745 = tpu.vector_load %arg20[%swap3A_1742, %swap3A_1743, %swap3A_1744] {strides = array<i32>} : memref<2x80x128xf32, #tpu.memory_space<vmem>>, vector<16xf32>,
          tpu.vector_store %arg20[%swap3A_1742, %swap3A_1743, %swap3A_1744], %mul3A_1738 {strides = array<i32>} : memref<2x80x128xf32, #tpu.memory_space<vmem>>, vector<16xf32>,
          %add3A_1746 = arith.constant 2 : i32
          %add3A_1747 = arith.addi %add3A_1368, %add3A_1746 : i32
          %get3A_1748 = arith.constant 0 : i32
          %get3A_1749 = arith.index_cast %get3A_1748 : i32 to index
          %get3A_1750 = arith.index_cast %add3A_1747 : i32 to index
          %get3A_1751 = arith.constant 112 : index
          %get3A_1752 = tpu.vector_load %arg20[%get3A_1749, %get3A_1750, %get3A_1751] {strides = array<i32>} : memref<2x80x128xf32, #tpu.memory_space<vmem>>, vector<16xf32>,
          %mul3A_1753 = arith.mulf %get3A_1752, %gather3A_1392 : vector<16xf32>
          %add3A_1754 = arith.constant 2 : i32
          %add3A_1755 = arith.addi %add3A_1368, %add3A_1754 : i32
          %swap3A_1756 = arith.constant 0 : i32
          %swap3A_1757 = arith.index_cast %swap3A_1756 : i32 to index
          %swap3A_1758 = arith.index_cast %add3A_1755 : i32 to index
          %swap3A_1759 = arith.constant 112 : index
          %swap3A_1760 = tpu.vector_load %arg20[%swap3A_1757, %swap3A_1758, %swap3A_1759] {strides = array<i32>} : memref<2x80x128xf32, #tpu.memory_space<vmem>>, vector<16xf32>,
          tpu.vector_store %arg20[%swap3A_1757, %swap3A_1758, %swap3A_1759], %mul3A_1753 {strides = array<i32>} : memref<2x80x128xf32, #tpu.memory_space<vmem>>, vector<16xf32>,
          %add3A_1761 = arith.constant 3 : i32
          %add3A_1762 = arith.addi %add3A_1368, %add3A_1761 : i32
          %get3A_1763 = arith.constant 0 : i32
          %get3A_1764 = arith.index_cast %get3A_1763 : i32 to index
          %get3A_1765 = arith.index_cast %add3A_1762 : i32 to index
          %get3A_1766 = arith.constant 0 : index
          %get3A_1767 = tpu.vector_load %arg20[%get3A_1764, %get3A_1765, %get3A_1766] {strides = array<i32>} : memref<2x80x128xf32, #tpu.memory_space<vmem>>, vector<16xf32>,
          %mul3A_1768 = arith.mulf %get3A_1767, %gather3A_1400 : vector<16xf32>
          %add3A_1769 = arith.constant 3 : i32
          %add3A_1770 = arith.addi %add3A_1368, %add3A_1769 : i32
          %swap3A_1771 = arith.constant 0 : i32
          %swap3A_1772 = arith.index_cast %swap3A_1771 : i32 to index
          %swap3A_1773 = arith.index_cast %add3A_1770 : i32 to index
          %swap3A_1774 = arith.constant 0 : index
          %swap3A_1775 = tpu.vector_load %arg20[%swap3A_1772, %swap3A_1773, %swap3A_1774] {strides = array<i32>} : memref<2x80x128xf32, #tpu.memory_space<vmem>>, vector<16xf32>,
          tpu.vector_store %arg20[%swap3A_1772, %swap3A_1773, %swap3A_1774], %mul3A_1768 {strides = array<i32>} : memref<2x80x128xf32, #tpu.memory_space<vmem>>, vector<16xf32>,
          %add3A_1776 = arith.constant 3 : i32
          %add3A_1777 = arith.addi %add3A_1368, %add3A_1776 : i32
          %get3A_1778 = arith.constant 0 : i32
          %get3A_1779 = arith.index_cast %get3A_1778 : i32 to index
          %get3A_1780 = arith.index_cast %add3A_1777 : i32 to index
          %get3A_1781 = arith.constant 16 : index
          %get3A_1782 = tpu.vector_load %arg20[%get3A_1779, %get3A_1780, %get3A_1781] {strides = array<i32>} : memref<2x80x128xf32, #tpu.memory_space<vmem>>, vector<16xf32>,
          %mul3A_1783 = arith.mulf %get3A_1782, %gather3A_1400 : vector<16xf32>
          %add3A_1784 = arith.constant 3 : i32
          %add3A_1785 = arith.addi %add3A_1368, %add3A_1784 : i32
          %swap3A_1786 = arith.constant 0 : i32
          %swap3A_1787 = arith.index_cast %swap3A_1786 : i32 to index
          %swap3A_1788 = arith.index_cast %add3A_1785 : i32 to index
          %swap3A_1789 = arith.constant 16 : index
          %swap3A_1790 = tpu.vector_load %arg20[%swap3A_1787, %swap3A_1788, %swap3A_1789] {strides = array<i32>} : memref<2x80x128xf32, #tpu.memory_space<vmem>>, vector<16xf32>,
          tpu.vector_store %arg20[%swap3A_1787, %swap3A_1788, %swap3A_1789], %mul3A_1783 {strides = array<i32>} : memref<2x80x128xf32, #tpu.memory_space<vmem>>, vector<16xf32>,
          %add3A_1791 = arith.constant 3 : i32
          %add3A_1792 = arith.addi %add3A_1368, %add3A_1791 : i32
          %get3A_1793 = arith.constant 0 : i32
          %get3A_1794 = arith.index_cast %get3A_1793 : i32 to index
          %get3A_1795 = arith.index_cast %add3A_1792 : i32 to index
          %get3A_1796 = arith.constant 32 : index
          %get3A_1797 = tpu.vector_load %arg20[%get3A_1794, %get3A_1795, %get3A_1796] {strides = array<i32>} : memref<2x80x128xf32, #tpu.memory_space<vmem>>, vector<16xf32>,
          %mul3A_1798 = arith.mulf %get3A_1797, %gather3A_1400 : vector<16xf32>
          %add3A_1799 = arith.constant 3 : i32
          %add3A_1800 = arith.addi %add3A_1368, %add3A_1799 : i32
          %swap3A_1801 = arith.constant 0 : i32
          %swap3A_1802 = arith.index_cast %swap3A_1801 : i32 to index
          %swap3A_1803 = arith.index_cast %add3A_1800 : i32 to index
          %swap3A_1804 = arith.constant 32 : index
          %swap3A_1805 = tpu.vector_load %arg20[%swap3A_1802, %swap3A_1803, %swap3A_1804] {strides = array<i32>} : memref<2x80x128xf32, #tpu.memory_space<vmem>>, vector<16xf32>,
          tpu.vector_store %arg20[%swap3A_1802, %swap3A_1803, %swap3A_1804], %mul3A_1798 {strides = array<i32>} : memref<2x80x128xf32, #tpu.memory_space<vmem>>, vector<16xf32>,
          %add3A_1806 = arith.constant 3 : i32
          %add3A_1807 = arith.addi %add3A_1368, %add3A_1806 : i32
          %get3A_1808 = arith.constant 0 : i32
          %get3A_1809 = arith.index_cast %get3A_1808 : i32 to index
          %get3A_1810 = arith.index_cast %add3A_1807 : i32 to index
          %get3A_1811 = arith.constant 48 : index
          %get3A_1812 = tpu.vector_load %arg20[%get3A_1809, %get3A_1810, %get3A_1811] {strides = array<i32>} : memref<2x80x128xf32, #tpu.memory_space<vmem>>, vector<16xf32>,
          %mul3A_1813 = arith.mulf %get3A_1812, %gather3A_1400 : vector<16xf32>
          %add3A_1814 = arith.constant 3 : i32
          %add3A_1815 = arith.addi %add3A_1368, %add3A_1814 : i32
          %swap3A_1816 = arith.constant 0 : i32
          %swap3A_1817 = arith.index_cast %swap3A_1816 : i32 to index
          %swap3A_1818 = arith.index_cast %add3A_1815 : i32 to index
          %swap3A_1819 = arith.constant 48 : index
          %swap3A_1820 = tpu.vector_load %arg20[%swap3A_1817, %swap3A_1818, %swap3A_1819] {strides = array<i32>} : memref<2x80x128xf32, #tpu.memory_space<vmem>>, vector<16xf32>,
          tpu.vector_store %arg20[%swap3A_1817, %swap3A_1818, %swap3A_1819], %mul3A_1813 {strides = array<i32>} : memref<2x80x128xf32, #tpu.memory_space<vmem>>, vector<16xf32>,
          %add3A_1821 = arith.constant 3 : i32
          %add3A_1822 = arith.addi %add3A_1368, %add3A_1821 : i32
          %get3A_1823 = arith.constant 0 : i32
          %get3A_1824 = arith.index_cast %get3A_1823 : i32 to index
          %get3A_1825 = arith.index_cast %add3A_1822 : i32 to index
          %get3A_1826 = arith.constant 64 : index
          %get3A_1827 = tpu.vector_load %arg20[%get3A_1824, %get3A_1825, %get3A_1826] {strides = array<i32>} : memref<2x80x128xf32, #tpu.memory_space<vmem>>, vector<16xf32>,
          %mul3A_1828 = arith.mulf %get3A_1827, %gather3A_1400 : vector<16xf32>
          %add3A_1829 = arith.constant 3 : i32
          %add3A_1830 = arith.addi %add3A_1368, %add3A_1829 : i32
          %swap3A_1831 = arith.constant 0 : i32
          %swap3A_1832 = arith.index_cast %swap3A_1831 : i32 to index
          %swap3A_1833 = arith.index_cast %add3A_1830 : i32 to index
          %swap3A_1834 = arith.constant 64 : index
          %swap3A_1835 = tpu.vector_load %arg20[%swap3A_1832, %swap3A_1833, %swap3A_1834] {strides = array<i32>} : memref<2x80x128xf32, #tpu.memory_space<vmem>>, vector<16xf32>,
          tpu.vector_store %arg20[%swap3A_1832, %swap3A_1833, %swap3A_1834], %mul3A_1828 {strides = array<i32>} : memref<2x80x128xf32, #tpu.memory_space<vmem>>, vector<16xf32>,
          %add3A_1836 = arith.constant 3 : i32
          %add3A_1837 = arith.addi %add3A_1368, %add3A_1836 : i32
          %get3A_1838 = arith.constant 0 : i32
          %get3A_1839 = arith.index_cast %get3A_1838 : i32 to index
          %get3A_1840 = arith.index_cast %add3A_1837 : i32 to index
          %get3A_1841 = arith.constant 80 : index
          %get3A_1842 = tpu.vector_load %arg20[%get3A_1839, %get3A_1840, %get3A_1841] {strides = array<i32>} : memref<2x80x128xf32, #tpu.memory_space<vmem>>, vector<16xf32>,
          %mul3A_1843 = arith.mulf %get3A_1842, %gather3A_1400 : vector<16xf32>
          %add3A_1844 = arith.constant 3 : i32
          %add3A_1845 = arith.addi %add3A_1368, %add3A_1844 : i32
          %swap3A_1846 = arith.constant 0 : i32
          %swap3A_1847 = arith.index_cast %swap3A_1846 : i32 to index
          %swap3A_1848 = arith.index_cast %add3A_1845 : i32 to index
          %swap3A_1849 = arith.constant 80 : index
          %swap3A_1850 = tpu.vector_load %arg20[%swap3A_1847, %swap3A_1848, %swap3A_1849] {strides = array<i32>} : memref<2x80x128xf32, #tpu.memory_space<vmem>>, vector<16xf32>,
          tpu.vector_store %arg20[%swap3A_1847, %swap3A_1848, %swap3A_1849], %mul3A_1843 {strides = array<i32>} : memref<2x80x128xf32, #tpu.memory_space<vmem>>, vector<16xf32>,
          %add3A_1851 = arith.constant 3 : i32
          %add3A_1852 = arith.addi %add3A_1368, %add3A_1851 : i32
          %get3A_1853 = arith.constant 0 : i32
          %get3A_1854 = arith.index_cast %get3A_1853 : i32 to index
          %get3A_1855 = arith.index_cast %add3A_1852 : i32 to index
          %get3A_1856 = arith.constant 96 : index
          %get3A_1857 = tpu.vector_load %arg20[%get3A_1854, %get3A_1855, %get3A_1856] {strides = array<i32>} : memref<2x80x128xf32, #tpu.memory_space<vmem>>, vector<16xf32>,
          %mul3A_1858 = arith.mulf %get3A_1857, %gather3A_1400 : vector<16xf32>
          %add3A_1859 = arith.constant 3 : i32
          %add3A_1860 = arith.addi %add3A_1368, %add3A_1859 : i32
          %swap3A_1861 = arith.constant 0 : i32
          %swap3A_1862 = arith.index_cast %swap3A_1861 : i32 to index
          %swap3A_1863 = arith.index_cast %add3A_1860 : i32 to index
          %swap3A_1864 = arith.constant 96 : index
          %swap3A_1865 = tpu.vector_load %arg20[%swap3A_1862, %swap3A_1863, %swap3A_1864] {strides = array<i32>} : memref<2x80x128xf32, #tpu.memory_space<vmem>>, vector<16xf32>,
          tpu.vector_store %arg20[%swap3A_1862, %swap3A_1863, %swap3A_1864], %mul3A_1858 {strides = array<i32>} : memref<2x80x128xf32, #tpu.memory_space<vmem>>, vector<16xf32>,
          %add3A_1866 = arith.constant 3 : i32
          %add3A_1867 = arith.addi %add3A_1368, %add3A_1866 : i32
          %get3A_1868 = arith.constant 0 : i32
          %get3A_1869 = arith.index_cast %get3A_1868 : i32 to index
          %get3A_1870 = arith.index_cast %add3A_1867 : i32 to index
          %get3A_1871 = arith.constant 112 : index
          %get3A_1872 = tpu.vector_load %arg20[%get3A_1869, %get3A_1870, %get3A_1871] {strides = array<i32>} : memref<2x80x128xf32, #tpu.memory_space<vmem>>, vector<16xf32>,
          %mul3A_1873 = arith.mulf %get3A_1872, %gather3A_1400 : vector<16xf32>
          %add3A_1874 = arith.constant 3 : i32
          %add3A_1875 = arith.addi %add3A_1368, %add3A_1874 : i32
          %swap3A_1876 = arith.constant 0 : i32
          %swap3A_1877 = arith.index_cast %swap3A_1876 : i32 to index
          %swap3A_1878 = arith.index_cast %add3A_1875 : i32 to index
          %swap3A_1879 = arith.constant 112 : index
          %swap3A_1880 = tpu.vector_load %arg20[%swap3A_1877, %swap3A_1878, %swap3A_1879] {strides = array<i32>} : memref<2x80x128xf32, #tpu.memory_space<vmem>>, vector<16xf32>,
          tpu.vector_store %arg20[%swap3A_1877, %swap3A_1878, %swap3A_1879], %mul3A_1873 {strides = array<i32>} : memref<2x80x128xf32, #tpu.memory_space<vmem>>, vector<16xf32>,
        }
        %scan3A_1060 = arith.constant 20 : i32
        %dma_start3A_1061 = arith.constant 0 : i32
        %dma_start3A_1062 = arith.constant 0 : i32
        %dma_start3A_1063 = arith.constant 0 : i32
        %dma_start3A_1064 = arith.constant 0 : i32
        %dma_start3A_1065 = tpu.memref_slice %arg20[%dma_start3A_1061, %dma_start3A_1063, %dma_start3A_1064] : memref<2x80x128xf32, #tpu.memory_space<vmem>> -> memref<1x80x128xf32, #tpu.memory_space<vmem>>
        %dma_start3A_1066 = tpu.memref_squeeze %dma_start3A_1065 : memref<1x80x128xf32, #tpu.memory_space<vmem>> -> memref<80x128xf32, #tpu.memory_space<vmem>>
        %dma_start3A_1067 = arith.constant 0 : i32
        %dma_start3A_1068 = tpu.memref_slice %arg19[%dma_start3A_1062, %dma_start3A_1067] : memref<2x80xi32, #tpu.memory_space<vmem>> -> memref<1x80xi32, #tpu.memory_space<vmem>>
        %dma_start3A_1069 = tpu.memref_squeeze %dma_start3A_1068 : memref<1x80xi32, #tpu.memory_space<vmem>> -> memref<80xi32, #tpu.memory_space<vmem>>
        %dma_start3A_1070 = arith.constant 0 : i32
        %dma_start3A_1071 = arith.constant 0 : i32
        %dma_start3A_1072 = tpu.memref_slice %arg10[%dma_start3A_1070, %dma_start3A_1071] : memref<10240x128xf32, #tpu.memory_space<vmem_shared>> -> memref<10240x128xf32, #tpu.memory_space<vmem_shared>>
        tpu.enqueue_indirect_dma source(%dma_start3A_1066 : memref<80x128xf32, #tpu.memory_space<vmem>>) target(%dma_start3A_1072 : memref<10240x128xf32, #tpu.memory_space<vmem_shared>>) offsets(%dma_start3A_1069 : memref<80xi32, #tpu.memory_space<vmem>>) semaphore(%arg23 : memref<!tpu.dma_semaphore, #tpu.memory_space<semaphore_mem>>) {add = true}
        %dma_start3A_1073 = arith.constant 0 : i32
        %dma_start3A_1074 = arith.constant 0 : i32
        %dma_start3A_1075 = arith.constant 0 : i32
        %dma_start3A_1076 = tpu.memref_slice %arg17[%dma_start3A_1073, %dma_start3A_1075] : memref<2x80xf32, #tpu.memory_space<vmem>> -> memref<1x80xf32, #tpu.memory_space<vmem>>
        %dma_start3A_1077 = tpu.memref_squeeze %dma_start3A_1076 : memref<1x80xf32, #tpu.memory_space<vmem>> -> memref<80xf32, #tpu.memory_space<vmem>>
        %dma_start3A_1078 = arith.constant 0 : i32
        %dma_start3A_1079 = tpu.memref_slice %arg19[%dma_start3A_1074, %dma_start3A_1078] : memref<2x80xi32, #tpu.memory_space<vmem>> -> memref<1x80xi32, #tpu.memory_space<vmem>>
        %dma_start3A_1080 = tpu.memref_squeeze %dma_start3A_1079 : memref<1x80xi32, #tpu.memory_space<vmem>> -> memref<80xi32, #tpu.memory_space<vmem>>
        %dma_start3A_1081 = arith.constant 0 : i32
        %dma_start3A_1082 = tpu.memref_slice %arg11[%dma_start3A_1081] : memref<10240xf32, #tpu.memory_space<vmem_shared>> -> memref<10240xf32, #tpu.memory_space<vmem_shared>>
        tpu.enqueue_indirect_dma source(%dma_start3A_1077 : memref<80xf32, #tpu.memory_space<vmem>>) target(%dma_start3A_1082 : memref<10240xf32, #tpu.memory_space<vmem_shared>>) offsets(%dma_start3A_1080 : memref<80xi32, #tpu.memory_space<vmem>>) semaphore(%arg25 : memref<!tpu.dma_semaphore, #tpu.memory_space<semaphore_mem>>) {add = true}
        %dma_wait3A_1083 = arith.constant 1 : i32
        %dma_wait3A_1084 = arith.constant 0 : i32
        %dma_wait3A_1085 = arith.constant 0 : i32
        %dma_wait3A_1086 = tpu.memref_slice %arg20[%dma_wait3A_1083, %dma_wait3A_1084, %dma_wait3A_1085] : memref<2x80x128xf32, #tpu.memory_space<vmem>> -> memref<1x80x128xf32, #tpu.memory_space<vmem>>
        %dma_wait3A_1087 = tpu.memref_squeeze %dma_wait3A_1086 : memref<1x80x128xf32, #tpu.memory_space<vmem>> -> memref<80x128xf32, #tpu.memory_space<vmem>>
        %dma_wait3A_1088 = arith.constant 0 : i32
        %dma_wait3A_1089 = tpu.memref_slice %arg15[%dma_wait3A_1088] : memref<2000xi32, #tpu.memory_space<vmem>> -> memref<80xi32, #tpu.memory_space<vmem>>
        %dma_wait3A_1090 = arith.constant 0 : i32
        %dma_wait3A_1091 = arith.constant 0 : i32
        %dma_wait3A_1092 = tpu.memref_slice %arg2[%dma_wait3A_1090, %dma_wait3A_1091] : memref<10000x128xf32, #tpu.memory_space<hbm>> -> memref<10000x128xf32, #tpu.memory_space<hbm>>
        tpu.wait_indirect_dma semaphore(%arg22 : memref<!tpu.dma_semaphore, #tpu.memory_space<semaphore_mem>>) src(%dma_wait3A_1092 : memref<10000x128xf32, #tpu.memory_space<hbm>>) dst(%dma_wait3A_1087 : memref<80x128xf32, #tpu.memory_space<vmem>>)
        %scan3A_1093 = arith.constant 0 : i32
        %scan3A_1094 = arith.constant 20 : i32
        %scan3A_1095 = arith.addi %scan3A_1093, %scan3A_1094 : i32
        %scan3A_1096 = arith.constant 1 : i32
        scf.for %scan3A_1364 = %scan3A_1093 to %scan3A_1095 step %scan3A_1096  : i32 {
          %mul3A_1365 = arith.constant 4 : i32
          %mul3A_1366 = arith.muli %scan3A_1364, %mul3A_1365 : i32
          %add3A_1367 = arith.constant 0 : i32
          %add3A_1368 = arith.addi %add3A_1367, %mul3A_1366 : i32
          %add3A_1369 = arith.constant 0 : i32
          %add3A_1370 = arith.addi %add3A_1368, %add3A_1369 : i32
          %broadcast_in_dim3A_1371 = vector.broadcast %add3A_1370 : i32 to vector<16xi32>
          %gather3A_1372 = arith.constant 1 : i32
          %gather3A_1373 = arith.constant 0 : i32
          %gather3A_1374 = tpu.memref_slice %arg18[%gather3A_1372, %gather3A_1373] : memref<2x80xf32, #tpu.memory_space<vmem>> -> memref<1x80xf32, #tpu.memory_space<vmem>>
          %gather3A_1375 = tpu.memref_squeeze %gather3A_1374 : memref<1x80xf32, #tpu.memory_space<vmem>> -> memref<80xf32, #tpu.memory_space<vmem>>
          %gather3A_1376 = tpu.vector_load_idx %gather3A_1375[%broadcast_in_dim3A_1371] : memref<80xf32, #tpu.memory_space<vmem>>[vector<16xi32>], vector<16xf32>,
          %add3A_1377 = arith.constant 1 : i32
          %add3A_1378 = arith.addi %add3A_1368, %add3A_1377 : i32
          %broadcast_in_dim3A_1379 = vector.broadcast %add3A_1378 : i32 to vector<16xi32>
          %gather3A_1380 = arith.constant 1 : i32
          %gather3A_1381 = arith.constant 0 : i32
          %gather3A_1382 = tpu.memref_slice %arg18[%gather3A_1380, %gather3A_1381] : memref<2x80xf32, #tpu.memory_space<vmem>> -> memref<1x80xf32, #tpu.memory_space<vmem>>
          %gather3A_1383 = tpu.memref_squeeze %gather3A_1382 : memref<1x80xf32, #tpu.memory_space<vmem>> -> memref<80xf32, #tpu.memory_space<vmem>>
          %gather3A_1384 = tpu.vector_load_idx %gather3A_1383[%broadcast_in_dim3A_1379] : memref<80xf32, #tpu.memory_space<vmem>>[vector<16xi32>], vector<16xf32>,
          %add3A_1385 = arith.constant 2 : i32
          %add3A_1386 = arith.addi %add3A_1368, %add3A_1385 : i32
          %broadcast_in_dim3A_1387 = vector.broadcast %add3A_1386 : i32 to vector<16xi32>
          %gather3A_1388 = arith.constant 1 : i32
          %gather3A_1389 = arith.constant 0 : i32
          %gather3A_1390 = tpu.memref_slice %arg18[%gather3A_1388, %gather3A_1389] : memref<2x80xf32, #tpu.memory_space<vmem>> -> memref<1x80xf32, #tpu.memory_space<vmem>>
          %gather3A_1391 = tpu.memref_squeeze %gather3A_1390 : memref<1x80xf32, #tpu.memory_space<vmem>> -> memref<80xf32, #tpu.memory_space<vmem>>
          %gather3A_1392 = tpu.vector_load_idx %gather3A_1391[%broadcast_in_dim3A_1387] : memref<80xf32, #tpu.memory_space<vmem>>[vector<16xi32>], vector<16xf32>,
          %add3A_1393 = arith.constant 3 : i32
          %add3A_1394 = arith.addi %add3A_1368, %add3A_1393 : i32
          %broadcast_in_dim3A_1395 = vector.broadcast %add3A_1394 : i32 to vector<16xi32>
          %gather3A_1396 = arith.constant 1 : i32
          %gather3A_1397 = arith.constant 0 : i32
          %gather3A_1398 = tpu.memref_slice %arg18[%gather3A_1396, %gather3A_1397] : memref<2x80xf32, #tpu.memory_space<vmem>> -> memref<1x80xf32, #tpu.memory_space<vmem>>
          %gather3A_1399 = tpu.memref_squeeze %gather3A_1398 : memref<1x80xf32, #tpu.memory_space<vmem>> -> memref<80xf32, #tpu.memory_space<vmem>>
          %gather3A_1400 = tpu.vector_load_idx %gather3A_1399[%broadcast_in_dim3A_1395] : memref<80xf32, #tpu.memory_space<vmem>>[vector<16xi32>], vector<16xf32>,
          %add3A_1401 = arith.constant 0 : i32
          %add3A_1402 = arith.addi %add3A_1368, %add3A_1401 : i32
          %get3A_1403 = arith.constant 1 : i32
          %get3A_1404 = arith.index_cast %get3A_1403 : i32 to index
          %get3A_1405 = arith.index_cast %add3A_1402 : i32 to index
          %get3A_1406 = arith.constant 0 : index
          %get3A_1407 = tpu.vector_load %arg20[%get3A_1404, %get3A_1405, %get3A_1406] {strides = array<i32>} : memref<2x80x128xf32, #tpu.memory_space<vmem>>, vector<16xf32>,
          %mul3A_1408 = arith.mulf %get3A_1407, %gather3A_1376 : vector<16xf32>
          %add3A_1409 = arith.constant 0 : i32
          %add3A_1410 = arith.addi %add3A_1368, %add3A_1409 : i32
          %swap3A_1411 = arith.constant 1 : i32
          %swap3A_1412 = arith.index_cast %swap3A_1411 : i32 to index
          %swap3A_1413 = arith.index_cast %add3A_1410 : i32 to index
          %swap3A_1414 = arith.constant 0 : index
          %swap3A_1415 = tpu.vector_load %arg20[%swap3A_1412, %swap3A_1413, %swap3A_1414] {strides = array<i32>} : memref<2x80x128xf32, #tpu.memory_space<vmem>>, vector<16xf32>,
          tpu.vector_store %arg20[%swap3A_1412, %swap3A_1413, %swap3A_1414], %mul3A_1408 {strides = array<i32>} : memref<2x80x128xf32, #tpu.memory_space<vmem>>, vector<16xf32>,
          %add3A_1416 = arith.constant 0 : i32
          %add3A_1417 = arith.addi %add3A_1368, %add3A_1416 : i32
          %get3A_1418 = arith.constant 1 : i32
          %get3A_1419 = arith.index_cast %get3A_1418 : i32 to index
          %get3A_1420 = arith.index_cast %add3A_1417 : i32 to index
          %get3A_1421 = arith.constant 16 : index
          %get3A_1422 = tpu.vector_load %arg20[%get3A_1419, %get3A_1420, %get3A_1421] {strides = array<i32>} : memref<2x80x128xf32, #tpu.memory_space<vmem>>, vector<16xf32>,
          %mul3A_1423 = arith.mulf %get3A_1422, %gather3A_1376 : vector<16xf32>
          %add3A_1424 = arith.constant 0 : i32
          %add3A_1425 = arith.addi %add3A_1368, %add3A_1424 : i32
          %swap3A_1426 = arith.constant 1 : i32
          %swap3A_1427 = arith.index_cast %swap3A_1426 : i32 to index
          %swap3A_1428 = arith.index_cast %add3A_1425 : i32 to index
          %swap3A_1429 = arith.constant 16 : index
          %swap3A_1430 = tpu.vector_load %arg20[%swap3A_1427, %swap3A_1428, %swap3A_1429] {strides = array<i32>} : memref<2x80x128xf32, #tpu.memory_space<vmem>>, vector<16xf32>,
          tpu.vector_store %arg20[%swap3A_1427, %swap3A_1428, %swap3A_1429], %mul3A_1423 {strides = array<i32>} : memref<2x80x128xf32, #tpu.memory_space<vmem>>, vector<16xf32>,
          %add3A_1431 = arith.constant 0 : i32
          %add3A_1432 = arith.addi %add3A_1368, %add3A_1431 : i32
          %get3A_1433 = arith.constant 1 : i32
          %get3A_1434 = arith.index_cast %get3A_1433 : i32 to index
          %get3A_1435 = arith.index_cast %add3A_1432 : i32 to index
          %get3A_1436 = arith.constant 32 : index
          %get3A_1437 = tpu.vector_load %arg20[%get3A_1434, %get3A_1435, %get3A_1436] {strides = array<i32>} : memref<2x80x128xf32, #tpu.memory_space<vmem>>, vector<16xf32>,
          %mul3A_1438 = arith.mulf %get3A_1437, %gather3A_1376 : vector<16xf32>
          %add3A_1439 = arith.constant 0 : i32
          %add3A_1440 = arith.addi %add3A_1368, %add3A_1439 : i32
          %swap3A_1441 = arith.constant 1 : i32
          %swap3A_1442 = arith.index_cast %swap3A_1441 : i32 to index
          %swap3A_1443 = arith.index_cast %add3A_1440 : i32 to index
          %swap3A_1444 = arith.constant 32 : index
          %swap3A_1445 = tpu.vector_load %arg20[%swap3A_1442, %swap3A_1443, %swap3A_1444] {strides = array<i32>} : memref<2x80x128xf32, #tpu.memory_space<vmem>>, vector<16xf32>,
          tpu.vector_store %arg20[%swap3A_1442, %swap3A_1443, %swap3A_1444], %mul3A_1438 {strides = array<i32>} : memref<2x80x128xf32, #tpu.memory_space<vmem>>, vector<16xf32>,
          %add3A_1446 = arith.constant 0 : i32
          %add3A_1447 = arith.addi %add3A_1368, %add3A_1446 : i32
          %get3A_1448 = arith.constant 1 : i32
          %get3A_1449 = arith.index_cast %get3A_1448 : i32 to index
          %get3A_1450 = arith.index_cast %add3A_1447 : i32 to index
          %get3A_1451 = arith.constant 48 : index
          %get3A_1452 = tpu.vector_load %arg20[%get3A_1449, %get3A_1450, %get3A_1451] {strides = array<i32>} : memref<2x80x128xf32, #tpu.memory_space<vmem>>, vector<16xf32>,
          %mul3A_1453 = arith.mulf %get3A_1452, %gather3A_1376 : vector<16xf32>
          %add3A_1454 = arith.constant 0 : i32
          %add3A_1455 = arith.addi %add3A_1368, %add3A_1454 : i32
          %swap3A_1456 = arith.constant 1 : i32
          %swap3A_1457 = arith.index_cast %swap3A_1456 : i32 to index
          %swap3A_1458 = arith.index_cast %add3A_1455 : i32 to index
          %swap3A_1459 = arith.constant 48 : index
          %swap3A_1460 = tpu.vector_load %arg20[%swap3A_1457, %swap3A_1458, %swap3A_1459] {strides = array<i32>} : memref<2x80x128xf32, #tpu.memory_space<vmem>>, vector<16xf32>,
          tpu.vector_store %arg20[%swap3A_1457, %swap3A_1458, %swap3A_1459], %mul3A_1453 {strides = array<i32>} : memref<2x80x128xf32, #tpu.memory_space<vmem>>, vector<16xf32>,
          %add3A_1461 = arith.constant 0 : i32
          %add3A_1462 = arith.addi %add3A_1368, %add3A_1461 : i32
          %get3A_1463 = arith.constant 1 : i32
          %get3A_1464 = arith.index_cast %get3A_1463 : i32 to index
          %get3A_1465 = arith.index_cast %add3A_1462 : i32 to index
          %get3A_1466 = arith.constant 64 : index
          %get3A_1467 = tpu.vector_load %arg20[%get3A_1464, %get3A_1465, %get3A_1466] {strides = array<i32>} : memref<2x80x128xf32, #tpu.memory_space<vmem>>, vector<16xf32>,
          %mul3A_1468 = arith.mulf %get3A_1467, %gather3A_1376 : vector<16xf32>
          %add3A_1469 = arith.constant 0 : i32
          %add3A_1470 = arith.addi %add3A_1368, %add3A_1469 : i32
          %swap3A_1471 = arith.constant 1 : i32
          %swap3A_1472 = arith.index_cast %swap3A_1471 : i32 to index
          %swap3A_1473 = arith.index_cast %add3A_1470 : i32 to index
          %swap3A_1474 = arith.constant 64 : index
          %swap3A_1475 = tpu.vector_load %arg20[%swap3A_1472, %swap3A_1473, %swap3A_1474] {strides = array<i32>} : memref<2x80x128xf32, #tpu.memory_space<vmem>>, vector<16xf32>,
          tpu.vector_store %arg20[%swap3A_1472, %swap3A_1473, %swap3A_1474], %mul3A_1468 {strides = array<i32>} : memref<2x80x128xf32, #tpu.memory_space<vmem>>, vector<16xf32>,
          %add3A_1476 = arith.constant 0 : i32
          %add3A_1477 = arith.addi %add3A_1368, %add3A_1476 : i32
          %get3A_1478 = arith.constant 1 : i32
          %get3A_1479 = arith.index_cast %get3A_1478 : i32 to index
          %get3A_1480 = arith.index_cast %add3A_1477 : i32 to index
          %get3A_1481 = arith.constant 80 : index
          %get3A_1482 = tpu.vector_load %arg20[%get3A_1479, %get3A_1480, %get3A_1481] {strides = array<i32>} : memref<2x80x128xf32, #tpu.memory_space<vmem>>, vector<16xf32>,
          %mul3A_1483 = arith.mulf %get3A_1482, %gather3A_1376 : vector<16xf32>
          %add3A_1484 = arith.constant 0 : i32
          %add3A_1485 = arith.addi %add3A_1368, %add3A_1484 : i32
          %swap3A_1486 = arith.constant 1 : i32
          %swap3A_1487 = arith.index_cast %swap3A_1486 : i32 to index
          %swap3A_1488 = arith.index_cast %add3A_1485 : i32 to index
          %swap3A_1489 = arith.constant 80 : index
          %swap3A_1490 = tpu.vector_load %arg20[%swap3A_1487, %swap3A_1488, %swap3A_1489] {strides = array<i32>} : memref<2x80x128xf32, #tpu.memory_space<vmem>>, vector<16xf32>,
          tpu.vector_store %arg20[%swap3A_1487, %swap3A_1488, %swap3A_1489], %mul3A_1483 {strides = array<i32>} : memref<2x80x128xf32, #tpu.memory_space<vmem>>, vector<16xf32>,
          %add3A_1491 = arith.constant 0 : i32
          %add3A_1492 = arith.addi %add3A_1368, %add3A_1491 : i32
          %get3A_1493 = arith.constant 1 : i32
          %get3A_1494 = arith.index_cast %get3A_1493 : i32 to index
          %get3A_1495 = arith.index_cast %add3A_1492 : i32 to index
          %get3A_1496 = arith.constant 96 : index
          %get3A_1497 = tpu.vector_load %arg20[%get3A_1494, %get3A_1495, %get3A_1496] {strides = array<i32>} : memref<2x80x128xf32, #tpu.memory_space<vmem>>, vector<16xf32>,
          %mul3A_1498 = arith.mulf %get3A_1497, %gather3A_1376 : vector<16xf32>
          %add3A_1499 = arith.constant 0 : i32
          %add3A_1500 = arith.addi %add3A_1368, %add3A_1499 : i32
          %swap3A_1501 = arith.constant 1 : i32
          %swap3A_1502 = arith.index_cast %swap3A_1501 : i32 to index
          %swap3A_1503 = arith.index_cast %add3A_1500 : i32 to index
          %swap3A_1504 = arith.constant 96 : index
          %swap3A_1505 = tpu.vector_load %arg20[%swap3A_1502, %swap3A_1503, %swap3A_1504] {strides = array<i32>} : memref<2x80x128xf32, #tpu.memory_space<vmem>>, vector<16xf32>,
          tpu.vector_store %arg20[%swap3A_1502, %swap3A_1503, %swap3A_1504], %mul3A_1498 {strides = array<i32>} : memref<2x80x128xf32, #tpu.memory_space<vmem>>, vector<16xf32>,
          %add3A_1506 = arith.constant 0 : i32
          %add3A_1507 = arith.addi %add3A_1368, %add3A_1506 : i32
          %get3A_1508 = arith.constant 1 : i32
          %get3A_1509 = arith.index_cast %get3A_1508 : i32 to index
          %get3A_1510 = arith.index_cast %add3A_1507 : i32 to index
          %get3A_1511 = arith.constant 112 : index
          %get3A_1512 = tpu.vector_load %arg20[%get3A_1509, %get3A_1510, %get3A_1511] {strides = array<i32>} : memref<2x80x128xf32, #tpu.memory_space<vmem>>, vector<16xf32>,
          %mul3A_1513 = arith.mulf %get3A_1512, %gather3A_1376 : vector<16xf32>
          %add3A_1514 = arith.constant 0 : i32
          %add3A_1515 = arith.addi %add3A_1368, %add3A_1514 : i32
          %swap3A_1516 = arith.constant 1 : i32
          %swap3A_1517 = arith.index_cast %swap3A_1516 : i32 to index
          %swap3A_1518 = arith.index_cast %add3A_1515 : i32 to index
          %swap3A_1519 = arith.constant 112 : index
          %swap3A_1520 = tpu.vector_load %arg20[%swap3A_1517, %swap3A_1518, %swap3A_1519] {strides = array<i32>} : memref<2x80x128xf32, #tpu.memory_space<vmem>>, vector<16xf32>,
          tpu.vector_store %arg20[%swap3A_1517, %swap3A_1518, %swap3A_1519], %mul3A_1513 {strides = array<i32>} : memref<2x80x128xf32, #tpu.memory_space<vmem>>, vector<16xf32>,
          %add3A_1521 = arith.constant 1 : i32
          %add3A_1522 = arith.addi %add3A_1368, %add3A_1521 : i32
          %get3A_1523 = arith.constant 1 : i32
          %get3A_1524 = arith.index_cast %get3A_1523 : i32 to index
          %get3A_1525 = arith.index_cast %add3A_1522 : i32 to index
          %get3A_1526 = arith.constant 0 : index
          %get3A_1527 = tpu.vector_load %arg20[%get3A_1524, %get3A_1525, %get3A_1526] {strides = array<i32>} : memref<2x80x128xf32, #tpu.memory_space<vmem>>, vector<16xf32>,
          %mul3A_1528 = arith.mulf %get3A_1527, %gather3A_1384 : vector<16xf32>
          %add3A_1529 = arith.constant 1 : i32
          %add3A_1530 = arith.addi %add3A_1368, %add3A_1529 : i32
          %swap3A_1531 = arith.constant 1 : i32
          %swap3A_1532 = arith.index_cast %swap3A_1531 : i32 to index
          %swap3A_1533 = arith.index_cast %add3A_1530 : i32 to index
          %swap3A_1534 = arith.constant 0 : index
          %swap3A_1535 = tpu.vector_load %arg20[%swap3A_1532, %swap3A_1533, %swap3A_1534] {strides = array<i32>} : memref<2x80x128xf32, #tpu.memory_space<vmem>>, vector<16xf32>,
          tpu.vector_store %arg20[%swap3A_1532, %swap3A_1533, %swap3A_1534], %mul3A_1528 {strides = array<i32>} : memref<2x80x128xf32, #tpu.memory_space<vmem>>, vector<16xf32>,
          %add3A_1536 = arith.constant 1 : i32
          %add3A_1537 = arith.addi %add3A_1368, %add3A_1536 : i32
          %get3A_1538 = arith.constant 1 : i32
          %get3A_1539 = arith.index_cast %get3A_1538 : i32 to index
          %get3A_1540 = arith.index_cast %add3A_1537 : i32 to index
          %get3A_1541 = arith.constant 16 : index
          %get3A_1542 = tpu.vector_load %arg20[%get3A_1539, %get3A_1540, %get3A_1541] {strides = array<i32>} : memref<2x80x128xf32, #tpu.memory_space<vmem>>, vector<16xf32>,
          %mul3A_1543 = arith.mulf %get3A_1542, %gather3A_1384 : vector<16xf32>
          %add3A_1544 = arith.constant 1 : i32
          %add3A_1545 = arith.addi %add3A_1368, %add3A_1544 : i32
          %swap3A_1546 = arith.constant 1 : i32
          %swap3A_1547 = arith.index_cast %swap3A_1546 : i32 to index
          %swap3A_1548 = arith.index_cast %add3A_1545 : i32 to index
          %swap3A_1549 = arith.constant 16 : index
          %swap3A_1550 = tpu.vector_load %arg20[%swap3A_1547, %swap3A_1548, %swap3A_1549] {strides = array<i32>} : memref<2x80x128xf32, #tpu.memory_space<vmem>>, vector<16xf32>,
          tpu.vector_store %arg20[%swap3A_1547, %swap3A_1548, %swap3A_1549], %mul3A_1543 {strides = array<i32>} : memref<2x80x128xf32, #tpu.memory_space<vmem>>, vector<16xf32>,
          %add3A_1551 = arith.constant 1 : i32
          %add3A_1552 = arith.addi %add3A_1368, %add3A_1551 : i32
          %get3A_1553 = arith.constant 1 : i32
          %get3A_1554 = arith.index_cast %get3A_1553 : i32 to index
          %get3A_1555 = arith.index_cast %add3A_1552 : i32 to index
          %get3A_1556 = arith.constant 32 : index
          %get3A_1557 = tpu.vector_load %arg20[%get3A_1554, %get3A_1555, %get3A_1556] {strides = array<i32>} : memref<2x80x128xf32, #tpu.memory_space<vmem>>, vector<16xf32>,
          %mul3A_1558 = arith.mulf %get3A_1557, %gather3A_1384 : vector<16xf32>
          %add3A_1559 = arith.constant 1 : i32
          %add3A_1560 = arith.addi %add3A_1368, %add3A_1559 : i32
          %swap3A_1561 = arith.constant 1 : i32
          %swap3A_1562 = arith.index_cast %swap3A_1561 : i32 to index
          %swap3A_1563 = arith.index_cast %add3A_1560 : i32 to index
          %swap3A_1564 = arith.constant 32 : index
          %swap3A_1565 = tpu.vector_load %arg20[%swap3A_1562, %swap3A_1563, %swap3A_1564] {strides = array<i32>} : memref<2x80x128xf32, #tpu.memory_space<vmem>>, vector<16xf32>,
          tpu.vector_store %arg20[%swap3A_1562, %swap3A_1563, %swap3A_1564], %mul3A_1558 {strides = array<i32>} : memref<2x80x128xf32, #tpu.memory_space<vmem>>, vector<16xf32>,
          %add3A_1566 = arith.constant 1 : i32
          %add3A_1567 = arith.addi %add3A_1368, %add3A_1566 : i32
          %get3A_1568 = arith.constant 1 : i32
          %get3A_1569 = arith.index_cast %get3A_1568 : i32 to index
          %get3A_1570 = arith.index_cast %add3A_1567 : i32 to index
          %get3A_1571 = arith.constant 48 : index
          %get3A_1572 = tpu.vector_load %arg20[%get3A_1569, %get3A_1570, %get3A_1571] {strides = array<i32>} : memref<2x80x128xf32, #tpu.memory_space<vmem>>, vector<16xf32>,
          %mul3A_1573 = arith.mulf %get3A_1572, %gather3A_1384 : vector<16xf32>
          %add3A_1574 = arith.constant 1 : i32
          %add3A_1575 = arith.addi %add3A_1368, %add3A_1574 : i32
          %swap3A_1576 = arith.constant 1 : i32
          %swap3A_1577 = arith.index_cast %swap3A_1576 : i32 to index
          %swap3A_1578 = arith.index_cast %add3A_1575 : i32 to index
          %swap3A_1579 = arith.constant 48 : index
          %swap3A_1580 = tpu.vector_load %arg20[%swap3A_1577, %swap3A_1578, %swap3A_1579] {strides = array<i32>} : memref<2x80x128xf32, #tpu.memory_space<vmem>>, vector<16xf32>,
          tpu.vector_store %arg20[%swap3A_1577, %swap3A_1578, %swap3A_1579], %mul3A_1573 {strides = array<i32>} : memref<2x80x128xf32, #tpu.memory_space<vmem>>, vector<16xf32>,
          %add3A_1581 = arith.constant 1 : i32
          %add3A_1582 = arith.addi %add3A_1368, %add3A_1581 : i32
          %get3A_1583 = arith.constant 1 : i32
          %get3A_1584 = arith.index_cast %get3A_1583 : i32 to index
          %get3A_1585 = arith.index_cast %add3A_1582 : i32 to index
          %get3A_1586 = arith.constant 64 : index
          %get3A_1587 = tpu.vector_load %arg20[%get3A_1584, %get3A_1585, %get3A_1586] {strides = array<i32>} : memref<2x80x128xf32, #tpu.memory_space<vmem>>, vector<16xf32>,
          %mul3A_1588 = arith.mulf %get3A_1587, %gather3A_1384 : vector<16xf32>
          %add3A_1589 = arith.constant 1 : i32
          %add3A_1590 = arith.addi %add3A_1368, %add3A_1589 : i32
          %swap3A_1591 = arith.constant 1 : i32
          %swap3A_1592 = arith.index_cast %swap3A_1591 : i32 to index
          %swap3A_1593 = arith.index_cast %add3A_1590 : i32 to index
          %swap3A_1594 = arith.constant 64 : index
          %swap3A_1595 = tpu.vector_load %arg20[%swap3A_1592, %swap3A_1593, %swap3A_1594] {strides = array<i32>} : memref<2x80x128xf32, #tpu.memory_space<vmem>>, vector<16xf32>,
          tpu.vector_store %arg20[%swap3A_1592, %swap3A_1593, %swap3A_1594], %mul3A_1588 {strides = array<i32>} : memref<2x80x128xf32, #tpu.memory_space<vmem>>, vector<16xf32>,
          %add3A_1596 = arith.constant 1 : i32
          %add3A_1597 = arith.addi %add3A_1368, %add3A_1596 : i32
          %get3A_1598 = arith.constant 1 : i32
          %get3A_1599 = arith.index_cast %get3A_1598 : i32 to index
          %get3A_1600 = arith.index_cast %add3A_1597 : i32 to index
          %get3A_1601 = arith.constant 80 : index
          %get3A_1602 = tpu.vector_load %arg20[%get3A_1599, %get3A_1600, %get3A_1601] {strides = array<i32>} : memref<2x80x128xf32, #tpu.memory_space<vmem>>, vector<16xf32>,
          %mul3A_1603 = arith.mulf %get3A_1602, %gather3A_1384 : vector<16xf32>
          %add3A_1604 = arith.constant 1 : i32
          %add3A_1605 = arith.addi %add3A_1368, %add3A_1604 : i32
          %swap3A_1606 = arith.constant 1 : i32
          %swap3A_1607 = arith.index_cast %swap3A_1606 : i32 to index
          %swap3A_1608 = arith.index_cast %add3A_1605 : i32 to index
          %swap3A_1609 = arith.constant 80 : index
          %swap3A_1610 = tpu.vector_load %arg20[%swap3A_1607, %swap3A_1608, %swap3A_1609] {strides = array<i32>} : memref<2x80x128xf32, #tpu.memory_space<vmem>>, vector<16xf32>,
          tpu.vector_store %arg20[%swap3A_1607, %swap3A_1608, %swap3A_1609], %mul3A_1603 {strides = array<i32>} : memref<2x80x128xf32, #tpu.memory_space<vmem>>, vector<16xf32>,
          %add3A_1611 = arith.constant 1 : i32
          %add3A_1612 = arith.addi %add3A_1368, %add3A_1611 : i32
          %get3A_1613 = arith.constant 1 : i32
          %get3A_1614 = arith.index_cast %get3A_1613 : i32 to index
          %get3A_1615 = arith.index_cast %add3A_1612 : i32 to index
          %get3A_1616 = arith.constant 96 : index
          %get3A_1617 = tpu.vector_load %arg20[%get3A_1614, %get3A_1615, %get3A_1616] {strides = array<i32>} : memref<2x80x128xf32, #tpu.memory_space<vmem>>, vector<16xf32>,
          %mul3A_1618 = arith.mulf %get3A_1617, %gather3A_1384 : vector<16xf32>
          %add3A_1619 = arith.constant 1 : i32
          %add3A_1620 = arith.addi %add3A_1368, %add3A_1619 : i32
          %swap3A_1621 = arith.constant 1 : i32
          %swap3A_1622 = arith.index_cast %swap3A_1621 : i32 to index
          %swap3A_1623 = arith.index_cast %add3A_1620 : i32 to index
          %swap3A_1624 = arith.constant 96 : index
          %swap3A_1625 = tpu.vector_load %arg20[%swap3A_1622, %swap3A_1623, %swap3A_1624] {strides = array<i32>} : memref<2x80x128xf32, #tpu.memory_space<vmem>>, vector<16xf32>,
          tpu.vector_store %arg20[%swap3A_1622, %swap3A_1623, %swap3A_1624], %mul3A_1618 {strides = array<i32>} : memref<2x80x128xf32, #tpu.memory_space<vmem>>, vector<16xf32>,
          %add3A_1626 = arith.constant 1 : i32
          %add3A_1627 = arith.addi %add3A_1368, %add3A_1626 : i32
          %get3A_1628 = arith.constant 1 : i32
          %get3A_1629 = arith.index_cast %get3A_1628 : i32 to index
          %get3A_1630 = arith.index_cast %add3A_1627 : i32 to index
          %get3A_1631 = arith.constant 112 : index
          %get3A_1632 = tpu.vector_load %arg20[%get3A_1629, %get3A_1630, %get3A_1631] {strides = array<i32>} : memref<2x80x128xf32, #tpu.memory_space<vmem>>, vector<16xf32>,
          %mul3A_1633 = arith.mulf %get3A_1632, %gather3A_1384 : vector<16xf32>
          %add3A_1634 = arith.constant 1 : i32
          %add3A_1635 = arith.addi %add3A_1368, %add3A_1634 : i32
          %swap3A_1636 = arith.constant 1 : i32
          %swap3A_1637 = arith.index_cast %swap3A_1636 : i32 to index
          %swap3A_1638 = arith.index_cast %add3A_1635 : i32 to index
          %swap3A_1639 = arith.constant 112 : index
          %swap3A_1640 = tpu.vector_load %arg20[%swap3A_1637, %swap3A_1638, %swap3A_1639] {strides = array<i32>} : memref<2x80x128xf32, #tpu.memory_space<vmem>>, vector<16xf32>,
          tpu.vector_store %arg20[%swap3A_1637, %swap3A_1638, %swap3A_1639], %mul3A_1633 {strides = array<i32>} : memref<2x80x128xf32, #tpu.memory_space<vmem>>, vector<16xf32>,
          %add3A_1641 = arith.constant 2 : i32
          %add3A_1642 = arith.addi %add3A_1368, %add3A_1641 : i32
          %get3A_1643 = arith.constant 1 : i32
          %get3A_1644 = arith.index_cast %get3A_1643 : i32 to index
          %get3A_1645 = arith.index_cast %add3A_1642 : i32 to index
          %get3A_1646 = arith.constant 0 : index
          %get3A_1647 = tpu.vector_load %arg20[%get3A_1644, %get3A_1645, %get3A_1646] {strides = array<i32>} : memref<2x80x128xf32, #tpu.memory_space<vmem>>, vector<16xf32>,
          %mul3A_1648 = arith.mulf %get3A_1647, %gather3A_1392 : vector<16xf32>
          %add3A_1649 = arith.constant 2 : i32
          %add3A_1650 = arith.addi %add3A_1368, %add3A_1649 : i32
          %swap3A_1651 = arith.constant 1 : i32
          %swap3A_1652 = arith.index_cast %swap3A_1651 : i32 to index
          %swap3A_1653 = arith.index_cast %add3A_1650 : i32 to index
          %swap3A_1654 = arith.constant 0 : index
          %swap3A_1655 = tpu.vector_load %arg20[%swap3A_1652, %swap3A_1653, %swap3A_1654] {strides = array<i32>} : memref<2x80x128xf32, #tpu.memory_space<vmem>>, vector<16xf32>,
          tpu.vector_store %arg20[%swap3A_1652, %swap3A_1653, %swap3A_1654], %mul3A_1648 {strides = array<i32>} : memref<2x80x128xf32, #tpu.memory_space<vmem>>, vector<16xf32>,
          %add3A_1656 = arith.constant 2 : i32
          %add3A_1657 = arith.addi %add3A_1368, %add3A_1656 : i32
          %get3A_1658 = arith.constant 1 : i32
          %get3A_1659 = arith.index_cast %get3A_1658 : i32 to index
          %get3A_1660 = arith.index_cast %add3A_1657 : i32 to index
          %get3A_1661 = arith.constant 16 : index
          %get3A_1662 = tpu.vector_load %arg20[%get3A_1659, %get3A_1660, %get3A_1661] {strides = array<i32>} : memref<2x80x128xf32, #tpu.memory_space<vmem>>, vector<16xf32>,
          %mul3A_1663 = arith.mulf %get3A_1662, %gather3A_1392 : vector<16xf32>
          %add3A_1664 = arith.constant 2 : i32
          %add3A_1665 = arith.addi %add3A_1368, %add3A_1664 : i32
          %swap3A_1666 = arith.constant 1 : i32
          %swap3A_1667 = arith.index_cast %swap3A_1666 : i32 to index
          %swap3A_1668 = arith.index_cast %add3A_1665 : i32 to index
          %swap3A_1669 = arith.constant 16 : index
          %swap3A_1670 = tpu.vector_load %arg20[%swap3A_1667, %swap3A_1668, %swap3A_1669] {strides = array<i32>} : memref<2x80x128xf32, #tpu.memory_space<vmem>>, vector<16xf32>,
          tpu.vector_store %arg20[%swap3A_1667, %swap3A_1668, %swap3A_1669], %mul3A_1663 {strides = array<i32>} : memref<2x80x128xf32, #tpu.memory_space<vmem>>, vector<16xf32>,
          %add3A_1671 = arith.constant 2 : i32
          %add3A_1672 = arith.addi %add3A_1368, %add3A_1671 : i32
          %get3A_1673 = arith.constant 1 : i32
          %get3A_1674 = arith.index_cast %get3A_1673 : i32 to index
          %get3A_1675 = arith.index_cast %add3A_1672 : i32 to index
          %get3A_1676 = arith.constant 32 : index
          %get3A_1677 = tpu.vector_load %arg20[%get3A_1674, %get3A_1675, %get3A_1676] {strides = array<i32>} : memref<2x80x128xf32, #tpu.memory_space<vmem>>, vector<16xf32>,
          %mul3A_1678 = arith.mulf %get3A_1677, %gather3A_1392 : vector<16xf32>
          %add3A_1679 = arith.constant 2 : i32
          %add3A_1680 = arith.addi %add3A_1368, %add3A_1679 : i32
          %swap3A_1681 = arith.constant 1 : i32
          %swap3A_1682 = arith.index_cast %swap3A_1681 : i32 to index
          %swap3A_1683 = arith.index_cast %add3A_1680 : i32 to index
          %swap3A_1684 = arith.constant 32 : index
          %swap3A_1685 = tpu.vector_load %arg20[%swap3A_1682, %swap3A_1683, %swap3A_1684] {strides = array<i32>} : memref<2x80x128xf32, #tpu.memory_space<vmem>>, vector<16xf32>,
          tpu.vector_store %arg20[%swap3A_1682, %swap3A_1683, %swap3A_1684], %mul3A_1678 {strides = array<i32>} : memref<2x80x128xf32, #tpu.memory_space<vmem>>, vector<16xf32>,
          %add3A_1686 = arith.constant 2 : i32
          %add3A_1687 = arith.addi %add3A_1368, %add3A_1686 : i32
          %get3A_1688 = arith.constant 1 : i32
          %get3A_1689 = arith.index_cast %get3A_1688 : i32 to index
          %get3A_1690 = arith.index_cast %add3A_1687 : i32 to index
          %get3A_1691 = arith.constant 48 : index
          %get3A_1692 = tpu.vector_load %arg20[%get3A_1689, %get3A_1690, %get3A_1691] {strides = array<i32>} : memref<2x80x128xf32, #tpu.memory_space<vmem>>, vector<16xf32>,
          %mul3A_1693 = arith.mulf %get3A_1692, %gather3A_1392 : vector<16xf32>
          %add3A_1694 = arith.constant 2 : i32
          %add3A_1695 = arith.addi %add3A_1368, %add3A_1694 : i32
          %swap3A_1696 = arith.constant 1 : i32
          %swap3A_1697 = arith.index_cast %swap3A_1696 : i32 to index
          %swap3A_1698 = arith.index_cast %add3A_1695 : i32 to index
          %swap3A_1699 = arith.constant 48 : index
          %swap3A_1700 = tpu.vector_load %arg20[%swap3A_1697, %swap3A_1698, %swap3A_1699] {strides = array<i32>} : memref<2x80x128xf32, #tpu.memory_space<vmem>>, vector<16xf32>,
          tpu.vector_store %arg20[%swap3A_1697, %swap3A_1698, %swap3A_1699], %mul3A_1693 {strides = array<i32>} : memref<2x80x128xf32, #tpu.memory_space<vmem>>, vector<16xf32>,
          %add3A_1701 = arith.constant 2 : i32
          %add3A_1702 = arith.addi %add3A_1368, %add3A_1701 : i32
          %get3A_1703 = arith.constant 1 : i32
          %get3A_1704 = arith.index_cast %get3A_1703 : i32 to index
          %get3A_1705 = arith.index_cast %add3A_1702 : i32 to index
          %get3A_1706 = arith.constant 64 : index
          %get3A_1707 = tpu.vector_load %arg20[%get3A_1704, %get3A_1705, %get3A_1706] {strides = array<i32>} : memref<2x80x128xf32, #tpu.memory_space<vmem>>, vector<16xf32>,
          %mul3A_1708 = arith.mulf %get3A_1707, %gather3A_1392 : vector<16xf32>
          %add3A_1709 = arith.constant 2 : i32
          %add3A_1710 = arith.addi %add3A_1368, %add3A_1709 : i32
          %swap3A_1711 = arith.constant 1 : i32
          %swap3A_1712 = arith.index_cast %swap3A_1711 : i32 to index
          %swap3A_1713 = arith.index_cast %add3A_1710 : i32 to index
          %swap3A_1714 = arith.constant 64 : index
          %swap3A_1715 = tpu.vector_load %arg20[%swap3A_1712, %swap3A_1713, %swap3A_1714] {strides = array<i32>} : memref<2x80x128xf32, #tpu.memory_space<vmem>>, vector<16xf32>,
          tpu.vector_store %arg20[%swap3A_1712, %swap3A_1713, %swap3A_1714], %mul3A_1708 {strides = array<i32>} : memref<2x80x128xf32, #tpu.memory_space<vmem>>, vector<16xf32>,
          %add3A_1716 = arith.constant 2 : i32
          %add3A_1717 = arith.addi %add3A_1368, %add3A_1716 : i32
          %get3A_1718 = arith.constant 1 : i32
          %get3A_1719 = arith.index_cast %get3A_1718 : i32 to index
          %get3A_1720 = arith.index_cast %add3A_1717 : i32 to index
          %get3A_1721 = arith.constant 80 : index
          %get3A_1722 = tpu.vector_load %arg20[%get3A_1719, %get3A_1720, %get3A_1721] {strides = array<i32>} : memref<2x80x128xf32, #tpu.memory_space<vmem>>, vector<16xf32>,
          %mul3A_1723 = arith.mulf %get3A_1722, %gather3A_1392 : vector<16xf32>
          %add3A_1724 = arith.constant 2 : i32
          %add3A_1725 = arith.addi %add3A_1368, %add3A_1724 : i32
          %swap3A_1726 = arith.constant 1 : i32
          %swap3A_1727 = arith.index_cast %swap3A_1726 : i32 to index
          %swap3A_1728 = arith.index_cast %add3A_1725 : i32 to index
          %swap3A_1729 = arith.constant 80 : index
          %swap3A_1730 = tpu.vector_load %arg20[%swap3A_1727, %swap3A_1728, %swap3A_1729] {strides = array<i32>} : memref<2x80x128xf32, #tpu.memory_space<vmem>>, vector<16xf32>,
          tpu.vector_store %arg20[%swap3A_1727, %swap3A_1728, %swap3A_1729], %mul3A_1723 {strides = array<i32>} : memref<2x80x128xf32, #tpu.memory_space<vmem>>, vector<16xf32>,
          %add3A_1731 = arith.constant 2 : i32
          %add3A_1732 = arith.addi %add3A_1368, %add3A_1731 : i32
          %get3A_1733 = arith.constant 1 : i32
          %get3A_1734 = arith.index_cast %get3A_1733 : i32 to index
          %get3A_1735 = arith.index_cast %add3A_1732 : i32 to index
          %get3A_1736 = arith.constant 96 : index
          %get3A_1737 = tpu.vector_load %arg20[%get3A_1734, %get3A_1735, %get3A_1736] {strides = array<i32>} : memref<2x80x128xf32, #tpu.memory_space<vmem>>, vector<16xf32>,
          %mul3A_1738 = arith.mulf %get3A_1737, %gather3A_1392 : vector<16xf32>
          %add3A_1739 = arith.constant 2 : i32
          %add3A_1740 = arith.addi %add3A_1368, %add3A_1739 : i32
          %swap3A_1741 = arith.constant 1 : i32
          %swap3A_1742 = arith.index_cast %swap3A_1741 : i32 to index
          %swap3A_1743 = arith.index_cast %add3A_1740 : i32 to index
          %swap3A_1744 = arith.constant 96 : index
          %swap3A_1745 = tpu.vector_load %arg20[%swap3A_1742, %swap3A_1743, %swap3A_1744] {strides = array<i32>} : memref<2x80x128xf32, #tpu.memory_space<vmem>>, vector<16xf32>,
          tpu.vector_store %arg20[%swap3A_1742, %swap3A_1743, %swap3A_1744], %mul3A_1738 {strides = array<i32>} : memref<2x80x128xf32, #tpu.memory_space<vmem>>, vector<16xf32>,
          %add3A_1746 = arith.constant 2 : i32
          %add3A_1747 = arith.addi %add3A_1368, %add3A_1746 : i32
          %get3A_1748 = arith.constant 1 : i32
          %get3A_1749 = arith.index_cast %get3A_1748 : i32 to index
          %get3A_1750 = arith.index_cast %add3A_1747 : i32 to index
          %get3A_1751 = arith.constant 112 : index
          %get3A_1752 = tpu.vector_load %arg20[%get3A_1749, %get3A_1750, %get3A_1751] {strides = array<i32>} : memref<2x80x128xf32, #tpu.memory_space<vmem>>, vector<16xf32>,
          %mul3A_1753 = arith.mulf %get3A_1752, %gather3A_1392 : vector<16xf32>
          %add3A_1754 = arith.constant 2 : i32
          %add3A_1755 = arith.addi %add3A_1368, %add3A_1754 : i32
          %swap3A_1756 = arith.constant 1 : i32
          %swap3A_1757 = arith.index_cast %swap3A_1756 : i32 to index
          %swap3A_1758 = arith.index_cast %add3A_1755 : i32 to index
          %swap3A_1759 = arith.constant 112 : index
          %swap3A_1760 = tpu.vector_load %arg20[%swap3A_1757, %swap3A_1758, %swap3A_1759] {strides = array<i32>} : memref<2x80x128xf32, #tpu.memory_space<vmem>>, vector<16xf32>,
          tpu.vector_store %arg20[%swap3A_1757, %swap3A_1758, %swap3A_1759], %mul3A_1753 {strides = array<i32>} : memref<2x80x128xf32, #tpu.memory_space<vmem>>, vector<16xf32>,
          %add3A_1761 = arith.constant 3 : i32
          %add3A_1762 = arith.addi %add3A_1368, %add3A_1761 : i32
          %get3A_1763 = arith.constant 1 : i32
          %get3A_1764 = arith.index_cast %get3A_1763 : i32 to index
          %get3A_1765 = arith.index_cast %add3A_1762 : i32 to index
          %get3A_1766 = arith.constant 0 : index
          %get3A_1767 = tpu.vector_load %arg20[%get3A_1764, %get3A_1765, %get3A_1766] {strides = array<i32>} : memref<2x80x128xf32, #tpu.memory_space<vmem>>, vector<16xf32>,
          %mul3A_1768 = arith.mulf %get3A_1767, %gather3A_1400 : vector<16xf32>
          %add3A_1769 = arith.constant 3 : i32
          %add3A_1770 = arith.addi %add3A_1368, %add3A_1769 : i32
          %swap3A_1771 = arith.constant 1 : i32
          %swap3A_1772 = arith.index_cast %swap3A_1771 : i32 to index
          %swap3A_1773 = arith.index_cast %add3A_1770 : i32 to index
          %swap3A_1774 = arith.constant 0 : index
          %swap3A_1775 = tpu.vector_load %arg20[%swap3A_1772, %swap3A_1773, %swap3A_1774] {strides = array<i32>} : memref<2x80x128xf32, #tpu.memory_space<vmem>>, vector<16xf32>,
          tpu.vector_store %arg20[%swap3A_1772, %swap3A_1773, %swap3A_1774], %mul3A_1768 {strides = array<i32>} : memref<2x80x128xf32, #tpu.memory_space<vmem>>, vector<16xf32>,
          %add3A_1776 = arith.constant 3 : i32
          %add3A_1777 = arith.addi %add3A_1368, %add3A_1776 : i32
          %get3A_1778 = arith.constant 1 : i32
          %get3A_1779 = arith.index_cast %get3A_1778 : i32 to index
          %get3A_1780 = arith.index_cast %add3A_1777 : i32 to index
          %get3A_1781 = arith.constant 16 : index
          %get3A_1782 = tpu.vector_load %arg20[%get3A_1779, %get3A_1780, %get3A_1781] {strides = array<i32>} : memref<2x80x128xf32, #tpu.memory_space<vmem>>, vector<16xf32>,
          %mul3A_1783 = arith.mulf %get3A_1782, %gather3A_1400 : vector<16xf32>
          %add3A_1784 = arith.constant 3 : i32
          %add3A_1785 = arith.addi %add3A_1368, %add3A_1784 : i32
          %swap3A_1786 = arith.constant 1 : i32
          %swap3A_1787 = arith.index_cast %swap3A_1786 : i32 to index
          %swap3A_1788 = arith.index_cast %add3A_1785 : i32 to index
          %swap3A_1789 = arith.constant 16 : index
          %swap3A_1790 = tpu.vector_load %arg20[%swap3A_1787, %swap3A_1788, %swap3A_1789] {strides = array<i32>} : memref<2x80x128xf32, #tpu.memory_space<vmem>>, vector<16xf32>,
          tpu.vector_store %arg20[%swap3A_1787, %swap3A_1788, %swap3A_1789], %mul3A_1783 {strides = array<i32>} : memref<2x80x128xf32, #tpu.memory_space<vmem>>, vector<16xf32>,
          %add3A_1791 = arith.constant 3 : i32
          %add3A_1792 = arith.addi %add3A_1368, %add3A_1791 : i32
          %get3A_1793 = arith.constant 1 : i32
          %get3A_1794 = arith.index_cast %get3A_1793 : i32 to index
          %get3A_1795 = arith.index_cast %add3A_1792 : i32 to index
          %get3A_1796 = arith.constant 32 : index
          %get3A_1797 = tpu.vector_load %arg20[%get3A_1794, %get3A_1795, %get3A_1796] {strides = array<i32>} : memref<2x80x128xf32, #tpu.memory_space<vmem>>, vector<16xf32>,
          %mul3A_1798 = arith.mulf %get3A_1797, %gather3A_1400 : vector<16xf32>
          %add3A_1799 = arith.constant 3 : i32
          %add3A_1800 = arith.addi %add3A_1368, %add3A_1799 : i32
          %swap3A_1801 = arith.constant 1 : i32
          %swap3A_1802 = arith.index_cast %swap3A_1801 : i32 to index
          %swap3A_1803 = arith.index_cast %add3A_1800 : i32 to index
          %swap3A_1804 = arith.constant 32 : index
          %swap3A_1805 = tpu.vector_load %arg20[%swap3A_1802, %swap3A_1803, %swap3A_1804] {strides = array<i32>} : memref<2x80x128xf32, #tpu.memory_space<vmem>>, vector<16xf32>,
          tpu.vector_store %arg20[%swap3A_1802, %swap3A_1803, %swap3A_1804], %mul3A_1798 {strides = array<i32>} : memref<2x80x128xf32, #tpu.memory_space<vmem>>, vector<16xf32>,
          %add3A_1806 = arith.constant 3 : i32
          %add3A_1807 = arith.addi %add3A_1368, %add3A_1806 : i32
          %get3A_1808 = arith.constant 1 : i32
          %get3A_1809 = arith.index_cast %get3A_1808 : i32 to index
          %get3A_1810 = arith.index_cast %add3A_1807 : i32 to index
          %get3A_1811 = arith.constant 48 : index
          %get3A_1812 = tpu.vector_load %arg20[%get3A_1809, %get3A_1810, %get3A_1811] {strides = array<i32>} : memref<2x80x128xf32, #tpu.memory_space<vmem>>, vector<16xf32>,
          %mul3A_1813 = arith.mulf %get3A_1812, %gather3A_1400 : vector<16xf32>
          %add3A_1814 = arith.constant 3 : i32
          %add3A_1815 = arith.addi %add3A_1368, %add3A_1814 : i32
          %swap3A_1816 = arith.constant 1 : i32
          %swap3A_1817 = arith.index_cast %swap3A_1816 : i32 to index
          %swap3A_1818 = arith.index_cast %add3A_1815 : i32 to index
          %swap3A_1819 = arith.constant 48 : index
          %swap3A_1820 = tpu.vector_load %arg20[%swap3A_1817, %swap3A_1818, %swap3A_1819] {strides = array<i32>} : memref<2x80x128xf32, #tpu.memory_space<vmem>>, vector<16xf32>,
          tpu.vector_store %arg20[%swap3A_1817, %swap3A_1818, %swap3A_1819], %mul3A_1813 {strides = array<i32>} : memref<2x80x128xf32, #tpu.memory_space<vmem>>, vector<16xf32>,
          %add3A_1821 = arith.constant 3 : i32
          %add3A_1822 = arith.addi %add3A_1368, %add3A_1821 : i32
          %get3A_1823 = arith.constant 1 : i32
          %get3A_1824 = arith.index_cast %get3A_1823 : i32 to index
          %get3A_1825 = arith.index_cast %add3A_1822 : i32 to index
          %get3A_1826 = arith.constant 64 : index
          %get3A_1827 = tpu.vector_load %arg20[%get3A_1824, %get3A_1825, %get3A_1826] {strides = array<i32>} : memref<2x80x128xf32, #tpu.memory_space<vmem>>, vector<16xf32>,
          %mul3A_1828 = arith.mulf %get3A_1827, %gather3A_1400 : vector<16xf32>
          %add3A_1829 = arith.constant 3 : i32
          %add3A_1830 = arith.addi %add3A_1368, %add3A_1829 : i32
          %swap3A_1831 = arith.constant 1 : i32
          %swap3A_1832 = arith.index_cast %swap3A_1831 : i32 to index
          %swap3A_1833 = arith.index_cast %add3A_1830 : i32 to index
          %swap3A_1834 = arith.constant 64 : index
          %swap3A_1835 = tpu.vector_load %arg20[%swap3A_1832, %swap3A_1833, %swap3A_1834] {strides = array<i32>} : memref<2x80x128xf32, #tpu.memory_space<vmem>>, vector<16xf32>,
          tpu.vector_store %arg20[%swap3A_1832, %swap3A_1833, %swap3A_1834], %mul3A_1828 {strides = array<i32>} : memref<2x80x128xf32, #tpu.memory_space<vmem>>, vector<16xf32>,
          %add3A_1836 = arith.constant 3 : i32
          %add3A_1837 = arith.addi %add3A_1368, %add3A_1836 : i32
          %get3A_1838 = arith.constant 1 : i32
          %get3A_1839 = arith.index_cast %get3A_1838 : i32 to index
          %get3A_1840 = arith.index_cast %add3A_1837 : i32 to index
          %get3A_1841 = arith.constant 80 : index
          %get3A_1842 = tpu.vector_load %arg20[%get3A_1839, %get3A_1840, %get3A_1841] {strides = array<i32>} : memref<2x80x128xf32, #tpu.memory_space<vmem>>, vector<16xf32>,
          %mul3A_1843 = arith.mulf %get3A_1842, %gather3A_1400 : vector<16xf32>
          %add3A_1844 = arith.constant 3 : i32
          %add3A_1845 = arith.addi %add3A_1368, %add3A_1844 : i32
          %swap3A_1846 = arith.constant 1 : i32
          %swap3A_1847 = arith.index_cast %swap3A_1846 : i32 to index
          %swap3A_1848 = arith.index_cast %add3A_1845 : i32 to index
          %swap3A_1849 = arith.constant 80 : index
          %swap3A_1850 = tpu.vector_load %arg20[%swap3A_1847, %swap3A_1848, %swap3A_1849] {strides = array<i32>} : memref<2x80x128xf32, #tpu.memory_space<vmem>>, vector<16xf32>,
          tpu.vector_store %arg20[%swap3A_1847, %swap3A_1848, %swap3A_1849], %mul3A_1843 {strides = array<i32>} : memref<2x80x128xf32, #tpu.memory_space<vmem>>, vector<16xf32>,
          %add3A_1851 = arith.constant 3 : i32
          %add3A_1852 = arith.addi %add3A_1368, %add3A_1851 : i32
          %get3A_1853 = arith.constant 1 : i32
          %get3A_1854 = arith.index_cast %get3A_1853 : i32 to index
          %get3A_1855 = arith.index_cast %add3A_1852 : i32 to index
          %get3A_1856 = arith.constant 96 : index
          %get3A_1857 = tpu.vector_load %arg20[%get3A_1854, %get3A_1855, %get3A_1856] {strides = array<i32>} : memref<2x80x128xf32, #tpu.memory_space<vmem>>, vector<16xf32>,
          %mul3A_1858 = arith.mulf %get3A_1857, %gather3A_1400 : vector<16xf32>
          %add3A_1859 = arith.constant 3 : i32
          %add3A_1860 = arith.addi %add3A_1368, %add3A_1859 : i32
          %swap3A_1861 = arith.constant 1 : i32
          %swap3A_1862 = arith.index_cast %swap3A_1861 : i32 to index
          %swap3A_1863 = arith.index_cast %add3A_1860 : i32 to index
          %swap3A_1864 = arith.constant 96 : index
          %swap3A_1865 = tpu.vector_load %arg20[%swap3A_1862, %swap3A_1863, %swap3A_1864] {strides = array<i32>} : memref<2x80x128xf32, #tpu.memory_space<vmem>>, vector<16xf32>,
          tpu.vector_store %arg20[%swap3A_1862, %swap3A_1863, %swap3A_1864], %mul3A_1858 {strides = array<i32>} : memref<2x80x128xf32, #tpu.memory_space<vmem>>, vector<16xf32>,
          %add3A_1866 = arith.constant 3 : i32
          %add3A_1867 = arith.addi %add3A_1368, %add3A_1866 : i32
          %get3A_1868 = arith.constant 1 : i32
          %get3A_1869 = arith.index_cast %get3A_1868 : i32 to index
          %get3A_1870 = arith.index_cast %add3A_1867 : i32 to index
          %get3A_1871 = arith.constant 112 : index
          %get3A_1872 = tpu.vector_load %arg20[%get3A_1869, %get3A_1870, %get3A_1871] {strides = array<i32>} : memref<2x80x128xf32, #tpu.memory_space<vmem>>, vector<16xf32>,
          %mul3A_1873 = arith.mulf %get3A_1872, %gather3A_1400 : vector<16xf32>
          %add3A_1874 = arith.constant 3 : i32
          %add3A_1875 = arith.addi %add3A_1368, %add3A_1874 : i32
          %swap3A_1876 = arith.constant 1 : i32
          %swap3A_1877 = arith.index_cast %swap3A_1876 : i32 to index
          %swap3A_1878 = arith.index_cast %add3A_1875 : i32 to index
          %swap3A_1879 = arith.constant 112 : index
          %swap3A_1880 = tpu.vector_load %arg20[%swap3A_1877, %swap3A_1878, %swap3A_1879] {strides = array<i32>} : memref<2x80x128xf32, #tpu.memory_space<vmem>>, vector<16xf32>,
          tpu.vector_store %arg20[%swap3A_1877, %swap3A_1878, %swap3A_1879], %mul3A_1873 {strides = array<i32>} : memref<2x80x128xf32, #tpu.memory_space<vmem>>, vector<16xf32>,
        }
        %scan3A_1097 = arith.constant 20 : i32
        %dma_start3A_1098 = arith.constant 1 : i32
        %dma_start3A_1099 = arith.constant 1 : i32
        %dma_start3A_1100 = arith.constant 0 : i32
        %dma_start3A_1101 = arith.constant 0 : i32
        %dma_start3A_1102 = tpu.memref_slice %arg20[%dma_start3A_1098, %dma_start3A_1100, %dma_start3A_1101] : memref<2x80x128xf32, #tpu.memory_space<vmem>> -> memref<1x80x128xf32, #tpu.memory_space<vmem>>
        %dma_start3A_1103 = tpu.memref_squeeze %dma_start3A_1102 : memref<1x80x128xf32, #tpu.memory_space<vmem>> -> memref<80x128xf32, #tpu.memory_space<vmem>>
        %dma_start3A_1104 = arith.constant 0 : i32
        %dma_start3A_1105 = tpu.memref_slice %arg19[%dma_start3A_1099, %dma_start3A_1104] : memref<2x80xi32, #tpu.memory_space<vmem>> -> memref<1x80xi32, #tpu.memory_space<vmem>>
        %dma_start3A_1106 = tpu.memref_squeeze %dma_start3A_1105 : memref<1x80xi32, #tpu.memory_space<vmem>> -> memref<80xi32, #tpu.memory_space<vmem>>
        %dma_start3A_1107 = arith.constant 0 : i32
        %dma_start3A_1108 = arith.constant 0 : i32
        %dma_start3A_1109 = tpu.memref_slice %arg10[%dma_start3A_1107, %dma_start3A_1108] : memref<10240x128xf32, #tpu.memory_space<vmem_shared>> -> memref<10240x128xf32, #tpu.memory_space<vmem_shared>>
        tpu.enqueue_indirect_dma source(%dma_start3A_1103 : memref<80x128xf32, #tpu.memory_space<vmem>>) target(%dma_start3A_1109 : memref<10240x128xf32, #tpu.memory_space<vmem_shared>>) offsets(%dma_start3A_1106 : memref<80xi32, #tpu.memory_space<vmem>>) semaphore(%arg24 : memref<!tpu.dma_semaphore, #tpu.memory_space<semaphore_mem>>) {add = true}
        %dma_start3A_1110 = arith.constant 1 : i32
        %dma_start3A_1111 = arith.constant 1 : i32
        %dma_start3A_1112 = arith.constant 0 : i32
        %dma_start3A_1113 = tpu.memref_slice %arg17[%dma_start3A_1110, %dma_start3A_1112] : memref<2x80xf32, #tpu.memory_space<vmem>> -> memref<1x80xf32, #tpu.memory_space<vmem>>
        %dma_start3A_1114 = tpu.memref_squeeze %dma_start3A_1113 : memref<1x80xf32, #tpu.memory_space<vmem>> -> memref<80xf32, #tpu.memory_space<vmem>>
        %dma_start3A_1115 = arith.constant 0 : i32
        %dma_start3A_1116 = tpu.memref_slice %arg19[%dma_start3A_1111, %dma_start3A_1115] : memref<2x80xi32, #tpu.memory_space<vmem>> -> memref<1x80xi32, #tpu.memory_space<vmem>>
        %dma_start3A_1117 = tpu.memref_squeeze %dma_start3A_1116 : memref<1x80xi32, #tpu.memory_space<vmem>> -> memref<80xi32, #tpu.memory_space<vmem>>
        %dma_start3A_1118 = arith.constant 0 : i32
        %dma_start3A_1119 = tpu.memref_slice %arg11[%dma_start3A_1118] : memref<10240xf32, #tpu.memory_space<vmem_shared>> -> memref<10240xf32, #tpu.memory_space<vmem_shared>>
        tpu.enqueue_indirect_dma source(%dma_start3A_1114 : memref<80xf32, #tpu.memory_space<vmem>>) target(%dma_start3A_1119 : memref<10240xf32, #tpu.memory_space<vmem_shared>>) offsets(%dma_start3A_1117 : memref<80xi32, #tpu.memory_space<vmem>>) semaphore(%arg26 : memref<!tpu.dma_semaphore, #tpu.memory_space<semaphore_mem>>) {add = true}
        %dma_wait3A_1120 = arith.constant 0 : i32
        %dma_wait3A_1121 = arith.constant 0 : i32
        %dma_wait3A_1122 = arith.constant 0 : i32
        %dma_wait3A_1123 = arith.constant 0 : i32
        %dma_wait3A_1124 = tpu.memref_slice %arg20[%dma_wait3A_1120, %dma_wait3A_1122, %dma_wait3A_1123] : memref<2x80x128xf32, #tpu.memory_space<vmem>> -> memref<1x80x128xf32, #tpu.memory_space<vmem>>
        %dma_wait3A_1125 = tpu.memref_squeeze %dma_wait3A_1124 : memref<1x80x128xf32, #tpu.memory_space<vmem>> -> memref<80x128xf32, #tpu.memory_space<vmem>>
        %dma_wait3A_1126 = arith.constant 0 : i32
        %dma_wait3A_1127 = tpu.memref_slice %arg19[%dma_wait3A_1121, %dma_wait3A_1126] : memref<2x80xi32, #tpu.memory_space<vmem>> -> memref<1x80xi32, #tpu.memory_space<vmem>>
        %dma_wait3A_1128 = tpu.memref_squeeze %dma_wait3A_1127 : memref<1x80xi32, #tpu.memory_space<vmem>> -> memref<80xi32, #tpu.memory_space<vmem>>
        %dma_wait3A_1129 = arith.constant 0 : i32
        %dma_wait3A_1130 = arith.constant 0 : i32
        %dma_wait3A_1131 = tpu.memref_slice %arg10[%dma_wait3A_1129, %dma_wait3A_1130] : memref<10240x128xf32, #tpu.memory_space<vmem_shared>> -> memref<10240x128xf32, #tpu.memory_space<vmem_shared>>
        tpu.wait_indirect_dma semaphore(%arg23 : memref<!tpu.dma_semaphore, #tpu.memory_space<semaphore_mem>>) src(%dma_wait3A_1125 : memref<80x128xf32, #tpu.memory_space<vmem>>) dst(%dma_wait3A_1131 : memref<10240x128xf32, #tpu.memory_space<vmem_shared>>)
        %dma_wait3A_1132 = arith.constant 0 : i32
        %dma_wait3A_1133 = arith.constant 0 : i32
        %dma_wait3A_1134 = arith.constant 0 : i32
        %dma_wait3A_1135 = tpu.memref_slice %arg17[%dma_wait3A_1132, %dma_wait3A_1134] : memref<2x80xf32, #tpu.memory_space<vmem>> -> memref<1x80xf32, #tpu.memory_space<vmem>>
        %dma_wait3A_1136 = tpu.memref_squeeze %dma_wait3A_1135 : memref<1x80xf32, #tpu.memory_space<vmem>> -> memref<80xf32, #tpu.memory_space<vmem>>
        %dma_wait3A_1137 = arith.constant 0 : i32
        %dma_wait3A_1138 = tpu.memref_slice %arg19[%dma_wait3A_1133, %dma_wait3A_1137] : memref<2x80xi32, #tpu.memory_space<vmem>> -> memref<1x80xi32, #tpu.memory_space<vmem>>
        %dma_wait3A_1139 = tpu.memref_squeeze %dma_wait3A_1138 : memref<1x80xi32, #tpu.memory_space<vmem>> -> memref<80xi32, #tpu.memory_space<vmem>>
        %dma_wait3A_1140 = arith.constant 0 : i32
        %dma_wait3A_1141 = tpu.memref_slice %arg11[%dma_wait3A_1140] : memref<10240xf32, #tpu.memory_space<vmem_shared>> -> memref<10240xf32, #tpu.memory_space<vmem_shared>>
        tpu.wait_indirect_dma semaphore(%arg25 : memref<!tpu.dma_semaphore, #tpu.memory_space<semaphore_mem>>) src(%dma_wait3A_1136 : memref<80xf32, #tpu.memory_space<vmem>>) dst(%dma_wait3A_1141 : memref<10240xf32, #tpu.memory_space<vmem_shared>>)
        %mul3A_1142 = arith.constant 80 : i32
        %mul3A_1143 = arith.muli %add3A_801, %mul3A_1142 : i32
        %add3A_1144 = arith.constant 160 : i32
        %add3A_1145 = arith.addi %mul3A_1143, %add3A_1144 : i32
        %dma_start3A_1146 = arith.constant 0 : i32
        %dma_start3A_1147 = arith.constant 0 : i32
        %dma_start3A_1148 = arith.constant 0 : i32
        %dma_start3A_1149 = tpu.memref_slice %arg20[%dma_start3A_1146, %dma_start3A_1147, %dma_start3A_1148] : memref<2x80x128xf32, #tpu.memory_space<vmem>> -> memref<1x80x128xf32, #tpu.memory_space<vmem>>
        %dma_start3A_1150 = tpu.memref_squeeze %dma_start3A_1149 : memref<1x80x128xf32, #tpu.memory_space<vmem>> -> memref<80x128xf32, #tpu.memory_space<vmem>>
        %dma_start3A_1151 = tpu.memref_slice %arg15[%add3A_1145] : memref<2000xi32, #tpu.memory_space<vmem>> -> memref<80xi32, #tpu.memory_space<vmem>>
        %dma_start3A_1152 = arith.constant 0 : i32
        %dma_start3A_1153 = arith.constant 0 : i32
        %dma_start3A_1154 = tpu.memref_slice %arg2[%dma_start3A_1152, %dma_start3A_1153] : memref<10000x128xf32, #tpu.memory_space<hbm>> -> memref<10000x128xf32, #tpu.memory_space<hbm>>
        tpu.enqueue_indirect_dma source(%dma_start3A_1154 : memref<10000x128xf32, #tpu.memory_space<hbm>>) target(%dma_start3A_1150 : memref<80x128xf32, #tpu.memory_space<vmem>>) offsets(%dma_start3A_1151 : memref<80xi32, #tpu.memory_space<vmem>>) semaphore(%arg21 : memref<!tpu.dma_semaphore, #tpu.memory_space<semaphore_mem>>)
        %mul3A_1155 = arith.constant 80 : i32
        %mul3A_1156 = arith.muli %add3A_801, %mul3A_1155 : i32
        %add3A_1157 = arith.constant 160 : i32
        %add3A_1158 = arith.addi %mul3A_1156, %add3A_1157 : i32
        %add3A_1159 = arith.constant 0 : i32
        %add3A_1160 = arith.addi %add3A_1158, %add3A_1159 : i32
        %get3A_1161 = arith.index_cast %add3A_1160 : i32 to index
        %get3A_1162 = tpu.vector_load %arg14[%get3A_1161] {strides = array<i32>} : memref<2000xi32, #tpu.memory_space<vmem>>, vector<16xi32>,
        %add3A_1163 = arith.constant 0 : i32
        %add3A_1164 = arith.addi %add3A_1158, %add3A_1163 : i32
        %get3A_1165 = arith.index_cast %add3A_1164 : i32 to index
        %get3A_1166 = tpu.vector_load %arg15[%get3A_1165] {strides = array<i32>} : memref<2000xi32, #tpu.memory_space<vmem>>, vector<16xi32>,
        %gather3A_1167 = tpu.vector_load_idx %arg12[%get3A_1162] : memref<10000xf32, #tpu.memory_space<vmem>>[vector<16xi32>], vector<16xf32>,
        %gather3A_1168 = tpu.vector_load_idx %arg13[%get3A_1166] : memref<10000xf32, #tpu.memory_space<vmem>>[vector<16xi32>], vector<16xf32>,
        %add3A_1169 = arith.addf %gather3A_1167, %gather3A_1168 : vector<16xf32>
        %gt3A_1170 = arith.constant 0.000000e+00 : f32
        %gt3A_1171 = vector.broadcast %gt3A_1170 : f32 to vector<16xf32>
        %gt3A_1172 = arith.cmpf ogt, %add3A_1169, %gt3A_1171 : vector<16xf32>
        %mul3A_1173 = arith.constant 2.000000e-01 : f32
        %mul3A_1174 = vector.broadcast %mul3A_1173 : f32 to vector<16xf32>
        %mul3A_1175 = arith.mulf %mul3A_1174, %add3A_1169 : vector<16xf32>
        %select_n3A_1176 = arith.select %gt3A_1172, %add3A_1169, %mul3A_1175 : vector<16xi1>, vector<16xf32>
        %swap3A_1177 = arith.constant 0 : i32
        %swap3A_1178 = arith.constant 0 : i32
        %swap3A_1179 = tpu.memref_slice %arg17[%swap3A_1177, %swap3A_1178] : memref<2x80xf32, #tpu.memory_space<vmem>> -> memref<1x80xf32, #tpu.memory_space<vmem>>
        %swap3A_1180 = tpu.memref_squeeze %swap3A_1179 : memref<1x80xf32, #tpu.memory_space<vmem>> -> memref<80xf32, #tpu.memory_space<vmem>>
        %swap3A_1181 = arith.constant 0 : index
        %swap3A_1182 = tpu.vector_load %swap3A_1180[%swap3A_1181] {strides = array<i32>} : memref<80xf32, #tpu.memory_space<vmem>>, vector<16xf32>,
        tpu.vector_store %swap3A_1180[%swap3A_1181], %select_n3A_1176 {strides = array<i32>} : memref<80xf32, #tpu.memory_space<vmem>>, vector<16xf32>,
        %add3A_1183 = arith.constant 0 : i32
        %add3A_1184 = arith.addi %add3A_1158, %add3A_1183 : i32
        %get3A_1185 = arith.index_cast %add3A_1184 : i32 to index
        %get3A_1186 = tpu.vector_load %arg16[%get3A_1185] {strides = array<i32>} : memref<2000xf32, #tpu.memory_space<vmem>>, vector<16xf32>,
        %mul3A_1187 = arith.mulf %select_n3A_1176, %get3A_1186 : vector<16xf32>
        %swap3A_1188 = arith.constant 0 : i32
        %swap3A_1189 = arith.constant 0 : i32
        %swap3A_1190 = tpu.memref_slice %arg18[%swap3A_1188, %swap3A_1189] : memref<2x80xf32, #tpu.memory_space<vmem>> -> memref<1x80xf32, #tpu.memory_space<vmem>>
        %swap3A_1191 = tpu.memref_squeeze %swap3A_1190 : memref<1x80xf32, #tpu.memory_space<vmem>> -> memref<80xf32, #tpu.memory_space<vmem>>
        %swap3A_1192 = arith.constant 0 : index
        %swap3A_1193 = tpu.vector_load %swap3A_1191[%swap3A_1192] {strides = array<i32>} : memref<80xf32, #tpu.memory_space<vmem>>, vector<16xf32>,
        tpu.vector_store %swap3A_1191[%swap3A_1192], %mul3A_1187 {strides = array<i32>} : memref<80xf32, #tpu.memory_space<vmem>>, vector<16xf32>,
        %swap3A_1194 = arith.constant 0 : i32
        %swap3A_1195 = arith.constant 0 : i32
        %swap3A_1196 = tpu.memref_slice %arg19[%swap3A_1194, %swap3A_1195] : memref<2x80xi32, #tpu.memory_space<vmem>> -> memref<1x80xi32, #tpu.memory_space<vmem>>
        %swap3A_1197 = tpu.memref_squeeze %swap3A_1196 : memref<1x80xi32, #tpu.memory_space<vmem>> -> memref<80xi32, #tpu.memory_space<vmem>>
        %swap3A_1198 = arith.constant 0 : index
        %swap3A_1199 = tpu.vector_load %swap3A_1197[%swap3A_1198] {strides = array<i32>} : memref<80xi32, #tpu.memory_space<vmem>>, vector<16xi32>,
        tpu.vector_store %swap3A_1197[%swap3A_1198], %get3A_1162 {strides = array<i32>} : memref<80xi32, #tpu.memory_space<vmem>>, vector<16xi32>,
        %add3A_1200 = arith.constant 16 : i32
        %add3A_1201 = arith.addi %add3A_1158, %add3A_1200 : i32
        %get3A_1202 = arith.index_cast %add3A_1201 : i32 to index
        %get3A_1203 = tpu.vector_load %arg14[%get3A_1202] {strides = array<i32>} : memref<2000xi32, #tpu.memory_space<vmem>>, vector<16xi32>,
        %add3A_1204 = arith.constant 16 : i32
        %add3A_1205 = arith.addi %add3A_1158, %add3A_1204 : i32
        %get3A_1206 = arith.index_cast %add3A_1205 : i32 to index
        %get3A_1207 = tpu.vector_load %arg15[%get3A_1206] {strides = array<i32>} : memref<2000xi32, #tpu.memory_space<vmem>>, vector<16xi32>,
        %gather3A_1208 = tpu.vector_load_idx %arg12[%get3A_1203] : memref<10000xf32, #tpu.memory_space<vmem>>[vector<16xi32>], vector<16xf32>,
        %gather3A_1209 = tpu.vector_load_idx %arg13[%get3A_1207] : memref<10000xf32, #tpu.memory_space<vmem>>[vector<16xi32>], vector<16xf32>,
        %add3A_1210 = arith.addf %gather3A_1208, %gather3A_1209 : vector<16xf32>
        %gt3A_1211 = arith.constant 0.000000e+00 : f32
        %gt3A_1212 = vector.broadcast %gt3A_1211 : f32 to vector<16xf32>
        %gt3A_1213 = arith.cmpf ogt, %add3A_1210, %gt3A_1212 : vector<16xf32>
        %mul3A_1214 = arith.constant 2.000000e-01 : f32
        %mul3A_1215 = vector.broadcast %mul3A_1214 : f32 to vector<16xf32>
        %mul3A_1216 = arith.mulf %mul3A_1215, %add3A_1210 : vector<16xf32>
        %select_n3A_1217 = arith.select %gt3A_1213, %add3A_1210, %mul3A_1216 : vector<16xi1>, vector<16xf32>
        %swap3A_1218 = arith.constant 0 : i32
        %swap3A_1219 = arith.constant 0 : i32
        %swap3A_1220 = tpu.memref_slice %arg17[%swap3A_1218, %swap3A_1219] : memref<2x80xf32, #tpu.memory_space<vmem>> -> memref<1x80xf32, #tpu.memory_space<vmem>>
        %swap3A_1221 = tpu.memref_squeeze %swap3A_1220 : memref<1x80xf32, #tpu.memory_space<vmem>> -> memref<80xf32, #tpu.memory_space<vmem>>
        %swap3A_1222 = arith.constant 16 : index
        %swap3A_1223 = tpu.vector_load %swap3A_1221[%swap3A_1222] {strides = array<i32>} : memref<80xf32, #tpu.memory_space<vmem>>, vector<16xf32>,
        tpu.vector_store %swap3A_1221[%swap3A_1222], %select_n3A_1217 {strides = array<i32>} : memref<80xf32, #tpu.memory_space<vmem>>, vector<16xf32>,
        %add3A_1224 = arith.constant 16 : i32
        %add3A_1225 = arith.addi %add3A_1158, %add3A_1224 : i32
        %get3A_1226 = arith.index_cast %add3A_1225 : i32 to index
        %get3A_1227 = tpu.vector_load %arg16[%get3A_1226] {strides = array<i32>} : memref<2000xf32, #tpu.memory_space<vmem>>, vector<16xf32>,
        %mul3A_1228 = arith.mulf %select_n3A_1217, %get3A_1227 : vector<16xf32>
        %swap3A_1229 = arith.constant 0 : i32
        %swap3A_1230 = arith.constant 0 : i32
        %swap3A_1231 = tpu.memref_slice %arg18[%swap3A_1229, %swap3A_1230] : memref<2x80xf32, #tpu.memory_space<vmem>> -> memref<1x80xf32, #tpu.memory_space<vmem>>
        %swap3A_1232 = tpu.memref_squeeze %swap3A_1231 : memref<1x80xf32, #tpu.memory_space<vmem>> -> memref<80xf32, #tpu.memory_space<vmem>>
        %swap3A_1233 = arith.constant 16 : index
        %swap3A_1234 = tpu.vector_load %swap3A_1232[%swap3A_1233] {strides = array<i32>} : memref<80xf32, #tpu.memory_space<vmem>>, vector<16xf32>,
        tpu.vector_store %swap3A_1232[%swap3A_1233], %mul3A_1228 {strides = array<i32>} : memref<80xf32, #tpu.memory_space<vmem>>, vector<16xf32>,
        %swap3A_1235 = arith.constant 0 : i32
        %swap3A_1236 = arith.constant 0 : i32
        %swap3A_1237 = tpu.memref_slice %arg19[%swap3A_1235, %swap3A_1236] : memref<2x80xi32, #tpu.memory_space<vmem>> -> memref<1x80xi32, #tpu.memory_space<vmem>>
        %swap3A_1238 = tpu.memref_squeeze %swap3A_1237 : memref<1x80xi32, #tpu.memory_space<vmem>> -> memref<80xi32, #tpu.memory_space<vmem>>
        %swap3A_1239 = arith.constant 16 : index
        %swap3A_1240 = tpu.vector_load %swap3A_1238[%swap3A_1239] {strides = array<i32>} : memref<80xi32, #tpu.memory_space<vmem>>, vector<16xi32>,
        tpu.vector_store %swap3A_1238[%swap3A_1239], %get3A_1203 {strides = array<i32>} : memref<80xi32, #tpu.memory_space<vmem>>, vector<16xi32>,
        %add3A_1241 = arith.constant 32 : i32
        %add3A_1242 = arith.addi %add3A_1158, %add3A_1241 : i32
        %get3A_1243 = arith.index_cast %add3A_1242 : i32 to index
        %get3A_1244 = tpu.vector_load %arg14[%get3A_1243] {strides = array<i32>} : memref<2000xi32, #tpu.memory_space<vmem>>, vector<16xi32>,
        %add3A_1245 = arith.constant 32 : i32
        %add3A_1246 = arith.addi %add3A_1158, %add3A_1245 : i32
        %get3A_1247 = arith.index_cast %add3A_1246 : i32 to index
        %get3A_1248 = tpu.vector_load %arg15[%get3A_1247] {strides = array<i32>} : memref<2000xi32, #tpu.memory_space<vmem>>, vector<16xi32>,
        %gather3A_1249 = tpu.vector_load_idx %arg12[%get3A_1244] : memref<10000xf32, #tpu.memory_space<vmem>>[vector<16xi32>], vector<16xf32>,
        %gather3A_1250 = tpu.vector_load_idx %arg13[%get3A_1248] : memref<10000xf32, #tpu.memory_space<vmem>>[vector<16xi32>], vector<16xf32>,
        %add3A_1251 = arith.addf %gather3A_1249, %gather3A_1250 : vector<16xf32>
        %gt3A_1252 = arith.constant 0.000000e+00 : f32
        %gt3A_1253 = vector.broadcast %gt3A_1252 : f32 to vector<16xf32>
        %gt3A_1254 = arith.cmpf ogt, %add3A_1251, %gt3A_1253 : vector<16xf32>
        %mul3A_1255 = arith.constant 2.000000e-01 : f32
        %mul3A_1256 = vector.broadcast %mul3A_1255 : f32 to vector<16xf32>
        %mul3A_1257 = arith.mulf %mul3A_1256, %add3A_1251 : vector<16xf32>
        %select_n3A_1258 = arith.select %gt3A_1254, %add3A_1251, %mul3A_1257 : vector<16xi1>, vector<16xf32>
        %swap3A_1259 = arith.constant 0 : i32
        %swap3A_1260 = arith.constant 0 : i32
        %swap3A_1261 = tpu.memref_slice %arg17[%swap3A_1259, %swap3A_1260] : memref<2x80xf32, #tpu.memory_space<vmem>> -> memref<1x80xf32, #tpu.memory_space<vmem>>
        %swap3A_1262 = tpu.memref_squeeze %swap3A_1261 : memref<1x80xf32, #tpu.memory_space<vmem>> -> memref<80xf32, #tpu.memory_space<vmem>>
        %swap3A_1263 = arith.constant 32 : index
        %swap3A_1264 = tpu.vector_load %swap3A_1262[%swap3A_1263] {strides = array<i32>} : memref<80xf32, #tpu.memory_space<vmem>>, vector<16xf32>,
        tpu.vector_store %swap3A_1262[%swap3A_1263], %select_n3A_1258 {strides = array<i32>} : memref<80xf32, #tpu.memory_space<vmem>>, vector<16xf32>,
        %add3A_1265 = arith.constant 32 : i32
        %add3A_1266 = arith.addi %add3A_1158, %add3A_1265 : i32
        %get3A_1267 = arith.index_cast %add3A_1266 : i32 to index
        %get3A_1268 = tpu.vector_load %arg16[%get3A_1267] {strides = array<i32>} : memref<2000xf32, #tpu.memory_space<vmem>>, vector<16xf32>,
        %mul3A_1269 = arith.mulf %select_n3A_1258, %get3A_1268 : vector<16xf32>
        %swap3A_1270 = arith.constant 0 : i32
        %swap3A_1271 = arith.constant 0 : i32
        %swap3A_1272 = tpu.memref_slice %arg18[%swap3A_1270, %swap3A_1271] : memref<2x80xf32, #tpu.memory_space<vmem>> -> memref<1x80xf32, #tpu.memory_space<vmem>>
        %swap3A_1273 = tpu.memref_squeeze %swap3A_1272 : memref<1x80xf32, #tpu.memory_space<vmem>> -> memref<80xf32, #tpu.memory_space<vmem>>
        %swap3A_1274 = arith.constant 32 : index
        %swap3A_1275 = tpu.vector_load %swap3A_1273[%swap3A_1274] {strides = array<i32>} : memref<80xf32, #tpu.memory_space<vmem>>, vector<16xf32>,
        tpu.vector_store %swap3A_1273[%swap3A_1274], %mul3A_1269 {strides = array<i32>} : memref<80xf32, #tpu.memory_space<vmem>>, vector<16xf32>,
        %swap3A_1276 = arith.constant 0 : i32
        %swap3A_1277 = arith.constant 0 : i32
        %swap3A_1278 = tpu.memref_slice %arg19[%swap3A_1276, %swap3A_1277] : memref<2x80xi32, #tpu.memory_space<vmem>> -> memref<1x80xi32, #tpu.memory_space<vmem>>
        %swap3A_1279 = tpu.memref_squeeze %swap3A_1278 : memref<1x80xi32, #tpu.memory_space<vmem>> -> memref<80xi32, #tpu.memory_space<vmem>>
        %swap3A_1280 = arith.constant 32 : index
        %swap3A_1281 = tpu.vector_load %swap3A_1279[%swap3A_1280] {strides = array<i32>} : memref<80xi32, #tpu.memory_space<vmem>>, vector<16xi32>,
        tpu.vector_store %swap3A_1279[%swap3A_1280], %get3A_1244 {strides = array<i32>} : memref<80xi32, #tpu.memory_space<vmem>>, vector<16xi32>,
        %add3A_1282 = arith.constant 48 : i32
        %add3A_1283 = arith.addi %add3A_1158, %add3A_1282 : i32
        %get3A_1284 = arith.index_cast %add3A_1283 : i32 to index
        %get3A_1285 = tpu.vector_load %arg14[%get3A_1284] {strides = array<i32>} : memref<2000xi32, #tpu.memory_space<vmem>>, vector<16xi32>,
        %add3A_1286 = arith.constant 48 : i32
        %add3A_1287 = arith.addi %add3A_1158, %add3A_1286 : i32
        %get3A_1288 = arith.index_cast %add3A_1287 : i32 to index
        %get3A_1289 = tpu.vector_load %arg15[%get3A_1288] {strides = array<i32>} : memref<2000xi32, #tpu.memory_space<vmem>>, vector<16xi32>,
        %gather3A_1290 = tpu.vector_load_idx %arg12[%get3A_1285] : memref<10000xf32, #tpu.memory_space<vmem>>[vector<16xi32>], vector<16xf32>,
        %gather3A_1291 = tpu.vector_load_idx %arg13[%get3A_1289] : memref<10000xf32, #tpu.memory_space<vmem>>[vector<16xi32>], vector<16xf32>,
        %add3A_1292 = arith.addf %gather3A_1290, %gather3A_1291 : vector<16xf32>
        %gt3A_1293 = arith.constant 0.000000e+00 : f32
        %gt3A_1294 = vector.broadcast %gt3A_1293 : f32 to vector<16xf32>
        %gt3A_1295 = arith.cmpf ogt, %add3A_1292, %gt3A_1294 : vector<16xf32>
        %mul3A_1296 = arith.constant 2.000000e-01 : f32
        %mul3A_1297 = vector.broadcast %mul3A_1296 : f32 to vector<16xf32>
        %mul3A_1298 = arith.mulf %mul3A_1297, %add3A_1292 : vector<16xf32>
        %select_n3A_1299 = arith.select %gt3A_1295, %add3A_1292, %mul3A_1298 : vector<16xi1>, vector<16xf32>
        %swap3A_1300 = arith.constant 0 : i32
        %swap3A_1301 = arith.constant 0 : i32
        %swap3A_1302 = tpu.memref_slice %arg17[%swap3A_1300, %swap3A_1301] : memref<2x80xf32, #tpu.memory_space<vmem>> -> memref<1x80xf32, #tpu.memory_space<vmem>>
        %swap3A_1303 = tpu.memref_squeeze %swap3A_1302 : memref<1x80xf32, #tpu.memory_space<vmem>> -> memref<80xf32, #tpu.memory_space<vmem>>
        %swap3A_1304 = arith.constant 48 : index
        %swap3A_1305 = tpu.vector_load %swap3A_1303[%swap3A_1304] {strides = array<i32>} : memref<80xf32, #tpu.memory_space<vmem>>, vector<16xf32>,
        tpu.vector_store %swap3A_1303[%swap3A_1304], %select_n3A_1299 {strides = array<i32>} : memref<80xf32, #tpu.memory_space<vmem>>, vector<16xf32>,
        %add3A_1306 = arith.constant 48 : i32
        %add3A_1307 = arith.addi %add3A_1158, %add3A_1306 : i32
        %get3A_1308 = arith.index_cast %add3A_1307 : i32 to index
        %get3A_1309 = tpu.vector_load %arg16[%get3A_1308] {strides = array<i32>} : memref<2000xf32, #tpu.memory_space<vmem>>, vector<16xf32>,
        %mul3A_1310 = arith.mulf %select_n3A_1299, %get3A_1309 : vector<16xf32>
        %swap3A_1311 = arith.constant 0 : i32
        %swap3A_1312 = arith.constant 0 : i32
        %swap3A_1313 = tpu.memref_slice %arg18[%swap3A_1311, %swap3A_1312] : memref<2x80xf32, #tpu.memory_space<vmem>> -> memref<1x80xf32, #tpu.memory_space<vmem>>
        %swap3A_1314 = tpu.memref_squeeze %swap3A_1313 : memref<1x80xf32, #tpu.memory_space<vmem>> -> memref<80xf32, #tpu.memory_space<vmem>>
        %swap3A_1315 = arith.constant 48 : index
        %swap3A_1316 = tpu.vector_load %swap3A_1314[%swap3A_1315] {strides = array<i32>} : memref<80xf32, #tpu.memory_space<vmem>>, vector<16xf32>,
        tpu.vector_store %swap3A_1314[%swap3A_1315], %mul3A_1310 {strides = array<i32>} : memref<80xf32, #tpu.memory_space<vmem>>, vector<16xf32>,
        %swap3A_1317 = arith.constant 0 : i32
        %swap3A_1318 = arith.constant 0 : i32
        %swap3A_1319 = tpu.memref_slice %arg19[%swap3A_1317, %swap3A_1318] : memref<2x80xi32, #tpu.memory_space<vmem>> -> memref<1x80xi32, #tpu.memory_space<vmem>>
        %swap3A_1320 = tpu.memref_squeeze %swap3A_1319 : memref<1x80xi32, #tpu.memory_space<vmem>> -> memref<80xi32, #tpu.memory_space<vmem>>
        %swap3A_1321 = arith.constant 48 : index
        %swap3A_1322 = tpu.vector_load %swap3A_1320[%swap3A_1321] {strides = array<i32>} : memref<80xi32, #tpu.memory_space<vmem>>, vector<16xi32>,
        tpu.vector_store %swap3A_1320[%swap3A_1321], %get3A_1285 {strides = array<i32>} : memref<80xi32, #tpu.memory_space<vmem>>, vector<16xi32>,
        %add3A_1323 = arith.constant 64 : i32
        %add3A_1324 = arith.addi %add3A_1158, %add3A_1323 : i32
        %get3A_1325 = arith.index_cast %add3A_1324 : i32 to index
        %get3A_1326 = tpu.vector_load %arg14[%get3A_1325] {strides = array<i32>} : memref<2000xi32, #tpu.memory_space<vmem>>, vector<16xi32>,
        %add3A_1327 = arith.constant 64 : i32
        %add3A_1328 = arith.addi %add3A_1158, %add3A_1327 : i32
        %get3A_1329 = arith.index_cast %add3A_1328 : i32 to index
        %get3A_1330 = tpu.vector_load %arg15[%get3A_1329] {strides = array<i32>} : memref<2000xi32, #tpu.memory_space<vmem>>, vector<16xi32>,
        %gather3A_1331 = tpu.vector_load_idx %arg12[%get3A_1326] : memref<10000xf32, #tpu.memory_space<vmem>>[vector<16xi32>], vector<16xf32>,
        %gather3A_1332 = tpu.vector_load_idx %arg13[%get3A_1330] : memref<10000xf32, #tpu.memory_space<vmem>>[vector<16xi32>], vector<16xf32>,
        %add3A_1333 = arith.addf %gather3A_1331, %gather3A_1332 : vector<16xf32>
        %gt3A_1334 = arith.constant 0.000000e+00 : f32
        %gt3A_1335 = vector.broadcast %gt3A_1334 : f32 to vector<16xf32>
        %gt3A_1336 = arith.cmpf ogt, %add3A_1333, %gt3A_1335 : vector<16xf32>
        %mul3A_1337 = arith.constant 2.000000e-01 : f32
        %mul3A_1338 = vector.broadcast %mul3A_1337 : f32 to vector<16xf32>
        %mul3A_1339 = arith.mulf %mul3A_1338, %add3A_1333 : vector<16xf32>
        %select_n3A_1340 = arith.select %gt3A_1336, %add3A_1333, %mul3A_1339 : vector<16xi1>, vector<16xf32>
        %swap3A_1341 = arith.constant 0 : i32
        %swap3A_1342 = arith.constant 0 : i32
        %swap3A_1343 = tpu.memref_slice %arg17[%swap3A_1341, %swap3A_1342] : memref<2x80xf32, #tpu.memory_space<vmem>> -> memref<1x80xf32, #tpu.memory_space<vmem>>
        %swap3A_1344 = tpu.memref_squeeze %swap3A_1343 : memref<1x80xf32, #tpu.memory_space<vmem>> -> memref<80xf32, #tpu.memory_space<vmem>>
        %swap3A_1345 = arith.constant 64 : index
        %swap3A_1346 = tpu.vector_load %swap3A_1344[%swap3A_1345] {strides = array<i32>} : memref<80xf32, #tpu.memory_space<vmem>>, vector<16xf32>,
        tpu.vector_store %swap3A_1344[%swap3A_1345], %select_n3A_1340 {strides = array<i32>} : memref<80xf32, #tpu.memory_space<vmem>>, vector<16xf32>,
        %add3A_1347 = arith.constant 64 : i32
        %add3A_1348 = arith.addi %add3A_1158, %add3A_1347 : i32
        %get3A_1349 = arith.index_cast %add3A_1348 : i32 to index
        %get3A_1350 = tpu.vector_load %arg16[%get3A_1349] {strides = array<i32>} : memref<2000xf32, #tpu.memory_space<vmem>>, vector<16xf32>,
        %mul3A_1351 = arith.mulf %select_n3A_1340, %get3A_1350 : vector<16xf32>
        %swap3A_1352 = arith.constant 0 : i32
        %swap3A_1353 = arith.constant 0 : i32
        %swap3A_1354 = tpu.memref_slice %arg18[%swap3A_1352, %swap3A_1353] : memref<2x80xf32, #tpu.memory_space<vmem>> -> memref<1x80xf32, #tpu.memory_space<vmem>>
        %swap3A_1355 = tpu.memref_squeeze %swap3A_1354 : memref<1x80xf32, #tpu.memory_space<vmem>> -> memref<80xf32, #tpu.memory_space<vmem>>
        %swap3A_1356 = arith.constant 64 : index
        %swap3A_1357 = tpu.vector_load %swap3A_1355[%swap3A_1356] {strides = array<i32>} : memref<80xf32, #tpu.memory_space<vmem>>, vector<16xf32>,
        tpu.vector_store %swap3A_1355[%swap3A_1356], %mul3A_1351 {strides = array<i32>} : memref<80xf32, #tpu.memory_space<vmem>>, vector<16xf32>,
        %swap3A_1358 = arith.constant 0 : i32
        %swap3A_1359 = arith.constant 0 : i32
        %swap3A_1360 = tpu.memref_slice %arg19[%swap3A_1358, %swap3A_1359] : memref<2x80xi32, #tpu.memory_space<vmem>> -> memref<1x80xi32, #tpu.memory_space<vmem>>
        %swap3A_1361 = tpu.memref_squeeze %swap3A_1360 : memref<1x80xi32, #tpu.memory_space<vmem>> -> memref<80xi32, #tpu.memory_space<vmem>>
        %swap3A_1362 = arith.constant 64 : index
        %swap3A_1363 = tpu.vector_load %swap3A_1361[%swap3A_1362] {strides = array<i32>} : memref<80xi32, #tpu.memory_space<vmem>>, vector<16xi32>,
        tpu.vector_store %swap3A_1361[%swap3A_1362], %get3A_1326 {strides = array<i32>} : memref<80xi32, #tpu.memory_space<vmem>>, vector<16xi32>,
      }
      %scan3A_715 = arith.constant 11 : i32
      %dma_wait3A_716 = arith.constant 1 : i32
      %dma_wait3A_717 = arith.constant 1 : i32
      %dma_wait3A_718 = arith.constant 0 : i32
      %dma_wait3A_719 = arith.constant 0 : i32
      %dma_wait3A_720 = tpu.memref_slice %arg20[%dma_wait3A_716, %dma_wait3A_718, %dma_wait3A_719] : memref<2x80x128xf32, #tpu.memory_space<vmem>> -> memref<1x80x128xf32, #tpu.memory_space<vmem>>
      %dma_wait3A_721 = tpu.memref_squeeze %dma_wait3A_720 : memref<1x80x128xf32, #tpu.memory_space<vmem>> -> memref<80x128xf32, #tpu.memory_space<vmem>>
      %dma_wait3A_722 = arith.constant 0 : i32
      %dma_wait3A_723 = tpu.memref_slice %arg19[%dma_wait3A_717, %dma_wait3A_722] : memref<2x80xi32, #tpu.memory_space<vmem>> -> memref<1x80xi32, #tpu.memory_space<vmem>>
      %dma_wait3A_724 = tpu.memref_squeeze %dma_wait3A_723 : memref<1x80xi32, #tpu.memory_space<vmem>> -> memref<80xi32, #tpu.memory_space<vmem>>
      %dma_wait3A_725 = arith.constant 0 : i32
      %dma_wait3A_726 = arith.constant 0 : i32
      %dma_wait3A_727 = tpu.memref_slice %arg10[%dma_wait3A_725, %dma_wait3A_726] : memref<10240x128xf32, #tpu.memory_space<vmem_shared>> -> memref<10240x128xf32, #tpu.memory_space<vmem_shared>>
      tpu.wait_indirect_dma semaphore(%arg24 : memref<!tpu.dma_semaphore, #tpu.memory_space<semaphore_mem>>) src(%dma_wait3A_721 : memref<80x128xf32, #tpu.memory_space<vmem>>) dst(%dma_wait3A_727 : memref<10240x128xf32, #tpu.memory_space<vmem_shared>>)
      %dma_wait3A_728 = arith.constant 1 : i32
      %dma_wait3A_729 = arith.constant 1 : i32
      %dma_wait3A_730 = arith.constant 0 : i32
      %dma_wait3A_731 = tpu.memref_slice %arg17[%dma_wait3A_728, %dma_wait3A_730] : memref<2x80xf32, #tpu.memory_space<vmem>> -> memref<1x80xf32, #tpu.memory_space<vmem>>
      %dma_wait3A_732 = tpu.memref_squeeze %dma_wait3A_731 : memref<1x80xf32, #tpu.memory_space<vmem>> -> memref<80xf32, #tpu.memory_space<vmem>>
      %dma_wait3A_733 = arith.constant 0 : i32
      %dma_wait3A_734 = tpu.memref_slice %arg19[%dma_wait3A_729, %dma_wait3A_733] : memref<2x80xi32, #tpu.memory_space<vmem>> -> memref<1x80xi32, #tpu.memory_space<vmem>>
      %dma_wait3A_735 = tpu.memref_squeeze %dma_wait3A_734 : memref<1x80xi32, #tpu.memory_space<vmem>> -> memref<80xi32, #tpu.memory_space<vmem>>
      %dma_wait3A_736 = arith.constant 0 : i32
      %dma_wait3A_737 = tpu.memref_slice %arg11[%dma_wait3A_736] : memref<10240xf32, #tpu.memory_space<vmem_shared>> -> memref<10240xf32, #tpu.memory_space<vmem_shared>>
      tpu.wait_indirect_dma semaphore(%arg26 : memref<!tpu.dma_semaphore, #tpu.memory_space<semaphore_mem>>) src(%dma_wait3A_732 : memref<80xf32, #tpu.memory_space<vmem>>) dst(%dma_wait3A_737 : memref<10240xf32, #tpu.memory_space<vmem_shared>>)
      %dma_wait3A_738 = arith.constant 0 : i32
      %dma_wait3A_739 = arith.constant 0 : i32
      %dma_wait3A_740 = arith.constant 0 : i32
      %dma_wait3A_741 = tpu.memref_slice %arg20[%dma_wait3A_738, %dma_wait3A_739, %dma_wait3A_740] : memref<2x80x128xf32, #tpu.memory_space<vmem>> -> memref<1x80x128xf32, #tpu.memory_space<vmem>>
      %dma_wait3A_742 = tpu.memref_squeeze %dma_wait3A_741 : memref<1x80x128xf32, #tpu.memory_space<vmem>> -> memref<80x128xf32, #tpu.memory_space<vmem>>
      %dma_wait3A_743 = arith.constant 0 : i32
      %dma_wait3A_744 = tpu.memref_slice %arg15[%dma_wait3A_743] : memref<2000xi32, #tpu.memory_space<vmem>> -> memref<80xi32, #tpu.memory_space<vmem>>
      %dma_wait3A_745 = arith.constant 0 : i32
      %dma_wait3A_746 = arith.constant 0 : i32
      %dma_wait3A_747 = tpu.memref_slice %arg2[%dma_wait3A_745, %dma_wait3A_746] : memref<10000x128xf32, #tpu.memory_space<hbm>> -> memref<10000x128xf32, #tpu.memory_space<hbm>>
      tpu.wait_indirect_dma semaphore(%arg21 : memref<!tpu.dma_semaphore, #tpu.memory_space<semaphore_mem>>) src(%dma_wait3A_747 : memref<10000x128xf32, #tpu.memory_space<hbm>>) dst(%dma_wait3A_742 : memref<80x128xf32, #tpu.memory_space<vmem>>)
      %scan3A_748 = arith.constant 0 : i32
      %scan3A_749 = arith.constant 20 : i32
      %scan3A_750 = arith.addi %scan3A_748, %scan3A_749 : i32
      %scan3A_751 = arith.constant 1 : i32
      scf.for %scan3A_797 = %scan3A_748 to %scan3A_750 step %scan3A_751  : i32 {
        %mul3A_798 = arith.constant 4 : i32
        %mul3A_799 = arith.muli %scan3A_797, %mul3A_798 : i32
        %add3A_800 = arith.constant 0 : i32
        %add3A_801 = arith.addi %add3A_800, %mul3A_799 : i32
        %add3A_802 = arith.constant 0 : i32
        %add3A_803 = arith.addi %add3A_801, %add3A_802 : i32
        %broadcast_in_dim3A_804 = vector.broadcast %add3A_803 : i32 to vector<16xi32>
        %gather3A_805 = arith.constant 0 : i32
        %gather3A_806 = arith.constant 0 : i32
        %gather3A_807 = tpu.memref_slice %arg18[%gather3A_805, %gather3A_806] : memref<2x80xf32, #tpu.memory_space<vmem>> -> memref<1x80xf32, #tpu.memory_space<vmem>>
        %gather3A_808 = tpu.memref_squeeze %gather3A_807 : memref<1x80xf32, #tpu.memory_space<vmem>> -> memref<80xf32, #tpu.memory_space<vmem>>
        %gather3A_809 = tpu.vector_load_idx %gather3A_808[%broadcast_in_dim3A_804] : memref<80xf32, #tpu.memory_space<vmem>>[vector<16xi32>], vector<16xf32>,
        %add3A_810 = arith.constant 1 : i32
        %add3A_811 = arith.addi %add3A_801, %add3A_810 : i32
        %broadcast_in_dim3A_812 = vector.broadcast %add3A_811 : i32 to vector<16xi32>
        %gather3A_813 = arith.constant 0 : i32
        %gather3A_814 = arith.constant 0 : i32
        %gather3A_815 = tpu.memref_slice %arg18[%gather3A_813, %gather3A_814] : memref<2x80xf32, #tpu.memory_space<vmem>> -> memref<1x80xf32, #tpu.memory_space<vmem>>
        %gather3A_816 = tpu.memref_squeeze %gather3A_815 : memref<1x80xf32, #tpu.memory_space<vmem>> -> memref<80xf32, #tpu.memory_space<vmem>>
        %gather3A_817 = tpu.vector_load_idx %gather3A_816[%broadcast_in_dim3A_812] : memref<80xf32, #tpu.memory_space<vmem>>[vector<16xi32>], vector<16xf32>,
        %add3A_818 = arith.constant 2 : i32
        %add3A_819 = arith.addi %add3A_801, %add3A_818 : i32
        %broadcast_in_dim3A_820 = vector.broadcast %add3A_819 : i32 to vector<16xi32>
        %gather3A_821 = arith.constant 0 : i32
        %gather3A_822 = arith.constant 0 : i32
        %gather3A_823 = tpu.memref_slice %arg18[%gather3A_821, %gather3A_822] : memref<2x80xf32, #tpu.memory_space<vmem>> -> memref<1x80xf32, #tpu.memory_space<vmem>>
        %gather3A_824 = tpu.memref_squeeze %gather3A_823 : memref<1x80xf32, #tpu.memory_space<vmem>> -> memref<80xf32, #tpu.memory_space<vmem>>
        %gather3A_825 = tpu.vector_load_idx %gather3A_824[%broadcast_in_dim3A_820] : memref<80xf32, #tpu.memory_space<vmem>>[vector<16xi32>], vector<16xf32>,
        %add3A_826 = arith.constant 3 : i32
        %add3A_827 = arith.addi %add3A_801, %add3A_826 : i32
        %broadcast_in_dim3A_828 = vector.broadcast %add3A_827 : i32 to vector<16xi32>
        %gather3A_829 = arith.constant 0 : i32
        %gather3A_830 = arith.constant 0 : i32
        %gather3A_831 = tpu.memref_slice %arg18[%gather3A_829, %gather3A_830] : memref<2x80xf32, #tpu.memory_space<vmem>> -> memref<1x80xf32, #tpu.memory_space<vmem>>
        %gather3A_832 = tpu.memref_squeeze %gather3A_831 : memref<1x80xf32, #tpu.memory_space<vmem>> -> memref<80xf32, #tpu.memory_space<vmem>>
        %gather3A_833 = tpu.vector_load_idx %gather3A_832[%broadcast_in_dim3A_828] : memref<80xf32, #tpu.memory_space<vmem>>[vector<16xi32>], vector<16xf32>,
        %add3A_834 = arith.constant 0 : i32
        %add3A_835 = arith.addi %add3A_801, %add3A_834 : i32
        %get3A_836 = arith.constant 0 : i32
        %get3A_837 = arith.index_cast %get3A_836 : i32 to index
        %get3A_838 = arith.index_cast %add3A_835 : i32 to index
        %get3A_839 = arith.constant 0 : index
        %get3A_840 = tpu.vector_load %arg20[%get3A_837, %get3A_838, %get3A_839] {strides = array<i32>} : memref<2x80x128xf32, #tpu.memory_space<vmem>>, vector<16xf32>,
        %mul3A_841 = arith.mulf %get3A_840, %gather3A_809 : vector<16xf32>
        %add3A_842 = arith.constant 0 : i32
        %add3A_843 = arith.addi %add3A_801, %add3A_842 : i32
        %swap3A_844 = arith.constant 0 : i32
        %swap3A_845 = arith.index_cast %swap3A_844 : i32 to index
        %swap3A_846 = arith.index_cast %add3A_843 : i32 to index
        %swap3A_847 = arith.constant 0 : index
        %swap3A_848 = tpu.vector_load %arg20[%swap3A_845, %swap3A_846, %swap3A_847] {strides = array<i32>} : memref<2x80x128xf32, #tpu.memory_space<vmem>>, vector<16xf32>,
        tpu.vector_store %arg20[%swap3A_845, %swap3A_846, %swap3A_847], %mul3A_841 {strides = array<i32>} : memref<2x80x128xf32, #tpu.memory_space<vmem>>, vector<16xf32>,
        %add3A_849 = arith.constant 0 : i32
        %add3A_850 = arith.addi %add3A_801, %add3A_849 : i32
        %get3A_851 = arith.constant 0 : i32
        %get3A_852 = arith.index_cast %get3A_851 : i32 to index
        %get3A_853 = arith.index_cast %add3A_850 : i32 to index
        %get3A_854 = arith.constant 16 : index
        %get3A_855 = tpu.vector_load %arg20[%get3A_852, %get3A_853, %get3A_854] {strides = array<i32>} : memref<2x80x128xf32, #tpu.memory_space<vmem>>, vector<16xf32>,
        %mul3A_856 = arith.mulf %get3A_855, %gather3A_809 : vector<16xf32>
        %add3A_857 = arith.constant 0 : i32
        %add3A_858 = arith.addi %add3A_801, %add3A_857 : i32
        %swap3A_859 = arith.constant 0 : i32
        %swap3A_860 = arith.index_cast %swap3A_859 : i32 to index
        %swap3A_861 = arith.index_cast %add3A_858 : i32 to index
        %swap3A_862 = arith.constant 16 : index
        %swap3A_863 = tpu.vector_load %arg20[%swap3A_860, %swap3A_861, %swap3A_862] {strides = array<i32>} : memref<2x80x128xf32, #tpu.memory_space<vmem>>, vector<16xf32>,
        tpu.vector_store %arg20[%swap3A_860, %swap3A_861, %swap3A_862], %mul3A_856 {strides = array<i32>} : memref<2x80x128xf32, #tpu.memory_space<vmem>>, vector<16xf32>,
        %add3A_864 = arith.constant 0 : i32
        %add3A_865 = arith.addi %add3A_801, %add3A_864 : i32
        %get3A_866 = arith.constant 0 : i32
        %get3A_867 = arith.index_cast %get3A_866 : i32 to index
        %get3A_868 = arith.index_cast %add3A_865 : i32 to index
        %get3A_869 = arith.constant 32 : index
        %get3A_870 = tpu.vector_load %arg20[%get3A_867, %get3A_868, %get3A_869] {strides = array<i32>} : memref<2x80x128xf32, #tpu.memory_space<vmem>>, vector<16xf32>,
        %mul3A_871 = arith.mulf %get3A_870, %gather3A_809 : vector<16xf32>
        %add3A_872 = arith.constant 0 : i32
        %add3A_873 = arith.addi %add3A_801, %add3A_872 : i32
        %swap3A_874 = arith.constant 0 : i32
        %swap3A_875 = arith.index_cast %swap3A_874 : i32 to index
        %swap3A_876 = arith.index_cast %add3A_873 : i32 to index
        %swap3A_877 = arith.constant 32 : index
        %swap3A_878 = tpu.vector_load %arg20[%swap3A_875, %swap3A_876, %swap3A_877] {strides = array<i32>} : memref<2x80x128xf32, #tpu.memory_space<vmem>>, vector<16xf32>,
        tpu.vector_store %arg20[%swap3A_875, %swap3A_876, %swap3A_877], %mul3A_871 {strides = array<i32>} : memref<2x80x128xf32, #tpu.memory_space<vmem>>, vector<16xf32>,
        %add3A_879 = arith.constant 0 : i32
        %add3A_880 = arith.addi %add3A_801, %add3A_879 : i32
        %get3A_881 = arith.constant 0 : i32
        %get3A_882 = arith.index_cast %get3A_881 : i32 to index
        %get3A_883 = arith.index_cast %add3A_880 : i32 to index
        %get3A_884 = arith.constant 48 : index
        %get3A_885 = tpu.vector_load %arg20[%get3A_882, %get3A_883, %get3A_884] {strides = array<i32>} : memref<2x80x128xf32, #tpu.memory_space<vmem>>, vector<16xf32>,
        %mul3A_886 = arith.mulf %get3A_885, %gather3A_809 : vector<16xf32>
        %add3A_887 = arith.constant 0 : i32
        %add3A_888 = arith.addi %add3A_801, %add3A_887 : i32
        %swap3A_889 = arith.constant 0 : i32
        %swap3A_890 = arith.index_cast %swap3A_889 : i32 to index
        %swap3A_891 = arith.index_cast %add3A_888 : i32 to index
        %swap3A_892 = arith.constant 48 : index
        %swap3A_893 = tpu.vector_load %arg20[%swap3A_890, %swap3A_891, %swap3A_892] {strides = array<i32>} : memref<2x80x128xf32, #tpu.memory_space<vmem>>, vector<16xf32>,
        tpu.vector_store %arg20[%swap3A_890, %swap3A_891, %swap3A_892], %mul3A_886 {strides = array<i32>} : memref<2x80x128xf32, #tpu.memory_space<vmem>>, vector<16xf32>,
        %add3A_894 = arith.constant 0 : i32
        %add3A_895 = arith.addi %add3A_801, %add3A_894 : i32
        %get3A_896 = arith.constant 0 : i32
        %get3A_897 = arith.index_cast %get3A_896 : i32 to index
        %get3A_898 = arith.index_cast %add3A_895 : i32 to index
        %get3A_899 = arith.constant 64 : index
        %get3A_900 = tpu.vector_load %arg20[%get3A_897, %get3A_898, %get3A_899] {strides = array<i32>} : memref<2x80x128xf32, #tpu.memory_space<vmem>>, vector<16xf32>,
        %mul3A_901 = arith.mulf %get3A_900, %gather3A_809 : vector<16xf32>
        %add3A_902 = arith.constant 0 : i32
        %add3A_903 = arith.addi %add3A_801, %add3A_902 : i32
        %swap3A_904 = arith.constant 0 : i32
        %swap3A_905 = arith.index_cast %swap3A_904 : i32 to index
        %swap3A_906 = arith.index_cast %add3A_903 : i32 to index
        %swap3A_907 = arith.constant 64 : index
        %swap3A_908 = tpu.vector_load %arg20[%swap3A_905, %swap3A_906, %swap3A_907] {strides = array<i32>} : memref<2x80x128xf32, #tpu.memory_space<vmem>>, vector<16xf32>,
        tpu.vector_store %arg20[%swap3A_905, %swap3A_906, %swap3A_907], %mul3A_901 {strides = array<i32>} : memref<2x80x128xf32, #tpu.memory_space<vmem>>, vector<16xf32>,
        %add3A_909 = arith.constant 0 : i32
        %add3A_910 = arith.addi %add3A_801, %add3A_909 : i32
        %get3A_911 = arith.constant 0 : i32
        %get3A_912 = arith.index_cast %get3A_911 : i32 to index
        %get3A_913 = arith.index_cast %add3A_910 : i32 to index
        %get3A_914 = arith.constant 80 : index
        %get3A_915 = tpu.vector_load %arg20[%get3A_912, %get3A_913, %get3A_914] {strides = array<i32>} : memref<2x80x128xf32, #tpu.memory_space<vmem>>, vector<16xf32>,
        %mul3A_916 = arith.mulf %get3A_915, %gather3A_809 : vector<16xf32>
        %add3A_917 = arith.constant 0 : i32
        %add3A_918 = arith.addi %add3A_801, %add3A_917 : i32
        %swap3A_919 = arith.constant 0 : i32
        %swap3A_920 = arith.index_cast %swap3A_919 : i32 to index
        %swap3A_921 = arith.index_cast %add3A_918 : i32 to index
        %swap3A_922 = arith.constant 80 : index
        %swap3A_923 = tpu.vector_load %arg20[%swap3A_920, %swap3A_921, %swap3A_922] {strides = array<i32>} : memref<2x80x128xf32, #tpu.memory_space<vmem>>, vector<16xf32>,
        tpu.vector_store %arg20[%swap3A_920, %swap3A_921, %swap3A_922], %mul3A_916 {strides = array<i32>} : memref<2x80x128xf32, #tpu.memory_space<vmem>>, vector<16xf32>,
        %add3A_924 = arith.constant 0 : i32
        %add3A_925 = arith.addi %add3A_801, %add3A_924 : i32
        %get3A_926 = arith.constant 0 : i32
        %get3A_927 = arith.index_cast %get3A_926 : i32 to index
        %get3A_928 = arith.index_cast %add3A_925 : i32 to index
        %get3A_929 = arith.constant 96 : index
        %get3A_930 = tpu.vector_load %arg20[%get3A_927, %get3A_928, %get3A_929] {strides = array<i32>} : memref<2x80x128xf32, #tpu.memory_space<vmem>>, vector<16xf32>,
        %mul3A_931 = arith.mulf %get3A_930, %gather3A_809 : vector<16xf32>
        %add3A_932 = arith.constant 0 : i32
        %add3A_933 = arith.addi %add3A_801, %add3A_932 : i32
        %swap3A_934 = arith.constant 0 : i32
        %swap3A_935 = arith.index_cast %swap3A_934 : i32 to index
        %swap3A_936 = arith.index_cast %add3A_933 : i32 to index
        %swap3A_937 = arith.constant 96 : index
        %swap3A_938 = tpu.vector_load %arg20[%swap3A_935, %swap3A_936, %swap3A_937] {strides = array<i32>} : memref<2x80x128xf32, #tpu.memory_space<vmem>>, vector<16xf32>,
        tpu.vector_store %arg20[%swap3A_935, %swap3A_936, %swap3A_937], %mul3A_931 {strides = array<i32>} : memref<2x80x128xf32, #tpu.memory_space<vmem>>, vector<16xf32>,
        %add3A_939 = arith.constant 0 : i32
        %add3A_940 = arith.addi %add3A_801, %add3A_939 : i32
        %get3A_941 = arith.constant 0 : i32
        %get3A_942 = arith.index_cast %get3A_941 : i32 to index
        %get3A_943 = arith.index_cast %add3A_940 : i32 to index
        %get3A_944 = arith.constant 112 : index
        %get3A_945 = tpu.vector_load %arg20[%get3A_942, %get3A_943, %get3A_944] {strides = array<i32>} : memref<2x80x128xf32, #tpu.memory_space<vmem>>, vector<16xf32>,
        %mul3A_946 = arith.mulf %get3A_945, %gather3A_809 : vector<16xf32>
        %add3A_947 = arith.constant 0 : i32
        %add3A_948 = arith.addi %add3A_801, %add3A_947 : i32
        %swap3A_949 = arith.constant 0 : i32
        %swap3A_950 = arith.index_cast %swap3A_949 : i32 to index
        %swap3A_951 = arith.index_cast %add3A_948 : i32 to index
        %swap3A_952 = arith.constant 112 : index
        %swap3A_953 = tpu.vector_load %arg20[%swap3A_950, %swap3A_951, %swap3A_952] {strides = array<i32>} : memref<2x80x128xf32, #tpu.memory_space<vmem>>, vector<16xf32>,
        tpu.vector_store %arg20[%swap3A_950, %swap3A_951, %swap3A_952], %mul3A_946 {strides = array<i32>} : memref<2x80x128xf32, #tpu.memory_space<vmem>>, vector<16xf32>,
        %add3A_954 = arith.constant 1 : i32
        %add3A_955 = arith.addi %add3A_801, %add3A_954 : i32
        %get3A_956 = arith.constant 0 : i32
        %get3A_957 = arith.index_cast %get3A_956 : i32 to index
        %get3A_958 = arith.index_cast %add3A_955 : i32 to index
        %get3A_959 = arith.constant 0 : index
        %get3A_960 = tpu.vector_load %arg20[%get3A_957, %get3A_958, %get3A_959] {strides = array<i32>} : memref<2x80x128xf32, #tpu.memory_space<vmem>>, vector<16xf32>,
        %mul3A_961 = arith.mulf %get3A_960, %gather3A_817 : vector<16xf32>
        %add3A_962 = arith.constant 1 : i32
        %add3A_963 = arith.addi %add3A_801, %add3A_962 : i32
        %swap3A_964 = arith.constant 0 : i32
        %swap3A_965 = arith.index_cast %swap3A_964 : i32 to index
        %swap3A_966 = arith.index_cast %add3A_963 : i32 to index
        %swap3A_967 = arith.constant 0 : index
        %swap3A_968 = tpu.vector_load %arg20[%swap3A_965, %swap3A_966, %swap3A_967] {strides = array<i32>} : memref<2x80x128xf32, #tpu.memory_space<vmem>>, vector<16xf32>,
        tpu.vector_store %arg20[%swap3A_965, %swap3A_966, %swap3A_967], %mul3A_961 {strides = array<i32>} : memref<2x80x128xf32, #tpu.memory_space<vmem>>, vector<16xf32>,
        %add3A_969 = arith.constant 1 : i32
        %add3A_970 = arith.addi %add3A_801, %add3A_969 : i32
        %get3A_971 = arith.constant 0 : i32
        %get3A_972 = arith.index_cast %get3A_971 : i32 to index
        %get3A_973 = arith.index_cast %add3A_970 : i32 to index
        %get3A_974 = arith.constant 16 : index
        %get3A_975 = tpu.vector_load %arg20[%get3A_972, %get3A_973, %get3A_974] {strides = array<i32>} : memref<2x80x128xf32, #tpu.memory_space<vmem>>, vector<16xf32>,
        %mul3A_976 = arith.mulf %get3A_975, %gather3A_817 : vector<16xf32>
        %add3A_977 = arith.constant 1 : i32
        %add3A_978 = arith.addi %add3A_801, %add3A_977 : i32
        %swap3A_979 = arith.constant 0 : i32
        %swap3A_980 = arith.index_cast %swap3A_979 : i32 to index
        %swap3A_981 = arith.index_cast %add3A_978 : i32 to index
        %swap3A_982 = arith.constant 16 : index
        %swap3A_983 = tpu.vector_load %arg20[%swap3A_980, %swap3A_981, %swap3A_982] {strides = array<i32>} : memref<2x80x128xf32, #tpu.memory_space<vmem>>, vector<16xf32>,
        tpu.vector_store %arg20[%swap3A_980, %swap3A_981, %swap3A_982], %mul3A_976 {strides = array<i32>} : memref<2x80x128xf32, #tpu.memory_space<vmem>>, vector<16xf32>,
        %add3A_984 = arith.constant 1 : i32
        %add3A_985 = arith.addi %add3A_801, %add3A_984 : i32
        %get3A_986 = arith.constant 0 : i32
        %get3A_987 = arith.index_cast %get3A_986 : i32 to index
        %get3A_988 = arith.index_cast %add3A_985 : i32 to index
        %get3A_989 = arith.constant 32 : index
        %get3A_990 = tpu.vector_load %arg20[%get3A_987, %get3A_988, %get3A_989] {strides = array<i32>} : memref<2x80x128xf32, #tpu.memory_space<vmem>>, vector<16xf32>,
        %mul3A_991 = arith.mulf %get3A_990, %gather3A_817 : vector<16xf32>
        %add3A_992 = arith.constant 1 : i32
        %add3A_993 = arith.addi %add3A_801, %add3A_992 : i32
        %swap3A_994 = arith.constant 0 : i32
        %swap3A_995 = arith.index_cast %swap3A_994 : i32 to index
        %swap3A_996 = arith.index_cast %add3A_993 : i32 to index
        %swap3A_997 = arith.constant 32 : index
        %swap3A_998 = tpu.vector_load %arg20[%swap3A_995, %swap3A_996, %swap3A_997] {strides = array<i32>} : memref<2x80x128xf32, #tpu.memory_space<vmem>>, vector<16xf32>,
        tpu.vector_store %arg20[%swap3A_995, %swap3A_996, %swap3A_997], %mul3A_991 {strides = array<i32>} : memref<2x80x128xf32, #tpu.memory_space<vmem>>, vector<16xf32>,
        %add3A_999 = arith.constant 1 : i32
        %add3A_1000 = arith.addi %add3A_801, %add3A_999 : i32
        %get3A_1001 = arith.constant 0 : i32
        %get3A_1002 = arith.index_cast %get3A_1001 : i32 to index
        %get3A_1003 = arith.index_cast %add3A_1000 : i32 to index
        %get3A_1004 = arith.constant 48 : index
        %get3A_1005 = tpu.vector_load %arg20[%get3A_1002, %get3A_1003, %get3A_1004] {strides = array<i32>} : memref<2x80x128xf32, #tpu.memory_space<vmem>>, vector<16xf32>,
        %mul3A_1006 = arith.mulf %get3A_1005, %gather3A_817 : vector<16xf32>
        %add3A_1007 = arith.constant 1 : i32
        %add3A_1008 = arith.addi %add3A_801, %add3A_1007 : i32
        %swap3A_1009 = arith.constant 0 : i32
        %swap3A_1010 = arith.index_cast %swap3A_1009 : i32 to index
        %swap3A_1011 = arith.index_cast %add3A_1008 : i32 to index
        %swap3A_1012 = arith.constant 48 : index
        %swap3A_1013 = tpu.vector_load %arg20[%swap3A_1010, %swap3A_1011, %swap3A_1012] {strides = array<i32>} : memref<2x80x128xf32, #tpu.memory_space<vmem>>, vector<16xf32>,
        tpu.vector_store %arg20[%swap3A_1010, %swap3A_1011, %swap3A_1012], %mul3A_1006 {strides = array<i32>} : memref<2x80x128xf32, #tpu.memory_space<vmem>>, vector<16xf32>,
        %add3A_1014 = arith.constant 1 : i32
        %add3A_1015 = arith.addi %add3A_801, %add3A_1014 : i32
        %get3A_1016 = arith.constant 0 : i32
        %get3A_1017 = arith.index_cast %get3A_1016 : i32 to index
        %get3A_1018 = arith.index_cast %add3A_1015 : i32 to index
        %get3A_1019 = arith.constant 64 : index
        %get3A_1020 = tpu.vector_load %arg20[%get3A_1017, %get3A_1018, %get3A_1019] {strides = array<i32>} : memref<2x80x128xf32, #tpu.memory_space<vmem>>, vector<16xf32>,
        %mul3A_1021 = arith.mulf %get3A_1020, %gather3A_817 : vector<16xf32>
        %add3A_1022 = arith.constant 1 : i32
        %add3A_1023 = arith.addi %add3A_801, %add3A_1022 : i32
        %swap3A_1024 = arith.constant 0 : i32
        %swap3A_1025 = arith.index_cast %swap3A_1024 : i32 to index
        %swap3A_1026 = arith.index_cast %add3A_1023 : i32 to index
        %swap3A_1027 = arith.constant 64 : index
        %swap3A_1028 = tpu.vector_load %arg20[%swap3A_1025, %swap3A_1026, %swap3A_1027] {strides = array<i32>} : memref<2x80x128xf32, #tpu.memory_space<vmem>>, vector<16xf32>,
        tpu.vector_store %arg20[%swap3A_1025, %swap3A_1026, %swap3A_1027], %mul3A_1021 {strides = array<i32>} : memref<2x80x128xf32, #tpu.memory_space<vmem>>, vector<16xf32>,
        %add3A_1029 = arith.constant 1 : i32
        %add3A_1030 = arith.addi %add3A_801, %add3A_1029 : i32
        %get3A_1031 = arith.constant 0 : i32
        %get3A_1032 = arith.index_cast %get3A_1031 : i32 to index
        %get3A_1033 = arith.index_cast %add3A_1030 : i32 to index
        %get3A_1034 = arith.constant 80 : index
        %get3A_1035 = tpu.vector_load %arg20[%get3A_1032, %get3A_1033, %get3A_1034] {strides = array<i32>} : memref<2x80x128xf32, #tpu.memory_space<vmem>>, vector<16xf32>,
        %mul3A_1036 = arith.mulf %get3A_1035, %gather3A_817 : vector<16xf32>
        %add3A_1037 = arith.constant 1 : i32
        %add3A_1038 = arith.addi %add3A_801, %add3A_1037 : i32
        %swap3A_1039 = arith.constant 0 : i32
        %swap3A_1040 = arith.index_cast %swap3A_1039 : i32 to index
        %swap3A_1041 = arith.index_cast %add3A_1038 : i32 to index
        %swap3A_1042 = arith.constant 80 : index
        %swap3A_1043 = tpu.vector_load %arg20[%swap3A_1040, %swap3A_1041, %swap3A_1042] {strides = array<i32>} : memref<2x80x128xf32, #tpu.memory_space<vmem>>, vector<16xf32>,
        tpu.vector_store %arg20[%swap3A_1040, %swap3A_1041, %swap3A_1042], %mul3A_1036 {strides = array<i32>} : memref<2x80x128xf32, #tpu.memory_space<vmem>>, vector<16xf32>,
        %add3A_1044 = arith.constant 1 : i32
        %add3A_1045 = arith.addi %add3A_801, %add3A_1044 : i32
        %get3A_1046 = arith.constant 0 : i32
        %get3A_1047 = arith.index_cast %get3A_1046 : i32 to index
        %get3A_1048 = arith.index_cast %add3A_1045 : i32 to index
        %get3A_1049 = arith.constant 96 : index
        %get3A_1050 = tpu.vector_load %arg20[%get3A_1047, %get3A_1048, %get3A_1049] {strides = array<i32>} : memref<2x80x128xf32, #tpu.memory_space<vmem>>, vector<16xf32>,
        %mul3A_1051 = arith.mulf %get3A_1050, %gather3A_817 : vector<16xf32>
        %add3A_1052 = arith.constant 1 : i32
        %add3A_1053 = arith.addi %add3A_801, %add3A_1052 : i32
        %swap3A_1054 = arith.constant 0 : i32
        %swap3A_1055 = arith.index_cast %swap3A_1054 : i32 to index
        %swap3A_1056 = arith.index_cast %add3A_1053 : i32 to index
        %swap3A_1057 = arith.constant 96 : index
        %swap3A_1058 = tpu.vector_load %arg20[%swap3A_1055, %swap3A_1056, %swap3A_1057] {strides = array<i32>} : memref<2x80x128xf32, #tpu.memory_space<vmem>>, vector<16xf32>,
        tpu.vector_store %arg20[%swap3A_1055, %swap3A_1056, %swap3A_1057], %mul3A_1051 {strides = array<i32>} : memref<2x80x128xf32, #tpu.memory_space<vmem>>, vector<16xf32>,
        %add3A_1059 = arith.constant 1 : i32
        %add3A_1060 = arith.addi %add3A_801, %add3A_1059 : i32
        %get3A_1061 = arith.constant 0 : i32
        %get3A_1062 = arith.index_cast %get3A_1061 : i32 to index
        %get3A_1063 = arith.index_cast %add3A_1060 : i32 to index
        %get3A_1064 = arith.constant 112 : index
        %get3A_1065 = tpu.vector_load %arg20[%get3A_1062, %get3A_1063, %get3A_1064] {strides = array<i32>} : memref<2x80x128xf32, #tpu.memory_space<vmem>>, vector<16xf32>,
        %mul3A_1066 = arith.mulf %get3A_1065, %gather3A_817 : vector<16xf32>
        %add3A_1067 = arith.constant 1 : i32
        %add3A_1068 = arith.addi %add3A_801, %add3A_1067 : i32
        %swap3A_1069 = arith.constant 0 : i32
        %swap3A_1070 = arith.index_cast %swap3A_1069 : i32 to index
        %swap3A_1071 = arith.index_cast %add3A_1068 : i32 to index
        %swap3A_1072 = arith.constant 112 : index
        %swap3A_1073 = tpu.vector_load %arg20[%swap3A_1070, %swap3A_1071, %swap3A_1072] {strides = array<i32>} : memref<2x80x128xf32, #tpu.memory_space<vmem>>, vector<16xf32>,
        tpu.vector_store %arg20[%swap3A_1070, %swap3A_1071, %swap3A_1072], %mul3A_1066 {strides = array<i32>} : memref<2x80x128xf32, #tpu.memory_space<vmem>>, vector<16xf32>,
        %add3A_1074 = arith.constant 2 : i32
        %add3A_1075 = arith.addi %add3A_801, %add3A_1074 : i32
        %get3A_1076 = arith.constant 0 : i32
        %get3A_1077 = arith.index_cast %get3A_1076 : i32 to index
        %get3A_1078 = arith.index_cast %add3A_1075 : i32 to index
        %get3A_1079 = arith.constant 0 : index
        %get3A_1080 = tpu.vector_load %arg20[%get3A_1077, %get3A_1078, %get3A_1079] {strides = array<i32>} : memref<2x80x128xf32, #tpu.memory_space<vmem>>, vector<16xf32>,
        %mul3A_1081 = arith.mulf %get3A_1080, %gather3A_825 : vector<16xf32>
        %add3A_1082 = arith.constant 2 : i32
        %add3A_1083 = arith.addi %add3A_801, %add3A_1082 : i32
        %swap3A_1084 = arith.constant 0 : i32
        %swap3A_1085 = arith.index_cast %swap3A_1084 : i32 to index
        %swap3A_1086 = arith.index_cast %add3A_1083 : i32 to index
        %swap3A_1087 = arith.constant 0 : index
        %swap3A_1088 = tpu.vector_load %arg20[%swap3A_1085, %swap3A_1086, %swap3A_1087] {strides = array<i32>} : memref<2x80x128xf32, #tpu.memory_space<vmem>>, vector<16xf32>,
        tpu.vector_store %arg20[%swap3A_1085, %swap3A_1086, %swap3A_1087], %mul3A_1081 {strides = array<i32>} : memref<2x80x128xf32, #tpu.memory_space<vmem>>, vector<16xf32>,
        %add3A_1089 = arith.constant 2 : i32
        %add3A_1090 = arith.addi %add3A_801, %add3A_1089 : i32
        %get3A_1091 = arith.constant 0 : i32
        %get3A_1092 = arith.index_cast %get3A_1091 : i32 to index
        %get3A_1093 = arith.index_cast %add3A_1090 : i32 to index
        %get3A_1094 = arith.constant 16 : index
        %get3A_1095 = tpu.vector_load %arg20[%get3A_1092, %get3A_1093, %get3A_1094] {strides = array<i32>} : memref<2x80x128xf32, #tpu.memory_space<vmem>>, vector<16xf32>,
        %mul3A_1096 = arith.mulf %get3A_1095, %gather3A_825 : vector<16xf32>
        %add3A_1097 = arith.constant 2 : i32
        %add3A_1098 = arith.addi %add3A_801, %add3A_1097 : i32
        %swap3A_1099 = arith.constant 0 : i32
        %swap3A_1100 = arith.index_cast %swap3A_1099 : i32 to index
        %swap3A_1101 = arith.index_cast %add3A_1098 : i32 to index
        %swap3A_1102 = arith.constant 16 : index
        %swap3A_1103 = tpu.vector_load %arg20[%swap3A_1100, %swap3A_1101, %swap3A_1102] {strides = array<i32>} : memref<2x80x128xf32, #tpu.memory_space<vmem>>, vector<16xf32>,
        tpu.vector_store %arg20[%swap3A_1100, %swap3A_1101, %swap3A_1102], %mul3A_1096 {strides = array<i32>} : memref<2x80x128xf32, #tpu.memory_space<vmem>>, vector<16xf32>,
        %add3A_1104 = arith.constant 2 : i32
        %add3A_1105 = arith.addi %add3A_801, %add3A_1104 : i32
        %get3A_1106 = arith.constant 0 : i32
        %get3A_1107 = arith.index_cast %get3A_1106 : i32 to index
        %get3A_1108 = arith.index_cast %add3A_1105 : i32 to index
        %get3A_1109 = arith.constant 32 : index
        %get3A_1110 = tpu.vector_load %arg20[%get3A_1107, %get3A_1108, %get3A_1109] {strides = array<i32>} : memref<2x80x128xf32, #tpu.memory_space<vmem>>, vector<16xf32>,
        %mul3A_1111 = arith.mulf %get3A_1110, %gather3A_825 : vector<16xf32>
        %add3A_1112 = arith.constant 2 : i32
        %add3A_1113 = arith.addi %add3A_801, %add3A_1112 : i32
        %swap3A_1114 = arith.constant 0 : i32
        %swap3A_1115 = arith.index_cast %swap3A_1114 : i32 to index
        %swap3A_1116 = arith.index_cast %add3A_1113 : i32 to index
        %swap3A_1117 = arith.constant 32 : index
        %swap3A_1118 = tpu.vector_load %arg20[%swap3A_1115, %swap3A_1116, %swap3A_1117] {strides = array<i32>} : memref<2x80x128xf32, #tpu.memory_space<vmem>>, vector<16xf32>,
        tpu.vector_store %arg20[%swap3A_1115, %swap3A_1116, %swap3A_1117], %mul3A_1111 {strides = array<i32>} : memref<2x80x128xf32, #tpu.memory_space<vmem>>, vector<16xf32>,
        %add3A_1119 = arith.constant 2 : i32
        %add3A_1120 = arith.addi %add3A_801, %add3A_1119 : i32
        %get3A_1121 = arith.constant 0 : i32
        %get3A_1122 = arith.index_cast %get3A_1121 : i32 to index
        %get3A_1123 = arith.index_cast %add3A_1120 : i32 to index
        %get3A_1124 = arith.constant 48 : index
        %get3A_1125 = tpu.vector_load %arg20[%get3A_1122, %get3A_1123, %get3A_1124] {strides = array<i32>} : memref<2x80x128xf32, #tpu.memory_space<vmem>>, vector<16xf32>,
        %mul3A_1126 = arith.mulf %get3A_1125, %gather3A_825 : vector<16xf32>
        %add3A_1127 = arith.constant 2 : i32
        %add3A_1128 = arith.addi %add3A_801, %add3A_1127 : i32
        %swap3A_1129 = arith.constant 0 : i32
        %swap3A_1130 = arith.index_cast %swap3A_1129 : i32 to index
        %swap3A_1131 = arith.index_cast %add3A_1128 : i32 to index
        %swap3A_1132 = arith.constant 48 : index
        %swap3A_1133 = tpu.vector_load %arg20[%swap3A_1130, %swap3A_1131, %swap3A_1132] {strides = array<i32>} : memref<2x80x128xf32, #tpu.memory_space<vmem>>, vector<16xf32>,
        tpu.vector_store %arg20[%swap3A_1130, %swap3A_1131, %swap3A_1132], %mul3A_1126 {strides = array<i32>} : memref<2x80x128xf32, #tpu.memory_space<vmem>>, vector<16xf32>,
        %add3A_1134 = arith.constant 2 : i32
        %add3A_1135 = arith.addi %add3A_801, %add3A_1134 : i32
        %get3A_1136 = arith.constant 0 : i32
        %get3A_1137 = arith.index_cast %get3A_1136 : i32 to index
        %get3A_1138 = arith.index_cast %add3A_1135 : i32 to index
        %get3A_1139 = arith.constant 64 : index
        %get3A_1140 = tpu.vector_load %arg20[%get3A_1137, %get3A_1138, %get3A_1139] {strides = array<i32>} : memref<2x80x128xf32, #tpu.memory_space<vmem>>, vector<16xf32>,
        %mul3A_1141 = arith.mulf %get3A_1140, %gather3A_825 : vector<16xf32>
        %add3A_1142 = arith.constant 2 : i32
        %add3A_1143 = arith.addi %add3A_801, %add3A_1142 : i32
        %swap3A_1144 = arith.constant 0 : i32
        %swap3A_1145 = arith.index_cast %swap3A_1144 : i32 to index
        %swap3A_1146 = arith.index_cast %add3A_1143 : i32 to index
        %swap3A_1147 = arith.constant 64 : index
        %swap3A_1148 = tpu.vector_load %arg20[%swap3A_1145, %swap3A_1146, %swap3A_1147] {strides = array<i32>} : memref<2x80x128xf32, #tpu.memory_space<vmem>>, vector<16xf32>,
        tpu.vector_store %arg20[%swap3A_1145, %swap3A_1146, %swap3A_1147], %mul3A_1141 {strides = array<i32>} : memref<2x80x128xf32, #tpu.memory_space<vmem>>, vector<16xf32>,
        %add3A_1149 = arith.constant 2 : i32
        %add3A_1150 = arith.addi %add3A_801, %add3A_1149 : i32
        %get3A_1151 = arith.constant 0 : i32
        %get3A_1152 = arith.index_cast %get3A_1151 : i32 to index
        %get3A_1153 = arith.index_cast %add3A_1150 : i32 to index
        %get3A_1154 = arith.constant 80 : index
        %get3A_1155 = tpu.vector_load %arg20[%get3A_1152, %get3A_1153, %get3A_1154] {strides = array<i32>} : memref<2x80x128xf32, #tpu.memory_space<vmem>>, vector<16xf32>,
        %mul3A_1156 = arith.mulf %get3A_1155, %gather3A_825 : vector<16xf32>
        %add3A_1157 = arith.constant 2 : i32
        %add3A_1158 = arith.addi %add3A_801, %add3A_1157 : i32
        %swap3A_1159 = arith.constant 0 : i32
        %swap3A_1160 = arith.index_cast %swap3A_1159 : i32 to index
        %swap3A_1161 = arith.index_cast %add3A_1158 : i32 to index
        %swap3A_1162 = arith.constant 80 : index
        %swap3A_1163 = tpu.vector_load %arg20[%swap3A_1160, %swap3A_1161, %swap3A_1162] {strides = array<i32>} : memref<2x80x128xf32, #tpu.memory_space<vmem>>, vector<16xf32>,
        tpu.vector_store %arg20[%swap3A_1160, %swap3A_1161, %swap3A_1162], %mul3A_1156 {strides = array<i32>} : memref<2x80x128xf32, #tpu.memory_space<vmem>>, vector<16xf32>,
        %add3A_1164 = arith.constant 2 : i32
        %add3A_1165 = arith.addi %add3A_801, %add3A_1164 : i32
        %get3A_1166 = arith.constant 0 : i32
        %get3A_1167 = arith.index_cast %get3A_1166 : i32 to index
        %get3A_1168 = arith.index_cast %add3A_1165 : i32 to index
        %get3A_1169 = arith.constant 96 : index
        %get3A_1170 = tpu.vector_load %arg20[%get3A_1167, %get3A_1168, %get3A_1169] {strides = array<i32>} : memref<2x80x128xf32, #tpu.memory_space<vmem>>, vector<16xf32>,
        %mul3A_1171 = arith.mulf %get3A_1170, %gather3A_825 : vector<16xf32>
        %add3A_1172 = arith.constant 2 : i32
        %add3A_1173 = arith.addi %add3A_801, %add3A_1172 : i32
        %swap3A_1174 = arith.constant 0 : i32
        %swap3A_1175 = arith.index_cast %swap3A_1174 : i32 to index
        %swap3A_1176 = arith.index_cast %add3A_1173 : i32 to index
        %swap3A_1177 = arith.constant 96 : index
        %swap3A_1178 = tpu.vector_load %arg20[%swap3A_1175, %swap3A_1176, %swap3A_1177] {strides = array<i32>} : memref<2x80x128xf32, #tpu.memory_space<vmem>>, vector<16xf32>,
        tpu.vector_store %arg20[%swap3A_1175, %swap3A_1176, %swap3A_1177], %mul3A_1171 {strides = array<i32>} : memref<2x80x128xf32, #tpu.memory_space<vmem>>, vector<16xf32>,
        %add3A_1179 = arith.constant 2 : i32
        %add3A_1180 = arith.addi %add3A_801, %add3A_1179 : i32
        %get3A_1181 = arith.constant 0 : i32
        %get3A_1182 = arith.index_cast %get3A_1181 : i32 to index
        %get3A_1183 = arith.index_cast %add3A_1180 : i32 to index
        %get3A_1184 = arith.constant 112 : index
        %get3A_1185 = tpu.vector_load %arg20[%get3A_1182, %get3A_1183, %get3A_1184] {strides = array<i32>} : memref<2x80x128xf32, #tpu.memory_space<vmem>>, vector<16xf32>,
        %mul3A_1186 = arith.mulf %get3A_1185, %gather3A_825 : vector<16xf32>
        %add3A_1187 = arith.constant 2 : i32
        %add3A_1188 = arith.addi %add3A_801, %add3A_1187 : i32
        %swap3A_1189 = arith.constant 0 : i32
        %swap3A_1190 = arith.index_cast %swap3A_1189 : i32 to index
        %swap3A_1191 = arith.index_cast %add3A_1188 : i32 to index
        %swap3A_1192 = arith.constant 112 : index
        %swap3A_1193 = tpu.vector_load %arg20[%swap3A_1190, %swap3A_1191, %swap3A_1192] {strides = array<i32>} : memref<2x80x128xf32, #tpu.memory_space<vmem>>, vector<16xf32>,
        tpu.vector_store %arg20[%swap3A_1190, %swap3A_1191, %swap3A_1192], %mul3A_1186 {strides = array<i32>} : memref<2x80x128xf32, #tpu.memory_space<vmem>>, vector<16xf32>,
        %add3A_1194 = arith.constant 3 : i32
        %add3A_1195 = arith.addi %add3A_801, %add3A_1194 : i32
        %get3A_1196 = arith.constant 0 : i32
        %get3A_1197 = arith.index_cast %get3A_1196 : i32 to index
        %get3A_1198 = arith.index_cast %add3A_1195 : i32 to index
        %get3A_1199 = arith.constant 0 : index
        %get3A_1200 = tpu.vector_load %arg20[%get3A_1197, %get3A_1198, %get3A_1199] {strides = array<i32>} : memref<2x80x128xf32, #tpu.memory_space<vmem>>, vector<16xf32>,
        %mul3A_1201 = arith.mulf %get3A_1200, %gather3A_833 : vector<16xf32>
        %add3A_1202 = arith.constant 3 : i32
        %add3A_1203 = arith.addi %add3A_801, %add3A_1202 : i32
        %swap3A_1204 = arith.constant 0 : i32
        %swap3A_1205 = arith.index_cast %swap3A_1204 : i32 to index
        %swap3A_1206 = arith.index_cast %add3A_1203 : i32 to index
        %swap3A_1207 = arith.constant 0 : index
        %swap3A_1208 = tpu.vector_load %arg20[%swap3A_1205, %swap3A_1206, %swap3A_1207] {strides = array<i32>} : memref<2x80x128xf32, #tpu.memory_space<vmem>>, vector<16xf32>,
        tpu.vector_store %arg20[%swap3A_1205, %swap3A_1206, %swap3A_1207], %mul3A_1201 {strides = array<i32>} : memref<2x80x128xf32, #tpu.memory_space<vmem>>, vector<16xf32>,
        %add3A_1209 = arith.constant 3 : i32
        %add3A_1210 = arith.addi %add3A_801, %add3A_1209 : i32
        %get3A_1211 = arith.constant 0 : i32
        %get3A_1212 = arith.index_cast %get3A_1211 : i32 to index
        %get3A_1213 = arith.index_cast %add3A_1210 : i32 to index
        %get3A_1214 = arith.constant 16 : index
        %get3A_1215 = tpu.vector_load %arg20[%get3A_1212, %get3A_1213, %get3A_1214] {strides = array<i32>} : memref<2x80x128xf32, #tpu.memory_space<vmem>>, vector<16xf32>,
        %mul3A_1216 = arith.mulf %get3A_1215, %gather3A_833 : vector<16xf32>
        %add3A_1217 = arith.constant 3 : i32
        %add3A_1218 = arith.addi %add3A_801, %add3A_1217 : i32
        %swap3A_1219 = arith.constant 0 : i32
        %swap3A_1220 = arith.index_cast %swap3A_1219 : i32 to index
        %swap3A_1221 = arith.index_cast %add3A_1218 : i32 to index
        %swap3A_1222 = arith.constant 16 : index
        %swap3A_1223 = tpu.vector_load %arg20[%swap3A_1220, %swap3A_1221, %swap3A_1222] {strides = array<i32>} : memref<2x80x128xf32, #tpu.memory_space<vmem>>, vector<16xf32>,
        tpu.vector_store %arg20[%swap3A_1220, %swap3A_1221, %swap3A_1222], %mul3A_1216 {strides = array<i32>} : memref<2x80x128xf32, #tpu.memory_space<vmem>>, vector<16xf32>,
        %add3A_1224 = arith.constant 3 : i32
        %add3A_1225 = arith.addi %add3A_801, %add3A_1224 : i32
        %get3A_1226 = arith.constant 0 : i32
        %get3A_1227 = arith.index_cast %get3A_1226 : i32 to index
        %get3A_1228 = arith.index_cast %add3A_1225 : i32 to index
        %get3A_1229 = arith.constant 32 : index
        %get3A_1230 = tpu.vector_load %arg20[%get3A_1227, %get3A_1228, %get3A_1229] {strides = array<i32>} : memref<2x80x128xf32, #tpu.memory_space<vmem>>, vector<16xf32>,
        %mul3A_1231 = arith.mulf %get3A_1230, %gather3A_833 : vector<16xf32>
        %add3A_1232 = arith.constant 3 : i32
        %add3A_1233 = arith.addi %add3A_801, %add3A_1232 : i32
        %swap3A_1234 = arith.constant 0 : i32
        %swap3A_1235 = arith.index_cast %swap3A_1234 : i32 to index
        %swap3A_1236 = arith.index_cast %add3A_1233 : i32 to index
        %swap3A_1237 = arith.constant 32 : index
        %swap3A_1238 = tpu.vector_load %arg20[%swap3A_1235, %swap3A_1236, %swap3A_1237] {strides = array<i32>} : memref<2x80x128xf32, #tpu.memory_space<vmem>>, vector<16xf32>,
        tpu.vector_store %arg20[%swap3A_1235, %swap3A_1236, %swap3A_1237], %mul3A_1231 {strides = array<i32>} : memref<2x80x128xf32, #tpu.memory_space<vmem>>, vector<16xf32>,
        %add3A_1239 = arith.constant 3 : i32
        %add3A_1240 = arith.addi %add3A_801, %add3A_1239 : i32
        %get3A_1241 = arith.constant 0 : i32
        %get3A_1242 = arith.index_cast %get3A_1241 : i32 to index
        %get3A_1243 = arith.index_cast %add3A_1240 : i32 to index
        %get3A_1244 = arith.constant 48 : index
        %get3A_1245 = tpu.vector_load %arg20[%get3A_1242, %get3A_1243, %get3A_1244] {strides = array<i32>} : memref<2x80x128xf32, #tpu.memory_space<vmem>>, vector<16xf32>,
        %mul3A_1246 = arith.mulf %get3A_1245, %gather3A_833 : vector<16xf32>
        %add3A_1247 = arith.constant 3 : i32
        %add3A_1248 = arith.addi %add3A_801, %add3A_1247 : i32
        %swap3A_1249 = arith.constant 0 : i32
        %swap3A_1250 = arith.index_cast %swap3A_1249 : i32 to index
        %swap3A_1251 = arith.index_cast %add3A_1248 : i32 to index
        %swap3A_1252 = arith.constant 48 : index
        %swap3A_1253 = tpu.vector_load %arg20[%swap3A_1250, %swap3A_1251, %swap3A_1252] {strides = array<i32>} : memref<2x80x128xf32, #tpu.memory_space<vmem>>, vector<16xf32>,
        tpu.vector_store %arg20[%swap3A_1250, %swap3A_1251, %swap3A_1252], %mul3A_1246 {strides = array<i32>} : memref<2x80x128xf32, #tpu.memory_space<vmem>>, vector<16xf32>,
        %add3A_1254 = arith.constant 3 : i32
        %add3A_1255 = arith.addi %add3A_801, %add3A_1254 : i32
        %get3A_1256 = arith.constant 0 : i32
        %get3A_1257 = arith.index_cast %get3A_1256 : i32 to index
        %get3A_1258 = arith.index_cast %add3A_1255 : i32 to index
        %get3A_1259 = arith.constant 64 : index
        %get3A_1260 = tpu.vector_load %arg20[%get3A_1257, %get3A_1258, %get3A_1259] {strides = array<i32>} : memref<2x80x128xf32, #tpu.memory_space<vmem>>, vector<16xf32>,
        %mul3A_1261 = arith.mulf %get3A_1260, %gather3A_833 : vector<16xf32>
        %add3A_1262 = arith.constant 3 : i32
        %add3A_1263 = arith.addi %add3A_801, %add3A_1262 : i32
        %swap3A_1264 = arith.constant 0 : i32
        %swap3A_1265 = arith.index_cast %swap3A_1264 : i32 to index
        %swap3A_1266 = arith.index_cast %add3A_1263 : i32 to index
        %swap3A_1267 = arith.constant 64 : index
        %swap3A_1268 = tpu.vector_load %arg20[%swap3A_1265, %swap3A_1266, %swap3A_1267] {strides = array<i32>} : memref<2x80x128xf32, #tpu.memory_space<vmem>>, vector<16xf32>,
        tpu.vector_store %arg20[%swap3A_1265, %swap3A_1266, %swap3A_1267], %mul3A_1261 {strides = array<i32>} : memref<2x80x128xf32, #tpu.memory_space<vmem>>, vector<16xf32>,
        %add3A_1269 = arith.constant 3 : i32
        %add3A_1270 = arith.addi %add3A_801, %add3A_1269 : i32
        %get3A_1271 = arith.constant 0 : i32
        %get3A_1272 = arith.index_cast %get3A_1271 : i32 to index
        %get3A_1273 = arith.index_cast %add3A_1270 : i32 to index
        %get3A_1274 = arith.constant 80 : index
        %get3A_1275 = tpu.vector_load %arg20[%get3A_1272, %get3A_1273, %get3A_1274] {strides = array<i32>} : memref<2x80x128xf32, #tpu.memory_space<vmem>>, vector<16xf32>,
        %mul3A_1276 = arith.mulf %get3A_1275, %gather3A_833 : vector<16xf32>
        %add3A_1277 = arith.constant 3 : i32
        %add3A_1278 = arith.addi %add3A_801, %add3A_1277 : i32
        %swap3A_1279 = arith.constant 0 : i32
        %swap3A_1280 = arith.index_cast %swap3A_1279 : i32 to index
        %swap3A_1281 = arith.index_cast %add3A_1278 : i32 to index
        %swap3A_1282 = arith.constant 80 : index
        %swap3A_1283 = tpu.vector_load %arg20[%swap3A_1280, %swap3A_1281, %swap3A_1282] {strides = array<i32>} : memref<2x80x128xf32, #tpu.memory_space<vmem>>, vector<16xf32>,
        tpu.vector_store %arg20[%swap3A_1280, %swap3A_1281, %swap3A_1282], %mul3A_1276 {strides = array<i32>} : memref<2x80x128xf32, #tpu.memory_space<vmem>>, vector<16xf32>,
        %add3A_1284 = arith.constant 3 : i32
        %add3A_1285 = arith.addi %add3A_801, %add3A_1284 : i32
        %get3A_1286 = arith.constant 0 : i32
        %get3A_1287 = arith.index_cast %get3A_1286 : i32 to index
        %get3A_1288 = arith.index_cast %add3A_1285 : i32 to index
        %get3A_1289 = arith.constant 96 : index
        %get3A_1290 = tpu.vector_load %arg20[%get3A_1287, %get3A_1288, %get3A_1289] {strides = array<i32>} : memref<2x80x128xf32, #tpu.memory_space<vmem>>, vector<16xf32>,
        %mul3A_1291 = arith.mulf %get3A_1290, %gather3A_833 : vector<16xf32>
        %add3A_1292 = arith.constant 3 : i32
        %add3A_1293 = arith.addi %add3A_801, %add3A_1292 : i32
        %swap3A_1294 = arith.constant 0 : i32
        %swap3A_1295 = arith.index_cast %swap3A_1294 : i32 to index
        %swap3A_1296 = arith.index_cast %add3A_1293 : i32 to index
        %swap3A_1297 = arith.constant 96 : index
        %swap3A_1298 = tpu.vector_load %arg20[%swap3A_1295, %swap3A_1296, %swap3A_1297] {strides = array<i32>} : memref<2x80x128xf32, #tpu.memory_space<vmem>>, vector<16xf32>,
        tpu.vector_store %arg20[%swap3A_1295, %swap3A_1296, %swap3A_1297], %mul3A_1291 {strides = array<i32>} : memref<2x80x128xf32, #tpu.memory_space<vmem>>, vector<16xf32>,
        %add3A_1299 = arith.constant 3 : i32
        %add3A_1300 = arith.addi %add3A_801, %add3A_1299 : i32
        %get3A_1301 = arith.constant 0 : i32
        %get3A_1302 = arith.index_cast %get3A_1301 : i32 to index
        %get3A_1303 = arith.index_cast %add3A_1300 : i32 to index
        %get3A_1304 = arith.constant 112 : index
        %get3A_1305 = tpu.vector_load %arg20[%get3A_1302, %get3A_1303, %get3A_1304] {strides = array<i32>} : memref<2x80x128xf32, #tpu.memory_space<vmem>>, vector<16xf32>,
        %mul3A_1306 = arith.mulf %get3A_1305, %gather3A_833 : vector<16xf32>
        %add3A_1307 = arith.constant 3 : i32
        %add3A_1308 = arith.addi %add3A_801, %add3A_1307 : i32
        %swap3A_1309 = arith.constant 0 : i32
        %swap3A_1310 = arith.index_cast %swap3A_1309 : i32 to index
        %swap3A_1311 = arith.index_cast %add3A_1308 : i32 to index
        %swap3A_1312 = arith.constant 112 : index
        %swap3A_1313 = tpu.vector_load %arg20[%swap3A_1310, %swap3A_1311, %swap3A_1312] {strides = array<i32>} : memref<2x80x128xf32, #tpu.memory_space<vmem>>, vector<16xf32>,
        tpu.vector_store %arg20[%swap3A_1310, %swap3A_1311, %swap3A_1312], %mul3A_1306 {strides = array<i32>} : memref<2x80x128xf32, #tpu.memory_space<vmem>>, vector<16xf32>,
      }
      %scan3A_752 = arith.constant 20 : i32
      %dma_start3A_753 = arith.constant 0 : i32
      %dma_start3A_754 = arith.constant 0 : i32
      %dma_start3A_755 = arith.constant 0 : i32
      %dma_start3A_756 = arith.constant 0 : i32
      %dma_start3A_757 = tpu.memref_slice %arg20[%dma_start3A_753, %dma_start3A_755, %dma_start3A_756] : memref<2x80x128xf32, #tpu.memory_space<vmem>> -> memref<1x80x128xf32, #tpu.memory_space<vmem>>
      %dma_start3A_758 = tpu.memref_squeeze %dma_start3A_757 : memref<1x80x128xf32, #tpu.memory_space<vmem>> -> memref<80x128xf32, #tpu.memory_space<vmem>>
      %dma_start3A_759 = arith.constant 0 : i32
      %dma_start3A_760 = tpu.memref_slice %arg19[%dma_start3A_754, %dma_start3A_759] : memref<2x80xi32, #tpu.memory_space<vmem>> -> memref<1x80xi32, #tpu.memory_space<vmem>>
      %dma_start3A_761 = tpu.memref_squeeze %dma_start3A_760 : memref<1x80xi32, #tpu.memory_space<vmem>> -> memref<80xi32, #tpu.memory_space<vmem>>
      %dma_start3A_762 = arith.constant 0 : i32
      %dma_start3A_763 = arith.constant 0 : i32
      %dma_start3A_764 = tpu.memref_slice %arg10[%dma_start3A_762, %dma_start3A_763] : memref<10240x128xf32, #tpu.memory_space<vmem_shared>> -> memref<10240x128xf32, #tpu.memory_space<vmem_shared>>
      tpu.enqueue_indirect_dma source(%dma_start3A_758 : memref<80x128xf32, #tpu.memory_space<vmem>>) target(%dma_start3A_764 : memref<10240x128xf32, #tpu.memory_space<vmem_shared>>) offsets(%dma_start3A_761 : memref<80xi32, #tpu.memory_space<vmem>>) semaphore(%arg23 : memref<!tpu.dma_semaphore, #tpu.memory_space<semaphore_mem>>) {add = true}
      %dma_start3A_765 = arith.constant 0 : i32
      %dma_start3A_766 = arith.constant 0 : i32
      %dma_start3A_767 = arith.constant 0 : i32
      %dma_start3A_768 = tpu.memref_slice %arg17[%dma_start3A_765, %dma_start3A_767] : memref<2x80xf32, #tpu.memory_space<vmem>> -> memref<1x80xf32, #tpu.memory_space<vmem>>
      %dma_start3A_769 = tpu.memref_squeeze %dma_start3A_768 : memref<1x80xf32, #tpu.memory_space<vmem>> -> memref<80xf32, #tpu.memory_space<vmem>>
      %dma_start3A_770 = arith.constant 0 : i32
      %dma_start3A_771 = tpu.memref_slice %arg19[%dma_start3A_766, %dma_start3A_770] : memref<2x80xi32, #tpu.memory_space<vmem>> -> memref<1x80xi32, #tpu.memory_space<vmem>>
      %dma_start3A_772 = tpu.memref_squeeze %dma_start3A_771 : memref<1x80xi32, #tpu.memory_space<vmem>> -> memref<80xi32, #tpu.memory_space<vmem>>
      %dma_start3A_773 = arith.constant 0 : i32
      %dma_start3A_774 = tpu.memref_slice %arg11[%dma_start3A_773] : memref<10240xf32, #tpu.memory_space<vmem_shared>> -> memref<10240xf32, #tpu.memory_space<vmem_shared>>
      tpu.enqueue_indirect_dma source(%dma_start3A_769 : memref<80xf32, #tpu.memory_space<vmem>>) target(%dma_start3A_774 : memref<10240xf32, #tpu.memory_space<vmem_shared>>) offsets(%dma_start3A_772 : memref<80xi32, #tpu.memory_space<vmem>>) semaphore(%arg25 : memref<!tpu.dma_semaphore, #tpu.memory_space<semaphore_mem>>) {add = true}
      %dma_wait3A_775 = arith.constant 0 : i32
      %dma_wait3A_776 = arith.constant 0 : i32
      %dma_wait3A_777 = arith.constant 0 : i32
      %dma_wait3A_778 = arith.constant 0 : i32
      %dma_wait3A_779 = tpu.memref_slice %arg20[%dma_wait3A_775, %dma_wait3A_777, %dma_wait3A_778] : memref<2x80x128xf32, #tpu.memory_space<vmem>> -> memref<1x80x128xf32, #tpu.memory_space<vmem>>
      %dma_wait3A_780 = tpu.memref_squeeze %dma_wait3A_779 : memref<1x80x128xf32, #tpu.memory_space<vmem>> -> memref<80x128xf32, #tpu.memory_space<vmem>>
      %dma_wait3A_781 = arith.constant 0 : i32
      %dma_wait3A_782 = tpu.memref_slice %arg19[%dma_wait3A_776, %dma_wait3A_781] : memref<2x80xi32, #tpu.memory_space<vmem>> -> memref<1x80xi32, #tpu.memory_space<vmem>>
      %dma_wait3A_783 = tpu.memref_squeeze %dma_wait3A_782 : memref<1x80xi32, #tpu.memory_space<vmem>> -> memref<80xi32, #tpu.memory_space<vmem>>
      %dma_wait3A_784 = arith.constant 0 : i32
      %dma_wait3A_785 = arith.constant 0 : i32
      %dma_wait3A_786 = tpu.memref_slice %arg10[%dma_wait3A_784, %dma_wait3A_785] : memref<10240x128xf32, #tpu.memory_space<vmem_shared>> -> memref<10240x128xf32, #tpu.memory_space<vmem_shared>>
      tpu.wait_indirect_dma semaphore(%arg23 : memref<!tpu.dma_semaphore, #tpu.memory_space<semaphore_mem>>) src(%dma_wait3A_780 : memref<80x128xf32, #tpu.memory_space<vmem>>) dst(%dma_wait3A_786 : memref<10240x128xf32, #tpu.memory_space<vmem_shared>>)
      %dma_wait3A_787 = arith.constant 0 : i32
      %dma_wait3A_788 = arith.constant 0 : i32
      %dma_wait3A_789 = arith.constant 0 : i32
      %dma_wait3A_790 = tpu.memref_slice %arg17[%dma_wait3A_787, %dma_wait3A_789] : memref<2x80xf32, #tpu.memory_space<vmem>> -> memref<1x80xf32, #tpu.memory_space<vmem>>
      %dma_wait3A_791 = tpu.memref_squeeze %dma_wait3A_790 : memref<1x80xf32, #tpu.memory_space<vmem>> -> memref<80xf32, #tpu.memory_space<vmem>>
      %dma_wait3A_792 = arith.constant 0 : i32
      %dma_wait3A_793 = tpu.memref_slice %arg19[%dma_wait3A_788, %dma_wait3A_792] : memref<2x80xi32, #tpu.memory_space<vmem>> -> memref<1x80xi32, #tpu.memory_space<vmem>>
      %dma_wait3A_794 = tpu.memref_squeeze %dma_wait3A_793 : memref<1x80xi32, #tpu.memory_space<vmem>> -> memref<80xi32, #tpu.memory_space<vmem>>
      %dma_wait3A_795 = arith.constant 0 : i32
      %dma_wait3A_796 = tpu.memref_slice %arg11[%dma_wait3A_795] : memref<10240xf32, #tpu.memory_space<vmem_shared>> -> memref<10240xf32, #tpu.memory_space<vmem_shared>>
      tpu.wait_indirect_dma semaphore(%arg25 : memref<!tpu.dma_semaphore, #tpu.memory_space<semaphore_mem>>) src(%dma_wait3A_791 : memref<80xf32, #tpu.memory_space<vmem>>) dst(%dma_wait3A_796 : memref<10240xf32, #tpu.memory_space<vmem_shared>>)
    }
    %scan3A_57 = arith.constant 5 : i32
    %barrier3A_58 = arith.constant 0 : index
    tpu.barrier barrier_id(%barrier3A_58)
    "tpu.region"() ({
      %run_scoped3A_59 = tpu.sem_alloc : memref<!tpu.dma_semaphore, #tpu.memory_space<semaphore_mem>>
      %dma_start3A = arith.constant 0 : i32
      %dma_start3A_60 = tpu.memref_slice %arg8[%arg0, %mul3A_4, %dma_start3A] : memref<2x10240x128xf32, #tpu.memory_space<hbm>> -> memref<1x640x128xf32, #tpu.memory_space<hbm>>
      %dma_start3A_61 = tpu.memref_squeeze %dma_start3A_60 : memref<1x640x128xf32, #tpu.memory_space<hbm>> -> memref<640x128xf32, #tpu.memory_space<hbm>>
      %dma_start3A_62 = arith.constant 0 : i32
      %dma_start3A_63 = tpu.memref_slice %arg10[%mul3A_4, %dma_start3A_62] : memref<10240x128xf32, #tpu.memory_space<vmem_shared>> -> memref<640x128xf32, #tpu.memory_space<vmem_shared>>
      tpu.enqueue_dma source(%dma_start3A_63 : memref<640x128xf32, #tpu.memory_space<vmem_shared>>) target(%dma_start3A_61 : memref<640x128xf32, #tpu.memory_space<hbm>>) target_semaphore(%run_scoped3A_59 : memref<!tpu.dma_semaphore, #tpu.memory_space<semaphore_mem>>)
      %dma_wait3A = arith.constant 0 : i32
      %dma_wait3A_64 = tpu.memref_slice %arg8[%arg0, %mul3A_4, %dma_wait3A] : memref<2x10240x128xf32, #tpu.memory_space<hbm>> -> memref<1x640x128xf32, #tpu.memory_space<hbm>>
      %dma_wait3A_65 = tpu.memref_squeeze %dma_wait3A_64 : memref<1x640x128xf32, #tpu.memory_space<hbm>> -> memref<640x128xf32, #tpu.memory_space<hbm>>
      %dma_wait3A_66 = arith.constant 0 : i32
      %dma_wait3A_67 = tpu.memref_slice %arg10[%mul3A_4, %dma_wait3A_66] : memref<10240x128xf32, #tpu.memory_space<vmem_shared>> -> memref<640x128xf32, #tpu.memory_space<vmem_shared>>
      tpu.wait_dma2 semaphore(%run_scoped3A_59 : memref<!tpu.dma_semaphore, #tpu.memory_space<semaphore_mem>>) src(%dma_wait3A_67 : memref<640x128xf32, #tpu.memory_space<vmem_shared>>) dst(%dma_wait3A_65 : memref<640x128xf32, #tpu.memory_space<hbm>>)
      tpu.yield
    }) : () -> ()
    "tpu.region"() ({
      %run_scoped3A_59 = tpu.sem_alloc : memref<!tpu.dma_semaphore, #tpu.memory_space<semaphore_mem>>
      %dma_start3A = tpu.memref_slice %arg9[%arg0, %mul3A_4] : memref<2x10240xf32, #tpu.memory_space<hbm>> -> memref<1x640xf32, #tpu.memory_space<hbm>>
      %dma_start3A_60 = tpu.memref_squeeze %dma_start3A : memref<1x640xf32, #tpu.memory_space<hbm>> -> memref<640xf32, #tpu.memory_space<hbm>>
      %dma_start3A_61 = tpu.memref_slice %arg11[%mul3A_4] : memref<10240xf32, #tpu.memory_space<vmem_shared>> -> memref<640xf32, #tpu.memory_space<vmem_shared>>
      tpu.enqueue_dma source(%dma_start3A_61 : memref<640xf32, #tpu.memory_space<vmem_shared>>) target(%dma_start3A_60 : memref<640xf32, #tpu.memory_space<hbm>>) target_semaphore(%run_scoped3A_59 : memref<!tpu.dma_semaphore, #tpu.memory_space<semaphore_mem>>)
      %dma_wait3A = tpu.memref_slice %arg9[%arg0, %mul3A_4] : memref<2x10240xf32, #tpu.memory_space<hbm>> -> memref<1x640xf32, #tpu.memory_space<hbm>>
      %dma_wait3A_62 = tpu.memref_squeeze %dma_wait3A : memref<1x640xf32, #tpu.memory_space<hbm>> -> memref<640xf32, #tpu.memory_space<hbm>>
      %dma_wait3A_63 = tpu.memref_slice %arg11[%mul3A_4] : memref<10240xf32, #tpu.memory_space<vmem_shared>> -> memref<640xf32, #tpu.memory_space<vmem_shared>>
      tpu.wait_dma2 semaphore(%run_scoped3A_59 : memref<!tpu.dma_semaphore, #tpu.memory_space<semaphore_mem>>) src(%dma_wait3A_63 : memref<640xf32, #tpu.memory_space<vmem_shared>>) dst(%dma_wait3A_62 : memref<640xf32, #tpu.memory_space<hbm>>)
      tpu.yield
    }) : () -> ()
    return
  }
}

module attributes {stable_mosaic.version = 14 : i64} {
  func.func @_proj_body(%arg0: i32, %arg1: memref<1000x128xf32, #tpu.memory_space<vmem>>, %arg2: memref<128x128xf32, #tpu.memory_space<vmem>>, %arg3: memref<128x2xf32, #tpu.memory_space<vmem>>, %arg4: memref<1000x128xf32, #tpu.memory_space<vmem>>, %arg5: memref<1000x1xf32, #tpu.memory_space<vmem>>, %arg6: memref<1000x1xf32, #tpu.memory_space<vmem>>) attributes {dimension_semantics = [#tpu.dimension_semantics<arbitrary>], iteration_bounds = array<i64: 10>, scalar_prefetch = 0 : i64, scratch_operands = 0 : i64, tpu.core_type = #tpu.core_type<tc>, window_params = [{transform_indices = @transform_0, window_bounds = array<i64: 1000, 128>}, {pipeline_mode = #tpu.pipeline_mode<synchronous>, transform_indices = @transform_1, window_bounds = array<i64: 128, 128>}, {pipeline_mode = #tpu.pipeline_mode<synchronous>, transform_indices = @transform_2, window_bounds = array<i64: 128, 2>}, {transform_indices = @transform_3, window_bounds = array<i64: 1000, 128>}, {transform_indices = @transform_4, window_bounds = array<i64: 1000, 1>}, {transform_indices = @transform_5, window_bounds = array<i64: 1000, 1>}]} {
    %get3A = arith.constant 0 : index
    %get3A_0 = arith.constant 0 : index
    %get3A_1 = vector.load %arg1[%get3A, %get3A_0] : memref<1000x128xf32, #tpu.memory_space<vmem>>, vector<1000x128xf32>
    %get3A_2 = arith.constant 0 : index
    %get3A_3 = arith.constant 0 : index
    %get3A_4 = vector.load %arg2[%get3A_2, %get3A_3] : memref<128x128xf32, #tpu.memory_space<vmem>>, vector<128x128xf32>
    %dot_general3A = arith.constant dense<0.000000e+00> : vector<1000x128xf32>
    %dot_general3A_5 = tpu.matmul %get3A_1, %get3A_4, %dot_general3A {dimension_numbers = #tpu.dot_dimension_numbers<[1], [0], [0], [1], [0, 0, 1, 1], [], []>, transpose_lhs_hint = false} : vector<1000x128xf32>, vector<128x128xf32>, vector<1000x128xf32> -> vector<1000x128xf32>
    %swap3A = arith.constant 0 : index
    %swap3A_6 = arith.constant 0 : index
    %swap3A_7 = vector.load %arg4[%swap3A, %swap3A_6] : memref<1000x128xf32, #tpu.memory_space<vmem>>, vector<1000x128xf32>
    tpu.vector_store %arg4[%swap3A, %swap3A_6], %dot_general3A_5 {strides = array<i32>} : memref<1000x128xf32, #tpu.memory_space<vmem>>, vector<1000x128xf32>,
    %get3A_8 = arith.constant 0 : index
    %get3A_9 = arith.constant 0 : index
    %get3A_10 = vector.load %arg3[%get3A_8, %get3A_9] : memref<128x2xf32, #tpu.memory_space<vmem>>, vector<128x2xf32>
    %dot_general3A_11 = arith.constant dense<0.000000e+00> : vector<1000x2xf32>
    %dot_general3A_12 = tpu.matmul %dot_general3A_5, %get3A_10, %dot_general3A_11 {dimension_numbers = #tpu.dot_dimension_numbers<[1], [0], [0], [1], [0, 0, 1, 1], [], []>, transpose_lhs_hint = false} : vector<1000x128xf32>, vector<128x2xf32>, vector<1000x2xf32> -> vector<1000x2xf32>
    %slice3A = vector.extract_strided_slice %dot_general3A_12 {offsets = [0, 0], sizes = [1000, 1], strides = [1, 1]} : vector<1000x2xf32> to vector<1000x1xf32>
    %swap3A_13 = arith.constant 0 : index
    %swap3A_14 = arith.constant 0 : index
    %swap3A_15 = vector.load %arg5[%swap3A_13, %swap3A_14] : memref<1000x1xf32, #tpu.memory_space<vmem>>, vector<1000x1xf32>
    tpu.vector_store %arg5[%swap3A_13, %swap3A_14], %slice3A {strides = array<i32>} : memref<1000x1xf32, #tpu.memory_space<vmem>>, vector<1000x1xf32>,
    %slice3A_16 = vector.extract_strided_slice %dot_general3A_12 {offsets = [0, 1], sizes = [1000, 1], strides = [1, 1]} : vector<1000x2xf32> to vector<1000x1xf32>
    %swap3A_17 = arith.constant 0 : index
    %swap3A_18 = arith.constant 0 : index
    %swap3A_19 = vector.load %arg6[%swap3A_17, %swap3A_18] : memref<1000x1xf32, #tpu.memory_space<vmem>>, vector<1000x1xf32>
    tpu.vector_store %arg6[%swap3A_17, %swap3A_18], %slice3A_16 {strides = array<i32>} : memref<1000x1xf32, #tpu.memory_space<vmem>>, vector<1000x1xf32>,
    return
  }
  func.func @transform_0(%arg0: i32) -> (i32, i32) {
    %c0_i32 = arith.constant 0 : i32
    %c0_i32_0 = arith.constant 0 : i32
    return %arg0, %c0_i32 : i32, i32
  }
  func.func @transform_1(%arg0: i32) -> (i32, i32) {
    %c0_i32 = arith.constant 0 : i32
    %c0_i32_0 = arith.constant 0 : i32
    %c0_i32_1 = arith.constant 0 : i32
    return %c0_i32, %c0_i32_0 : i32, i32
  }
  func.func @transform_2(%arg0: i32) -> (i32, i32) {
    %c0_i32 = arith.constant 0 : i32
    %c0_i32_0 = arith.constant 0 : i32
    %c0_i32_1 = arith.constant 0 : i32
    return %c0_i32, %c0_i32_0 : i32, i32
  }
  func.func @transform_3(%arg0: i32) -> (i32, i32) {
    %c0_i32 = arith.constant 0 : i32
    %c0_i32_0 = arith.constant 0 : i32
    return %arg0, %c0_i32 : i32, i32
  }
  func.func @transform_4(%arg0: i32) -> (i32, i32) {
    %c0_i32 = arith.constant 0 : i32
    %c0_i32_0 = arith.constant 0 : i32
    return %arg0, %c0_i32 : i32, i32
  }
  func.func @transform_5(%arg0: i32) -> (i32, i32) {
    %c0_i32 = arith.constant 0 : i32
    %c0_i32_0 = arith.constant 0 : i32
    return %arg0, %c0_i32 : i32, i32
  }
}

module attributes {stable_mosaic.version = 14 : i64} {
  func.func @_finish_body(%arg0: i32, %arg1: memref<2x1000x128xf32, #tpu.memory_space<vmem>>, %arg2: memref<2x1000x1xf32, #tpu.memory_space<vmem>>, %arg3: memref<1000x128xf32, #tpu.memory_space<vmem>>) attributes {dimension_semantics = [#tpu.dimension_semantics<arbitrary>], iteration_bounds = array<i64: 10>, scalar_prefetch = 0 : i64, scratch_operands = 0 : i64, tpu.core_type = #tpu.core_type<tc>, window_params = [{transform_indices = @transform_0, window_bounds = array<i64: 2, 1000, 128>}, {transform_indices = @transform_1, window_bounds = array<i64: 2, 1000, 1>}, {transform_indices = @transform_2, window_bounds = array<i64: 1000, 128>}]} {
    %get3A = arith.constant 0 : index
    %get3A_0 = arith.constant 0 : index
    %get3A_1 = arith.constant 0 : index
    %get3A_2 = vector.load %arg1[%get3A, %get3A_0, %get3A_1] : memref<2x1000x128xf32, #tpu.memory_space<vmem>>, vector<1x1000x128xf32>
    %get3A_3 = vector.shape_cast %get3A_2 : vector<1x1000x128xf32> to vector<1000x128xf32>
    %get3A_4 = arith.constant 1 : index
    %get3A_5 = arith.constant 0 : index
    %get3A_6 = arith.constant 0 : index
    %get3A_7 = vector.load %arg1[%get3A_4, %get3A_5, %get3A_6] : memref<2x1000x128xf32, #tpu.memory_space<vmem>>, vector<1x1000x128xf32>
    %get3A_8 = vector.shape_cast %get3A_7 : vector<1x1000x128xf32> to vector<1000x128xf32>
    %add3A = arith.addf %get3A_3, %get3A_8 : vector<1000x128xf32>
    %get3A_9 = arith.constant 0 : index
    %get3A_10 = arith.constant 0 : index
    %get3A_11 = arith.constant 0 : index
    %get3A_12 = vector.load %arg2[%get3A_9, %get3A_10, %get3A_11] : memref<2x1000x1xf32, #tpu.memory_space<vmem>>, vector<1x1000x1xf32>
    %get3A_13 = vector.shape_cast %get3A_12 : vector<1x1000x1xf32> to vector<1000x1xf32>
    %get3A_14 = arith.constant 1 : index
    %get3A_15 = arith.constant 0 : index
    %get3A_16 = arith.constant 0 : index
    %get3A_17 = vector.load %arg2[%get3A_14, %get3A_15, %get3A_16] : memref<2x1000x1xf32, #tpu.memory_space<vmem>>, vector<1x1000x1xf32>
    %get3A_18 = vector.shape_cast %get3A_17 : vector<1x1000x1xf32> to vector<1000x1xf32>
    %add3A_19 = arith.addf %get3A_13, %get3A_18 : vector<1000x1xf32>
    %ne3A = arith.constant 0.000000e+00 : f32
    %ne3A_20 = vector.broadcast %ne3A : f32 to vector<1000x1xf32>
    %ne3A_21 = arith.cmpf one, %add3A_19, %ne3A_20 : vector<1000x1xf32>
    %div3A = vector.broadcast %add3A_19 : vector<1000x1xf32> to vector<1000x128xf32>
    %div3A_22 = arith.divf %add3A, %div3A : vector<1000x128xf32>
    %jit3A = arith.constant 0.000000e+00 : f32
    %broadcast_in_dim3A = vector.shape_cast %ne3A_21 : vector<1000x1xi1> to vector<1000x1xi1>
    %broadcast_in_dim3A_23 = vector.broadcast %broadcast_in_dim3A : vector<1000x1xi1> to vector<1000x128xi1>
    %broadcast_in_dim3A_24 = vector.broadcast %jit3A : f32 to vector<1000x128xf32>
    %select_n3A = arith.select %broadcast_in_dim3A_23, %div3A_22, %broadcast_in_dim3A_24 : vector<1000x128xi1>, vector<1000x128xf32>
    %swap3A = arith.constant 0 : index
    %swap3A_25 = arith.constant 0 : index
    %swap3A_26 = vector.load %arg3[%swap3A, %swap3A_25] : memref<1000x128xf32, #tpu.memory_space<vmem>>, vector<1000x128xf32>
    tpu.vector_store %arg3[%swap3A, %swap3A_25], %select_n3A {strides = array<i32>} : memref<1000x128xf32, #tpu.memory_space<vmem>>, vector<1000x128xf32>,
    return
  }
  func.func @transform_0(%arg0: i32) -> (i32, i32, i32) {
    %c0_i32 = arith.constant 0 : i32
    %c0_i32_0 = arith.constant 0 : i32
    %c0_i32_1 = arith.constant 0 : i32
    return %c0_i32, %arg0, %c0_i32_0 : i32, i32, i32
  }
  func.func @transform_1(%arg0: i32) -> (i32, i32, i32) {
    %c0_i32 = arith.constant 0 : i32
    %c0_i32_0 = arith.constant 0 : i32
    %c0_i32_1 = arith.constant 0 : i32
    return %c0_i32, %arg0, %c0_i32_0 : i32, i32, i32
  }
  func.func @transform_2(%arg0: i32) -> (i32, i32) {
    %c0_i32 = arith.constant 0 : i32
    %c0_i32_0 = arith.constant 0 : i32
    return %arg0, %c0_i32 : i32, i32
  }
}

</mosaic_0001>

<sc_bundles>
// kernel: kernel.5.cloned.1.call-start
scs
__scs_entry_jumppad:
0x0: {  	(pc) =	sbr.rel $0x88, $3  }
0x1: {  	(tag) =	ssettag $0x0;
	lr =	simm.s32 $0x1  }
0x2: {  	[smem:$0x3F9C] =	sst lr;
	_ =	strace $0xD0000000  }
0x3: {  	_ = 	snop  }
0x4: {  	_ = 	snop  }
0x5: {  	_ = 	snop  }
0x6: {  	_ = 	snop  }
0x7: {  	_ = 	snop  }
__scs_overlays_trampoline_lowered:
0x8: {  	[smem:$0x3FAB] =	sst s0  }
0x9: {  	[smem:$0x3FAC] =	sst s1  }
0xa: {  	[smem:$0x3FAD] =	sst s2  }
0xb: {  	[smem:$0x3FAE] =	sst s3  }
0xc: {  	[smem:$0x3FAF] =	sst s4  }
0xd: {  	[smem:$0x3FB0] =	sst s5  }
0xe: {  	[smem:$0x3FB1] =	sst s6  }
0xf: {  	[smem:$0x3FB2] =	sst s7  }
0x10: {  	[smem:$0x3FB3] =	sst s8  }
0x11: {  	[smem:$0x3FB4] =	sst s9;
	s0 =	simm.s32 @!p0 $0x0  }
0x12: {  	s1 =	sld [smem:$0x3F9A];
	s0 =	simm.s32 @p0 $0x1  }
0x13: {  	[smem:$0x3FB5] =	sst s0;
	s0 =	simm.s32 @!p1 $0x0  }
0x14: {  	s2 =	sld [smem:$0x3F99];
	s0 =	simm.s32 @p1 $0x1  }
0x15: {  	[smem:$0x3FB6] =	sst s0;
	s0 =	simm.s32 @!p2 $0x0  }
0x16: {  	s3 =	sld [smem:$0x3FDB];
	s0 =	simm.s32 @p2 $0x1  }
0x17: {  	s4 =	simm.s32 $0x1BF5;
	[smem:$0x3FB8] =	sst s0  }
0x18: {  	s0 =	sld [smem:$0x3F9B];
	_ =	swait.ge [sflag:s4], $0x0  }
0x19: {  	s7 =	sld [smem:$0x3F9C]  }
0x1a: {  	s8 =	sadd.s32 $0xFFFFE003, lr  }
0x1b: {  	s9 =	sadd.s32 $0xFFFFFEF7, lr;
	s5 =	simm.s32 $0xFFFFFFFF;
	p2 =	slt.u32 s8, $0xFFFFF086  }
0x1c: {  	p1 =	slt.u32 s9, $0xF7A;
	s5 =	simm.s32 @!p2 $0x0  }
0x1d: {  	s5 =	simm.s32 @p1 $0x1;
	p0 =	seq.s32 s7, s2  }
0x1e: {  	s7 =	smul.u32 @!p0 $0xF7A, s2;
	p2 =	seq.s32 @!p0 s5, $0x0  }
0x1f: {  	s9 =	smul.u32 $0xF7A, s1;
	s8 =	simm.s32 @!p0 $0x1BF5;
	p2 =	por !p2, p0  }
0x20: {  	[sflag:s8] =	ssyncset.s32 @!p0 $0xFFFFF086;
	s6 =	sadd.s32 @!p0 s3, s7;
	s7 =	simm.s32 @!p0 $0x108  }
0x21: {  	s3 =	sadd.s32 s3, s9;
	s6 =	sadd.s32 @!p0 $0x88, s6;
	s7 =	simm.s32 @p2 $0x1082  }
0x22: {  	[simem:s7], [sflag:s8] =	dma.local @!p0 [hbm:s6], $0xF7A  }
0x23: {  	s9 =	sor.u32 $0xD0000000, s2;
	s6 =	simm.s32 $0x108;
	_ =	swait.ge @!p0 [sflag:s8], $0x0  }
0x24: {  	s3 =	sadd.s32 $0x88, s3;
	s6 =	simm.s32 @!p1 $0x1082;
	[sflag:s4] =	ssyncset.s32 $0xFFFFF086  }
0x25: {  	[simem:s6], [sflag:s4] =	dma.local [hbm:s3], $0xF7A  }
0x26: {  	[smem:$0x3F9C] =	sst s1;
	(tag) =	ssettag s2;
	_ =	strace s9  }
0x27: {  	s1 =	sld [smem:$0x3FAC]  }
0x28: {  	s2 =	sld [smem:$0x3FAD]  }
0x29: {  	s4 =	sld [smem:$0x3FAF]  }
0x2a: {  	p0 =	seq.s32 s5, $0x0;
	s5 =	sld [smem:$0x3FB0]  }
0x2b: {  	s6 =	sld [smem:$0x3FB1]  }
0x2c: {  	s7 =	sld [smem:$0x3FB2]  }
0x2d: {  	s3 =	simm.s32 $0x108;
	s8 =	sld [smem:$0x3FB3]  }
0x2e: {  	s3 =	simm.s32 @!p0 $0x1082;
	s9 =	sld [smem:$0x3FB4]  }
0x2f: {  	lr =	sadd.s32 s0, s3;
	s0 =	sld [smem:$0x3FAB]  }
0x30: {  	s3 =	sld [smem:$0x3FAE]  }
0x31: {  	[smem:$0x3FB7] =	sst s10  }
0x32: {  	s10 =	sld [smem:$0x3FB5];
	_ =	sdelay $0x3  }
0x33: {  	p0 =	seq.s32 s10, $0x1;
	s10 =	sld [smem:$0x3FB7];
	_ =	sdelay $0x3  }
0x34: {  	[smem:$0x3FB7] =	sst s10  }
0x35: {  	s10 =	sld [smem:$0x3FB6];
	_ =	sdelay $0x3  }
0x36: {  	p1 =	seq.s32 s10, $0x1;
	s10 =	sld [smem:$0x3FB7];
	_ =	sdelay $0x3  }
0x37: {  	[smem:$0x3FB7] =	sst s10  }
0x38: {  	s10 =	sld [smem:$0x3FB8]  }
0x39: {  	_ = 	snop;
	(pc) =	sbr.ind lr, $3  }
0x3a: {  	_ = 	snop  }
0x3b: {  	_ = 	snop  }
0x3c: {  	p2 =	seq.s32 s10, $0x1;
	s10 =	sld [smem:$0x3FB7]  }
0x3d: {  	_ =	shalt  }
0x3e: {  	_ =	shalt  }
0x3f: {  	_ =	shalt  }
0x40: {  	_ =	shalt  }
0x41: {  	_ =	shalt  }
0x42: {  	_ =	shalt  }
0x43: {  	_ =	shalt  }
0x44: {  	_ =	shalt  }
0x45: {  	_ =	shalt  }
0x46: {  	_ =	shalt  }
0x47: {  	_ =	shalt  }
0x48: {  	_ =	shalt  }
0x49: {  	_ =	shalt  }
0x4a: {  	_ =	shalt  }
0x4b: {  	_ =	shalt  }
0x4c: {  	_ =	shalt  }
0x4d: {  	_ =	shalt  }
0x4e: {  	_ =	shalt  }
0x4f: {  	_ =	shalt  }
0x50: {  	_ =	shalt  }
0x51: {  	_ =	shalt  }
0x52: {  	_ =	shalt  }
0x53: {  	_ =	shalt  }
0x54: {  	_ =	shalt  }
0x55: {  	_ =	shalt  }
0x56: {  	_ =	shalt  }
0x57: {  	_ =	shalt  }
0x58: {  	_ =	shalt  }
0x59: {  	_ =	shalt  }
0x5a: {  	_ =	shalt  }
0x5b: {  	_ =	shalt  }
0x5c: {  	_ =	shalt  }
0x5d: {  	_ =	shalt  }
0x5e: {  	_ =	shalt  }
0x5f: {  	_ =	shalt  }
0x60: {  	_ =	shalt  }
0x61: {  	_ =	shalt  }
0x62: {  	_ =	shalt  }
0x63: {  	_ =	shalt  }
0x64: {  	_ =	shalt  }
0x65: {  	_ =	shalt  }
0x66: {  	_ =	shalt  }
0x67: {  	_ =	shalt  }
0x68: {  	_ =	shalt  }
0x69: {  	_ =	shalt  }
0x6a: {  	_ =	shalt  }
0x6b: {  	_ =	shalt  }
0x6c: {  	_ =	shalt  }
0x6d: {  	_ =	shalt  }
0x6e: {  	_ =	shalt  }
0x6f: {  	_ =	shalt  }
0x70: {  	_ =	shalt  }
0x71: {  	_ =	shalt  }
0x72: {  	_ =	shalt  }
0x73: {  	_ =	shalt  }
0x74: {  	_ =	shalt  }
0x75: {  	_ =	shalt  }
0x76: {  	_ =	shalt  }
0x77: {  	_ =	shalt  }
0x78: {  	_ =	shalt  }
0x79: {  	_ =	shalt  }
0x7a: {  	_ =	shalt  }
0x7b: {  	_ =	shalt  }
0x7c: {  	_ =	shalt  }
0x7d: {  	_ =	shalt  }
0x7e: {  	_ =	shalt  }
0x7f: {  	_ =	shalt  }
0x80: {  	_ =	shalt  }
0x81: {  	_ =	shalt  }
0x82: {  	_ =	shalt  }
0x83: {  	_ =	shalt  }
0x84: {  	_ =	shalt  }
0x85: {  	_ =	shalt  }
0x86: {  	_ =	shalt  }
0x87: {  	_ =	shalt  }
.Lfunc_end0:
.L_simem_size_0:
called_computation_lowered:
.L_overlay_start_0:
0x88: {  	s2 =	sld [smem:$0x3FD9]  }
0x89: {  	s3 =	sld [smem:$0x3FFE];
	_ =	sdelay $0x1  }
0x8a: {  	s1 =	srdreg.scid  }
0x8b: {  	s0 =	sand.u32 $0x1, s1  }
0x8c: {  	s17 =	sshll.u32 s0, $0xA;
	s2 =	sadd.s32 s3, s2  }
0x8d: {  	s2 =	sadd.s32 s2, s17  }
0x8e: {  	[smem:$0x3FC3] =	sst s2  }
0x8f: {  	_ = 	snop  }
0x90: {  	s2 =	sld [smem:$0x3FC7]  }
0x91: {  	s18 =	sld [smem:$0x3FD0];
	(tm) =	ssettm $0x1  }
0x92: {  	s4 =	sld [smem:$0x3FFB];
	_ =	sdelay $0x3  }
0x93: {  	_ =	strace s4  }
0x94: {  	s4 =	sld [smem:$0x3FFC];
	_ =	sdelay $0x3  }
0x95: {  	_ =	strace s4  }
0x96: {  	s4 =	sld [smem:$0x3FFD];
	_ =	sdelay $0x3  }
0x97: {  	_ =	strace s4  }
0x98: {  	_ =	strace $0x8FFFFFFF  }
0x99: {  	s19 =	sld [smem:$0x3FDB];
	_ =	sdelay $0x1  }
0x9a: {  	s5 =	simm.s32 $_scs_section_size  }
0x9b: {  	s6 =	simm.s32 $_size__tile_overlayer_lowered;
	s7 =	simm.s32 $_tile_overlayer_lowered  }
0x9c: {  	s22 =	simm.s32 $0x1BFF;
	s21 =	sshll.u32 s7, $0x1;
	s4 =	sadd.s32 s5, s19  }
0x9d: {  	s8 =	simm.s32 $0x0;
	s20 =	sshll.u32 s6, $0x1;
	s6 =	sadd.s32 s21, s4  }
0x9e: {  	[timem:s8], [sflag:s22] =	dma.local [hbm:s6], s20  }
0x9f: {  	_ =	swait.ge [sflag:s22], s20  }
0xa0: {  	s5 =	ssub.s32 $0x0, s20;
	[sflag:s22] =	ssyncset.done $0x0  }
0xa1: {  	[sflag:s22] =	ssyncadd.s32 s5;
	_ =	sdelay $0x1  }
0xa2: {  	s23 =	simm.s32 $0x1B8B  }
0xa3: {  	_ =	swait.ge [sflag:s23], $0x1  }
0xa4: {  	[sflag:s23] =	ssyncset.done $0x0  }
0xa5: {  	s25 =	simm.s32 $0x1B8E;
	s24 =	sld [smem:$0x3FFE];
	[sflag:s23] =	ssyncadd.s32 $0xFFFFFFFF  }
0xa6: {  	s26 =	simm.s32 $execute0_lowered;
	[smem:$0x3FD2] =	sst s25  }
0xa7: {  	s6 =	sshll.u32 s26, $0x1;
	_ =	strace $0x80000046;
	[dreg:$0x1] =	wrdreg $0xFFFFFFFF  }
0xa8: {  	s28 =	simm.s32 $_size_execute0_lowered;
	s4 =	sadd.s32 s4, s6;
	[dreg:$0x0] =	wrdreg $0x0  }
0xa9: {  	s6 =	sshll.u32 s28, $0x1;
	[dreg:$0x2] =	wrdreg s4  }
0xaa: {  	[dreg:$0x3] =	wrdreg s6  }
0xab: {  	[dreg:$0x4] =	wrdreg $0xC0  }
0xac: {  	_ =	task [dreg:s8], $0x5FFFF  }
0xad: {  	[dreg:$0x1] =	wrdreg $0xFFFFFFFF  }
0xae: {  	[dreg:$0x0] =	wrdreg $0x60  }
0xaf: {  	[dreg:$0x2] =	wrdreg s18  }
0xb0: {  	[dreg:$0x3] =	wrdreg s24  }
0xb1: {  	[dreg:$0x4] =	wrdreg s2  }
0xb2: {  	[dreg:$0x5] =	wrdreg $0x0  }
0xb3: {  	[dreg:$0x6] =	wrdreg $0x140000  }
0xb4: {  	[dreg:$0x7] =	wrdreg $0x9  }
0xb5: {  	_ =	task.clear_ibuf [dreg:s8], $0x8FFFF;
	_ =	strace $0x90000046  }
0xb6: {  	s29 =	simm.s32 $0x9;
	_ =	strace $0x80000048  }
0xb7: {  	_ =	swait.ge [sflag:s29], $0x1  }
0xb8: {  	[sflag:s29] =	ssyncadd.s32 $0xFFFFFFFF  }
0xb9: {  	_ =	strace $0x90000048  }
0xba: {  	_ =	sfence  }
0xbb: {  	s30 =	sld [smem:$0x0];
	_ =	sdelay $0x2  }
0xbc: {  	s31 =	sshll.u32 s1, $0xD;
	s1 =	sshrl.u32 s1, $0x2  }
0xbd: {  	s3 =	sand.u32 $0x4000, s31;
	s1 =	sadd.s32 s1, s30  }
0xbe: {  	s0 =	sor.u32 s3, s0;
	s1 =	sshll.u32 s1, $0x11  }
0xbf: {  	s0 =	sor.u32 s1, s0  }
0xc0: {  	s0 =	sadd.s32 $0x8F2B, s0  }
0xc1: {  	[sflag:s0] =	ssyncadd.remote.s32 $0x1  }
0xc2: {  	_ =	sfence.sel $0xFFFF  }
0xc3: {  	[dreg:$0x0] =	wrdreg $0xFFFFFFFF;
	(pc) =	sbr.abs _section_cstart, $3  }
0xc4: {  	[dreg:$0x1] =	wrdreg $0xFFFFFFFF  }
0xc5: {  	_ =	task.clear_ibuf [dreg:s8], $0x2FFFF;
	_ =	strace $0x9FFFFFFF  }
0xc6: {  	(tm) =	ssettm $0x7FFFFFFF  }
0xc7: {  	_ =	shalt  }
tec
execute0_lowered:
.L_overlay_start_1:
0x0: {  	(tag) =	ssettag $0x1  }
0x1: {  	s1 =	rddreg [dreg:$0x0]  }
0x2: {  	s7 =	rddreg [dreg:$0x1]  }
0x3: {  	s4 =	rddreg [dreg:$0x3]  }
0x4: {  	s5 =	rddreg [dreg:$0x4]  }
0x5: {  	s0 =	srdreg.scid;
	s3 =	simm.s32 $0x0;
	s10 =	stileid.u32  }
0x6: {  	s29 =	simm.s32 $0x14280;
	s30 =	simm.s32 $0x7;
	s31 =	simm.s32 $0x16A00  }
0x7: {  	s0 =	sand.u32 $0x1, s0;
	[smem:$0x7FF] =	sst s3;
	s26 =	smul.u32 $0x14000, s10  }
0x8: {  	s6 =	sadd.s32 $0x13C00, s7;
	s28 =	smul.u32 $0x500, s10;
	s9 =	sadd.s32 $0x14200, s7  }
0x9: {  	s13 =	smul.u32 $0x50000, s10;
	_ =	strace $0x80000047;
	[dreg:$0x6] =	wrdreg s6  }
0xa: {  	s8 =	sadd.s32 $0x9E00, s7;
	s2 =	smul.u32 $0x140000, s0;
	[dreg:$0x7] =	wrdreg s9  }
0xb: {  	s11 =	sshll.u32 s0, $0x7;
	[dreg:$0x8] =	wrdreg s8;
	s12 =	sshll.u32 s0, $0x4  }
0xc: {  	s0 =	ssub.s32 $0x2, s0;
	s3 =	sor.u32 s11, s28;
	s6 =	sor.u32 s10, s12  }
0xd: {  	s9 =	sshrl.u32 s0, $0x1;
	s14 =	sshrl.u32 s13, $0x2;
	s6 =	smul.u32 $0x2710, s6  }
0xe: {  	s2 =	sadd.s32 s26, s2;
	s3 =	sshrl.u32 s3, $0x3;
	s0 =	ssub.s32 s0, s9  }
0xf: {  	s3 =	sadd.s32 s3, s7;
	s0 =	smax.u32 s0, $0x1;
	[dreg:$0x9] =	wrdreg s6  }
0x10: {  	s2 =	sshrl.u32 s2, $0x3;
	s25 =	sadd.s32 $0x14800, s3;
	[dreg:$0x17] =	wrdreg s0  }
0x11: {  	s2 =	sadd.s32 s2, s7;
	s7 =	sadd.s32 s14, s4;
	[dreg:$0x16] =	wrdreg s25  }
0x12: {  	s15 =	smul.u32 $0xA00, s10;
	s16 =	sadd.s32 $0x2800, s7;
	[dreg:$0xa] =	wrdreg s7  }
0x13: {  	s13 =	simm.s32 $0x50;
	s17 =	sadd.s32 $0x5000, s7;
	[dreg:$0xb] =	wrdreg s16  }
0x14: {  	s12 =	simm.s32 $0x6;
	s18 =	sadd.s32 $0x7800, s7;
	[dreg:$0xc] =	wrdreg s17  }
0x15: {  	s6 =	sshrl.u32 s15, $0x2;
	s19 =	sadd.s32 $0xA000, s7;
	[dreg:$0xd] =	wrdreg s18  }
0x16: {  	s0 =	simm.s32 $0x1AC80;
	s20 =	sadd.s32 $0xC800, s7;
	[dreg:$0xe] =	wrdreg s19  }
0x17: {  	s15 =	simm.s32 $0x1D480;
	s21 =	sadd.s32 $0xF000, s7;
	[dreg:$0xf] =	wrdreg s20  }
0x18: {  	s3 =	simm.s32 $0x0;
	s22 =	sadd.s32 $0x11800, s7;
	[dreg:$0x10] =	wrdreg s21  }
0x19: {  	s6 =	sadd.s32 s6, s5;
	s2 =	sadd.s32 $0x15200, s2;
	[dreg:$0x11] =	wrdreg s22  }
0x1a: {  	s25 =	simm.s32 $0x3;
	s23 =	sadd.s32 $0x80, s6;
	[dreg:$0x15] =	wrdreg s2  }
0x1b: {  	s24 =	sadd.s32 $0x100, s6;
	s26 =	sadd.s32 $0x180, s6;
	[dreg:$0x12] =	wrdreg s6  }
0x1c: {  	s28 =	sadd.s32 $0x200, s6;
	s16 =	simm.s32 $0x1;
	[dreg:$0x13] =	wrdreg s23  }
0x1d: {  	s17 =	simm.s32 $0x1AA80;
	s18 =	simm.s32 $0x1AB80;
	[dreg:$0x14] =	wrdreg s24  }
0x1e: {  	s19 =	simm.s32 $0x1A980;
	s21 =	simm.s32 $0x2;
	[dreg:$0x18] =	wrdreg s26  }
0x1f: {  	s22 =	simm.s32 $0x1AB00;
	s20 =	simm.s32 $0x4;
	[dreg:$0x19] =	wrdreg s28  }
0x20: {  	v0 =	vimm.f32 $0.0e+00;
	s23 =	simm.s32 $0x1AC00;
	s24 =	simm.s32 $0x1AA00;
	s26 =	simm.s32 $0x5  }
.LBB2_1:
0x21: {  	[dreg:$0x1a] =	wrdreg s3  }
0x22: {  	s2 =	simm.s32 $0x0;
	s14 =	rddreg [dreg:$0x6]  }
0x23: {  	[tilespmem:s29], [sflag:$0x7] =	stream.linear.gather [hbm4b:s14+s2], $0x2780, $0x38;
	[tilespmem:$0x1FC80] =	vst v63  }
0x24: {  	_ =	swait.ge [sflag:s30], $0x2780  }
0x25: {  	[sflag:s30] =	ssyncset.done $0x0  }
0x26: {  	s28 =	rddreg [dreg:$0x7];
	[sflag:s30] =	ssyncadd.s32 $0xFFFFD880  }
0x27: {  	[tilespmem:s31], [sflag:$0x7] =	stream.linear.gather [hbm4b:s28+s2], $0x2780, $0x38;
	[tilespmem:$0x1FC80] =	vst v63  }
0x28: {  	_ =	swait.ge [sflag:s30], $0x2780  }
0x29: {  	[sflag:s30] =	ssyncset.done $0x0  }
0x2a: {  	s3 =	simm.s32 $0x200;
	s2 =	simm.s32 $0x0;
	[sflag:s30] =	ssyncadd.s32 $0xFFFFD880  }
.LBB2_2:
0x2b: {  	p0 =	sne.s32 s3, $0x9E00;
	[tilespmem:s2+$0x1ACF0] =	vst v0  }
0x2c: {  	[tilespmem:s2+$0x1AC80] =	vst v0  }
0x2d: {  	[tilespmem:s2+$0x1AC90] =	vst v0  }
.Ltmp0:
0x2e: {  	[tilespmem:s2+$0x1ACA0] =	vst v0;
	(pc) =	sbr.rel @p0 .LBB2_2-.Ltmp0, $4  }
0x2f: {  	[tilespmem:s2+$0x1ACB0] =	vst v0  }
0x30: {  	[tilespmem:s2+$0x1ACC0] =	vst v0  }
0x31: {  	[tilespmem:s2+$0x1ACD0] =	vst v0  }
0x32: {  	[tilespmem:s2+$0x1ACE0] =	vst v0;
	s2 =	sshra.s32 s3, $0x2;
	s3 =	sadd.s32 $0x200, s3  }
0x33: {  	[tilespmem:s2+$0x1ACF0] =	vst v0  }
0x34: {  	[tilespmem:s2+$0x1AC80] =	vst v0  }
0x35: {  	[tilespmem:s2+$0x1AC90] =	vst v0  }
0x36: {  	[tilespmem:s2+$0x1ACA0] =	vst v0  }
0x37: {  	[tilespmem:s2+$0x1ACB0] =	vst v0  }
0x38: {  	[tilespmem:s2+$0x1ACC0] =	vst v0  }
0x39: {  	[tilespmem:s2+$0x1ACD0] =	vst v0  }
0x3a: {  	[tilespmem:s2+$0x1ACE0] =	vst v0  }
0x3b: {  	[spmem:s7] =	stream.linear.scatter [tilespmem:s0], [sflag:$0x7], $0x2800, $0x38;
	[tilespmem:$0x1FC80] =	vst v63  }
0x3c: {  	_ =	swait.ge [sflag:s30], $0x2800  }
0x3d: {  	[sflag:s30] =	ssyncset.done $0x0  }
0x3e: {  	s11 =	rddreg [dreg:$0xb];
	[sflag:s30] =	ssyncadd.s32 $0xFFFFD800  }
0x3f: {  	[spmem:s11] =	stream.linear.scatter [tilespmem:s0], [sflag:$0x7], $0x2800, $0x38;
	[tilespmem:$0x1FC80] =	vst v63  }
0x40: {  	_ =	swait.ge [sflag:s30], $0x2800  }
0x41: {  	[sflag:s30] =	ssyncset.done $0x0  }
0x42: {  	s14 =	rddreg [dreg:$0xc];
	[sflag:s30] =	ssyncadd.s32 $0xFFFFD800  }
0x43: {  	[spmem:s14] =	stream.linear.scatter [tilespmem:s0], [sflag:$0x7], $0x2800, $0x38;
	[tilespmem:$0x1FC80] =	vst v63  }
0x44: {  	_ =	swait.ge [sflag:s30], $0x2800  }
0x45: {  	[sflag:s30] =	ssyncset.done $0x0  }
0x46: {  	s28 =	rddreg [dreg:$0xd];
	[sflag:s30] =	ssyncadd.s32 $0xFFFFD800  }
0x47: {  	[spmem:s28] =	stream.linear.scatter [tilespmem:s0], [sflag:$0x7], $0x2800, $0x38;
	[tilespmem:$0x1FC80] =	vst v63  }
0x48: {  	_ =	swait.ge [sflag:s30], $0x2800  }
0x49: {  	[sflag:s30] =	ssyncset.done $0x0  }
0x4a: {  	s3 =	rddreg [dreg:$0xe];
	[sflag:s30] =	ssyncadd.s32 $0xFFFFD800  }
0x4b: {  	[spmem:s3] =	stream.linear.scatter [tilespmem:s0], [sflag:$0x7], $0x2800, $0x38;
	[tilespmem:$0x1FC80] =	vst v63  }
0x4c: {  	_ =	swait.ge [sflag:s30], $0x2800  }
0x4d: {  	[sflag:s30] =	ssyncset.done $0x0  }
0x4e: {  	s7 =	rddreg [dreg:$0xf];
	[sflag:s30] =	ssyncadd.s32 $0xFFFFD800  }
0x4f: {  	[spmem:s7] =	stream.linear.scatter [tilespmem:s0], [sflag:$0x7], $0x2800, $0x38;
	[tilespmem:$0x1FC80] =	vst v63  }
0x50: {  	_ =	swait.ge [sflag:s30], $0x2800  }
0x51: {  	[sflag:s30] =	ssyncset.done $0x0  }
0x52: {  	s8 =	rddreg [dreg:$0x10];
	[sflag:s30] =	ssyncadd.s32 $0xFFFFD800  }
0x53: {  	[spmem:s8] =	stream.linear.scatter [tilespmem:s0], [sflag:$0x7], $0x2800, $0x38;
	[tilespmem:$0x1FC80] =	vst v63  }
0x54: {  	_ =	swait.ge [sflag:s30], $0x2800  }
0x55: {  	[sflag:s30] =	ssyncset.done $0x0  }
0x56: {  	s9 =	rddreg [dreg:$0x11];
	[sflag:s30] =	ssyncadd.s32 $0xFFFFD800  }
0x57: {  	[spmem:s9] =	stream.linear.scatter [tilespmem:s0], [sflag:$0x7], $0x2800, $0x38;
	[tilespmem:$0x1FC80] =	vst v63  }
0x58: {  	_ =	swait.ge [sflag:s30], $0x2800  }
0x59: {  	[sflag:s30] =	ssyncset.done $0x0  }
0x5a: {  	[sflag:s30] =	ssyncadd.s32 $0xFFFFD800  }
0x5b: {  	[spmem:s6] =	stream.linear.scatter [tilespmem:s0], [sflag:$0x7], $0x80, $0x38;
	[tilespmem:$0x1FC80] =	vst v63  }
0x5c: {  	_ =	swait.ge [sflag:s30], $0x80  }
0x5d: {  	[sflag:s30] =	ssyncset.done $0x0  }
0x5e: {  	s10 =	rddreg [dreg:$0x13];
	[sflag:s30] =	ssyncadd.s32 $0xFFFFFF80  }
0x5f: {  	[spmem:s10] =	stream.linear.scatter [tilespmem:s0], [sflag:$0x7], $0x80, $0x38;
	[tilespmem:$0x1FC80] =	vst v63  }
0x60: {  	_ =	swait.ge [sflag:s30], $0x80  }
0x61: {  	[sflag:s30] =	ssyncset.done $0x0  }
0x62: {  	s11 =	rddreg [dreg:$0x14];
	[sflag:s30] =	ssyncadd.s32 $0xFFFFFF80  }
0x63: {  	[spmem:s11] =	stream.linear.scatter [tilespmem:s0], [sflag:$0x7], $0x80, $0x38;
	[tilespmem:$0x1FC80] =	vst v63  }
0x64: {  	_ =	swait.ge [sflag:s30], $0x80  }
0x65: {  	[sflag:s30] =	ssyncset.done $0x0  }
0x66: {  	s14 =	rddreg [dreg:$0x18];
	[sflag:s30] =	ssyncadd.s32 $0xFFFFFF80  }
0x67: {  	[spmem:s14] =	stream.linear.scatter [tilespmem:s0], [sflag:$0x7], $0x80, $0x38;
	[tilespmem:$0x1FC80] =	vst v63  }
0x68: {  	_ =	swait.ge [sflag:s30], $0x80  }
0x69: {  	[sflag:s30] =	ssyncset.done $0x0  }
0x6a: {  	s28 =	rddreg [dreg:$0x19];
	[sflag:s30] =	ssyncadd.s32 $0xFFFFFF80  }
0x6b: {  	[spmem:s28] =	stream.linear.scatter [tilespmem:s0], [sflag:$0x7], $0x80, $0x38;
	[tilespmem:$0x1FC80] =	vst v63  }
0x6c: {  	_ =	swait.ge [sflag:s30], $0x80  }
0x6d: {  	[sflag:s30] =	ssyncset.done $0x0  }
0x6e: {  	[sflag:s30] =	ssyncadd.s32 $0xFFFFFF80  }
0x6f: {  	s3 =	simm.s32 $0x0;
	[bflag:$0x0] =	sbarrier.arrive $0xFFFF  }
.LBB2_4:
0x70: {  	s2 =	smul.u32 $0x7D0, s3  }
0x71: {  	s6 =	rddreg [dreg:$0x9]  }
0x72: {  	s2 =	sadd.s32 s6, s2  }
0x73: {  	s10 =	rddreg [dreg:$0x8];
	s2 =	sshrl.u32 s2, $0x3  }
0x74: {  	s7 =	simm.s32 $0x0;
	s8 =	simm.s32 $0x19180;
	s6 =	sadd.s32 s10, s2  }
0x75: {  	[tilespmem:s8], [sflag:$0x7] =	stream.linear.gather [hbm4b:s6+s7], $0x7D0, $0x38;
	[tilespmem:$0x1FC80] =	vst v63  }
0x76: {  	_ =	swait.ge [sflag:s30], $0x7D0  }
0x77: {  	[sflag:s30] =	ssyncset.done $0x0  }
0x78: {  	[sflag:s30] =	ssyncadd.s32 $0xFFFFF830  }
0x79: {  	s11 =	rddreg [dreg:$0x1]  }
0x7a: {  	s14 =	simm.s32 $0x19980;
	s6 =	sadd.s32 s11, s2  }
0x7b: {  	[tilespmem:s14], [sflag:$0x7] =	stream.linear.gather [hbm4b:s6+s7], $0x7D0, $0x38;
	[tilespmem:$0x1FC80] =	vst v63  }
0x7c: {  	_ =	swait.ge [sflag:s30], $0x7D0  }
0x7d: {  	[sflag:s30] =	ssyncset.done $0x0  }
0x7e: {  	[sflag:s30] =	ssyncadd.s32 $0xFFFFF830  }
0x7f: {  	s28 =	rddreg [dreg:$0x2]  }
0x80: {  	s9 =	simm.s32 $0x1A180;
	s2 =	sadd.s32 s28, s2  }
0x81: {  	[tilespmem:s9], [sflag:$0x7] =	stream.linear.gather [hbm4b:s2+s7], $0x7D0, $0x38;
	[tilespmem:$0x1FC80] =	vst v63  }
0x82: {  	_ =	swait.ge [sflag:s30], $0x7D0  }
0x83: {  	[sflag:s30] =	ssyncset.done $0x0  }
0x84: {  	[sflag:s30] =	ssyncadd.s32 $0xFFFFF830  }
0x85: {  	[tilespmem:s0], [sflag:$0x1] =	stream.indirect.gather [hbm4b:s1+s13], $0x80, s14, s13, $0xb8;
	[tilespmem:$0x1FC80] =	vst v63  }
0x86: {  	v1 =	vld [tilespmem:$0x19180]  }
0x87: {  	v2 =	vld [tilespmem:$0x19980];
	_ =	sdelay $0x6  }
0x88: {  	v3 =	vld.idx.msk [tilespmem:v1+s29+$0x0], $0xffff  }
0x89: {  	v2 =	vld.idx.msk [tilespmem:v2+s31+$0x0], $0xffff;
	_ =	sdelay $0x3  }
0x8a: {  	v4 =	vld [tilespmem:$0x19190]  }
0x8b: {  	v2 =	vadd.f32 v2, v3;
	v3 =	vld [tilespmem:$0x1A180]  }
0x8c: {  	v6 =	vld [tilespmem:$0x19990]  }
0x8d: {  	v5 =	vmul.f32 $2.000000030e-01, v2  }
0x8e: {  	vm0 =	vgt.f32 v2, $0.0e+00  }
0x8f: {  	v2 =	vsel vm0, v2, v5  }
0x90: {  	[tilespmem:$0x1AB80] =	vst v1;
	v3 =	vmul.f32 v2, v3  }
0x91: {  	[tilespmem:$0x1A980] =	vst v2  }
0x92: {  	[tilespmem:$0x1AA80] =	vst v3  }
0x93: {  	v1 =	vld.idx.msk [tilespmem:v4+s29+$0x0], $0xffff  }
0x94: {  	v2 =	vld.idx.msk [tilespmem:v6+s31+$0x0], $0xffff;
	_ =	sdelay $0x3  }
0x95: {  	v3 =	vld [tilespmem:$0x191A0]  }
0x96: {  	v1 =	vadd.f32 v2, v1;
	v2 =	vld [tilespmem:$0x1A190]  }
0x97: {  	v6 =	vld [tilespmem:$0x199A0]  }
0x98: {  	v5 =	vmul.f32 $2.000000030e-01, v1  }
0x99: {  	vm7 =	vgt.f32 v1, $0.0e+00  }
0x9a: {  	v1 =	vsel vm7, v1, v5  }
0x9b: {  	[tilespmem:$0x1AB90] =	vst v4;
	v2 =	vmul.f32 v1, v2  }
0x9c: {  	[tilespmem:$0x1A990] =	vst v1  }
0x9d: {  	[tilespmem:$0x1AA90] =	vst v2  }
0x9e: {  	v1 =	vld.idx.msk [tilespmem:v3+s29+$0x0], $0xffff  }
0x9f: {  	v2 =	vld.idx.msk [tilespmem:v6+s31+$0x0], $0xffff;
	_ =	sdelay $0x3  }
0xa0: {  	v4 =	vld [tilespmem:$0x191B0]  }
0xa1: {  	v1 =	vadd.f32 v2, v1;
	v2 =	vld [tilespmem:$0x1A1A0]  }
0xa2: {  	v6 =	vld [tilespmem:$0x199B0]  }
0xa3: {  	v5 =	vmul.f32 $2.000000030e-01, v1  }
0xa4: {  	vm8 =	vgt.f32 v1, $0.0e+00  }
0xa5: {  	v1 =	vsel vm8, v1, v5  }
0xa6: {  	[tilespmem:$0x1ABA0] =	vst v3;
	v2 =	vmul.f32 v1, v2  }
0xa7: {  	[tilespmem:$0x1A9A0] =	vst v1  }
0xa8: {  	[tilespmem:$0x1AAA0] =	vst v2  }
0xa9: {  	v1 =	vld.idx.msk [tilespmem:v4+s29+$0x0], $0xffff  }
0xaa: {  	v2 =	vld.idx.msk [tilespmem:v6+s31+$0x0], $0xffff;
	_ =	sdelay $0x3  }
0xab: {  	v3 =	vld [tilespmem:$0x191C0]  }
0xac: {  	v1 =	vadd.f32 v2, v1;
	v2 =	vld [tilespmem:$0x1A1B0]  }
0xad: {  	v6 =	vld [tilespmem:$0x199C0]  }
0xae: {  	v5 =	vmul.f32 $2.000000030e-01, v1  }
0xaf: {  	vm9 =	vgt.f32 v1, $0.0e+00  }
0xb0: {  	v1 =	vsel vm9, v1, v5  }
0xb1: {  	[tilespmem:$0x1ABB0] =	vst v4;
	v2 =	vmul.f32 v1, v2  }
0xb2: {  	[tilespmem:$0x1A9B0] =	vst v1  }
0xb3: {  	[tilespmem:$0x1AAB0] =	vst v2  }
0xb4: {  	v1 =	vld.idx.msk [tilespmem:v3+s29+$0x0], $0xffff  }
0xb5: {  	v2 =	vld.idx.msk [tilespmem:v6+s31+$0x0], $0xffff;
	_ =	sdelay $0x4  }
0xb6: {  	v1 =	vadd.f32 v2, v1;
	v2 =	vld [tilespmem:$0x1A1C0];
	_ =	sdelay $0x1  }
0xb7: {  	v4 =	vmul.f32 $2.000000030e-01, v1  }
0xb8: {  	vm10 =	vgt.f32 v1, $0.0e+00  }
0xb9: {  	v1 =	vsel vm10, v1, v4  }
0xba: {  	[tilespmem:$0x1ABC0] =	vst v3;
	v2 =	vmul.f32 v1, v2  }
0xbb: {  	[tilespmem:$0x1A9C0] =	vst v1  }
0xbc: {  	s10 =	simm.s32 $0x199D0;
	[tilespmem:$0x1AAC0] =	vst v2  }
0xbd: {  	[tilespmem:s15], [sflag:$0x2] =	stream.indirect.gather [hbm4b:s1+s13], $0x80, s10, s13, $0xb8;
	[tilespmem:$0x1FC80] =	vst v63  }
0xbe: {  	v1 =	vld [tilespmem:$0x191D0]  }
0xbf: {  	v2 =	vld [tilespmem:$0x199D0];
	_ =	sdelay $0x6  }
0xc0: {  	v3 =	vld.idx.msk [tilespmem:v1+s29+$0x0], $0xffff  }
0xc1: {  	v2 =	vld.idx.msk [tilespmem:v2+s31+$0x0], $0xffff;
	_ =	sdelay $0x3  }
0xc2: {  	v4 =	vld [tilespmem:$0x191E0]  }
0xc3: {  	v2 =	vadd.f32 v2, v3;
	v3 =	vld [tilespmem:$0x1A1D0]  }
0xc4: {  	v6 =	vld [tilespmem:$0x199E0]  }
0xc5: {  	v5 =	vmul.f32 $2.000000030e-01, v2  }
0xc6: {  	vm11 =	vgt.f32 v2, $0.0e+00  }
0xc7: {  	v2 =	vsel vm11, v2, v5  }
0xc8: {  	[tilespmem:$0x1AC00] =	vst v1;
	v3 =	vmul.f32 v2, v3  }
0xc9: {  	[tilespmem:$0x1AA00] =	vst v2  }
0xca: {  	[tilespmem:$0x1AB00] =	vst v3  }
0xcb: {  	v1 =	vld.idx.msk [tilespmem:v4+s29+$0x0], $0xffff  }
0xcc: {  	v2 =	vld.idx.msk [tilespmem:v6+s31+$0x0], $0xffff;
	_ =	sdelay $0x3  }
0xcd: {  	v3 =	vld [tilespmem:$0x191F0]  }
0xce: {  	v1 =	vadd.f32 v2, v1;
	v2 =	vld [tilespmem:$0x1A1E0]  }
0xcf: {  	v6 =	vld [tilespmem:$0x199F0]  }
0xd0: {  	v5 =	vmul.f32 $2.000000030e-01, v1  }
0xd1: {  	vm12 =	vgt.f32 v1, $0.0e+00  }
0xd2: {  	v1 =	vsel vm12, v1, v5  }
0xd3: {  	[tilespmem:$0x1AC10] =	vst v4;
	v2 =	vmul.f32 v1, v2  }
0xd4: {  	[tilespmem:$0x1AA10] =	vst v1  }
0xd5: {  	[tilespmem:$0x1AB10] =	vst v2  }
0xd6: {  	v1 =	vld.idx.msk [tilespmem:v3+s29+$0x0], $0xffff  }
0xd7: {  	v2 =	vld.idx.msk [tilespmem:v6+s31+$0x0], $0xffff;
	_ =	sdelay $0x3  }
0xd8: {  	v4 =	vld [tilespmem:$0x19200]  }
0xd9: {  	v1 =	vadd.f32 v2, v1;
	v2 =	vld [tilespmem:$0x1A1F0]  }
0xda: {  	v6 =	vld [tilespmem:$0x19A00]  }
0xdb: {  	v5 =	vmul.f32 $2.000000030e-01, v1  }
0xdc: {  	vm13 =	vgt.f32 v1, $0.0e+00  }
0xdd: {  	v1 =	vsel vm13, v1, v5  }
0xde: {  	[tilespmem:$0x1AC20] =	vst v3;
	v2 =	vmul.f32 v1, v2  }
0xdf: {  	[tilespmem:$0x1AA20] =	vst v1  }
0xe0: {  	[tilespmem:$0x1AB20] =	vst v2  }
0xe1: {  	v1 =	vld.idx.msk [tilespmem:v4+s29+$0x0], $0xffff  }
0xe2: {  	v2 =	vld.idx.msk [tilespmem:v6+s31+$0x0], $0xffff;
	_ =	sdelay $0x3  }
0xe3: {  	v3 =	vld [tilespmem:$0x19210]  }
0xe4: {  	v1 =	vadd.f32 v2, v1;
	v2 =	vld [tilespmem:$0x1A200]  }
0xe5: {  	v6 =	vld [tilespmem:$0x19A10]  }
0xe6: {  	v5 =	vmul.f32 $2.000000030e-01, v1  }
0xe7: {  	vm14 =	vgt.f32 v1, $0.0e+00  }
0xe8: {  	v1 =	vsel vm14, v1, v5  }
0xe9: {  	[tilespmem:$0x1AC30] =	vst v4;
	v2 =	vmul.f32 v1, v2  }
0xea: {  	[tilespmem:$0x1AA30] =	vst v1  }
0xeb: {  	[tilespmem:$0x1AB30] =	vst v2  }
0xec: {  	v1 =	vld.idx.msk [tilespmem:v3+s29+$0x0], $0xffff  }
0xed: {  	v2 =	vld.idx.msk [tilespmem:v6+s31+$0x0], $0xffff;
	_ =	sdelay $0x4  }
0xee: {  	v1 =	vadd.f32 v2, v1;
	v2 =	vld [tilespmem:$0x1A210];
	_ =	sdelay $0x1  }
0xef: {  	v4 =	vmul.f32 $2.000000030e-01, v1  }
0xf0: {  	vm15 =	vgt.f32 v1, $0.0e+00  }
0xf1: {  	v1 =	vsel vm15, v1, v4  }
0xf2: {  	[tilespmem:$0x1AC40] =	vst v3;
	v2 =	vmul.f32 v1, v2  }
0xf3: {  	[tilespmem:$0x1AA40] =	vst v1  }
0xf4: {  	[tilespmem:$0x1AB40] =	vst v2  }
0xf5: {  	_ =	swait.ge [sflag:s16], $0x2800  }
0xf6: {  	[sflag:s16] =	ssyncset.done $0x0  }
0xf7: {  	s2 =	simm.s32 $0x1AD80;
	[sflag:s16] =	ssyncadd.s32 $0xFFFFD800  }
0xf8: {  	v3 =	vld [tilespmem:s2+$0xD0]  }
0xf9: {  	v4 =	vld [tilespmem:s2+$0xF0]  }
0xfa: {  	v5 =	vld [tilespmem:s2+$0xFFFFFFF0]  }
0xfb: {  	v6 =	vld [tilespmem:s2+$0x0]  }
0xfc: {  	v7 =	vld [tilespmem:s2+$0x10]  }
0xfd: {  	v8 =	vld [tilespmem:s2+$0x20]  }
0xfe: {  	v9 =	vld [tilespmem:s2+$0x30]  }
0xff: {  	s11 =	simm.s32 $0x0;
	v10 =	vld [tilespmem:s2+$0x50]  }
0x100: {  	s9 =	simm.s32 $0x3;
	s14 =	simm.s32 $0x1;
	v1 =	vmov s11;
	v11 =	vld [tilespmem:s2+$0x60]  }
0x101: {  	s28 =	simm.s32 $0x2;
	v12 =	vmov s14;
	v1 =	vand.u32 $0xFFFFFFFC, v1;
	v2 =	vmov s9;
	v13 =	vld [tilespmem:s2+$0x80]  }
0x102: {  	v14 =	vbroadcast v1, $0x0;
	v1 =	vand.u32 $0xFFFFFFFD, v12;
	v12 =	vmov s28;
	v16 =	vld [tilespmem:s2+$0x90]  }
0x103: {  	v15 =	vbroadcast v1, $0x0;
	v1 =	vand.u32 $0xFFFFFFFE, v12;
	v12 =	vld [tilespmem:s2+$0xA0]  }
0x104: {  	v18 =	vld [tilespmem:s2+$0x40]  }
0x105: {  	v19 =	vld [tilespmem:s2+$0xB0]  }
0x106: {  	v20 =	vld [tilespmem:s2+$0xC0]  }
0x107: {  	v17 =	vbroadcast v1, $0x0;
	v1 =	vld.idx.msk [tilespmem:v2+s17+$0x0], $0xffff  }
0x108: {  	v22 =	vld [tilespmem:s2+$0xFFFFFFC0]  }
0x109: {  	v23 =	vld [tilespmem:s2+$0xFFFFFFB0]  }
0x10a: {  	v61 =	vld [tilespmem:s2+$0xFFFFFF90]  }
0x10b: {  	v21 =	vld.idx.msk [tilespmem:v14+s17+$0x0], $0xffff  }
0x10c: {  	v14 =	vld.idx.msk [tilespmem:v15+s17+$0x0], $0xffff;
	v3 =	vmul.f32 v3, v1  }
0x10d: {  	v24 =	vld [tilespmem:s2+$0xFFFFFF60];
	v20 =	vmul.f32 v20, v1  }
0x10e: {  	v2 =	vld.idx.msk [tilespmem:v17+s17+$0x0], $0xffff;
	v13 =	vmul.f32 v13, v1;
	[tilespmem:s2+$0xD0] =	vst v3  }
0x10f: {  	v62 =	vld [tilespmem:s2+$0xFFFFFF40];
	v19 =	vmul.f32 v19, v1;
	[tilespmem:s2+$0xC0] =	vst v20  }
0x110: {  	v15 =	vld [tilespmem:s2+$0xFFFFFFE0];
	v4 =	vmul.f32 v4, v1;
	[tilespmem:s2+$0x80] =	vst v13  }
0x111: {  	v17 =	vld [tilespmem:s2+$0xFFFFFFD0];
	v5 =	vmul.f32 v5, v14;
	[tilespmem:s2+$0xB0] =	vst v19  }
0x112: {  	v25 =	vld [tilespmem:s2+$0xFFFFFF30];
	[tilespmem:s2+$0xF0] =	vst v4;
	v23 =	vmul.f32 v23, v14  }
0x113: {  	v63 =	vld [tilespmem:s2+$0xFFFFFF10];
	v6 =	vmul.f32 v6, v2;
	[tilespmem:s2+$0xFFFFFFF0] =	vst v5  }
0x114: {  	v3 =	vld [tilespmem:s2+$0xFFFFFFA0];
	v7 =	vmul.f32 v7, v2;
	v9 =	vmul.f32 v9, v2;
	[tilespmem:s2+$0xFFFFFFB0] =	vst v23  }
0x115: {  	v13 =	vld [tilespmem:s2+$0xFFFFFF80];
	v8 =	vmul.f32 v8, v2;
	v5 =	vmul.f32 v15, v14;
	[tilespmem:s2+$0x0] =	vst v6  }
0x116: {  	v19 =	vld [tilespmem:s2+$0xFFFFFF70];
	v15 =	vmul.f32 v22, v14;
	v6 =	vmul.f32 v17, v14;
	[tilespmem:s2+$0x30] =	vst v9  }
0x117: {  	v26 =	vld [tilespmem:s2+$0xFFFFFF00];
	v9 =	vmul.f32 v24, v21;
	[tilespmem:s2+$0xFFFFFFE0] =	vst v5;
	v5 =	vmul.f32 v61, v14  }
0x118: {  	v17 =	vld [tilespmem:s2+$0xFFFFFF50];
	[tilespmem:s2+$0xFFFFFFC0] =	vst v15;
	v15 =	vmul.f32 v11, v2;
	v11 =	vmul.f32 v62, v21  }
0x119: {  	[tilespmem:s2+$0x10] =	vst v7;
	v4 =	vmul.f32 v3, v14;
	v3 =	vmul.f32 v18, v2;
	v18 =	vld [tilespmem:s2+$0xFFFFFF20]  }
0x11a: {  	[tilespmem:s2+$0xFFFFFFD0] =	vst v6;
	v6 =	vmul.f32 v10, v2;
	v7 =	vmul.f32 v13, v14  }
0x11b: {  	[tilespmem:s2+$0x20] =	vst v8;
	v8 =	vmul.f32 v19, v21;
	v14 =	vmul.f32 v12, v1  }
0x11c: {  	v13 =	vmul.f32 v16, v1;
	v12 =	vmul.f32 v25, v21;
	[tilespmem:s2+$0x50] =	vst v6  }
0x11d: {  	v16 =	vld [tilespmem:s2+$0xE0];
	[tilespmem:s2+$0xA0] =	vst v14;
	v14 =	vmul.f32 v63, v21;
	v6 =	vmul.f32 v26, v21  }
0x11e: {  	s6 =	simm.s32 $0x7;
	s9 =	simm.s32 $0x1AF80;
	[tilespmem:s2+$0x90] =	vst v13;
	v10 =	vmul.f32 v17, v21;
	v17 =	vld [tilespmem:s2+$0x70];
	v13 =	vmul.f32 v18, v21  }
.LBB2_5:
0x11f: {  	s10 =	sadd.s32 $0xFFFFFFFD, s6  }
0x120: {  	v18 =	vmov s6;
	v19 =	vld [tilespmem:s9+$0xD0];
	p0 =	sne.s32 s6, $0x4F;
	[tilespmem:s2+$0x60] =	vst v15;
	s11 =	smov.u32 s6;
	s6 =	sadd.s32 $0x4, s6  }
0x121: {  	v15 =	vmov s10;
	s10 =	sadd.s32 $0xFFFFFFFE, s11;
	v20 =	vld [tilespmem:s9+$0xF0];
	[tilespmem:s2+$0xFFFFFFA0] =	vst v4  }
0x122: {  	v4 =	vand.u32 $0xFFFFFFFC, v15;
	v15 =	vmov s10;
	s10 =	sadd.s32 $0xFFFFFFFF, s11;
	v21 =	vld [tilespmem:s9+$0xFFFFFFF0];
	[tilespmem:s2+$0xFFFFFF90] =	vst v5  }
0x123: {  	v4 =	vbroadcast v4, $0x0;
	v5 =	vand.u32 $0xFFFFFFFD, v15;
	v15 =	vmov s10;
	v22 =	vld [tilespmem:s9+$0x0];
	[tilespmem:s2+$0xFFFFFF80] =	vst v7  }
0x124: {  	v5 =	vbroadcast v5, $0x0;
	v7 =	vand.u32 $0xFFFFFFFE, v15;
	v15 =	vld [tilespmem:s9+$0x10];
	[tilespmem:s2+$0xFFFFFF70] =	vst v8;
	v2 =	vmul.f32 v17, v2  }
0x125: {  	v1 =	vmul.f32 v16, v1;
	v7 =	vbroadcast v7, $0x0;
	v8 =	vld [tilespmem:s9+$0x20];
	[tilespmem:s2+$0xFFFFFF60] =	vst v9  }
0x126: {  	v9 =	vld [tilespmem:s9+$0x30];
	[tilespmem:s2+$0xFFFFFF50] =	vst v10  }
0x127: {  	v10 =	vld [tilespmem:s9+$0x50];
	[tilespmem:s2+$0xFFFFFF40] =	vst v11  }
0x128: {  	v11 =	vld [tilespmem:s9+$0x60];
	[tilespmem:s2+$0xFFFFFF30] =	vst v12  }
0x129: {  	v12 =	vld [tilespmem:s9+$0x80];
	[tilespmem:s2+$0xFFFFFF20] =	vst v13  }
0x12a: {  	v13 =	vld [tilespmem:s9+$0x90];
	[tilespmem:s2+$0xFFFFFF10] =	vst v14  }
0x12b: {  	v14 =	vld [tilespmem:s9+$0xA0];
	[tilespmem:s2+$0x40] =	vst v3  }
0x12c: {  	v3 =	vld [tilespmem:s9+$0x40];
	[tilespmem:s2+$0x70] =	vst v2  }
0x12d: {  	v16 =	vld [tilespmem:s9+$0xB0];
	[tilespmem:s2+$0xE0] =	vst v1  }
0x12e: {  	v17 =	vld [tilespmem:s9+$0xC0];
	[tilespmem:s2+$0xFFFFFF00] =	vst v6;
	s2 =	smov.u32 s9  }
0x12f: {  	v1 =	vld.idx.msk [tilespmem:v18+s17+$0x0], $0xffff  }
0x130: {  	v6 =	vld.idx.msk [tilespmem:v4+s17+$0x0], $0xffff  }
0x131: {  	v18 =	vld.idx.msk [tilespmem:v5+s17+$0x0], $0xffff  }
0x132: {  	v2 =	vld.idx.msk [tilespmem:v7+s17+$0x0], $0xffff  }
0x133: {  	v4 =	vld [tilespmem:s9+$0xFFFFFFE0]  }
0x134: {  	v5 =	vld [tilespmem:s9+$0xFFFFFFD0]  }
0x135: {  	v19 =	vmul.f32 v19, v1;
	v20 =	vmul.f32 v20, v1;
	v7 =	vld [tilespmem:s9+$0xFFFFFFC0]  }
0x136: {  	v12 =	vmul.f32 v12, v1;
	v17 =	vmul.f32 v17, v1;
	v23 =	vld [tilespmem:s9+$0xFFFFFFB0]  }
0x137: {  	v16 =	vmul.f32 v16, v1;
	v21 =	vmul.f32 v21, v18;
	v24 =	vld [tilespmem:s9+$0xFFFFFFA0];
	[tilespmem:s9+$0xD0] =	vst v19  }
0x138: {  	v22 =	vmul.f32 v22, v2;
	v19 =	vld [tilespmem:s9+$0xFFFFFF90];
	v25 =	vmul.f32 v4, v18;
	[tilespmem:s9+$0xC0] =	vst v17  }
0x139: {  	v27 =	vmul.f32 v15, v2;
	v17 =	vld [tilespmem:s9+$0xFFFFFF80];
	v26 =	vmul.f32 v5, v18;
	[tilespmem:s9+$0x80] =	vst v12  }
0x13a: {  	v29 =	vmul.f32 v8, v2;
	v12 =	vld [tilespmem:s9+$0xFFFFFF70];
	v28 =	vmul.f32 v7, v18;
	[tilespmem:s9+$0xB0] =	vst v16  }
0x13b: {  	v16 =	vld [tilespmem:s9+$0xFFFFFF60];
	v23 =	vmul.f32 v23, v18;
	[tilespmem:s9+$0xFFFFFFF0] =	vst v21;
	v21 =	vmul.f32 v9, v2  }
0x13c: {  	v3 =	vmul.f32 v3, v2;
	v30 =	vld [tilespmem:s9+$0xFFFFFF50];
	v4 =	vmul.f32 v24, v18;
	[tilespmem:s9+$0x0] =	vst v22  }
0x13d: {  	v22 =	vld [tilespmem:s9+$0xFFFFFF40];
	v5 =	vmul.f32 v19, v18;
	v19 =	vmul.f32 v10, v2;
	[tilespmem:s9+$0xF0] =	vst v20  }
0x13e: {  	v15 =	vmul.f32 v11, v2;
	v20 =	vld [tilespmem:s9+$0xFFFFFF30];
	v7 =	vmul.f32 v17, v18;
	[tilespmem:s9+$0xFFFFFFE0] =	vst v25  }
0x13f: {  	v18 =	vmul.f32 v13, v1;
	v17 =	vld [tilespmem:s9+$0xFFFFFF20];
	v8 =	vmul.f32 v12, v6;
	[tilespmem:s9+$0x10] =	vst v27  }
0x140: {  	v24 =	vld [tilespmem:s9+$0xFFFFFF10];
	v9 =	vmul.f32 v16, v6;
	[tilespmem:s9+$0xFFFFFFD0] =	vst v26;
	v16 =	vmul.f32 v14, v1  }
0x141: {  	v25 =	vld [tilespmem:s9+$0xFFFFFF00];
	v10 =	vmul.f32 v30, v6;
	[tilespmem:s9+$0xFFFFFFC0] =	vst v28  }
0x142: {  	v11 =	vmul.f32 v22, v6;
	[tilespmem:s9+$0x20] =	vst v29  }
.Ltmp1:
0x143: {  	v12 =	vmul.f32 v20, v6;
	[tilespmem:s9+$0x30] =	vst v21;
	(pc) =	sbr.rel @p0 .LBB2_5-.Ltmp1, $4  }
0x144: {  	v13 =	vmul.f32 v17, v6;
	[tilespmem:s9+$0x50] =	vst v19  }
0x145: {  	v14 =	vmul.f32 v24, v6;
	[tilespmem:s9+$0x90] =	vst v18  }
0x146: {  	v6 =	vmul.f32 v25, v6;
	[tilespmem:s9+$0xA0] =	vst v16;
	v16 =	vld [tilespmem:s9+$0xE0]  }
0x147: {  	s9 =	sadd.s32 $0x200, s9;
	[tilespmem:s2+$0xFFFFFFB0] =	vst v23;
	v17 =	vld [tilespmem:s2+$0x70]  }
0x148: {  	[tilespmem:s2+$0x60] =	vst v15  }
0x149: {  	[tilespmem:s2+$0xFFFFFFA0] =	vst v4  }
0x14a: {  	[tilespmem:s2+$0xFFFFFF90] =	vst v5  }
0x14b: {  	[tilespmem:s2+$0xFFFFFF80] =	vst v7  }
0x14c: {  	[tilespmem:s2+$0xFFFFFF70] =	vst v8  }
0x14d: {  	[tilespmem:s2+$0xFFFFFF60] =	vst v9  }
0x14e: {  	[tilespmem:s2+$0xFFFFFF50] =	vst v10  }
0x14f: {  	[tilespmem:s2+$0xFFFFFF40] =	vst v11  }
0x150: {  	[tilespmem:s2+$0xFFFFFF30] =	vst v12  }
0x151: {  	[tilespmem:s2+$0xFFFFFF20] =	vst v13  }
0x152: {  	[tilespmem:s2+$0xFFFFFF10] =	vst v14  }
0x153: {  	[tilespmem:s2+$0x40] =	vst v3;
	v1 =	vmul.f32 v16, v1  }
0x154: {  	[tilespmem:s2+$0xFFFFFF00] =	vst v6;
	v2 =	vmul.f32 v17, v2  }
0x155: {  	[tilespmem:s2+$0xE0] =	vst v1  }
0x156: {  	[tilespmem:s2+$0x70] =	vst v2  }
0x157: {  	[spmem:s4] =	stream.indirect.scatter.add.f32 [tilespmem:s0], [sflag:$0x3], $0x80, s18, s13, $0xb8;
	[tilespmem:$0x1FC80] =	vst v63  }
0x158: {  	_ = 	snop  }
0x159: {  	[spmem:s5] =	stream.indirect.scatter.add.f32 [tilespmem:s19], [sflag:$0x5], $0x1, s18, s13, $0xb8;
	[tilespmem:$0x1FC80] =	vst v63  }
0x15a: {  	_ =	swait.ge [sflag:s21], $0x2800  }
0x15b: {  	[sflag:s21] =	ssyncset.done $0x0  }
0x15c: {  	s2 =	simm.s32 $0x1D670;
	[sflag:s21] =	ssyncadd.s32 $0xFFFFD800  }
0x15d: {  	v3 =	vld [tilespmem:s2+$0xFFFFFFE0]  }
0x15e: {  	v4 =	vld [tilespmem:s2+$0x0]  }
0x15f: {  	v5 =	vld [tilespmem:s2+$0xFFFFFF00]  }
0x160: {  	v6 =	vld [tilespmem:s2+$0xFFFFFF10]  }
0x161: {  	v7 =	vld [tilespmem:s2+$0xFFFFFF20]  }
0x162: {  	s6 =	simm.s32 $0x0;
	v8 =	vld [tilespmem:s2+$0xFFFFFF30]  }
0x163: {  	s9 =	simm.s32 $0x3;
	s14 =	simm.s32 $0x1;
	v1 =	vmov s6;
	v9 =	vld [tilespmem:s2+$0xFFFFFF40]  }
0x164: {  	s28 =	simm.s32 $0x2;
	v10 =	vmov s14;
	v2 =	vmov s9;
	v1 =	vand.u32 $0xFFFFFFFC, v1;
	v11 =	vld [tilespmem:s2+$0xFFFFFF90]  }
0x165: {  	v12 =	vbroadcast v1, $0x0;
	v1 =	vand.u32 $0xFFFFFFFD, v10;
	v10 =	vmov s28;
	v13 =	vld [tilespmem:s2+$0xFFFFFFA0]  }
0x166: {  	v14 =	vbroadcast v1, $0x0;
	v1 =	vand.u32 $0xFFFFFFFE, v10;
	v10 =	vld [tilespmem:s2+$0xFFFFFFB0]  }
0x167: {  	v16 =	vld [tilespmem:s2+$0xFFFFFFC0]  }
0x168: {  	v17 =	vld [tilespmem:s2+$0xFFFFFFD0]  }
0x169: {  	v18 =	vld [tilespmem:s2+$0xFFFFFF50]  }
0x16a: {  	v15 =	vbroadcast v1, $0x0;
	v1 =	vld.idx.msk [tilespmem:v2+s22+$0x0], $0xffff  }
0x16b: {  	v19 =	vld.idx.msk [tilespmem:v12+s22+$0x0], $0xffff  }
0x16c: {  	v20 =	vld [tilespmem:s2+$0xFFFFFED0]  }
0x16d: {  	v21 =	vld [tilespmem:s2+$0xFFFFFEC0]  }
0x16e: {  	v22 =	vld [tilespmem:s2+$0xFFFFFE70]  }
0x16f: {  	v12 =	vld.idx.msk [tilespmem:v14+s22+$0x0], $0xffff;
	v3 =	vmul.f32 v3, v1  }
0x170: {  	v63 =	vld [tilespmem:s2+$0xFFFFFE40];
	v17 =	vmul.f32 v17, v1  }
0x171: {  	v2 =	vld.idx.msk [tilespmem:v15+s22+$0x0], $0xffff;
	v16 =	vmul.f32 v16, v1;
	[tilespmem:s2+$0xFFFFFFE0] =	vst v3  }
0x172: {  	v24 =	vld [tilespmem:s2+$0xFFFFFE20];
	v13 =	vmul.f32 v13, v1;
	[tilespmem:s2+$0xFFFFFFD0] =	vst v17  }
0x173: {  	v14 =	vld [tilespmem:s2+$0xFFFFFEF0];
	v4 =	vmul.f32 v4, v1;
	[tilespmem:s2+$0xFFFFFFC0] =	vst v16  }
0x174: {  	v15 =	vld [tilespmem:s2+$0xFFFFFEE0];
	v5 =	vmul.f32 v5, v12;
	[tilespmem:s2+$0xFFFFFFA0] =	vst v13  }
0x175: {  	v21 =	vmul.f32 v21, v12;
	v3 =	vmul.f32 v11, v1;
	v11 =	vld [tilespmem:s2+$0xFFFFFEB0];
	[tilespmem:s2+$0x0] =	vst v4  }
0x176: {  	v17 =	vld [tilespmem:s2+$0xFFFFFEA0];
	[tilespmem:s2+$0xFFFFFF00] =	vst v5  }
0x177: {  	v16 =	vld [tilespmem:s2+$0xFFFFFE90];
	v6 =	vmul.f32 v6, v2;
	[tilespmem:s2+$0xFFFFFEC0] =	vst v21  }
0x178: {  	v5 =	vmul.f32 v7, v2;
	v7 =	vld [tilespmem:s2+$0xFFFFFE60];
	[tilespmem:s2+$0xFFFFFF90] =	vst v3  }
0x179: {  	v13 =	vmul.f32 v20, v12;
	v3 =	vmul.f32 v14, v12;
	v14 =	vld [tilespmem:s2+$0xFFFFFE80];
	[tilespmem:s2+$0xFFFFFF10] =	vst v6  }
0x17a: {  	v9 =	vmul.f32 v9, v2;
	v4 =	vmul.f32 v10, v1;
	[tilespmem:s2+$0xFFFFFF20] =	vst v5;
	v5 =	vld [tilespmem:s2+$0xFFFFFE30]  }
0x17b: {  	v6 =	vmul.f32 v15, v12;
	[tilespmem:s2+$0xFFFFFEF0] =	vst v3;
	v3 =	vmul.f32 v8, v2;
	v8 =	vld [tilespmem:s2+$0xFFFFFE50]  }
0x17c: {  	[tilespmem:s2+$0xFFFFFED0] =	vst v13;
	v23 =	vmul.f32 v11, v12;
	v11 =	vmul.f32 v17, v12;
	v17 =	vld [tilespmem:s2+$0xFFFFFE10]  }
0x17d: {  	v10 =	vmul.f32 v22, v19;
	[tilespmem:s2+$0xFFFFFEE0] =	vst v6;
	v6 =	vmul.f32 v24, v19  }
0x17e: {  	v15 =	vld [tilespmem:s2+$0xFFFFFF70];
	v12 =	vmul.f32 v16, v12;
	[tilespmem:s2+$0xFFFFFF30] =	vst v3;
	v3 =	vmul.f32 v18, v2  }
0x17f: {  	[tilespmem:s2+$0xFFFFFF40] =	vst v9;
	v16 =	vld [tilespmem:s2+$0xFFFFFF60];
	v9 =	vmul.f32 v7, v19;
	v7 =	vmul.f32 v63, v19  }
0x180: {  	[tilespmem:s2+$0xFFFFFFB0] =	vst v4;
	v13 =	vmul.f32 v14, v19;
	v14 =	vld [tilespmem:s2+$0xFFFFFFF0];
	v5 =	vmul.f32 v5, v19  }
0x181: {  	s6 =	simm.s32 $0x7;
	s9 =	simm.s32 $0x1D870;
	[tilespmem:s2+$0xFFFFFEB0] =	vst v23;
	v8 =	vmul.f32 v8, v19;
	v4 =	vmul.f32 v17, v19;
	v17 =	vld [tilespmem:s2+$0xFFFFFF80]  }
.LBB2_7:
0x182: {  	s10 =	sadd.s32 $0xFFFFFFFD, s6  }
0x183: {  	v18 =	vmov s6;
	v19 =	vld [tilespmem:s9+$0xFFFFFFE0];
	p0 =	sne.s32 s6, $0x4F;
	[tilespmem:s2+$0xFFFFFEA0] =	vst v11;
	s11 =	smov.u32 s6;
	s6 =	sadd.s32 $0x4, s6  }
0x184: {  	v11 =	vmov s10;
	s10 =	sadd.s32 $0xFFFFFFFE, s11;
	v20 =	vld [tilespmem:s9+$0x0];
	[tilespmem:s2+$0xFFFFFE90] =	vst v12;
	v12 =	vmul.f32 v15, v2  }
0x185: {  	v11 =	vand.u32 $0xFFFFFFFC, v11;
	v15 =	vmov s10;
	s10 =	sadd.s32 $0xFFFFFFFF, s11;
	v21 =	vld [tilespmem:s9+$0xFFFFFF00];
	[tilespmem:s2+$0xFFFFFE80] =	vst v13;
	v13 =	vmul.f32 v16, v2  }
0x186: {  	v11 =	vbroadcast v11, $0x0;
	v15 =	vand.u32 $0xFFFFFFFD, v15;
	v16 =	vmov s10;
	v22 =	vld [tilespmem:s9+$0xFFFFFF10];
	[tilespmem:s2+$0xFFFFFE70] =	vst v10  }
0x187: {  	v10 =	vbroadcast v15, $0x0;
	v15 =	vand.u32 $0xFFFFFFFE, v16;
	v16 =	vld [tilespmem:s9+$0xFFFFFF20];
	[tilespmem:s2+$0xFFFFFE60] =	vst v9;
	v2 =	vmul.f32 v17, v2  }
0x188: {  	v1 =	vmul.f32 v14, v1;
	v9 =	vbroadcast v15, $0x0;
	v15 =	vld [tilespmem:s9+$0xFFFFFF30];
	[tilespmem:s2+$0xFFFFFE50] =	vst v8  }
0x189: {  	v8 =	vld [tilespmem:s9+$0xFFFFFF40];
	[tilespmem:s2+$0xFFFFFF70] =	vst v12  }
0x18a: {  	[tilespmem:s2+$0xFFFFFE40] =	vst v7  }
0x18b: {  	[tilespmem:s2+$0xFFFFFF60] =	vst v13  }
0x18c: {  	v7 =	vld [tilespmem:s9+$0xFFFFFF90];
	[tilespmem:s2+$0xFFFFFE30] =	vst v5  }
0x18d: {  	v5 =	vld [tilespmem:s9+$0xFFFFFFA0];
	[tilespmem:s2+$0xFFFFFE20] =	vst v6  }
0x18e: {  	v6 =	vld [tilespmem:s9+$0xFFFFFFB0];
	[tilespmem:s2+$0xFFFFFF80] =	vst v2  }
0x18f: {  	v12 =	vld [tilespmem:s9+$0xFFFFFFC0];
	[tilespmem:s2+$0xFFFFFFF0] =	vst v1  }
0x190: {  	v13 =	vld [tilespmem:s9+$0xFFFFFFD0];
	[tilespmem:s2+$0xFFFFFF50] =	vst v3  }
0x191: {  	v3 =	vld [tilespmem:s9+$0xFFFFFF50];
	[tilespmem:s2+$0xFFFFFE10] =	vst v4;
	s2 =	smov.u32 s9  }
0x192: {  	v1 =	vld.idx.msk [tilespmem:v18+s22+$0x0], $0xffff  }
0x193: {  	v4 =	vld.idx.msk [tilespmem:v11+s22+$0x0], $0xffff  }
0x194: {  	v10 =	vld.idx.msk [tilespmem:v10+s22+$0x0], $0xffff  }
0x195: {  	v2 =	vld.idx.msk [tilespmem:v9+s22+$0x0], $0xffff  }
0x196: {  	v9 =	vld [tilespmem:s9+$0xFFFFFEF0]  }
0x197: {  	v11 =	vld [tilespmem:s9+$0xFFFFFEE0]  }
0x198: {  	v7 =	vmul.f32 v7, v1;
	v17 =	vmul.f32 v19, v1;
	v14 =	vld [tilespmem:s9+$0xFFFFFED0]  }
0x199: {  	v12 =	vmul.f32 v12, v1;
	v13 =	vmul.f32 v13, v1;
	v18 =	vld [tilespmem:s9+$0xFFFFFEC0]  }
0x19a: {  	v5 =	vmul.f32 v5, v1;
	v21 =	vmul.f32 v21, v10;
	v19 =	vld [tilespmem:s9+$0xFFFFFEB0];
	[tilespmem:s9+$0xFFFFFFE0] =	vst v17  }
0x19b: {  	v22 =	vmul.f32 v22, v2;
	v17 =	vld [tilespmem:s9+$0xFFFFFEA0];
	v9 =	vmul.f32 v9, v10;
	[tilespmem:s9+$0xFFFFFFD0] =	vst v13  }
0x19c: {  	v16 =	vmul.f32 v16, v2;
	v13 =	vld [tilespmem:s9+$0xFFFFFE90];
	v23 =	vmul.f32 v11, v10;
	[tilespmem:s9+$0xFFFFFFC0] =	vst v12  }
0x19d: {  	v15 =	vmul.f32 v15, v2;
	v24 =	vld [tilespmem:s9+$0xFFFFFE80];
	v14 =	vmul.f32 v14, v10;
	[tilespmem:s9+$0xFFFFFF90] =	vst v7  }
0x19e: {  	v25 =	vmul.f32 v8, v2;
	v7 =	vld [tilespmem:s9+$0xFFFFFE70];
	v18 =	vmul.f32 v18, v10;
	[tilespmem:s9+$0xFFFFFFA0] =	vst v5  }
0x19f: {  	v20 =	vmul.f32 v20, v1;
	v5 =	vld [tilespmem:s9+$0xFFFFFE60];
	v19 =	vmul.f32 v19, v10;
	[tilespmem:s9+$0xFFFFFF00] =	vst v21  }
0x1a0: {  	v3 =	vmul.f32 v3, v2;
	v8 =	vld [tilespmem:s9+$0xFFFFFE50];
	v11 =	vmul.f32 v17, v10;
	[tilespmem:s9+$0xFFFFFEF0] =	vst v9  }
0x1a1: {  	v6 =	vmul.f32 v6, v1;
	v17 =	vld [tilespmem:s9+$0xFFFFFE40];
	v12 =	vmul.f32 v13, v10;
	[tilespmem:s9+$0xFFFFFF10] =	vst v22  }
0x1a2: {  	v21 =	vld [tilespmem:s9+$0xFFFFFE30];
	v13 =	vmul.f32 v24, v4;
	[tilespmem:s9+$0xFFFFFF20] =	vst v16  }
0x1a3: {  	v16 =	vld [tilespmem:s9+$0xFFFFFE20];
	v10 =	vmul.f32 v7, v4;
	[tilespmem:s9+$0xFFFFFF30] =	vst v15  }
0x1a4: {  	v22 =	vld [tilespmem:s9+$0xFFFFFE10];
	v9 =	vmul.f32 v5, v4;
	[tilespmem:s9+$0xFFFFFEE0] =	vst v23  }
0x1a5: {  	v8 =	vmul.f32 v8, v4;
	[tilespmem:s9+$0x0] =	vst v20  }
.Ltmp2:
0x1a6: {  	v7 =	vmul.f32 v17, v4;
	[tilespmem:s9+$0xFFFFFED0] =	vst v14;
	(pc) =	sbr.rel @p0 .LBB2_7-.Ltmp2, $4  }
0x1a7: {  	v5 =	vmul.f32 v21, v4;
	v15 =	vld [tilespmem:s9+$0xFFFFFF70];
	[tilespmem:s9+$0xFFFFFFB0] =	vst v6  }
0x1a8: {  	v6 =	vmul.f32 v16, v4;
	[tilespmem:s9+$0xFFFFFF40] =	vst v25;
	v16 =	vld [tilespmem:s9+$0xFFFFFF60]  }
0x1a9: {  	v4 =	vmul.f32 v22, v4;
	[tilespmem:s9+$0xFFFFFEC0] =	vst v18;
	v14 =	vld [tilespmem:s9+$0xFFFFFFF0]  }
0x1aa: {  	s9 =	sadd.s32 $0x200, s9;
	[tilespmem:s2+$0xFFFFFEB0] =	vst v19;
	v17 =	vld [tilespmem:s2+$0xFFFFFF80]  }
0x1ab: {  	[tilespmem:s2+$0xFFFFFEA0] =	vst v11  }
0x1ac: {  	[tilespmem:s2+$0xFFFFFE90] =	vst v12  }
0x1ad: {  	[tilespmem:s2+$0xFFFFFE80] =	vst v13  }
0x1ae: {  	[tilespmem:s2+$0xFFFFFE70] =	vst v10  }
0x1af: {  	[tilespmem:s2+$0xFFFFFE60] =	vst v9  }
0x1b0: {  	[tilespmem:s2+$0xFFFFFE50] =	vst v8  }
0x1b1: {  	[tilespmem:s2+$0xFFFFFE40] =	vst v7  }
0x1b2: {  	[tilespmem:s2+$0xFFFFFE30] =	vst v5  }
0x1b3: {  	[tilespmem:s2+$0xFFFFFE20] =	vst v6  }
0x1b4: {  	[tilespmem:s2+$0xFFFFFF50] =	vst v3;
	v51 =	vmul.f32 v15, v2  }
0x1b5: {  	[tilespmem:s2+$0xFFFFFE10] =	vst v4;
	v52 =	vmul.f32 v16, v2  }
0x1b6: {  	[tilespmem:s2+$0xFFFFFF70] =	vst v51;
	v1 =	vmul.f32 v14, v1  }
0x1b7: {  	[tilespmem:s2+$0xFFFFFF60] =	vst v52;
	v2 =	vmul.f32 v17, v2  }
0x1b8: {  	[tilespmem:s2+$0xFFFFFFF0] =	vst v1  }
0x1b9: {  	[tilespmem:s2+$0xFFFFFF80] =	vst v2  }
0x1ba: {  	[spmem:s4] =	stream.indirect.scatter.add.f32 [tilespmem:s15], [sflag:$0x4], $0x80, s23, s13, $0xb8;
	[tilespmem:$0x1FC80] =	vst v63  }
0x1bb: {  	_ = 	snop  }
0x1bc: {  	[spmem:s5] =	stream.indirect.scatter.add.f32 [tilespmem:s24], [sflag:$0x6], $0x1, s23, s13, $0xb8;
	[tilespmem:$0x1FC80] =	vst v63  }
0x1bd: {  	_ =	swait.ge [sflag:s25], $0x2800  }
0x1be: {  	[sflag:s25] =	ssyncset.done $0x0  }
0x1bf: {  	[sflag:s25] =	ssyncadd.s32 $0xFFFFD800  }
0x1c0: {  	_ =	swait.ge [sflag:s26], $0x50  }
0x1c1: {  	[sflag:s26] =	ssyncset.done $0x0  }
0x1c2: {  	s28 =	simm.s32 $0x19A20;
	[sflag:s26] =	ssyncadd.s32 $0xFFFFFFB0  }
0x1c3: {  	[tilespmem:s0], [sflag:$0x1] =	stream.indirect.gather [hbm4b:s1+s13], $0x80, s28, s13, $0xb8;
	[tilespmem:$0x1FC80] =	vst v63  }
0x1c4: {  	v1 =	vld [tilespmem:$0x19220]  }
0x1c5: {  	v2 =	vld [tilespmem:$0x19A20];
	_ =	sdelay $0x6  }
0x1c6: {  	v3 =	vld.idx.msk [tilespmem:v1+s29+$0x0], $0xffff  }
0x1c7: {  	v2 =	vld.idx.msk [tilespmem:v2+s31+$0x0], $0xffff;
	_ =	sdelay $0x3  }
0x1c8: {  	v53 =	vld [tilespmem:$0x19230]  }
0x1c9: {  	v2 =	vadd.f32 v2, v3;
	v3 =	vld [tilespmem:$0x1A220]  }
0x1ca: {  	v55 =	vld [tilespmem:$0x19A30]  }
0x1cb: {  	v54 =	vmul.f32 $2.000000030e-01, v2  }
0x1cc: {  	vm0 =	vgt.f32 v2, $0.0e+00  }
0x1cd: {  	v2 =	vsel vm0, v2, v54  }
0x1ce: {  	[tilespmem:$0x1AB80] =	vst v1;
	v3 =	vmul.f32 v2, v3  }
0x1cf: {  	[tilespmem:$0x1A980] =	vst v2  }
0x1d0: {  	[tilespmem:$0x1AA80] =	vst v3  }
0x1d1: {  	v1 =	vld.idx.msk [tilespmem:v53+s29+$0x0], $0xffff  }
0x1d2: {  	v2 =	vld.idx.msk [tilespmem:v55+s31+$0x0], $0xffff;
	_ =	sdelay $0x3  }
0x1d3: {  	v3 =	vld [tilespmem:$0x19240]  }
0x1d4: {  	v1 =	vadd.f32 v2, v1;
	v2 =	vld [tilespmem:$0x1A230]  }
0x1d5: {  	v57 =	vld [tilespmem:$0x19A40]  }
0x1d6: {  	v56 =	vmul.f32 $2.000000030e-01, v1  }
0x1d7: {  	vm12 =	vgt.f32 v1, $0.0e+00  }
0x1d8: {  	v1 =	vsel vm12, v1, v56  }
0x1d9: {  	[tilespmem:$0x1AB90] =	vst v53;
	v2 =	vmul.f32 v1, v2  }
0x1da: {  	[tilespmem:$0x1A990] =	vst v1  }
0x1db: {  	[tilespmem:$0x1AA90] =	vst v2  }
0x1dc: {  	v1 =	vld.idx.msk [tilespmem:v3+s29+$0x0], $0xffff  }
0x1dd: {  	v2 =	vld.idx.msk [tilespmem:v57+s31+$0x0], $0xffff;
	_ =	sdelay $0x3  }
0x1de: {  	v58 =	vld [tilespmem:$0x19250]  }
0x1df: {  	v1 =	vadd.f32 v2, v1;
	v2 =	vld [tilespmem:$0x1A240]  }
0x1e0: {  	v60 =	vld [tilespmem:$0x19A50]  }
0x1e1: {  	v59 =	vmul.f32 $2.000000030e-01, v1  }
0x1e2: {  	vm13 =	vgt.f32 v1, $0.0e+00  }
0x1e3: {  	v1 =	vsel vm13, v1, v59  }
0x1e4: {  	[tilespmem:$0x1ABA0] =	vst v3;
	v2 =	vmul.f32 v1, v2  }
0x1e5: {  	[tilespmem:$0x1A9A0] =	vst v1  }
0x1e6: {  	[tilespmem:$0x1AAA0] =	vst v2  }
0x1e7: {  	v1 =	vld.idx.msk [tilespmem:v58+s29+$0x0], $0xffff  }
0x1e8: {  	v2 =	vld.idx.msk [tilespmem:v60+s31+$0x0], $0xffff;
	_ =	sdelay $0x3  }
0x1e9: {  	v3 =	vld [tilespmem:$0x19260]  }
0x1ea: {  	v1 =	vadd.f32 v2, v1;
	v2 =	vld [tilespmem:$0x1A250]  }
0x1eb: {  	v62 =	vld [tilespmem:$0x19A60]  }
0x1ec: {  	v61 =	vmul.f32 $2.000000030e-01, v1  }
0x1ed: {  	vm14 =	vgt.f32 v1, $0.0e+00  }
0x1ee: {  	v1 =	vsel vm14, v1, v61  }
0x1ef: {  	[tilespmem:$0x1ABB0] =	vst v58;
	v2 =	vmul.f32 v1, v2  }
0x1f0: {  	[tilespmem:$0x1A9B0] =	vst v1  }
0x1f1: {  	[tilespmem:$0x1AAB0] =	vst v2  }
0x1f2: {  	v1 =	vld.idx.msk [tilespmem:v3+s29+$0x0], $0xffff  }
0x1f3: {  	v2 =	vld.idx.msk [tilespmem:v62+s31+$0x0], $0xffff;
	_ =	sdelay $0x4  }
0x1f4: {  	v1 =	vadd.f32 v2, v1;
	v2 =	vld [tilespmem:$0x1A260];
	_ =	sdelay $0x1  }
0x1f5: {  	v63 =	vmul.f32 $2.000000030e-01, v1  }
0x1f6: {  	vm15 =	vgt.f32 v1, $0.0e+00  }
0x1f7: {  	v1 =	vsel vm15, v1, v63  }
0x1f8: {  	[tilespmem:$0x1ABC0] =	vst v3;
	v2 =	vmul.f32 v1, v2  }
0x1f9: {  	[tilespmem:$0x1A9C0] =	vst v1  }
0x1fa: {  	s2 =	simm.s32 $0x0;
	[tilespmem:$0x1AAC0] =	vst v2  }
.LBB2_9:
0x1fb: {  	_ =	swait.ge [sflag:s20], $0x2800  }
0x1fc: {  	[sflag:s20] =	ssyncset.done $0x0  }
0x1fd: {  	[sflag:s20] =	ssyncadd.s32 $0xFFFFD800  }
0x1fe: {  	s6 =	smul.u32 $0xA0, s2;
	_ =	swait.ge [sflag:s12], $0x50  }
0x1ff: {  	[sflag:s12] =	ssyncset.done $0x0  }
0x200: {  	s9 =	sadd.s32 $0x19A70, s6;
	[sflag:s12] =	ssyncadd.s32 $0xFFFFFFB0  }
0x201: {  	[tilespmem:s15], [sflag:$0x2] =	stream.indirect.gather [hbm4b:s1+s13], $0x80, s9, s13, $0xb8;
	[tilespmem:$0x1FC80] =	vst v63  }
0x202: {  	v1 =	vld [tilespmem:s6+$0x19270]  }
0x203: {  	v2 =	vld [tilespmem:s6+$0x19A70];
	_ =	sdelay $0x6  }
0x204: {  	v3 =	vld.idx.msk [tilespmem:v1+s29+$0x0], $0xffff  }
0x205: {  	v2 =	vld.idx.msk [tilespmem:v2+s31+$0x0], $0xffff;
	_ =	sdelay $0x4  }
0x206: {  	v2 =	vadd.f32 v2, v3;
	_ =	sdelay $0x1  }
0x207: {  	v3 =	vmul.f32 $2.000000030e-01, v2  }
0x208: {  	vm0 =	vgt.f32 v2, $0.0e+00  }
0x209: {  	v2 =	vsel vm0, v2, v3  }
0x20a: {  	[tilespmem:$0x1AA00] =	vst v2  }
0x20b: {  	v3 =	vld [tilespmem:s6+$0x1A270];
	_ =	sdelay $0x4  }
0x20c: {  	v2 =	vmul.f32 v2, v3  }
0x20d: {  	s14 =	sand.u32 $0x60, s6;
	s9 =	sand.u32 $0xF80, s6;
	[tilespmem:$0x1AC00] =	vst v1  }
0x20e: {  	s10 =	sor.u32 s14, s9;
	[tilespmem:$0x1AB00] =	vst v2  }
0x20f: {  	v1 =	vld [tilespmem:s10+$0x19280]  }
0x210: {  	v2 =	vld [tilespmem:s10+$0x19A80];
	_ =	sdelay $0x6  }
0x211: {  	v3 =	vld.idx.msk [tilespmem:v1+s29+$0x0], $0xffff  }
0x212: {  	v2 =	vld.idx.msk [tilespmem:v2+s31+$0x0], $0xffff;
	_ =	sdelay $0x4  }
0x213: {  	v2 =	vadd.f32 v2, v3;
	_ =	sdelay $0x1  }
0x214: {  	v3 =	vmul.f32 $2.000000030e-01, v2  }
0x215: {  	vm12 =	vgt.f32 v2, $0.0e+00  }
0x216: {  	v2 =	vsel vm12, v2, v3  }
0x217: {  	[tilespmem:$0x1AA10] =	vst v2  }
0x218: {  	v3 =	vld [tilespmem:s10+$0x1A280];
	_ =	sdelay $0x4  }
0x219: {  	v2 =	vmul.f32 v2, v3  }
0x21a: {  	[tilespmem:$0x1AC10] =	vst v1  }
0x21b: {  	[tilespmem:$0x1AB10] =	vst v2  }
0x21c: {  	v1 =	vld [tilespmem:s6+$0x19290]  }
0x21d: {  	v2 =	vld [tilespmem:s6+$0x19A90];
	_ =	sdelay $0x6  }
0x21e: {  	v3 =	vld.idx.msk [tilespmem:v1+s29+$0x0], $0xffff  }
0x21f: {  	v2 =	vld.idx.msk [tilespmem:v2+s31+$0x0], $0xffff;
	_ =	sdelay $0x4  }
0x220: {  	v2 =	vadd.f32 v2, v3;
	_ =	sdelay $0x1  }
0x221: {  	v3 =	vmul.f32 $2.000000030e-01, v2  }
0x222: {  	vm13 =	vgt.f32 v2, $0.0e+00  }
0x223: {  	v2 =	vsel vm13, v2, v3  }
0x224: {  	[tilespmem:$0x1AA20] =	vst v2  }
0x225: {  	v3 =	vld [tilespmem:s6+$0x1A290];
	_ =	sdelay $0x4  }
0x226: {  	v2 =	vmul.f32 v2, v3  }
0x227: {  	[tilespmem:$0x1AC20] =	vst v1  }
0x228: {  	[tilespmem:$0x1AB20] =	vst v2  }
0x229: {  	v1 =	vld [tilespmem:s6+$0x192A0]  }
0x22a: {  	v2 =	vld [tilespmem:s6+$0x19AA0];
	_ =	sdelay $0x6  }
0x22b: {  	v3 =	vld.idx.msk [tilespmem:v1+s29+$0x0], $0xffff  }
0x22c: {  	v2 =	vld.idx.msk [tilespmem:v2+s31+$0x0], $0xffff;
	_ =	sdelay $0x4  }
0x22d: {  	v2 =	vadd.f32 v2, v3;
	_ =	sdelay $0x1  }
0x22e: {  	v3 =	vmul.f32 $2.000000030e-01, v2  }
0x22f: {  	vm14 =	vgt.f32 v2, $0.0e+00  }
0x230: {  	v2 =	vsel vm14, v2, v3  }
0x231: {  	[tilespmem:$0x1AA30] =	vst v2  }
0x232: {  	v3 =	vld [tilespmem:s6+$0x1A2A0];
	_ =	sdelay $0x4  }
0x233: {  	v2 =	vmul.f32 v2, v3  }
0x234: {  	[tilespmem:$0x1AC30] =	vst v1  }
0x235: {  	[tilespmem:$0x1AB30] =	vst v2  }
0x236: {  	v1 =	vld [tilespmem:s6+$0x192B0]  }
0x237: {  	v2 =	vld [tilespmem:s6+$0x19AB0];
	_ =	sdelay $0x6  }
0x238: {  	v3 =	vld.idx.msk [tilespmem:v1+s29+$0x0], $0xffff  }
0x239: {  	v2 =	vld.idx.msk [tilespmem:v2+s31+$0x0], $0xffff;
	_ =	sdelay $0x4  }
0x23a: {  	v2 =	vadd.f32 v2, v3;
	_ =	sdelay $0x1  }
0x23b: {  	v3 =	vmul.f32 $2.000000030e-01, v2  }
0x23c: {  	vm15 =	vgt.f32 v2, $0.0e+00  }
0x23d: {  	v2 =	vsel vm15, v2, v3  }
0x23e: {  	[tilespmem:$0x1AA40] =	vst v2  }
0x23f: {  	v3 =	vld [tilespmem:s6+$0x1A2B0];
	_ =	sdelay $0x4  }
0x240: {  	v2 =	vmul.f32 v2, v3  }
0x241: {  	[tilespmem:$0x1AC40] =	vst v1  }
0x242: {  	[tilespmem:$0x1AB40] =	vst v2  }
0x243: {  	_ =	swait.ge [sflag:s16], $0x2800  }
0x244: {  	[sflag:s16] =	ssyncset.done $0x0  }
0x245: {  	s28 =	simm.s32 $0x1AD80;
	[sflag:s16] =	ssyncadd.s32 $0xFFFFD800  }
0x246: {  	v3 =	vld [tilespmem:s28+$0xD0]  }
0x247: {  	v4 =	vld [tilespmem:s28+$0xF0]  }
0x248: {  	v5 =	vld [tilespmem:s28+$0xFFFFFFF0]  }
0x249: {  	v6 =	vld [tilespmem:s28+$0x0]  }
0x24a: {  	v7 =	vld [tilespmem:s28+$0x10]  }
0x24b: {  	s7 =	simm.s32 $0x0;
	v8 =	vld [tilespmem:s28+$0x20]  }
0x24c: {  	s8 =	simm.s32 $0x1;
	v1 =	vmov s7;
	v9 =	vld [tilespmem:s28+$0x30]  }
0x24d: {  	v12 =	vmov s8;
	v1 =	vand.u32 $0xFFFFFFFC, v1;
	v10 =	vld [tilespmem:s28+$0x50]  }
0x24e: {  	s11 =	simm.s32 $0x3;
	v14 =	vbroadcast v1, $0x0;
	v1 =	vand.u32 $0xFFFFFFFD, v12;
	v11 =	vld [tilespmem:s28+$0x60]  }
0x24f: {  	v15 =	vbroadcast v1, $0x0;
	v2 =	vmov s11;
	s11 =	simm.s32 $0x2;
	v13 =	vld [tilespmem:s28+$0x80]  }
0x250: {  	v12 =	vmov s11;
	v16 =	vld [tilespmem:s28+$0x90]  }
0x251: {  	v1 =	vand.u32 $0xFFFFFFFE, v12;
	v12 =	vld [tilespmem:s28+$0xA0]  }
0x252: {  	v18 =	vld [tilespmem:s28+$0x40]  }
0x253: {  	v19 =	vld [tilespmem:s28+$0xB0]  }
0x254: {  	v21 =	vld.idx.msk [tilespmem:v14+s17+$0x0], $0xffff  }
0x255: {  	v14 =	vld.idx.msk [tilespmem:v15+s17+$0x0], $0xffff  }
0x256: {  	v17 =	vbroadcast v1, $0x0;
	v23 =	vld [tilespmem:s28+$0xFFFFFFB0]  }
0x257: {  	v1 =	vld.idx.msk [tilespmem:v2+s17+$0x0], $0xffff  }
0x258: {  	v20 =	vld [tilespmem:s28+$0xC0]  }
0x259: {  	v15 =	vld [tilespmem:s28+$0xFFFFFFE0]  }
0x25a: {  	v22 =	vld [tilespmem:s28+$0xFFFFFFC0];
	v5 =	vmul.f32 v5, v14  }
0x25b: {  	v61 =	vld [tilespmem:s28+$0xFFFFFF90];
	v23 =	vmul.f32 v23, v14  }
0x25c: {  	v2 =	vld.idx.msk [tilespmem:v17+s17+$0x0], $0xffff;
	v3 =	vmul.f32 v3, v1;
	[tilespmem:s28+$0xFFFFFFF0] =	vst v5  }
0x25d: {  	v24 =	vld [tilespmem:s28+$0xFFFFFF60];
	v20 =	vmul.f32 v20, v1;
	[tilespmem:s28+$0xFFFFFFB0] =	vst v23  }
0x25e: {  	v62 =	vld [tilespmem:s28+$0xFFFFFF40];
	v13 =	vmul.f32 v13, v1;
	[tilespmem:s28+$0xD0] =	vst v3  }
0x25f: {  	v25 =	vld [tilespmem:s28+$0xFFFFFF30];
	v19 =	vmul.f32 v19, v1;
	[tilespmem:s28+$0xC0] =	vst v20  }
0x260: {  	v63 =	vld [tilespmem:s28+$0xFFFFFF10];
	v5 =	vmul.f32 v15, v14;
	[tilespmem:s28+$0x80] =	vst v13  }
0x261: {  	v17 =	vld [tilespmem:s28+$0xFFFFFFD0];
	v4 =	vmul.f32 v4, v1;
	[tilespmem:s28+$0xB0] =	vst v19  }
0x262: {  	v15 =	vmul.f32 v22, v14;
	v3 =	vld [tilespmem:s28+$0xFFFFFFA0];
	[tilespmem:s28+$0xFFFFFFE0] =	vst v5;
	v5 =	vmul.f32 v61, v14  }
0x263: {  	v13 =	vld [tilespmem:s28+$0xFFFFFF80];
	[tilespmem:s28+$0xF0] =	vst v4;
	v6 =	vmul.f32 v6, v2;
	v7 =	vmul.f32 v7, v2  }
0x264: {  	v19 =	vld [tilespmem:s28+$0xFFFFFF70];
	[tilespmem:s28+$0xFFFFFFC0] =	vst v15;
	v8 =	vmul.f32 v8, v2;
	v9 =	vmul.f32 v9, v2  }
0x265: {  	v26 =	vld [tilespmem:s28+$0xFFFFFF00];
	v15 =	vmul.f32 v11, v2;
	v11 =	vmul.f32 v62, v21;
	[tilespmem:s28+$0x0] =	vst v6  }
0x266: {  	v6 =	vmul.f32 v17, v14;
	v17 =	vld [tilespmem:s28+$0xFFFFFF50];
	[tilespmem:s28+$0x30] =	vst v9;
	v9 =	vmul.f32 v24, v21  }
0x267: {  	[tilespmem:s28+$0x10] =	vst v7;
	v4 =	vmul.f32 v3, v14;
	v3 =	vmul.f32 v18, v2;
	v18 =	vld [tilespmem:s28+$0xFFFFFF20]  }
0x268: {  	[tilespmem:s28+$0x20] =	vst v8;
	v7 =	vmul.f32 v13, v14;
	v14 =	vmul.f32 v12, v1  }
0x269: {  	v8 =	vmul.f32 v19, v21;
	[tilespmem:s28+$0xFFFFFFD0] =	vst v6;
	v6 =	vmul.f32 v10, v2  }
0x26a: {  	v13 =	vmul.f32 v16, v1;
	v12 =	vmul.f32 v25, v21;
	[tilespmem:s28+$0xA0] =	vst v14  }
0x26b: {  	v16 =	vld [tilespmem:s28+$0xE0];
	v14 =	vmul.f32 v63, v21;
	[tilespmem:s28+$0x50] =	vst v6;
	v6 =	vmul.f32 v26, v21  }
0x26c: {  	s10 =	simm.s32 $0x7;
	s11 =	simm.s32 $0x1AF80;
	[tilespmem:s28+$0x90] =	vst v13;
	v10 =	vmul.f32 v17, v21;
	v17 =	vld [tilespmem:s28+$0x70];
	v13 =	vmul.f32 v18, v21  }
.LBB2_10:
0x26d: {  	s8 =	sadd.s32 $0xFFFFFFFD, s10  }
0x26e: {  	v18 =	vmov s10;
	v19 =	vld [tilespmem:s11+$0xD0];
	p0 =	sne.s32 s10, $0x4F;
	[tilespmem:s28+$0x60] =	vst v15;
	s7 =	smov.u32 s10;
	s10 =	sadd.s32 $0x4, s10  }
0x26f: {  	v15 =	vmov s8;
	s8 =	sadd.s32 $0xFFFFFFFE, s7;
	v20 =	vld [tilespmem:s11+$0xF0];
	[tilespmem:s28+$0xFFFFFFA0] =	vst v4  }
0x270: {  	s7 =	sadd.s32 $0xFFFFFFFF, s7;
	v4 =	vand.u32 $0xFFFFFFFC, v15;
	v15 =	vmov s8;
	v21 =	vld [tilespmem:s11+$0xFFFFFFF0];
	[tilespmem:s28+$0xFFFFFF90] =	vst v5  }
0x271: {  	v4 =	vbroadcast v4, $0x0;
	v5 =	vand.u32 $0xFFFFFFFD, v15;
	v15 =	vmov s7;
	v22 =	vld [tilespmem:s11+$0x0];
	[tilespmem:s28+$0xFFFFFF80] =	vst v7  }
0x272: {  	v5 =	vbroadcast v5, $0x0;
	v7 =	vand.u32 $0xFFFFFFFE, v15;
	v15 =	vld [tilespmem:s11+$0x10];
	[tilespmem:s28+$0xFFFFFF70] =	vst v8;
	v2 =	vmul.f32 v17, v2  }
0x273: {  	v1 =	vmul.f32 v16, v1;
	v7 =	vbroadcast v7, $0x0;
	v8 =	vld [tilespmem:s11+$0x20];
	[tilespmem:s28+$0xFFFFFF60] =	vst v9  }
0x274: {  	v9 =	vld [tilespmem:s11+$0x30];
	[tilespmem:s28+$0xFFFFFF50] =	vst v10  }
0x275: {  	v10 =	vld [tilespmem:s11+$0x50];
	[tilespmem:s28+$0xFFFFFF40] =	vst v11  }
0x276: {  	v11 =	vld [tilespmem:s11+$0x60];
	[tilespmem:s28+$0xFFFFFF30] =	vst v12  }
0x277: {  	v12 =	vld [tilespmem:s11+$0x80];
	[tilespmem:s28+$0xFFFFFF20] =	vst v13  }
0x278: {  	v13 =	vld [tilespmem:s11+$0x90];
	[tilespmem:s28+$0xFFFFFF10] =	vst v14  }
0x279: {  	v14 =	vld [tilespmem:s11+$0xA0];
	[tilespmem:s28+$0x40] =	vst v3  }
0x27a: {  	v3 =	vld [tilespmem:s11+$0x40];
	[tilespmem:s28+$0x70] =	vst v2  }
0x27b: {  	v16 =	vld [tilespmem:s11+$0xB0];
	[tilespmem:s28+$0xE0] =	vst v1  }
0x27c: {  	v17 =	vld [tilespmem:s11+$0xC0];
	[tilespmem:s28+$0xFFFFFF00] =	vst v6;
	s28 =	smov.u32 s11  }
0x27d: {  	v1 =	vld.idx.msk [tilespmem:v18+s17+$0x0], $0xffff  }
0x27e: {  	v6 =	vld.idx.msk [tilespmem:v4+s17+$0x0], $0xffff  }
0x27f: {  	v18 =	vld.idx.msk [tilespmem:v5+s17+$0x0], $0xffff  }
0x280: {  	v2 =	vld.idx.msk [tilespmem:v7+s17+$0x0], $0xffff  }
0x281: {  	v4 =	vld [tilespmem:s11+$0xFFFFFFE0]  }
0x282: {  	v5 =	vld [tilespmem:s11+$0xFFFFFFD0]  }
0x283: {  	v19 =	vmul.f32 v19, v1;
	v20 =	vmul.f32 v20, v1;
	v7 =	vld [tilespmem:s11+$0xFFFFFFC0]  }
0x284: {  	v12 =	vmul.f32 v12, v1;
	v17 =	vmul.f32 v17, v1;
	v23 =	vld [tilespmem:s11+$0xFFFFFFB0]  }
0x285: {  	v16 =	vmul.f32 v16, v1;
	v21 =	vmul.f32 v21, v18;
	v24 =	vld [tilespmem:s11+$0xFFFFFFA0];
	[tilespmem:s11+$0xD0] =	vst v19  }
0x286: {  	v22 =	vmul.f32 v22, v2;
	v19 =	vld [tilespmem:s11+$0xFFFFFF90];
	v25 =	vmul.f32 v4, v18;
	[tilespmem:s11+$0xC0] =	vst v17  }
0x287: {  	v27 =	vmul.f32 v15, v2;
	v17 =	vld [tilespmem:s11+$0xFFFFFF80];
	v26 =	vmul.f32 v5, v18;
	[tilespmem:s11+$0x80] =	vst v12  }
0x288: {  	v29 =	vmul.f32 v8, v2;
	v12 =	vld [tilespmem:s11+$0xFFFFFF70];
	v28 =	vmul.f32 v7, v18;
	[tilespmem:s11+$0xB0] =	vst v16  }
0x289: {  	v16 =	vld [tilespmem:s11+$0xFFFFFF60];
	v23 =	vmul.f32 v23, v18;
	[tilespmem:s11+$0xFFFFFFF0] =	vst v21;
	v21 =	vmul.f32 v9, v2  }
0x28a: {  	v3 =	vmul.f32 v3, v2;
	v30 =	vld [tilespmem:s11+$0xFFFFFF50];
	v4 =	vmul.f32 v24, v18;
	[tilespmem:s11+$0x0] =	vst v22  }
0x28b: {  	v22 =	vld [tilespmem:s11+$0xFFFFFF40];
	v5 =	vmul.f32 v19, v18;
	v19 =	vmul.f32 v10, v2;
	[tilespmem:s11+$0xF0] =	vst v20  }
0x28c: {  	v15 =	vmul.f32 v11, v2;
	v20 =	vld [tilespmem:s11+$0xFFFFFF30];
	v7 =	vmul.f32 v17, v18;
	[tilespmem:s11+$0xFFFFFFE0] =	vst v25  }
0x28d: {  	v18 =	vmul.f32 v13, v1;
	v17 =	vld [tilespmem:s11+$0xFFFFFF20];
	v8 =	vmul.f32 v12, v6;
	[tilespmem:s11+$0x10] =	vst v27  }
0x28e: {  	v24 =	vld [tilespmem:s11+$0xFFFFFF10];
	v9 =	vmul.f32 v16, v6;
	[tilespmem:s11+$0xFFFFFFD0] =	vst v26;
	v16 =	vmul.f32 v14, v1  }
0x28f: {  	v25 =	vld [tilespmem:s11+$0xFFFFFF00];
	v10 =	vmul.f32 v30, v6;
	[tilespmem:s11+$0xFFFFFFC0] =	vst v28  }
0x290: {  	v11 =	vmul.f32 v22, v6;
	[tilespmem:s11+$0x20] =	vst v29  }
.Ltmp3:
0x291: {  	v12 =	vmul.f32 v20, v6;
	[tilespmem:s11+$0x30] =	vst v21;
	(pc) =	sbr.rel @p0 .LBB2_10-.Ltmp3, $4  }
0x292: {  	v13 =	vmul.f32 v17, v6;
	[tilespmem:s11+$0x50] =	vst v19  }
0x293: {  	v14 =	vmul.f32 v24, v6;
	[tilespmem:s11+$0x90] =	vst v18  }
0x294: {  	v6 =	vmul.f32 v25, v6;
	[tilespmem:s11+$0xA0] =	vst v16;
	v16 =	vld [tilespmem:s11+$0xE0]  }
0x295: {  	s11 =	sadd.s32 $0x200, s11;
	[tilespmem:s28+$0xFFFFFFB0] =	vst v23;
	v17 =	vld [tilespmem:s28+$0x70]  }
0x296: {  	[tilespmem:s28+$0x60] =	vst v15  }
0x297: {  	[tilespmem:s28+$0xFFFFFFA0] =	vst v4  }
0x298: {  	[tilespmem:s28+$0xFFFFFF90] =	vst v5  }
0x299: {  	[tilespmem:s28+$0xFFFFFF80] =	vst v7  }
0x29a: {  	[tilespmem:s28+$0xFFFFFF70] =	vst v8  }
0x29b: {  	[tilespmem:s28+$0xFFFFFF60] =	vst v9  }
0x29c: {  	[tilespmem:s28+$0xFFFFFF50] =	vst v10  }
0x29d: {  	[tilespmem:s28+$0xFFFFFF40] =	vst v11  }
0x29e: {  	[tilespmem:s28+$0xFFFFFF30] =	vst v12  }
0x29f: {  	[tilespmem:s28+$0xFFFFFF20] =	vst v13  }
0x2a0: {  	[tilespmem:s28+$0xFFFFFF10] =	vst v14  }
0x2a1: {  	[tilespmem:s28+$0x40] =	vst v3;
	v1 =	vmul.f32 v16, v1  }
0x2a2: {  	[tilespmem:s28+$0xFFFFFF00] =	vst v6;
	v2 =	vmul.f32 v17, v2  }
0x2a3: {  	[tilespmem:s28+$0xE0] =	vst v1  }
0x2a4: {  	[tilespmem:s28+$0x70] =	vst v2  }
0x2a5: {  	[spmem:s4] =	stream.indirect.scatter.add.f32 [tilespmem:s0], [sflag:$0x3], $0x80, s18, s13, $0xb8;
	[tilespmem:$0x1FC80] =	vst v63  }
0x2a6: {  	_ = 	snop  }
0x2a7: {  	[spmem:s5] =	stream.indirect.scatter.add.f32 [tilespmem:s19], [sflag:$0x5], $0x1, s18, s13, $0xb8;
	[tilespmem:$0x1FC80] =	vst v63  }
0x2a8: {  	_ =	swait.ge [sflag:s21], $0x2800  }
0x2a9: {  	[sflag:s21] =	ssyncset.done $0x0  }
0x2aa: {  	s28 =	simm.s32 $0x1D670;
	[sflag:s21] =	ssyncadd.s32 $0xFFFFD800  }
0x2ab: {  	v3 =	vld [tilespmem:s28+$0xFFFFFFE0]  }
0x2ac: {  	v4 =	vld [tilespmem:s28+$0x0]  }
0x2ad: {  	v5 =	vld [tilespmem:s28+$0xFFFFFF00]  }
0x2ae: {  	v6 =	vld [tilespmem:s28+$0xFFFFFF10]  }
0x2af: {  	v7 =	vld [tilespmem:s28+$0xFFFFFF20]  }
0x2b0: {  	s7 =	simm.s32 $0x0;
	v8 =	vld [tilespmem:s28+$0xFFFFFF30]  }
0x2b1: {  	s8 =	simm.s32 $0x3;
	s10 =	simm.s32 $0x1;
	v1 =	vmov s7;
	v9 =	vld [tilespmem:s28+$0xFFFFFF40]  }
0x2b2: {  	s11 =	simm.s32 $0x2;
	v10 =	vmov s10;
	v2 =	vmov s8;
	v1 =	vand.u32 $0xFFFFFFFC, v1;
	v11 =	vld [tilespmem:s28+$0xFFFFFF90]  }
0x2b3: {  	v12 =	vbroadcast v1, $0x0;
	v1 =	vand.u32 $0xFFFFFFFD, v10;
	v10 =	vmov s11;
	v13 =	vld [tilespmem:s28+$0xFFFFFFA0]  }
0x2b4: {  	v14 =	vbroadcast v1, $0x0;
	v1 =	vand.u32 $0xFFFFFFFE, v10;
	v10 =	vld [tilespmem:s28+$0xFFFFFFB0]  }
0x2b5: {  	v16 =	vld [tilespmem:s28+$0xFFFFFFC0]  }
0x2b6: {  	v17 =	vld [tilespmem:s28+$0xFFFFFFD0]  }
0x2b7: {  	v18 =	vld [tilespmem:s28+$0xFFFFFF50]  }
0x2b8: {  	v15 =	vbroadcast v1, $0x0;
	v1 =	vld.idx.msk [tilespmem:v2+s22+$0x0], $0xffff  }
0x2b9: {  	v19 =	vld.idx.msk [tilespmem:v12+s22+$0x0], $0xffff  }
0x2ba: {  	v20 =	vld [tilespmem:s28+$0xFFFFFED0]  }
0x2bb: {  	v21 =	vld [tilespmem:s28+$0xFFFFFEC0]  }
0x2bc: {  	v22 =	vld [tilespmem:s28+$0xFFFFFE70]  }
0x2bd: {  	v12 =	vld.idx.msk [tilespmem:v14+s22+$0x0], $0xffff;
	v3 =	vmul.f32 v3, v1  }
0x2be: {  	v63 =	vld [tilespmem:s28+$0xFFFFFE40];
	v17 =	vmul.f32 v17, v1  }
0x2bf: {  	v2 =	vld.idx.msk [tilespmem:v15+s22+$0x0], $0xffff;
	v16 =	vmul.f32 v16, v1;
	[tilespmem:s28+$0xFFFFFFE0] =	vst v3  }
0x2c0: {  	v24 =	vld [tilespmem:s28+$0xFFFFFE20];
	v13 =	vmul.f32 v13, v1;
	[tilespmem:s28+$0xFFFFFFD0] =	vst v17  }
0x2c1: {  	v14 =	vld [tilespmem:s28+$0xFFFFFEF0];
	v4 =	vmul.f32 v4, v1;
	[tilespmem:s28+$0xFFFFFFC0] =	vst v16  }
0x2c2: {  	v15 =	vld [tilespmem:s28+$0xFFFFFEE0];
	v5 =	vmul.f32 v5, v12;
	[tilespmem:s28+$0xFFFFFFA0] =	vst v13  }
0x2c3: {  	v21 =	vmul.f32 v21, v12;
	v3 =	vmul.f32 v11, v1;
	v11 =	vld [tilespmem:s28+$0xFFFFFEB0];
	[tilespmem:s28+$0x0] =	vst v4  }
0x2c4: {  	v17 =	vld [tilespmem:s28+$0xFFFFFEA0];
	[tilespmem:s28+$0xFFFFFF00] =	vst v5  }
0x2c5: {  	v16 =	vld [tilespmem:s28+$0xFFFFFE90];
	v6 =	vmul.f32 v6, v2;
	[tilespmem:s28+$0xFFFFFEC0] =	vst v21  }
0x2c6: {  	v5 =	vmul.f32 v7, v2;
	v7 =	vld [tilespmem:s28+$0xFFFFFE60];
	[tilespmem:s28+$0xFFFFFF90] =	vst v3  }
0x2c7: {  	v13 =	vmul.f32 v20, v12;
	v3 =	vmul.f32 v14, v12;
	v14 =	vld [tilespmem:s28+$0xFFFFFE80];
	[tilespmem:s28+$0xFFFFFF10] =	vst v6  }
0x2c8: {  	v9 =	vmul.f32 v9, v2;
	v4 =	vmul.f32 v10, v1;
	[tilespmem:s28+$0xFFFFFF20] =	vst v5;
	v5 =	vld [tilespmem:s28+$0xFFFFFE30]  }
0x2c9: {  	v6 =	vmul.f32 v15, v12;
	[tilespmem:s28+$0xFFFFFEF0] =	vst v3;
	v3 =	vmul.f32 v8, v2;
	v8 =	vld [tilespmem:s28+$0xFFFFFE50]  }
0x2ca: {  	[tilespmem:s28+$0xFFFFFED0] =	vst v13;
	v23 =	vmul.f32 v11, v12;
	v11 =	vmul.f32 v17, v12;
	v17 =	vld [tilespmem:s28+$0xFFFFFE10]  }
0x2cb: {  	v10 =	vmul.f32 v22, v19;
	[tilespmem:s28+$0xFFFFFEE0] =	vst v6;
	v6 =	vmul.f32 v24, v19  }
0x2cc: {  	v15 =	vld [tilespmem:s28+$0xFFFFFF70];
	v12 =	vmul.f32 v16, v12;
	[tilespmem:s28+$0xFFFFFF30] =	vst v3;
	v3 =	vmul.f32 v18, v2  }
0x2cd: {  	[tilespmem:s28+$0xFFFFFF40] =	vst v9;
	v16 =	vld [tilespmem:s28+$0xFFFFFF60];
	v9 =	vmul.f32 v7, v19;
	v7 =	vmul.f32 v63, v19  }
0x2ce: {  	[tilespmem:s28+$0xFFFFFFB0] =	vst v4;
	v13 =	vmul.f32 v14, v19;
	v14 =	vld [tilespmem:s28+$0xFFFFFFF0];
	v5 =	vmul.f32 v5, v19  }
0x2cf: {  	s10 =	simm.s32 $0x7;
	s11 =	simm.s32 $0x1D870;
	[tilespmem:s28+$0xFFFFFEB0] =	vst v23;
	v8 =	vmul.f32 v8, v19;
	v4 =	vmul.f32 v17, v19;
	v17 =	vld [tilespmem:s28+$0xFFFFFF80]  }
.LBB2_12:
0x2d0: {  	s7 =	sadd.s32 $0xFFFFFFFD, s10  }
0x2d1: {  	v18 =	vmov s10;
	v19 =	vld [tilespmem:s11+$0xFFFFFFE0];
	p0 =	sne.s32 s10, $0x4F;
	[tilespmem:s28+$0xFFFFFEA0] =	vst v11;
	s8 =	smov.u32 s10;
	s10 =	sadd.s32 $0x4, s10  }
0x2d2: {  	v11 =	vmov s7;
	s7 =	sadd.s32 $0xFFFFFFFE, s8;
	v20 =	vld [tilespmem:s11+$0x0];
	[tilespmem:s28+$0xFFFFFE90] =	vst v12;
	v12 =	vmul.f32 v15, v2  }
0x2d3: {  	v11 =	vand.u32 $0xFFFFFFFC, v11;
	v15 =	vmov s7;
	s7 =	sadd.s32 $0xFFFFFFFF, s8;
	v21 =	vld [tilespmem:s11+$0xFFFFFF00];
	[tilespmem:s28+$0xFFFFFE80] =	vst v13;
	v13 =	vmul.f32 v16, v2  }
0x2d4: {  	v11 =	vbroadcast v11, $0x0;
	v15 =	vand.u32 $0xFFFFFFFD, v15;
	v16 =	vmov s7;
	v22 =	vld [tilespmem:s11+$0xFFFFFF10];
	[tilespmem:s28+$0xFFFFFE70] =	vst v10  }
0x2d5: {  	v10 =	vbroadcast v15, $0x0;
	v15 =	vand.u32 $0xFFFFFFFE, v16;
	v16 =	vld [tilespmem:s11+$0xFFFFFF20];
	[tilespmem:s28+$0xFFFFFE60] =	vst v9;
	v2 =	vmul.f32 v17, v2  }
0x2d6: {  	v1 =	vmul.f32 v14, v1;
	v9 =	vbroadcast v15, $0x0;
	v15 =	vld [tilespmem:s11+$0xFFFFFF30];
	[tilespmem:s28+$0xFFFFFE50] =	vst v8  }
0x2d7: {  	v8 =	vld [tilespmem:s11+$0xFFFFFF40];
	[tilespmem:s28+$0xFFFFFF70] =	vst v12  }
0x2d8: {  	[tilespmem:s28+$0xFFFFFE40] =	vst v7  }
0x2d9: {  	[tilespmem:s28+$0xFFFFFF60] =	vst v13  }
0x2da: {  	v7 =	vld [tilespmem:s11+$0xFFFFFF90];
	[tilespmem:s28+$0xFFFFFE30] =	vst v5  }
0x2db: {  	v5 =	vld [tilespmem:s11+$0xFFFFFFA0];
	[tilespmem:s28+$0xFFFFFE20] =	vst v6  }
0x2dc: {  	v6 =	vld [tilespmem:s11+$0xFFFFFFB0];
	[tilespmem:s28+$0xFFFFFF80] =	vst v2  }
0x2dd: {  	v12 =	vld [tilespmem:s11+$0xFFFFFFC0];
	[tilespmem:s28+$0xFFFFFFF0] =	vst v1  }
0x2de: {  	v13 =	vld [tilespmem:s11+$0xFFFFFFD0];
	[tilespmem:s28+$0xFFFFFF50] =	vst v3  }
0x2df: {  	v3 =	vld [tilespmem:s11+$0xFFFFFF50];
	[tilespmem:s28+$0xFFFFFE10] =	vst v4;
	s28 =	smov.u32 s11  }
0x2e0: {  	v1 =	vld.idx.msk [tilespmem:v18+s22+$0x0], $0xffff  }
0x2e1: {  	v4 =	vld.idx.msk [tilespmem:v11+s22+$0x0], $0xffff  }
0x2e2: {  	v10 =	vld.idx.msk [tilespmem:v10+s22+$0x0], $0xffff  }
0x2e3: {  	v2 =	vld.idx.msk [tilespmem:v9+s22+$0x0], $0xffff  }
0x2e4: {  	v9 =	vld [tilespmem:s11+$0xFFFFFEF0]  }
0x2e5: {  	v11 =	vld [tilespmem:s11+$0xFFFFFEE0]  }
0x2e6: {  	v7 =	vmul.f32 v7, v1;
	v17 =	vmul.f32 v19, v1;
	v14 =	vld [tilespmem:s11+$0xFFFFFED0]  }
0x2e7: {  	v12 =	vmul.f32 v12, v1;
	v13 =	vmul.f32 v13, v1;
	v18 =	vld [tilespmem:s11+$0xFFFFFEC0]  }
0x2e8: {  	v5 =	vmul.f32 v5, v1;
	v21 =	vmul.f32 v21, v10;
	v19 =	vld [tilespmem:s11+$0xFFFFFEB0];
	[tilespmem:s11+$0xFFFFFFE0] =	vst v17  }
0x2e9: {  	v22 =	vmul.f32 v22, v2;
	v17 =	vld [tilespmem:s11+$0xFFFFFEA0];
	v9 =	vmul.f32 v9, v10;
	[tilespmem:s11+$0xFFFFFFD0] =	vst v13  }
0x2ea: {  	v16 =	vmul.f32 v16, v2;
	v13 =	vld [tilespmem:s11+$0xFFFFFE90];
	v23 =	vmul.f32 v11, v10;
	[tilespmem:s11+$0xFFFFFFC0] =	vst v12  }
0x2eb: {  	v15 =	vmul.f32 v15, v2;
	v24 =	vld [tilespmem:s11+$0xFFFFFE80];
	v14 =	vmul.f32 v14, v10;
	[tilespmem:s11+$0xFFFFFF90] =	vst v7  }
0x2ec: {  	v25 =	vmul.f32 v8, v2;
	v7 =	vld [tilespmem:s11+$0xFFFFFE70];
	v18 =	vmul.f32 v18, v10;
	[tilespmem:s11+$0xFFFFFFA0] =	vst v5  }
0x2ed: {  	v20 =	vmul.f32 v20, v1;
	v5 =	vld [tilespmem:s11+$0xFFFFFE60];
	v19 =	vmul.f32 v19, v10;
	[tilespmem:s11+$0xFFFFFF00] =	vst v21  }
0x2ee: {  	v3 =	vmul.f32 v3, v2;
	v8 =	vld [tilespmem:s11+$0xFFFFFE50];
	v11 =	vmul.f32 v17, v10;
	[tilespmem:s11+$0xFFFFFEF0] =	vst v9  }
0x2ef: {  	v6 =	vmul.f32 v6, v1;
	v17 =	vld [tilespmem:s11+$0xFFFFFE40];
	v12 =	vmul.f32 v13, v10;
	[tilespmem:s11+$0xFFFFFF10] =	vst v22  }
0x2f0: {  	v21 =	vld [tilespmem:s11+$0xFFFFFE30];
	v13 =	vmul.f32 v24, v4;
	[tilespmem:s11+$0xFFFFFF20] =	vst v16  }
0x2f1: {  	v16 =	vld [tilespmem:s11+$0xFFFFFE20];
	v10 =	vmul.f32 v7, v4;
	[tilespmem:s11+$0xFFFFFF30] =	vst v15  }
0x2f2: {  	v22 =	vld [tilespmem:s11+$0xFFFFFE10];
	v9 =	vmul.f32 v5, v4;
	[tilespmem:s11+$0xFFFFFEE0] =	vst v23  }
0x2f3: {  	v8 =	vmul.f32 v8, v4;
	[tilespmem:s11+$0x0] =	vst v20  }
.Ltmp4:
0x2f4: {  	v7 =	vmul.f32 v17, v4;
	[tilespmem:s11+$0xFFFFFED0] =	vst v14;
	(pc) =	sbr.rel @p0 .LBB2_12-.Ltmp4, $4  }
0x2f5: {  	v5 =	vmul.f32 v21, v4;
	v15 =	vld [tilespmem:s11+$0xFFFFFF70];
	[tilespmem:s11+$0xFFFFFFB0] =	vst v6  }
0x2f6: {  	v6 =	vmul.f32 v16, v4;
	[tilespmem:s11+$0xFFFFFF40] =	vst v25;
	v16 =	vld [tilespmem:s11+$0xFFFFFF60]  }
0x2f7: {  	v4 =	vmul.f32 v22, v4;
	[tilespmem:s11+$0xFFFFFEC0] =	vst v18;
	v14 =	vld [tilespmem:s11+$0xFFFFFFF0]  }
0x2f8: {  	s11 =	sadd.s32 $0x200, s11;
	[tilespmem:s28+$0xFFFFFEB0] =	vst v19;
	v17 =	vld [tilespmem:s28+$0xFFFFFF80]  }
0x2f9: {  	[tilespmem:s28+$0xFFFFFEA0] =	vst v11  }
0x2fa: {  	[tilespmem:s28+$0xFFFFFE90] =	vst v12  }
0x2fb: {  	[tilespmem:s28+$0xFFFFFE80] =	vst v13  }
0x2fc: {  	[tilespmem:s28+$0xFFFFFE70] =	vst v10  }
0x2fd: {  	[tilespmem:s28+$0xFFFFFE60] =	vst v9  }
0x2fe: {  	[tilespmem:s28+$0xFFFFFE50] =	vst v8  }
0x2ff: {  	[tilespmem:s28+$0xFFFFFE40] =	vst v7  }
0x300: {  	[tilespmem:s28+$0xFFFFFE30] =	vst v5  }
0x301: {  	[tilespmem:s28+$0xFFFFFE20] =	vst v6  }
0x302: {  	[tilespmem:s28+$0xFFFFFF50] =	vst v3;
	v62 =	vmul.f32 v15, v2  }
0x303: {  	[tilespmem:s28+$0xFFFFFE10] =	vst v4;
	v63 =	vmul.f32 v16, v2  }
0x304: {  	[tilespmem:s28+$0xFFFFFF70] =	vst v62;
	v1 =	vmul.f32 v14, v1  }
0x305: {  	[tilespmem:s28+$0xFFFFFF60] =	vst v63;
	v2 =	vmul.f32 v17, v2  }
0x306: {  	[tilespmem:s28+$0xFFFFFFF0] =	vst v1  }
0x307: {  	[tilespmem:s28+$0xFFFFFF80] =	vst v2  }
0x308: {  	[spmem:s4] =	stream.indirect.scatter.add.f32 [tilespmem:s15], [sflag:$0x4], $0x80, s23, s13, $0xb8;
	[tilespmem:$0x1FC80] =	vst v63  }
0x309: {  	_ = 	snop  }
0x30a: {  	[spmem:s5] =	stream.indirect.scatter.add.f32 [tilespmem:s24], [sflag:$0x6], $0x1, s23, s13, $0xb8;
	[tilespmem:$0x1FC80] =	vst v63  }
0x30b: {  	_ =	swait.ge [sflag:s25], $0x2800  }
0x30c: {  	[sflag:s25] =	ssyncset.done $0x0  }
0x30d: {  	[sflag:s25] =	ssyncadd.s32 $0xFFFFD800  }
0x30e: {  	_ =	swait.ge [sflag:s26], $0x50  }
0x30f: {  	[sflag:s26] =	ssyncset.done $0x0  }
0x310: {  	s7 =	sadd.s32 $0x19AC0, s6;
	[sflag:s26] =	ssyncadd.s32 $0xFFFFFFB0  }
0x311: {  	[tilespmem:s0], [sflag:$0x1] =	stream.indirect.gather [hbm4b:s1+s13], $0x80, s7, s13, $0xb8;
	[tilespmem:$0x1FC80] =	vst v63  }
0x312: {  	v1 =	vld [tilespmem:s6+$0x192C0]  }
0x313: {  	v2 =	vld [tilespmem:s6+$0x19AC0];
	_ =	sdelay $0x6  }
0x314: {  	v3 =	vld.idx.msk [tilespmem:v1+s29+$0x0], $0xffff  }
0x315: {  	v2 =	vld.idx.msk [tilespmem:v2+s31+$0x0], $0xffff;
	_ =	sdelay $0x4  }
0x316: {  	v2 =	vadd.f32 v2, v3;
	_ =	sdelay $0x1  }
0x317: {  	v3 =	vmul.f32 $2.000000030e-01, v2  }
0x318: {  	vm0 =	vgt.f32 v2, $0.0e+00  }
0x319: {  	v2 =	vsel vm0, v2, v3  }
0x31a: {  	[tilespmem:$0x1A980] =	vst v2  }
0x31b: {  	v3 =	vld [tilespmem:s6+$0x1A2C0];
	_ =	sdelay $0x4  }
0x31c: {  	v2 =	vmul.f32 v2, v3  }
0x31d: {  	[tilespmem:$0x1AB80] =	vst v1  }
0x31e: {  	[tilespmem:$0x1AA80] =	vst v2  }
0x31f: {  	v1 =	vld [tilespmem:s6+$0x192D0]  }
0x320: {  	v2 =	vld [tilespmem:s6+$0x19AD0];
	_ =	sdelay $0x6  }
0x321: {  	v3 =	vld.idx.msk [tilespmem:v1+s29+$0x0], $0xffff  }
0x322: {  	v2 =	vld.idx.msk [tilespmem:v2+s31+$0x0], $0xffff;
	_ =	sdelay $0x4  }
0x323: {  	v2 =	vadd.f32 v2, v3;
	_ =	sdelay $0x1  }
0x324: {  	v3 =	vmul.f32 $2.000000030e-01, v2  }
0x325: {  	vm12 =	vgt.f32 v2, $0.0e+00  }
0x326: {  	v2 =	vsel vm12, v2, v3  }
0x327: {  	[tilespmem:$0x1A990] =	vst v2  }
0x328: {  	v3 =	vld [tilespmem:s6+$0x1A2D0];
	_ =	sdelay $0x4  }
0x329: {  	v2 =	vmul.f32 v2, v3  }
0x32a: {  	[tilespmem:$0x1AB90] =	vst v1  }
0x32b: {  	[tilespmem:$0x1AA90] =	vst v2  }
0x32c: {  	v1 =	vld [tilespmem:s6+$0x192E0]  }
0x32d: {  	v2 =	vld [tilespmem:s6+$0x19AE0];
	_ =	sdelay $0x6  }
0x32e: {  	v3 =	vld.idx.msk [tilespmem:v1+s29+$0x0], $0xffff  }
0x32f: {  	v2 =	vld.idx.msk [tilespmem:v2+s31+$0x0], $0xffff;
	_ =	sdelay $0x4  }
0x330: {  	v2 =	vadd.f32 v2, v3;
	_ =	sdelay $0x1  }
0x331: {  	v3 =	vmul.f32 $2.000000030e-01, v2  }
0x332: {  	vm13 =	vgt.f32 v2, $0.0e+00  }
0x333: {  	v2 =	vsel vm13, v2, v3  }
0x334: {  	[tilespmem:$0x1A9A0] =	vst v2  }
0x335: {  	v3 =	vld [tilespmem:s6+$0x1A2E0];
	_ =	sdelay $0x4  }
0x336: {  	v2 =	vmul.f32 v2, v3  }
0x337: {  	[tilespmem:$0x1ABA0] =	vst v1  }
0x338: {  	[tilespmem:$0x1AAA0] =	vst v2  }
0x339: {  	v1 =	vld [tilespmem:s6+$0x192F0]  }
0x33a: {  	v2 =	vld [tilespmem:s6+$0x19AF0];
	_ =	sdelay $0x6  }
0x33b: {  	v3 =	vld.idx.msk [tilespmem:v1+s29+$0x0], $0xffff  }
0x33c: {  	v2 =	vld.idx.msk [tilespmem:v2+s31+$0x0], $0xffff;
	_ =	sdelay $0x4  }
0x33d: {  	v2 =	vadd.f32 v2, v3;
	_ =	sdelay $0x1  }
0x33e: {  	v3 =	vmul.f32 $2.000000030e-01, v2  }
0x33f: {  	vm14 =	vgt.f32 v2, $0.0e+00  }
0x340: {  	v2 =	vsel vm14, v2, v3  }
0x341: {  	[tilespmem:$0x1A9B0] =	vst v2  }
0x342: {  	v3 =	vld [tilespmem:s6+$0x1A2F0];
	_ =	sdelay $0x4  }
0x343: {  	v2 =	vmul.f32 v2, v3  }
0x344: {  	[tilespmem:$0x1ABB0] =	vst v1  }
0x345: {  	s28 =	sadd.s32 s14, s9;
	[tilespmem:$0x1AAB0] =	vst v2  }
0x346: {  	v1 =	vld [tilespmem:s28+$0x19300]  }
0x347: {  	v2 =	vld [tilespmem:s28+$0x19B00];
	_ =	sdelay $0x6  }
0x348: {  	v3 =	vld.idx.msk [tilespmem:v1+s29+$0x0], $0xffff  }
0x349: {  	v2 =	vld.idx.msk [tilespmem:v2+s31+$0x0], $0xffff;
	_ =	sdelay $0x4  }
0x34a: {  	v2 =	vadd.f32 v2, v3;
	_ =	sdelay $0x1  }
0x34b: {  	v3 =	vmul.f32 $2.000000030e-01, v2  }
0x34c: {  	vm15 =	vgt.f32 v2, $0.0e+00  }
0x34d: {  	v2 =	vsel vm15, v2, v3  }
0x34e: {  	[tilespmem:$0x1A9C0] =	vst v2  }
0x34f: {  	v3 =	vld [tilespmem:s28+$0x1A300]  }
0x350: {  	s2 =	sadd.s32 $0x1, s2  }
0x351: {  	p0 =	sne.s32 s2, $0xB  }
.Ltmp5:
0x352: {  	_ = 	snop;
	(pc) =	sbr.rel @p0 .LBB2_9-.Ltmp5, $4  }
0x353: {  	_ = 	snop  }
0x354: {  	v2 =	vmul.f32 v2, v3  }
0x355: {  	[tilespmem:$0x1ABC0] =	vst v1  }
0x356: {  	[tilespmem:$0x1AAC0] =	vst v2  }
0x357: {  	_ =	swait.ge [sflag:s20], $0x2800  }
0x358: {  	[sflag:s20] =	ssyncset.done $0x0  }
0x359: {  	[sflag:s20] =	ssyncadd.s32 $0xFFFFD800  }
0x35a: {  	_ =	swait.ge [sflag:s12], $0x50  }
0x35b: {  	[sflag:s12] =	ssyncset.done $0x0  }
0x35c: {  	[sflag:s12] =	ssyncadd.s32 $0xFFFFFFB0  }
0x35d: {  	_ =	swait.ge [sflag:s16], $0x2800  }
0x35e: {  	[sflag:s16] =	ssyncset.done $0x0  }
0x35f: {  	s2 =	simm.s32 $0x1AD80;
	[sflag:s16] =	ssyncadd.s32 $0xFFFFD800  }
0x360: {  	v3 =	vld [tilespmem:s2+$0xD0]  }
0x361: {  	v4 =	vld [tilespmem:s2+$0xF0]  }
0x362: {  	v5 =	vld [tilespmem:s2+$0xFFFFFFF0]  }
0x363: {  	v6 =	vld [tilespmem:s2+$0x0]  }
0x364: {  	v7 =	vld [tilespmem:s2+$0x10]  }
0x365: {  	v8 =	vld [tilespmem:s2+$0x20]  }
0x366: {  	v9 =	vld [tilespmem:s2+$0x30]  }
0x367: {  	s6 =	simm.s32 $0x0;
	v10 =	vld [tilespmem:s2+$0x50]  }
0x368: {  	s7 =	simm.s32 $0x3;
	s14 =	simm.s32 $0x1;
	v1 =	vmov s6;
	v11 =	vld [tilespmem:s2+$0x60]  }
0x369: {  	s28 =	simm.s32 $0x2;
	v2 =	vmov s7;
	v12 =	vmov s14;
	v1 =	vand.u32 $0xFFFFFFFC, v1;
	v13 =	vld [tilespmem:s2+$0x80]  }
0x36a: {  	v14 =	vbroadcast v1, $0x0;
	v1 =	vand.u32 $0xFFFFFFFD, v12;
	v12 =	vmov s28;
	v16 =	vld [tilespmem:s2+$0x90]  }
0x36b: {  	v15 =	vbroadcast v1, $0x0;
	v1 =	vand.u32 $0xFFFFFFFE, v12;
	v12 =	vld [tilespmem:s2+$0xA0]  }
0x36c: {  	v18 =	vld [tilespmem:s2+$0x40]  }
0x36d: {  	v19 =	vld [tilespmem:s2+$0xB0]  }
0x36e: {  	v20 =	vld [tilespmem:s2+$0xC0]  }
0x36f: {  	v17 =	vbroadcast v1, $0x0;
	v1 =	vld.idx.msk [tilespmem:v2+s17+$0x0], $0xffff  }
0x370: {  	v21 =	vld.idx.msk [tilespmem:v14+s17+$0x0], $0xffff  }
0x371: {  	v22 =	vld [tilespmem:s2+$0xFFFFFFC0]  }
0x372: {  	v23 =	vld [tilespmem:s2+$0xFFFFFFB0]  }
0x373: {  	v61 =	vld [tilespmem:s2+$0xFFFFFF90]  }
0x374: {  	v14 =	vld.idx.msk [tilespmem:v15+s17+$0x0], $0xffff;
	v3 =	vmul.f32 v3, v1  }
0x375: {  	v24 =	vld [tilespmem:s2+$0xFFFFFF60];
	v20 =	vmul.f32 v20, v1  }
0x376: {  	v2 =	vld.idx.msk [tilespmem:v17+s17+$0x0], $0xffff;
	v13 =	vmul.f32 v13, v1;
	[tilespmem:s2+$0xD0] =	vst v3  }
0x377: {  	v62 =	vld [tilespmem:s2+$0xFFFFFF40];
	v19 =	vmul.f32 v19, v1;
	[tilespmem:s2+$0xC0] =	vst v20  }
0x378: {  	v15 =	vld [tilespmem:s2+$0xFFFFFFE0];
	v4 =	vmul.f32 v4, v1;
	[tilespmem:s2+$0x80] =	vst v13  }
0x379: {  	v17 =	vld [tilespmem:s2+$0xFFFFFFD0];
	v5 =	vmul.f32 v5, v14;
	[tilespmem:s2+$0xB0] =	vst v19  }
0x37a: {  	v25 =	vld [tilespmem:s2+$0xFFFFFF30];
	v23 =	vmul.f32 v23, v14;
	[tilespmem:s2+$0xF0] =	vst v4  }
0x37b: {  	v63 =	vld [tilespmem:s2+$0xFFFFFF10];
	v6 =	vmul.f32 v6, v2;
	[tilespmem:s2+$0xFFFFFFF0] =	vst v5  }
0x37c: {  	v3 =	vld [tilespmem:s2+$0xFFFFFFA0];
	v7 =	vmul.f32 v7, v2;
	v9 =	vmul.f32 v9, v2;
	[tilespmem:s2+$0xFFFFFFB0] =	vst v23  }
0x37d: {  	v13 =	vld [tilespmem:s2+$0xFFFFFF80];
	v8 =	vmul.f32 v8, v2;
	v5 =	vmul.f32 v15, v14;
	[tilespmem:s2+$0x0] =	vst v6  }
0x37e: {  	v19 =	vld [tilespmem:s2+$0xFFFFFF70];
	v15 =	vmul.f32 v22, v14;
	v6 =	vmul.f32 v17, v14;
	[tilespmem:s2+$0x30] =	vst v9  }
0x37f: {  	v26 =	vld [tilespmem:s2+$0xFFFFFF00];
	v9 =	vmul.f32 v24, v21;
	[tilespmem:s2+$0xFFFFFFE0] =	vst v5;
	v5 =	vmul.f32 v61, v14  }
0x380: {  	v17 =	vld [tilespmem:s2+$0xFFFFFF50];
	[tilespmem:s2+$0xFFFFFFC0] =	vst v15;
	v15 =	vmul.f32 v11, v2;
	v11 =	vmul.f32 v62, v21  }
0x381: {  	[tilespmem:s2+$0x10] =	vst v7;
	v4 =	vmul.f32 v3, v14;
	v3 =	vmul.f32 v18, v2;
	v18 =	vld [tilespmem:s2+$0xFFFFFF20]  }
0x382: {  	[tilespmem:s2+$0xFFFFFFD0] =	vst v6;
	v6 =	vmul.f32 v10, v2;
	v7 =	vmul.f32 v13, v14  }
0x383: {  	[tilespmem:s2+$0x20] =	vst v8;
	v8 =	vmul.f32 v19, v21;
	v13 =	vmul.f32 v16, v1  }
0x384: {  	v14 =	vmul.f32 v12, v1;
	v12 =	vmul.f32 v25, v21;
	[tilespmem:s2+$0x50] =	vst v6  }
0x385: {  	v16 =	vld [tilespmem:s2+$0xE0];
	v6 =	vmul.f32 v26, v21;
	v10 =	vmul.f32 v17, v21;
	[tilespmem:s2+$0x90] =	vst v13  }
0x386: {  	s9 =	simm.s32 $0x1AF80;
	s6 =	simm.s32 $0x7;
	[tilespmem:s2+$0xA0] =	vst v14;
	v14 =	vmul.f32 v63, v21;
	v17 =	vld [tilespmem:s2+$0x70];
	v13 =	vmul.f32 v18, v21  }
.LBB2_15:
0x387: {  	s7 =	sadd.s32 $0xFFFFFFFD, s6  }
0x388: {  	v18 =	vmov s6;
	v19 =	vld [tilespmem:s9+$0xD0];
	p0 =	sne.s32 s6, $0x4F;
	[tilespmem:s2+$0x60] =	vst v15;
	s8 =	smov.u32 s6;
	s6 =	sadd.s32 $0x4, s6  }
0x389: {  	v15 =	vmov s7;
	s7 =	sadd.s32 $0xFFFFFFFE, s8;
	v20 =	vld [tilespmem:s9+$0xF0];
	[tilespmem:s2+$0xFFFFFFA0] =	vst v4  }
0x38a: {  	v4 =	vand.u32 $0xFFFFFFFC, v15;
	v15 =	vmov s7;
	s7 =	sadd.s32 $0xFFFFFFFF, s8;
	v21 =	vld [tilespmem:s9+$0xFFFFFFF0];
	[tilespmem:s2+$0xFFFFFF90] =	vst v5  }
0x38b: {  	v4 =	vbroadcast v4, $0x0;
	v5 =	vand.u32 $0xFFFFFFFD, v15;
	v15 =	vmov s7;
	v22 =	vld [tilespmem:s9+$0x0];
	[tilespmem:s2+$0xFFFFFF80] =	vst v7  }
0x38c: {  	v5 =	vbroadcast v5, $0x0;
	v7 =	vand.u32 $0xFFFFFFFE, v15;
	v15 =	vld [tilespmem:s9+$0x10];
	[tilespmem:s2+$0xFFFFFF70] =	vst v8;
	v2 =	vmul.f32 v17, v2  }
0x38d: {  	v1 =	vmul.f32 v16, v1;
	v7 =	vbroadcast v7, $0x0;
	v8 =	vld [tilespmem:s9+$0x20];
	[tilespmem:s2+$0xFFFFFF60] =	vst v9  }
0x38e: {  	v9 =	vld [tilespmem:s9+$0x30];
	[tilespmem:s2+$0xFFFFFF50] =	vst v10  }
0x38f: {  	v10 =	vld [tilespmem:s9+$0x50];
	[tilespmem:s2+$0xFFFFFF40] =	vst v11  }
0x390: {  	v11 =	vld [tilespmem:s9+$0x60];
	[tilespmem:s2+$0xFFFFFF30] =	vst v12  }
0x391: {  	v12 =	vld [tilespmem:s9+$0x80];
	[tilespmem:s2+$0xFFFFFF20] =	vst v13  }
0x392: {  	v13 =	vld [tilespmem:s9+$0x90];
	[tilespmem:s2+$0xFFFFFF10] =	vst v14  }
0x393: {  	v14 =	vld [tilespmem:s9+$0xA0];
	[tilespmem:s2+$0x40] =	vst v3  }
0x394: {  	v3 =	vld [tilespmem:s9+$0x40];
	[tilespmem:s2+$0x70] =	vst v2  }
0x395: {  	v16 =	vld [tilespmem:s9+$0xB0];
	[tilespmem:s2+$0xE0] =	vst v1  }
0x396: {  	v17 =	vld [tilespmem:s9+$0xC0];
	[tilespmem:s2+$0xFFFFFF00] =	vst v6;
	s2 =	smov.u32 s9  }
0x397: {  	v1 =	vld.idx.msk [tilespmem:v18+s17+$0x0], $0xffff  }
0x398: {  	v6 =	vld.idx.msk [tilespmem:v4+s17+$0x0], $0xffff  }
0x399: {  	v18 =	vld.idx.msk [tilespmem:v5+s17+$0x0], $0xffff  }
0x39a: {  	v2 =	vld.idx.msk [tilespmem:v7+s17+$0x0], $0xffff  }
0x39b: {  	v4 =	vld [tilespmem:s9+$0xFFFFFFE0]  }
0x39c: {  	v5 =	vld [tilespmem:s9+$0xFFFFFFD0]  }
0x39d: {  	v19 =	vmul.f32 v19, v1;
	v20 =	vmul.f32 v20, v1;
	v7 =	vld [tilespmem:s9+$0xFFFFFFC0]  }
0x39e: {  	v12 =	vmul.f32 v12, v1;
	v17 =	vmul.f32 v17, v1;
	v23 =	vld [tilespmem:s9+$0xFFFFFFB0]  }
0x39f: {  	v16 =	vmul.f32 v16, v1;
	v21 =	vmul.f32 v21, v18;
	v24 =	vld [tilespmem:s9+$0xFFFFFFA0];
	[tilespmem:s9+$0xD0] =	vst v19  }
0x3a0: {  	v22 =	vmul.f32 v22, v2;
	v19 =	vld [tilespmem:s9+$0xFFFFFF90];
	v25 =	vmul.f32 v4, v18;
	[tilespmem:s9+$0xC0] =	vst v17  }
0x3a1: {  	v27 =	vmul.f32 v15, v2;
	v17 =	vld [tilespmem:s9+$0xFFFFFF80];
	v26 =	vmul.f32 v5, v18;
	[tilespmem:s9+$0x80] =	vst v12  }
0x3a2: {  	v29 =	vmul.f32 v8, v2;
	v12 =	vld [tilespmem:s9+$0xFFFFFF70];
	v28 =	vmul.f32 v7, v18;
	[tilespmem:s9+$0xB0] =	vst v16  }
0x3a3: {  	v16 =	vld [tilespmem:s9+$0xFFFFFF60];
	v23 =	vmul.f32 v23, v18;
	[tilespmem:s9+$0xFFFFFFF0] =	vst v21;
	v21 =	vmul.f32 v9, v2  }
0x3a4: {  	v3 =	vmul.f32 v3, v2;
	v30 =	vld [tilespmem:s9+$0xFFFFFF50];
	v4 =	vmul.f32 v24, v18;
	[tilespmem:s9+$0x0] =	vst v22  }
0x3a5: {  	v22 =	vld [tilespmem:s9+$0xFFFFFF40];
	v5 =	vmul.f32 v19, v18;
	v19 =	vmul.f32 v10, v2;
	[tilespmem:s9+$0xF0] =	vst v20  }
0x3a6: {  	v15 =	vmul.f32 v11, v2;
	v20 =	vld [tilespmem:s9+$0xFFFFFF30];
	v7 =	vmul.f32 v17, v18;
	[tilespmem:s9+$0xFFFFFFE0] =	vst v25  }
0x3a7: {  	v18 =	vmul.f32 v13, v1;
	v17 =	vld [tilespmem:s9+$0xFFFFFF20];
	v8 =	vmul.f32 v12, v6;
	[tilespmem:s9+$0x10] =	vst v27  }
0x3a8: {  	v24 =	vld [tilespmem:s9+$0xFFFFFF10];
	v9 =	vmul.f32 v16, v6;
	[tilespmem:s9+$0xFFFFFFD0] =	vst v26;
	v16 =	vmul.f32 v14, v1  }
0x3a9: {  	v25 =	vld [tilespmem:s9+$0xFFFFFF00];
	v10 =	vmul.f32 v30, v6;
	[tilespmem:s9+$0xFFFFFFC0] =	vst v28  }
0x3aa: {  	v11 =	vmul.f32 v22, v6;
	[tilespmem:s9+$0x20] =	vst v29  }
.Ltmp6:
0x3ab: {  	v12 =	vmul.f32 v20, v6;
	[tilespmem:s9+$0x30] =	vst v21;
	(pc) =	sbr.rel @p0 .LBB2_15-.Ltmp6, $4  }
0x3ac: {  	v13 =	vmul.f32 v17, v6;
	[tilespmem:s9+$0x50] =	vst v19  }
0x3ad: {  	v14 =	vmul.f32 v24, v6;
	[tilespmem:s9+$0x90] =	vst v18  }
0x3ae: {  	v6 =	vmul.f32 v25, v6;
	[tilespmem:s9+$0xA0] =	vst v16;
	v16 =	vld [tilespmem:s9+$0xE0]  }
0x3af: {  	s9 =	sadd.s32 $0x200, s9;
	[tilespmem:s2+$0xFFFFFFB0] =	vst v23;
	v17 =	vld [tilespmem:s2+$0x70]  }
0x3b0: {  	[tilespmem:s2+$0x60] =	vst v15  }
0x3b1: {  	[tilespmem:s2+$0xFFFFFFA0] =	vst v4  }
0x3b2: {  	[tilespmem:s2+$0xFFFFFF90] =	vst v5  }
0x3b3: {  	[tilespmem:s2+$0xFFFFFF80] =	vst v7  }
0x3b4: {  	[tilespmem:s2+$0xFFFFFF70] =	vst v8  }
0x3b5: {  	[tilespmem:s2+$0xFFFFFF60] =	vst v9  }
0x3b6: {  	[tilespmem:s2+$0xFFFFFF50] =	vst v10  }
0x3b7: {  	[tilespmem:s2+$0xFFFFFF40] =	vst v11  }
0x3b8: {  	[tilespmem:s2+$0xFFFFFF30] =	vst v12  }
0x3b9: {  	[tilespmem:s2+$0xFFFFFF20] =	vst v13  }
0x3ba: {  	[tilespmem:s2+$0xFFFFFF10] =	vst v14  }
0x3bb: {  	[tilespmem:s2+$0x40] =	vst v3;
	v1 =	vmul.f32 v16, v1  }
0x3bc: {  	[tilespmem:s2+$0xFFFFFF00] =	vst v6;
	v2 =	vmul.f32 v17, v2  }
0x3bd: {  	[tilespmem:s2+$0xE0] =	vst v1  }
0x3be: {  	[tilespmem:s2+$0x70] =	vst v2  }
0x3bf: {  	[spmem:s4] =	stream.indirect.scatter.add.f32 [tilespmem:s0], [sflag:$0x3], $0x80, s18, s13, $0xb8;
	[tilespmem:$0x1FC80] =	vst v63  }
0x3c0: {  	s3 =	sadd.s32 $0x1, s3  }
0x3c1: {  	[spmem:s5] =	stream.indirect.scatter.add.f32 [tilespmem:s19], [sflag:$0x5], $0x1, s18, s13, $0xb8;
	[tilespmem:$0x1FC80] =	vst v63  }
0x3c2: {  	p0 =	sne.s32 s3, $0x5;
	_ =	swait.ge [sflag:s25], $0x2800  }
.Ltmp7:
0x3c3: {  	[sflag:s25] =	ssyncset.done $0x0;
	(pc) =	sbr.rel @p0 .LBB2_4-.Ltmp7, $4  }
0x3c4: {  	[sflag:s25] =	ssyncadd.s32 $0xFFFFD800  }
0x3c5: {  	_ =	swait.ge [sflag:s26], $0x50  }
0x3c6: {  	[sflag:s26] =	ssyncset.done $0x0  }
0x3c7: {  	[sflag:s26] =	ssyncadd.s32 $0xFFFFFFB0  }
0x3c8: {  	s2 =	stileid.u32;
	[bflag:$0x0] =	sbarrier.arrive $0xFFFF  }
0x3c9: {  	s2 =	sshll.u32 s2, $0x6;
	s7 =	rddreg [dreg:$0xa]  }
0x3ca: {  	s6 =	rddreg [dreg:$0x15];
	s2 =	sor.u32 $0x1C07, s2;
	s3 =	sshrl.u32 s7, $0x3  }
0x3cb: {  	[hbm:s6], [sflag:s2] =	dma.local [spmem:s3], $0x2800  }
0x3cc: {  	s9 =	simm.s32 $0x20;
	_ =	swait.ge [sflag:s30], $0x2800  }
0x3cd: {  	s10 =	simm.s32 $0x10;
	[sflag:s30] =	ssyncset.done $0x0;
	s6 =	rddreg [dreg:$0x12]  }
0x3ce: {  	s8 =	rddreg [dreg:$0x16];
	[sflag:s30] =	ssyncadd.s32 $0xFFFFD800;
	s11 =	sshrl.u32 s6, $0x3  }
0x3cf: {  	[hbm:s8@s9], [sflag:s2] =	dma.strided [spmem:s11@s10], $0x50, s16, $0x10   }
0x3d0: {  	_ =	swait.ge [sflag:s30], $0x50  }
0x3d1: {  	s14 =	rddreg [dreg:$0x1a]  }
0x3d2: {  	s28 =	rddreg [dreg:$0x17];
	s3 =	sadd.s32 $0x1, s14  }
0x3d3: {  	p0 =	sne.s32 s3, s28  }
.Ltmp8:
0x3d4: {  	_ = 	snop;
	(pc) =	sbr.rel @p0 .LBB2_1-.Ltmp8, $3  }
0x3d5: {  	_ =	sdelay $0x1  }
0x3d6: {  	[sflag:s30] =	ssyncset.done $0x0  }
0x3d7: {  	[sflag:s30] =	ssyncadd.s32 $0xFFFFFFB0  }
0x3d8: {  	_ =	sfence.sel $0x180000  }
0x3d9: {  	[bflag:$0x0] =	sbarrier.arrive $0xFFFF  }
0x3da: {  	_ =	strace $0x90000047  }
0x3db: {  	s0 =	stileid.u32;
	[bflag:$0x2] =	sbarrier.arrive $0xFFFF  }
0x3dc: {  	p0 =	sne.s32 s0, $0x0;
	s0 =	rddreg [dreg:$0x5]  }
0x3dd: {  	s0 =	sadd.s32 @!p0 $0x100000, s0  }
0x3de: {  	[sflag:s0] =	ssyncadd.tile.s32 @!p0 $0x1;
	_ =	shalt  }
.Lfunc_end2:
_tile_overlayer_lowered:
.L_overlay_start_2:
0x3df: {  	(tag) =	ssettag $0x2  }
0x3e0: {  	s0 =	rddreg [dreg:$0x0];
	s2 =	stileid.u32  }
0x3e1: {  	s1 =	rddreg [dreg:$0x1];
	p0 =	sne.s32 s2, $0x0  }
0x3e2: {  	s3 =	rddreg [dreg:$0x2];
	[bflag:$0x3] =	sbarrier.arrive $0xFFFF;
	s2 =	simm.s32 @!p0 $0x1C07  }
0x3e3: {  	[timem:s3], [sflag:s2] =	dma.local @!p0 [hbm:s0], s1  }
0x3e4: {  	s0 =	simm.s32 @!p0 $0x7  }
0x3e5: {  	_ =	swait.ge @!p0 [sflag:s0], s1  }
0x3e6: {  	s1 =	ssub.s32 @!p0 $0x0, s1;
	[sflag:s0] =	ssyncset.done @!p0 $0x0  }
0x3e7: {  	[sflag:s0] =	ssyncadd.s32 @!p0 s1  }
0x3e8: {  	[bflag:$0x3] =	sbarrier.arrive $0xFFFF  }
0x3e9: {  	_ =	shalt  }

</sc_bundles>
